<compile_context>
chip_gen: v7x
topology: tpu7x:2x2x1
jax: 0.10.2.dev20260603
libtpu: 0.0.44.dev20260713+nightly
codegen_flags: <defaults>
</compile_context>

<pallas_src>
import functools

import jax
import jax.numpy as jnp
from jax import lax
from jax.experimental import pallas as pl
from jax.experimental.pallas import tpu as pltpu
from jax.experimental.pallas import tpu_sc as plsc

N = 10000
E = 320000
D_IN = 128
D_H = 128
N_CLS = 64

NC = 2
NS = 16
NW = NC * NS
CH = 128
K = 81
EPAD = NW * K * CH
NACC = 10112
RPT = NACC // NS
NB = 3


def _zero_rows(rows_v, D):
  def zrow(r, _):
    for c in range(D // 16):
      rows_v[r, pl.ds(c * 16, 16)] = jnp.zeros((16,), jnp.float32)
    return 0
  lax.fori_loop(0, CH, zrow, 0)


def _zero_acc_slice(rows_v, acc_sh, sid):
  for i in range(RPT // CH):
    pltpu.sync_copy(rows_v, acc_sh.at[pl.ds(sid * RPT + i * CH, CH)])
  rem = RPT % CH
  if rem:
    pltpu.sync_copy(rows_v.at[pl.ds(0, rem)],
                    acc_sh.at[pl.ds(sid * RPT + (RPT // CH) * CH, rem)])


@functools.cache
def _sc_segsum(D: int):
  mesh = plsc.VectorSubcoreMesh(core_axis_name="c", subcore_axis_name="s")

  def body(table, src3, dst3, out, src_v, dst_v, rows_v, acc_sh,
           g0, g1, g2, s0, s1, s2):
    cid = lax.axis_index("c")
    sid = lax.axis_index("s")
    wid = sid * NC + cid
    gsem = (g0, g1, g2)
    ssem = (s0, s1, s2)

    _zero_rows(rows_v.at[0], D)
    _zero_acc_slice(rows_v.at[0], acc_sh, sid)

    plsc.subcore_barrier()

    def stage_and_gather(j, b):
      pltpu.sync_copy(src3.at[wid, j], src_v.at[b])
      pltpu.sync_copy(dst3.at[wid, j], dst_v.at[b])
      pltpu.async_copy(table.at[src_v.at[b]], rows_v.at[b], gsem[b])

    for b in range(2):
      stage_and_gather(b, b)

    def ring(g, _):
      for b in range(NB):
        j = NB * g + b
        bp = (b + 2) % NB
        pltpu.make_async_copy(table.at[src_v.at[b]], rows_v.at[b],
                              gsem[b]).wait()
        pltpu.async_copy(rows_v.at[b], acc_sh.at[dst_v.at[b]], ssem[b],
                         add=True)
        @pl.when(j + 2 < K)
        def _():
          @pl.when(j >= 1)
          def _():
            pltpu.make_async_copy(rows_v.at[bp], acc_sh.at[dst_v.at[bp]],
                                  ssem[bp]).wait()
          stage_and_gather(j + 2, bp)
      return 0
    lax.fori_loop(0, K // NB, ring, 0)

    for b in range(NB):
      pltpu.make_async_copy(rows_v.at[b], acc_sh.at[dst_v.at[b]],
                            ssem[b]).wait()

    plsc.subcore_barrier()

    r0 = sid * RPT
    pltpu.sync_copy(acc_sh.at[pl.ds(r0, RPT)], out.at[cid, pl.ds(r0, RPT)])

  return pl.kernel(
      body,
      out_type=jax.ShapeDtypeStruct((NC, NACC, D), jnp.float32),
      mesh=mesh,
      scratch_types=[
          pltpu.VMEM((NB, CH), jnp.int32),
          pltpu.VMEM((NB, CH), jnp.int32),
          pltpu.VMEM((NB, CH, D), jnp.float32),
          pltpu.VMEM_SHARED((NACC, D), jnp.float32),
          pltpu.SemaphoreType.DMA, pltpu.SemaphoreType.DMA,
          pltpu.SemaphoreType.DMA, pltpu.SemaphoreType.DMA,
          pltpu.SemaphoreType.DMA, pltpu.SemaphoreType.DMA,
      ],
  )


@functools.cache
def _sc_degree():
  mesh = plsc.VectorSubcoreMesh(core_axis_name="c", subcore_axis_name="s")

  def body(dst3, out, dst_v, ones_v, acc_sh, d0, d1, d2, s0, s1, s2):
    cid = lax.axis_index("c")
    sid = lax.axis_index("s")
    wid = sid * NC + cid
    dsem = (d0, d1, d2)
    ssem = (s0, s1, s2)

    _zero_rows(ones_v, 128)
    _zero_acc_slice(ones_v, acc_sh, sid)
    def orow(r, _):
      for c in range(128 // 16):
        ones_v[r, pl.ds(c * 16, 16)] = jnp.ones((16,), jnp.float32)
      return 0
    lax.fori_loop(0, CH, orow, 0)

    plsc.subcore_barrier()

    for b in range(2):
      pltpu.async_copy(dst3.at[wid, b], dst_v.at[b], dsem[b])

    def ring(g, _):
      for b in range(NB):
        j = NB * g + b
        bp = (b + 2) % NB
        pltpu.make_async_copy(dst3.at[wid, j], dst_v.at[b], dsem[b]).wait()
        pltpu.async_copy(ones_v, acc_sh.at[dst_v.at[b]], ssem[b], add=True)
        @pl.when(j + 2 < K)
        def _():
          @pl.when(j >= 1)
          def _():
            pltpu.make_async_copy(ones_v, acc_sh.at[dst_v.at[bp]],
                                  ssem[bp]).wait()
          pltpu.async_copy(dst3.at[wid, j + 2], dst_v.at[bp], dsem[bp])
      return 0
    lax.fori_loop(0, K // NB, ring, 0)

    for b in range(NB):
      pltpu.make_async_copy(ones_v, acc_sh.at[dst_v.at[b]], ssem[b]).wait()

    plsc.subcore_barrier()

    r0 = sid * RPT
    pltpu.sync_copy(acc_sh.at[pl.ds(r0, RPT)], out.at[cid, pl.ds(r0, RPT)])

  return pl.kernel(
      body,
      out_type=jax.ShapeDtypeStruct((NC, NACC, 128), jnp.float32),
      mesh=mesh,
      scratch_types=[
          pltpu.VMEM((NB, CH), jnp.int32),
          pltpu.VMEM((CH, 128), jnp.float32),
          pltpu.VMEM_SHARED((NACC, 128), jnp.float32),
          pltpu.SemaphoreType.DMA, pltpu.SemaphoreType.DMA,
          pltpu.SemaphoreType.DMA, pltpu.SemaphoreType.DMA,
          pltpu.SemaphoreType.DMA, pltpu.SemaphoreType.DMA,
      ],
  )


_BR = 1000
_HIGH = jax.lax.Precision.HIGHEST


def _tc_proj1(x_ref, wl_ref, wr_ref, b_ref, p_ref, r_ref):
  x = x_ref[...]
  p_ref[...] = jnp.dot(x, wl_ref[...], precision=_HIGH,
                       preferred_element_type=jnp.float32)
  r_ref[...] = jnp.dot(x, wr_ref[...], precision=_HIGH,
                       preferred_element_type=jnp.float32) + b_ref[...]


def _tc_mid(s_ref, deg_ref, r1_ref, wr2_ref, b2_ref, h_ref, r2_ref):
  s = s_ref[0] + s_ref[1]
  deg = deg_ref[0, :, 0] + deg_ref[1, :, 0]
  degc = jnp.maximum(deg, 1.0)[:, None]
  h = jnp.maximum(s / degc + r1_ref[...], 0.0)
  h_ref[...] = h
  r2_ref[...] = jnp.dot(h, wr2_ref[...], precision=_HIGH,
                        preferred_element_type=jnp.float32) + b2_ref[...]


def _tc_out(s_ref, deg_ref, r2_ref, wl2_ref, o_ref):
  s = s_ref[0] + s_ref[1]
  deg = deg_ref[0, :, 0] + deg_ref[1, :, 0]
  degc = jnp.maximum(deg, 1.0)[:, None]
  z = jnp.dot(s / degc, wl2_ref[...], precision=_HIGH,
              preferred_element_type=jnp.float32) + r2_ref[...]
  m = jnp.max(z, axis=-1, keepdims=True)
  e = z - m
  lse = jnp.log(jnp.sum(jnp.exp(e), axis=-1, keepdims=True))
  o_ref[...] = e - lse


def kernel(features, edge_index, W_l1, b1, W_r1, W_l2, b2, W_r2):
  src = edge_index[0].astype(jnp.int32)
  dst = edge_index[1].astype(jnp.int32)
  pad = EPAD - E
  ar = jnp.arange(pad, dtype=jnp.int32)
  srcp = jnp.concatenate([src, ar % N]).reshape(NW, K, CH)
  dstp = jnp.concatenate([dst, N + ar % (NACC - N)]).reshape(NW, K, CH)

  nb = N // _BR
  full2 = pl.BlockSpec((_BR, D_IN), lambda i: (i, 0))
  wspec = pl.BlockSpec((D_IN, D_H), lambda i: (0, 0))

  p1, r1 = pl.pallas_call(
      _tc_proj1,
      grid=(nb,),
      in_specs=[full2, wspec, wspec, pl.BlockSpec((1, D_H), lambda i: (0, 0))],
      out_specs=[pl.BlockSpec((_BR, D_H), lambda i: (i, 0))] * 2,
      out_shape=[jax.ShapeDtypeStruct((N, D_H), jnp.float32)] * 2,
  )(features, W_l1, W_r1, b1.reshape(1, D_H))

  deg = _sc_degree()(dstp)
  p1, srcp, dstp, deg = lax.optimization_barrier((p1, srcp, dstp, deg))
  s1 = _sc_segsum(D_H)(p1, srcp, dstp)

  h, r2 = pl.pallas_call(
      _tc_mid,
      grid=(nb,),
      in_specs=[
          pl.BlockSpec((NC, _BR, D_H), lambda i: (0, i, 0)),
          pl.BlockSpec((NC, _BR, 128), lambda i: (0, i, 0)),
          pl.BlockSpec((_BR, D_H), lambda i: (i, 0)),
          pl.BlockSpec((D_H, N_CLS), lambda i: (0, 0)),
          pl.BlockSpec((1, N_CLS), lambda i: (0, 0)),
      ],
      out_specs=[pl.BlockSpec((_BR, D_H), lambda i: (i, 0)),
                 pl.BlockSpec((_BR, N_CLS), lambda i: (i, 0))],
      out_shape=[jax.ShapeDtypeStruct((N, D_H), jnp.float32),
                 jax.ShapeDtypeStruct((N, N_CLS), jnp.float32)],
  )(s1, deg, r1, W_r2, b2.reshape(1, N_CLS))

  s2 = _sc_segsum(D_H)(h, srcp, dstp)

  out = pl.pallas_call(
      _tc_out,
      grid=(nb,),
      in_specs=[
          pl.BlockSpec((NC, _BR, D_H), lambda i: (0, i, 0)),
          pl.BlockSpec((NC, _BR, 128), lambda i: (0, i, 0)),
          pl.BlockSpec((_BR, N_CLS), lambda i: (i, 0)),
          pl.BlockSpec((D_H, N_CLS), lambda i: (0, 0)),
      ],
      out_specs=pl.BlockSpec((_BR, N_CLS), lambda i: (i, 0)),
      out_shape=jax.ShapeDtypeStruct((N, N_CLS), jnp.float32),
  )(s2, deg, r2, W_l2)
  return out

# --- scband reference (transcript-rebuilt; emitter-appended) ---
"""Pipeline reference for scband-graph-sage-46969762349428 (READ-ONLY COPY).

The authoritative reference and input builder live on the scoring server;
editing this copy changes nothing except your own understanding.
"""

import jax, jax.numpy as jnp
import numpy as np

N = 10000
E = 320000
D_IN = 128
D_H = 128
N_CLS = 64


def setup_inputs(seed: int = 0) -> dict:
    key = jax.random.key(seed)
    ks = jax.random.split(key, 9)
    x = jax.random.normal(ks[0], (N, D_IN), dtype=jnp.float32)
    edge_index = jax.random.randint(ks[1], (2, E), 0, N, dtype=jnp.int32)
    s1 = 1.0 / np.sqrt(D_IN)
    s2 = 1.0 / np.sqrt(D_H)
    W_l1 = jax.random.uniform(ks[2], (D_IN, D_H), dtype=jnp.float32, minval=-s1, maxval=s1)
    b1 = jnp.zeros((D_H,), dtype=jnp.float32)
    W_r1 = jax.random.uniform(ks[3], (D_IN, D_H), dtype=jnp.float32, minval=-s1, maxval=s1)
    W_l2 = jax.random.uniform(ks[4], (D_H, N_CLS), dtype=jnp.float32, minval=-s2, maxval=s2)
    b2 = jnp.zeros((N_CLS,), dtype=jnp.float32)
    W_r2 = jax.random.uniform(ks[5], (D_H, N_CLS), dtype=jnp.float32, minval=-s2, maxval=s2)
    return {"features": x, "edge_index": edge_index, "W_l1": W_l1, "b1": b1, "W_r1": W_r1, "W_l2": W_l2, "b2": b2, "W_r2": W_r2}


def _sage_conv(h, src, dst, Wl, b, Wr):
    # SAGEConv with mean aggregation: out = lin_l(mean_{j in N(i)} h_j) + lin_r(h_i)
    msg = jnp.take(h, src, axis=0)
    agg = jax.ops.segment_sum(msg, dst, num_segments=N)
    deg = jax.ops.segment_sum(jnp.ones((src.shape[0],), dtype=h.dtype), dst, num_segments=N)
    agg = agg / jnp.clip(deg, 1.0, None)[:, None]
    return agg @ Wl + b + h @ Wr


def reference(features, edge_index, W_l1, b1, W_r1, W_l2, b2, W_r2):
    src = edge_index[0]
    dst = edge_index[1]
    h = _sage_conv(features, src, dst, W_l1, b1, W_r1)
    h = jax.nn.relu(h)
    # dropout is identity at inference (training=False)
    h = _sage_conv(h, src, dst, W_l2, b2, W_r2)
    return jax.nn.log_softmax(h, axis=-1)

if __name__ == "__main__":
    import jax
    _d = setup_inputs()
    print(jax.jit(kernel)(*tuple(_d.values())))

</pallas_src>

<mosaic_0001>
#map = affine_map<(d0, d1) -> (0, 0, 0)>
module attributes {stable_mosaic.version = 14 : i64} {
  func.func @body(%arg0: i32, %arg1: i32, %arg2: memref<32x81x128xi32, #tpu.memory_space<hbm>>, %arg3: memref<2x10112x128xf32, #tpu.memory_space<hbm>>, %arg4: memref<3x128xi32, #tpu.memory_space<vmem>>, %arg5: memref<128x128xf32, #tpu.memory_space<vmem>>, %arg6: memref<10112x128xf32, #tpu.memory_space<vmem_shared>>, %arg7: memref<!tpu.dma_semaphore, #tpu.memory_space<semaphore_mem>>, %arg8: memref<!tpu.dma_semaphore, #tpu.memory_space<semaphore_mem>>, %arg9: memref<!tpu.dma_semaphore, #tpu.memory_space<semaphore_mem>>, %arg10: memref<!tpu.dma_semaphore, #tpu.memory_space<semaphore_mem>>, %arg11: memref<!tpu.dma_semaphore, #tpu.memory_space<semaphore_mem>>, %arg12: memref<!tpu.dma_semaphore, #tpu.memory_space<semaphore_mem>>) attributes {dimension_semantics = [#tpu.dimension_semantics<core_parallel>, #tpu.dimension_semantics<subcore_parallel>], iteration_bounds = array<i64: 2, 16>, scalar_prefetch = 0 : i64, scratch_operands = 9 : i64, tpu.core_type = #tpu.core_type<sc_vector_subcore>, window_params = [{transform_indices = #map}, {transform_indices = #map}]} {
    %mul3A = arith.constant 2 : i32
    %mul3A_0 = arith.muli %arg1, %mul3A : i32
    %add3A = arith.addi %mul3A_0, %arg0 : i32
    %scan3A = arith.constant 0 : i32
    %scan3A_1 = arith.constant 0 : i32
    %scan3A_2 = arith.constant 128 : i32
    %scan3A_3 = arith.addi %scan3A_1, %scan3A_2 : i32
    %scan3A_4 = arith.constant 1 : i32
    %scan3A_5 = scf.for %scan3A_91 = %scan3A_1 to %scan3A_3 step %scan3A_4 iter_args(%scan3A_92 = %scan3A) -> (i32)  : i32 {
      %broadcast_in_dim3A = arith.constant 0.000000e+00 : f32
      %broadcast_in_dim3A_93 = vector.broadcast %broadcast_in_dim3A : f32 to vector<16xf32>
      %swap3A = arith.index_cast %scan3A_91 : i32 to index
      %swap3A_94 = arith.constant 0 : index
      %swap3A_95 = tpu.vector_load %arg5[%swap3A, %swap3A_94] {strides = array<i32>} : memref<128x128xf32, #tpu.memory_space<vmem>>, vector<1x16xf32>,
      %swap3A_96 = vector.shape_cast %swap3A_95 : vector<1x16xf32> to vector<16xf32>
      %swap3A_97 = vector.shape_cast %broadcast_in_dim3A_93 : vector<16xf32> to vector<1x16xf32>
      tpu.vector_store %arg5[%swap3A, %swap3A_94], %swap3A_97 {strides = array<i32>} : memref<128x128xf32, #tpu.memory_space<vmem>>, vector<1x16xf32>,
      %broadcast_in_dim3A_98 = arith.constant 0.000000e+00 : f32
      %broadcast_in_dim3A_99 = vector.broadcast %broadcast_in_dim3A_98 : f32 to vector<16xf32>
      %swap3A_100 = arith.index_cast %scan3A_91 : i32 to index
      %swap3A_101 = arith.constant 16 : index
      %swap3A_102 = tpu.vector_load %arg5[%swap3A_100, %swap3A_101] {strides = array<i32>} : memref<128x128xf32, #tpu.memory_space<vmem>>, vector<1x16xf32>,
      %swap3A_103 = vector.shape_cast %swap3A_102 : vector<1x16xf32> to vector<16xf32>
      %swap3A_104 = vector.shape_cast %broadcast_in_dim3A_99 : vector<16xf32> to vector<1x16xf32>
      tpu.vector_store %arg5[%swap3A_100, %swap3A_101], %swap3A_104 {strides = array<i32>} : memref<128x128xf32, #tpu.memory_space<vmem>>, vector<1x16xf32>,
      %broadcast_in_dim3A_105 = arith.constant 0.000000e+00 : f32
      %broadcast_in_dim3A_106 = vector.broadcast %broadcast_in_dim3A_105 : f32 to vector<16xf32>
      %swap3A_107 = arith.index_cast %scan3A_91 : i32 to index
      %swap3A_108 = arith.constant 32 : index
      %swap3A_109 = tpu.vector_load %arg5[%swap3A_107, %swap3A_108] {strides = array<i32>} : memref<128x128xf32, #tpu.memory_space<vmem>>, vector<1x16xf32>,
      %swap3A_110 = vector.shape_cast %swap3A_109 : vector<1x16xf32> to vector<16xf32>
      %swap3A_111 = vector.shape_cast %broadcast_in_dim3A_106 : vector<16xf32> to vector<1x16xf32>
      tpu.vector_store %arg5[%swap3A_107, %swap3A_108], %swap3A_111 {strides = array<i32>} : memref<128x128xf32, #tpu.memory_space<vmem>>, vector<1x16xf32>,
      %broadcast_in_dim3A_112 = arith.constant 0.000000e+00 : f32
      %broadcast_in_dim3A_113 = vector.broadcast %broadcast_in_dim3A_112 : f32 to vector<16xf32>
      %swap3A_114 = arith.index_cast %scan3A_91 : i32 to index
      %swap3A_115 = arith.constant 48 : index
      %swap3A_116 = tpu.vector_load %arg5[%swap3A_114, %swap3A_115] {strides = array<i32>} : memref<128x128xf32, #tpu.memory_space<vmem>>, vector<1x16xf32>,
      %swap3A_117 = vector.shape_cast %swap3A_116 : vector<1x16xf32> to vector<16xf32>
      %swap3A_118 = vector.shape_cast %broadcast_in_dim3A_113 : vector<16xf32> to vector<1x16xf32>
      tpu.vector_store %arg5[%swap3A_114, %swap3A_115], %swap3A_118 {strides = array<i32>} : memref<128x128xf32, #tpu.memory_space<vmem>>, vector<1x16xf32>,
      %broadcast_in_dim3A_119 = arith.constant 0.000000e+00 : f32
      %broadcast_in_dim3A_120 = vector.broadcast %broadcast_in_dim3A_119 : f32 to vector<16xf32>
      %swap3A_121 = arith.index_cast %scan3A_91 : i32 to index
      %swap3A_122 = arith.constant 64 : index
      %swap3A_123 = tpu.vector_load %arg5[%swap3A_121, %swap3A_122] {strides = array<i32>} : memref<128x128xf32, #tpu.memory_space<vmem>>, vector<1x16xf32>,
      %swap3A_124 = vector.shape_cast %swap3A_123 : vector<1x16xf32> to vector<16xf32>
      %swap3A_125 = vector.shape_cast %broadcast_in_dim3A_120 : vector<16xf32> to vector<1x16xf32>
      tpu.vector_store %arg5[%swap3A_121, %swap3A_122], %swap3A_125 {strides = array<i32>} : memref<128x128xf32, #tpu.memory_space<vmem>>, vector<1x16xf32>,
      %broadcast_in_dim3A_126 = arith.constant 0.000000e+00 : f32
      %broadcast_in_dim3A_127 = vector.broadcast %broadcast_in_dim3A_126 : f32 to vector<16xf32>
      %swap3A_128 = arith.index_cast %scan3A_91 : i32 to index
      %swap3A_129 = arith.constant 80 : index
      %swap3A_130 = tpu.vector_load %arg5[%swap3A_128, %swap3A_129] {strides = array<i32>} : memref<128x128xf32, #tpu.memory_space<vmem>>, vector<1x16xf32>,
      %swap3A_131 = vector.shape_cast %swap3A_130 : vector<1x16xf32> to vector<16xf32>
      %swap3A_132 = vector.shape_cast %broadcast_in_dim3A_127 : vector<16xf32> to vector<1x16xf32>
      tpu.vector_store %arg5[%swap3A_128, %swap3A_129], %swap3A_132 {strides = array<i32>} : memref<128x128xf32, #tpu.memory_space<vmem>>, vector<1x16xf32>,
      %broadcast_in_dim3A_133 = arith.constant 0.000000e+00 : f32
      %broadcast_in_dim3A_134 = vector.broadcast %broadcast_in_dim3A_133 : f32 to vector<16xf32>
      %swap3A_135 = arith.index_cast %scan3A_91 : i32 to index
      %swap3A_136 = arith.constant 96 : index
      %swap3A_137 = tpu.vector_load %arg5[%swap3A_135, %swap3A_136] {strides = array<i32>} : memref<128x128xf32, #tpu.memory_space<vmem>>, vector<1x16xf32>,
      %swap3A_138 = vector.shape_cast %swap3A_137 : vector<1x16xf32> to vector<16xf32>
      %swap3A_139 = vector.shape_cast %broadcast_in_dim3A_134 : vector<16xf32> to vector<1x16xf32>
      tpu.vector_store %arg5[%swap3A_135, %swap3A_136], %swap3A_139 {strides = array<i32>} : memref<128x128xf32, #tpu.memory_space<vmem>>, vector<1x16xf32>,
      %broadcast_in_dim3A_140 = arith.constant 0.000000e+00 : f32
      %broadcast_in_dim3A_141 = vector.broadcast %broadcast_in_dim3A_140 : f32 to vector<16xf32>
      %swap3A_142 = arith.index_cast %scan3A_91 : i32 to index
      %swap3A_143 = arith.constant 112 : index
      %swap3A_144 = tpu.vector_load %arg5[%swap3A_142, %swap3A_143] {strides = array<i32>} : memref<128x128xf32, #tpu.memory_space<vmem>>, vector<1x16xf32>,
      %swap3A_145 = vector.shape_cast %swap3A_144 : vector<1x16xf32> to vector<16xf32>
      %swap3A_146 = vector.shape_cast %broadcast_in_dim3A_141 : vector<16xf32> to vector<1x16xf32>
      tpu.vector_store %arg5[%swap3A_142, %swap3A_143], %swap3A_146 {strides = array<i32>} : memref<128x128xf32, #tpu.memory_space<vmem>>, vector<1x16xf32>,
      %scan3A_147 = arith.constant 0 : i32
      scf.yield %scan3A_147 : i32
    }
    %scan3A_6 = arith.constant 128 : i32
    %mul3A_7 = arith.constant 632 : i32
    %mul3A_8 = arith.muli %arg1, %mul3A_7 : i32
    %add3A_9 = arith.constant 0 : i32
    %add3A_10 = arith.addi %mul3A_8, %add3A_9 : i32
    "tpu.region"() ({
      %run_scoped3A = tpu.sem_alloc : memref<!tpu.dma_semaphore, #tpu.memory_space<semaphore_mem>>
      %dma_start3A_91 = arith.constant 0 : i32
      %dma_start3A_92 = tpu.memref_slice %arg6[%add3A_10, %dma_start3A_91] : memref<10112x128xf32, #tpu.memory_space<vmem_shared>> -> memref<128x128xf32, #tpu.memory_space<vmem_shared>>
      %dma_start3A_93 = arith.constant 0 : i32
      %dma_start3A_94 = tpu.memref_slice %arg6[%add3A_10, %dma_start3A_93] : memref<10112x128xf32, #tpu.memory_space<vmem_shared>> -> memref<128x128xf32, #tpu.memory_space<vmem_shared>>
      tpu.enqueue_dma source(%arg5 : memref<128x128xf32, #tpu.memory_space<vmem>>) target(%dma_start3A_94 : memref<128x128xf32, #tpu.memory_space<vmem_shared>>) target_semaphore(%run_scoped3A : memref<!tpu.dma_semaphore, #tpu.memory_space<semaphore_mem>>)
      %dma_wait3A_95 = arith.constant 0 : i32
      %dma_wait3A_96 = tpu.memref_slice %arg6[%add3A_10, %dma_wait3A_95] : memref<10112x128xf32, #tpu.memory_space<vmem_shared>> -> memref<128x128xf32, #tpu.memory_space<vmem_shared>>
      %dma_wait3A_97 = arith.constant 0 : i32
      %dma_wait3A_98 = tpu.memref_slice %arg6[%add3A_10, %dma_wait3A_97] : memref<10112x128xf32, #tpu.memory_space<vmem_shared>> -> memref<128x128xf32, #tpu.memory_space<vmem_shared>>
      tpu.wait_dma2 semaphore(%run_scoped3A : memref<!tpu.dma_semaphore, #tpu.memory_space<semaphore_mem>>) src(%arg5 : memref<128x128xf32, #tpu.memory_space<vmem>>) dst(%dma_wait3A_98 : memref<128x128xf32, #tpu.memory_space<vmem_shared>>)
      tpu.yield
    }) : () -> ()
    %mul3A_11 = arith.constant 632 : i32
    %mul3A_12 = arith.muli %arg1, %mul3A_11 : i32
    %add3A_13 = arith.constant 128 : i32
    %add3A_14 = arith.addi %mul3A_12, %add3A_13 : i32
    "tpu.region"() ({
      %run_scoped3A = tpu.sem_alloc : memref<!tpu.dma_semaphore, #tpu.memory_space<semaphore_mem>>
      %dma_start3A_91 = arith.constant 0 : i32
      %dma_start3A_92 = tpu.memref_slice %arg6[%add3A_14, %dma_start3A_91] : memref<10112x128xf32, #tpu.memory_space<vmem_shared>> -> memref<128x128xf32, #tpu.memory_space<vmem_shared>>
      %dma_start3A_93 = arith.constant 0 : i32
      %dma_start3A_94 = tpu.memref_slice %arg6[%add3A_14, %dma_start3A_93] : memref<10112x128xf32, #tpu.memory_space<vmem_shared>> -> memref<128x128xf32, #tpu.memory_space<vmem_shared>>
      tpu.enqueue_dma source(%arg5 : memref<128x128xf32, #tpu.memory_space<vmem>>) target(%dma_start3A_94 : memref<128x128xf32, #tpu.memory_space<vmem_shared>>) target_semaphore(%run_scoped3A : memref<!tpu.dma_semaphore, #tpu.memory_space<semaphore_mem>>)
      %dma_wait3A_95 = arith.constant 0 : i32
      %dma_wait3A_96 = tpu.memref_slice %arg6[%add3A_14, %dma_wait3A_95] : memref<10112x128xf32, #tpu.memory_space<vmem_shared>> -> memref<128x128xf32, #tpu.memory_space<vmem_shared>>
      %dma_wait3A_97 = arith.constant 0 : i32
      %dma_wait3A_98 = tpu.memref_slice %arg6[%add3A_14, %dma_wait3A_97] : memref<10112x128xf32, #tpu.memory_space<vmem_shared>> -> memref<128x128xf32, #tpu.memory_space<vmem_shared>>
      tpu.wait_dma2 semaphore(%run_scoped3A : memref<!tpu.dma_semaphore, #tpu.memory_space<semaphore_mem>>) src(%arg5 : memref<128x128xf32, #tpu.memory_space<vmem>>) dst(%dma_wait3A_98 : memref<128x128xf32, #tpu.memory_space<vmem_shared>>)
      tpu.yield
    }) : () -> ()
    %mul3A_15 = arith.constant 632 : i32
    %mul3A_16 = arith.muli %arg1, %mul3A_15 : i32
    %add3A_17 = arith.constant 256 : i32
    %add3A_18 = arith.addi %mul3A_16, %add3A_17 : i32
    "tpu.region"() ({
      %run_scoped3A = tpu.sem_alloc : memref<!tpu.dma_semaphore, #tpu.memory_space<semaphore_mem>>
      %dma_start3A_91 = arith.constant 0 : i32
      %dma_start3A_92 = tpu.memref_slice %arg6[%add3A_18, %dma_start3A_91] : memref<10112x128xf32, #tpu.memory_space<vmem_shared>> -> memref<128x128xf32, #tpu.memory_space<vmem_shared>>
      %dma_start3A_93 = arith.constant 0 : i32
      %dma_start3A_94 = tpu.memref_slice %arg6[%add3A_18, %dma_start3A_93] : memref<10112x128xf32, #tpu.memory_space<vmem_shared>> -> memref<128x128xf32, #tpu.memory_space<vmem_shared>>
      tpu.enqueue_dma source(%arg5 : memref<128x128xf32, #tpu.memory_space<vmem>>) target(%dma_start3A_94 : memref<128x128xf32, #tpu.memory_space<vmem_shared>>) target_semaphore(%run_scoped3A : memref<!tpu.dma_semaphore, #tpu.memory_space<semaphore_mem>>)
      %dma_wait3A_95 = arith.constant 0 : i32
      %dma_wait3A_96 = tpu.memref_slice %arg6[%add3A_18, %dma_wait3A_95] : memref<10112x128xf32, #tpu.memory_space<vmem_shared>> -> memref<128x128xf32, #tpu.memory_space<vmem_shared>>
      %dma_wait3A_97 = arith.constant 0 : i32
      %dma_wait3A_98 = tpu.memref_slice %arg6[%add3A_18, %dma_wait3A_97] : memref<10112x128xf32, #tpu.memory_space<vmem_shared>> -> memref<128x128xf32, #tpu.memory_space<vmem_shared>>
      tpu.wait_dma2 semaphore(%run_scoped3A : memref<!tpu.dma_semaphore, #tpu.memory_space<semaphore_mem>>) src(%arg5 : memref<128x128xf32, #tpu.memory_space<vmem>>) dst(%dma_wait3A_98 : memref<128x128xf32, #tpu.memory_space<vmem_shared>>)
      tpu.yield
    }) : () -> ()
    %mul3A_19 = arith.constant 632 : i32
    %mul3A_20 = arith.muli %arg1, %mul3A_19 : i32
    %add3A_21 = arith.constant 384 : i32
    %add3A_22 = arith.addi %mul3A_20, %add3A_21 : i32
    "tpu.region"() ({
      %run_scoped3A = tpu.sem_alloc : memref<!tpu.dma_semaphore, #tpu.memory_space<semaphore_mem>>
      %dma_start3A_91 = arith.constant 0 : i32
      %dma_start3A_92 = tpu.memref_slice %arg6[%add3A_22, %dma_start3A_91] : memref<10112x128xf32, #tpu.memory_space<vmem_shared>> -> memref<128x128xf32, #tpu.memory_space<vmem_shared>>
      %dma_start3A_93 = arith.constant 0 : i32
      %dma_start3A_94 = tpu.memref_slice %arg6[%add3A_22, %dma_start3A_93] : memref<10112x128xf32, #tpu.memory_space<vmem_shared>> -> memref<128x128xf32, #tpu.memory_space<vmem_shared>>
      tpu.enqueue_dma source(%arg5 : memref<128x128xf32, #tpu.memory_space<vmem>>) target(%dma_start3A_94 : memref<128x128xf32, #tpu.memory_space<vmem_shared>>) target_semaphore(%run_scoped3A : memref<!tpu.dma_semaphore, #tpu.memory_space<semaphore_mem>>)
      %dma_wait3A_95 = arith.constant 0 : i32
      %dma_wait3A_96 = tpu.memref_slice %arg6[%add3A_22, %dma_wait3A_95] : memref<10112x128xf32, #tpu.memory_space<vmem_shared>> -> memref<128x128xf32, #tpu.memory_space<vmem_shared>>
      %dma_wait3A_97 = arith.constant 0 : i32
      %dma_wait3A_98 = tpu.memref_slice %arg6[%add3A_22, %dma_wait3A_97] : memref<10112x128xf32, #tpu.memory_space<vmem_shared>> -> memref<128x128xf32, #tpu.memory_space<vmem_shared>>
      tpu.wait_dma2 semaphore(%run_scoped3A : memref<!tpu.dma_semaphore, #tpu.memory_space<semaphore_mem>>) src(%arg5 : memref<128x128xf32, #tpu.memory_space<vmem>>) dst(%dma_wait3A_98 : memref<128x128xf32, #tpu.memory_space<vmem_shared>>)
      tpu.yield
    }) : () -> ()
    %mul3A_23 = arith.constant 632 : i32
    %mul3A_24 = arith.muli %arg1, %mul3A_23 : i32
    %add3A_25 = arith.constant 512 : i32
    %add3A_26 = arith.addi %mul3A_24, %add3A_25 : i32
    "tpu.region"() ({
      %run_scoped3A = tpu.sem_alloc : memref<!tpu.dma_semaphore, #tpu.memory_space<semaphore_mem>>
      %dma_start3A_91 = arith.constant 0 : i32
      %dma_start3A_92 = arith.constant 0 : i32
      %dma_start3A_93 = tpu.memref_slice %arg5[%dma_start3A_91, %dma_start3A_92] : memref<128x128xf32, #tpu.memory_space<vmem>> -> memref<120x128xf32, #tpu.memory_space<vmem>>
      %dma_start3A_94 = arith.constant 0 : i32
      %dma_start3A_95 = tpu.memref_slice %arg6[%add3A_26, %dma_start3A_94] : memref<10112x128xf32, #tpu.memory_space<vmem_shared>> -> memref<120x128xf32, #tpu.memory_space<vmem_shared>>
      %dma_start3A_96 = arith.constant 0 : i32
      %dma_start3A_97 = tpu.memref_slice %arg6[%add3A_26, %dma_start3A_96] : memref<10112x128xf32, #tpu.memory_space<vmem_shared>> -> memref<120x128xf32, #tpu.memory_space<vmem_shared>>
      %dma_start3A_98 = arith.constant 0 : i32
      %dma_start3A_99 = arith.constant 0 : i32
      %dma_start3A_100 = tpu.memref_slice %arg5[%dma_start3A_98, %dma_start3A_99] : memref<128x128xf32, #tpu.memory_space<vmem>> -> memref<120x128xf32, #tpu.memory_space<vmem>>
      tpu.enqueue_dma source(%dma_start3A_100 : memref<120x128xf32, #tpu.memory_space<vmem>>) target(%dma_start3A_97 : memref<120x128xf32, #tpu.memory_space<vmem_shared>>) target_semaphore(%run_scoped3A : memref<!tpu.dma_semaphore, #tpu.memory_space<semaphore_mem>>)
      %dma_wait3A_101 = arith.constant 0 : i32
      %dma_wait3A_102 = arith.constant 0 : i32
      %dma_wait3A_103 = tpu.memref_slice %arg5[%dma_wait3A_101, %dma_wait3A_102] : memref<128x128xf32, #tpu.memory_space<vmem>> -> memref<120x128xf32, #tpu.memory_space<vmem>>
      %dma_wait3A_104 = arith.constant 0 : i32
      %dma_wait3A_105 = tpu.memref_slice %arg6[%add3A_26, %dma_wait3A_104] : memref<10112x128xf32, #tpu.memory_space<vmem_shared>> -> memref<120x128xf32, #tpu.memory_space<vmem_shared>>
      %dma_wait3A_106 = arith.constant 0 : i32
      %dma_wait3A_107 = tpu.memref_slice %arg6[%add3A_26, %dma_wait3A_106] : memref<10112x128xf32, #tpu.memory_space<vmem_shared>> -> memref<120x128xf32, #tpu.memory_space<vmem_shared>>
      %dma_wait3A_108 = arith.constant 0 : i32
      %dma_wait3A_109 = arith.constant 0 : i32
      %dma_wait3A_110 = tpu.memref_slice %arg5[%dma_wait3A_108, %dma_wait3A_109] : memref<128x128xf32, #tpu.memory_space<vmem>> -> memref<120x128xf32, #tpu.memory_space<vmem>>
      tpu.wait_dma2 semaphore(%run_scoped3A : memref<!tpu.dma_semaphore, #tpu.memory_space<semaphore_mem>>) src(%dma_wait3A_110 : memref<120x128xf32, #tpu.memory_space<vmem>>) dst(%dma_wait3A_107 : memref<120x128xf32, #tpu.memory_space<vmem_shared>>)
      tpu.yield
    }) : () -> ()
    %scan3A_27 = arith.constant 0 : i32
    %scan3A_28 = arith.constant 0 : i32
    %scan3A_29 = arith.constant 128 : i32
    %scan3A_30 = arith.addi %scan3A_28, %scan3A_29 : i32
    %scan3A_31 = arith.constant 1 : i32
    %scan3A_32 = scf.for %scan3A_91 = %scan3A_28 to %scan3A_30 step %scan3A_31 iter_args(%scan3A_92 = %scan3A_27) -> (i32)  : i32 {
      %broadcast_in_dim3A = arith.constant 1.000000e+00 : f32
      %broadcast_in_dim3A_93 = vector.broadcast %broadcast_in_dim3A : f32 to vector<16xf32>
      %swap3A = arith.index_cast %scan3A_91 : i32 to index
      %swap3A_94 = arith.constant 0 : index
      %swap3A_95 = tpu.vector_load %arg5[%swap3A, %swap3A_94] {strides = array<i32>} : memref<128x128xf32, #tpu.memory_space<vmem>>, vector<1x16xf32>,
      %swap3A_96 = vector.shape_cast %swap3A_95 : vector<1x16xf32> to vector<16xf32>
      %swap3A_97 = vector.shape_cast %broadcast_in_dim3A_93 : vector<16xf32> to vector<1x16xf32>
      tpu.vector_store %arg5[%swap3A, %swap3A_94], %swap3A_97 {strides = array<i32>} : memref<128x128xf32, #tpu.memory_space<vmem>>, vector<1x16xf32>,
      %broadcast_in_dim3A_98 = arith.constant 1.000000e+00 : f32
      %broadcast_in_dim3A_99 = vector.broadcast %broadcast_in_dim3A_98 : f32 to vector<16xf32>
      %swap3A_100 = arith.index_cast %scan3A_91 : i32 to index
      %swap3A_101 = arith.constant 16 : index
      %swap3A_102 = tpu.vector_load %arg5[%swap3A_100, %swap3A_101] {strides = array<i32>} : memref<128x128xf32, #tpu.memory_space<vmem>>, vector<1x16xf32>,
      %swap3A_103 = vector.shape_cast %swap3A_102 : vector<1x16xf32> to vector<16xf32>
      %swap3A_104 = vector.shape_cast %broadcast_in_dim3A_99 : vector<16xf32> to vector<1x16xf32>
      tpu.vector_store %arg5[%swap3A_100, %swap3A_101], %swap3A_104 {strides = array<i32>} : memref<128x128xf32, #tpu.memory_space<vmem>>, vector<1x16xf32>,
      %broadcast_in_dim3A_105 = arith.constant 1.000000e+00 : f32
      %broadcast_in_dim3A_106 = vector.broadcast %broadcast_in_dim3A_105 : f32 to vector<16xf32>
      %swap3A_107 = arith.index_cast %scan3A_91 : i32 to index
      %swap3A_108 = arith.constant 32 : index
      %swap3A_109 = tpu.vector_load %arg5[%swap3A_107, %swap3A_108] {strides = array<i32>} : memref<128x128xf32, #tpu.memory_space<vmem>>, vector<1x16xf32>,
      %swap3A_110 = vector.shape_cast %swap3A_109 : vector<1x16xf32> to vector<16xf32>
      %swap3A_111 = vector.shape_cast %broadcast_in_dim3A_106 : vector<16xf32> to vector<1x16xf32>
      tpu.vector_store %arg5[%swap3A_107, %swap3A_108], %swap3A_111 {strides = array<i32>} : memref<128x128xf32, #tpu.memory_space<vmem>>, vector<1x16xf32>,
      %broadcast_in_dim3A_112 = arith.constant 1.000000e+00 : f32
      %broadcast_in_dim3A_113 = vector.broadcast %broadcast_in_dim3A_112 : f32 to vector<16xf32>
      %swap3A_114 = arith.index_cast %scan3A_91 : i32 to index
      %swap3A_115 = arith.constant 48 : index
      %swap3A_116 = tpu.vector_load %arg5[%swap3A_114, %swap3A_115] {strides = array<i32>} : memref<128x128xf32, #tpu.memory_space<vmem>>, vector<1x16xf32>,
      %swap3A_117 = vector.shape_cast %swap3A_116 : vector<1x16xf32> to vector<16xf32>
      %swap3A_118 = vector.shape_cast %broadcast_in_dim3A_113 : vector<16xf32> to vector<1x16xf32>
      tpu.vector_store %arg5[%swap3A_114, %swap3A_115], %swap3A_118 {strides = array<i32>} : memref<128x128xf32, #tpu.memory_space<vmem>>, vector<1x16xf32>,
      %broadcast_in_dim3A_119 = arith.constant 1.000000e+00 : f32
      %broadcast_in_dim3A_120 = vector.broadcast %broadcast_in_dim3A_119 : f32 to vector<16xf32>
      %swap3A_121 = arith.index_cast %scan3A_91 : i32 to index
      %swap3A_122 = arith.constant 64 : index
      %swap3A_123 = tpu.vector_load %arg5[%swap3A_121, %swap3A_122] {strides = array<i32>} : memref<128x128xf32, #tpu.memory_space<vmem>>, vector<1x16xf32>,
      %swap3A_124 = vector.shape_cast %swap3A_123 : vector<1x16xf32> to vector<16xf32>
      %swap3A_125 = vector.shape_cast %broadcast_in_dim3A_120 : vector<16xf32> to vector<1x16xf32>
      tpu.vector_store %arg5[%swap3A_121, %swap3A_122], %swap3A_125 {strides = array<i32>} : memref<128x128xf32, #tpu.memory_space<vmem>>, vector<1x16xf32>,
      %broadcast_in_dim3A_126 = arith.constant 1.000000e+00 : f32
      %broadcast_in_dim3A_127 = vector.broadcast %broadcast_in_dim3A_126 : f32 to vector<16xf32>
      %swap3A_128 = arith.index_cast %scan3A_91 : i32 to index
      %swap3A_129 = arith.constant 80 : index
      %swap3A_130 = tpu.vector_load %arg5[%swap3A_128, %swap3A_129] {strides = array<i32>} : memref<128x128xf32, #tpu.memory_space<vmem>>, vector<1x16xf32>,
      %swap3A_131 = vector.shape_cast %swap3A_130 : vector<1x16xf32> to vector<16xf32>
      %swap3A_132 = vector.shape_cast %broadcast_in_dim3A_127 : vector<16xf32> to vector<1x16xf32>
      tpu.vector_store %arg5[%swap3A_128, %swap3A_129], %swap3A_132 {strides = array<i32>} : memref<128x128xf32, #tpu.memory_space<vmem>>, vector<1x16xf32>,
      %broadcast_in_dim3A_133 = arith.constant 1.000000e+00 : f32
      %broadcast_in_dim3A_134 = vector.broadcast %broadcast_in_dim3A_133 : f32 to vector<16xf32>
      %swap3A_135 = arith.index_cast %scan3A_91 : i32 to index
      %swap3A_136 = arith.constant 96 : index
      %swap3A_137 = tpu.vector_load %arg5[%swap3A_135, %swap3A_136] {strides = array<i32>} : memref<128x128xf32, #tpu.memory_space<vmem>>, vector<1x16xf32>,
      %swap3A_138 = vector.shape_cast %swap3A_137 : vector<1x16xf32> to vector<16xf32>
      %swap3A_139 = vector.shape_cast %broadcast_in_dim3A_134 : vector<16xf32> to vector<1x16xf32>
      tpu.vector_store %arg5[%swap3A_135, %swap3A_136], %swap3A_139 {strides = array<i32>} : memref<128x128xf32, #tpu.memory_space<vmem>>, vector<1x16xf32>,
      %broadcast_in_dim3A_140 = arith.constant 1.000000e+00 : f32
      %broadcast_in_dim3A_141 = vector.broadcast %broadcast_in_dim3A_140 : f32 to vector<16xf32>
      %swap3A_142 = arith.index_cast %scan3A_91 : i32 to index
      %swap3A_143 = arith.constant 112 : index
      %swap3A_144 = tpu.vector_load %arg5[%swap3A_142, %swap3A_143] {strides = array<i32>} : memref<128x128xf32, #tpu.memory_space<vmem>>, vector<1x16xf32>,
      %swap3A_145 = vector.shape_cast %swap3A_144 : vector<1x16xf32> to vector<16xf32>
      %swap3A_146 = vector.shape_cast %broadcast_in_dim3A_141 : vector<16xf32> to vector<1x16xf32>
      tpu.vector_store %arg5[%swap3A_142, %swap3A_143], %swap3A_146 {strides = array<i32>} : memref<128x128xf32, #tpu.memory_space<vmem>>, vector<1x16xf32>,
      %scan3A_147 = arith.constant 0 : i32
      scf.yield %scan3A_147 : i32
    }
    %scan3A_33 = arith.constant 128 : i32
    %barrier3A = arith.constant 0 : index
    tpu.barrier barrier_id(%barrier3A)
    %dma_start3A = arith.constant 0 : i32
    %dma_start3A_34 = arith.constant 0 : i32
    %dma_start3A_35 = arith.constant 0 : i32
    %dma_start3A_36 = tpu.memref_slice %arg4[%dma_start3A_34, %dma_start3A_35] : memref<3x128xi32, #tpu.memory_space<vmem>> -> memref<1x128xi32, #tpu.memory_space<vmem>>
    %dma_start3A_37 = tpu.memref_squeeze %dma_start3A_36 : memref<1x128xi32, #tpu.memory_space<vmem>> -> memref<128xi32, #tpu.memory_space<vmem>>
    %dma_start3A_38 = arith.constant 0 : i32
    %dma_start3A_39 = tpu.memref_slice %arg2[%add3A, %dma_start3A, %dma_start3A_38] : memref<32x81x128xi32, #tpu.memory_space<hbm>> -> memref<1x1x128xi32, #tpu.memory_space<hbm>>
    %dma_start3A_40 = tpu.memref_squeeze %dma_start3A_39 : memref<1x1x128xi32, #tpu.memory_space<hbm>> -> memref<128xi32, #tpu.memory_space<hbm>>
    %dma_start3A_41 = arith.constant 0 : i32
    %dma_start3A_42 = tpu.memref_slice %arg4[%dma_start3A_34, %dma_start3A_41] : memref<3x128xi32, #tpu.memory_space<vmem>> -> memref<1x128xi32, #tpu.memory_space<vmem>>
    %dma_start3A_43 = tpu.memref_squeeze %dma_start3A_42 : memref<1x128xi32, #tpu.memory_space<vmem>> -> memref<128xi32, #tpu.memory_space<vmem>>
    %dma_start3A_44 = arith.constant 0 : i32
    %dma_start3A_45 = tpu.memref_slice %arg2[%add3A, %dma_start3A, %dma_start3A_44] : memref<32x81x128xi32, #tpu.memory_space<hbm>> -> memref<1x1x128xi32, #tpu.memory_space<hbm>>
    %dma_start3A_46 = tpu.memref_squeeze %dma_start3A_45 : memref<1x1x128xi32, #tpu.memory_space<hbm>> -> memref<128xi32, #tpu.memory_space<hbm>>
    tpu.enqueue_dma source(%dma_start3A_46 : memref<128xi32, #tpu.memory_space<hbm>>) target(%dma_start3A_43 : memref<128xi32, #tpu.memory_space<vmem>>) target_semaphore(%arg7 : memref<!tpu.dma_semaphore, #tpu.memory_space<semaphore_mem>>)
    %dma_start3A_47 = arith.constant 1 : i32
    %dma_start3A_48 = arith.constant 1 : i32
    %dma_start3A_49 = arith.constant 0 : i32
    %dma_start3A_50 = tpu.memref_slice %arg4[%dma_start3A_48, %dma_start3A_49] : memref<3x128xi32, #tpu.memory_space<vmem>> -> memref<1x128xi32, #tpu.memory_space<vmem>>
    %dma_start3A_51 = tpu.memref_squeeze %dma_start3A_50 : memref<1x128xi32, #tpu.memory_space<vmem>> -> memref<128xi32, #tpu.memory_space<vmem>>
    %dma_start3A_52 = arith.constant 0 : i32
    %dma_start3A_53 = tpu.memref_slice %arg2[%add3A, %dma_start3A_47, %dma_start3A_52] : memref<32x81x128xi32, #tpu.memory_space<hbm>> -> memref<1x1x128xi32, #tpu.memory_space<hbm>>
    %dma_start3A_54 = tpu.memref_squeeze %dma_start3A_53 : memref<1x1x128xi32, #tpu.memory_space<hbm>> -> memref<128xi32, #tpu.memory_space<hbm>>
    %dma_start3A_55 = arith.constant 0 : i32
    %dma_start3A_56 = tpu.memref_slice %arg4[%dma_start3A_48, %dma_start3A_55] : memref<3x128xi32, #tpu.memory_space<vmem>> -> memref<1x128xi32, #tpu.memory_space<vmem>>
    %dma_start3A_57 = tpu.memref_squeeze %dma_start3A_56 : memref<1x128xi32, #tpu.memory_space<vmem>> -> memref<128xi32, #tpu.memory_space<vmem>>
    %dma_start3A_58 = arith.constant 0 : i32
    %dma_start3A_59 = tpu.memref_slice %arg2[%add3A, %dma_start3A_47, %dma_start3A_58] : memref<32x81x128xi32, #tpu.memory_space<hbm>> -> memref<1x1x128xi32, #tpu.memory_space<hbm>>
    %dma_start3A_60 = tpu.memref_squeeze %dma_start3A_59 : memref<1x1x128xi32, #tpu.memory_space<hbm>> -> memref<128xi32, #tpu.memory_space<hbm>>
    tpu.enqueue_dma source(%dma_start3A_60 : memref<128xi32, #tpu.memory_space<hbm>>) target(%dma_start3A_57 : memref<128xi32, #tpu.memory_space<vmem>>) target_semaphore(%arg8 : memref<!tpu.dma_semaphore, #tpu.memory_space<semaphore_mem>>)
    %scan3A_61 = arith.constant 0 : i32
    %scan3A_62 = arith.constant 0 : i32
    %scan3A_63 = arith.constant 27 : i32
    %scan3A_64 = arith.addi %scan3A_62, %scan3A_63 : i32
    %scan3A_65 = arith.constant 1 : i32
    %scan3A_66 = scf.for %scan3A_91 = %scan3A_62 to %scan3A_64 step %scan3A_65 iter_args(%scan3A_92 = %scan3A_61) -> (i32)  : i32 {
      %mul3A_93 = arith.constant 3 : i32
      %mul3A_94 = arith.muli %mul3A_93, %scan3A_91 : i32
      %add3A_95 = arith.constant 0 : i32
      %add3A_96 = arith.addi %mul3A_94, %add3A_95 : i32
      %dma_wait3A_97 = arith.constant 0 : i32
      %dma_wait3A_98 = arith.constant 0 : i32
      %dma_wait3A_99 = tpu.memref_slice %arg4[%dma_wait3A_97, %dma_wait3A_98] : memref<3x128xi32, #tpu.memory_space<vmem>> -> memref<1x128xi32, #tpu.memory_space<vmem>>
      %dma_wait3A_100 = tpu.memref_squeeze %dma_wait3A_99 : memref<1x128xi32, #tpu.memory_space<vmem>> -> memref<128xi32, #tpu.memory_space<vmem>>
      %dma_wait3A_101 = arith.constant 0 : i32
      %dma_wait3A_102 = tpu.memref_slice %arg2[%add3A, %add3A_96, %dma_wait3A_101] : memref<32x81x128xi32, #tpu.memory_space<hbm>> -> memref<1x1x128xi32, #tpu.memory_space<hbm>>
      %dma_wait3A_103 = tpu.memref_squeeze %dma_wait3A_102 : memref<1x1x128xi32, #tpu.memory_space<hbm>> -> memref<128xi32, #tpu.memory_space<hbm>>
      %dma_wait3A_104 = arith.constant 0 : i32
      %dma_wait3A_105 = tpu.memref_slice %arg4[%dma_wait3A_97, %dma_wait3A_104] : memref<3x128xi32, #tpu.memory_space<vmem>> -> memref<1x128xi32, #tpu.memory_space<vmem>>
      %dma_wait3A_106 = tpu.memref_squeeze %dma_wait3A_105 : memref<1x128xi32, #tpu.memory_space<vmem>> -> memref<128xi32, #tpu.memory_space<vmem>>
      %dma_wait3A_107 = arith.constant 0 : i32
      %dma_wait3A_108 = tpu.memref_slice %arg2[%add3A, %add3A_96, %dma_wait3A_107] : memref<32x81x128xi32, #tpu.memory_space<hbm>> -> memref<1x1x128xi32, #tpu.memory_space<hbm>>
      %dma_wait3A_109 = tpu.memref_squeeze %dma_wait3A_108 : memref<1x1x128xi32, #tpu.memory_space<hbm>> -> memref<128xi32, #tpu.memory_space<hbm>>
      tpu.wait_dma2 semaphore(%arg7 : memref<!tpu.dma_semaphore, #tpu.memory_space<semaphore_mem>>) src(%dma_wait3A_109 : memref<128xi32, #tpu.memory_space<hbm>>) dst(%dma_wait3A_106 : memref<128xi32, #tpu.memory_space<vmem>>)
      %dma_start3A_110 = arith.constant 0 : i32
      %dma_start3A_111 = arith.constant 0 : i32
      %dma_start3A_112 = tpu.memref_slice %arg4[%dma_start3A_110, %dma_start3A_111] : memref<3x128xi32, #tpu.memory_space<vmem>> -> memref<1x128xi32, #tpu.memory_space<vmem>>
      %dma_start3A_113 = tpu.memref_squeeze %dma_start3A_112 : memref<1x128xi32, #tpu.memory_space<vmem>> -> memref<128xi32, #tpu.memory_space<vmem>>
      %dma_start3A_114 = arith.constant 0 : i32
      %dma_start3A_115 = arith.constant 0 : i32
      %dma_start3A_116 = tpu.memref_slice %arg6[%dma_start3A_114, %dma_start3A_115] : memref<10112x128xf32, #tpu.memory_space<vmem_shared>> -> memref<10112x128xf32, #tpu.memory_space<vmem_shared>>
      tpu.enqueue_indirect_dma source(%arg5 : memref<128x128xf32, #tpu.memory_space<vmem>>) target(%dma_start3A_116 : memref<10112x128xf32, #tpu.memory_space<vmem_shared>>) offsets(%dma_start3A_113 : memref<128xi32, #tpu.memory_space<vmem>>) semaphore(%arg10 : memref<!tpu.dma_semaphore, #tpu.memory_space<semaphore_mem>>) {add = true}
      %add3A_117 = arith.constant 2 : i32
      %add3A_118 = arith.addi %add3A_96, %add3A_117 : i32
      %lt3A = arith.constant 81 : i32
      %lt3A_119 = arith.cmpi slt, %add3A_118, %lt3A : i32
      %convert_element_type3A = arith.extui %lt3A_119 : i1 to i32
      %cond3A = arith.constant 0 : i32
      %cond3A_120 = arith.cmpi ne, %convert_element_type3A, %cond3A : i32
      scf.if %cond3A_120 {
        %ge3A = arith.constant 1 : i32
        %ge3A_184 = arith.cmpi sge, %add3A_96, %ge3A : i32
        %convert_element_type3A_185 = arith.extui %ge3A_184 : i1 to i32
        %cond3A_186 = arith.constant 0 : i32
        %cond3A_187 = arith.cmpi ne, %convert_element_type3A_185, %cond3A_186 : i32
        scf.if %cond3A_187 {
          %dma_wait3A_203 = arith.constant 2 : i32
          %dma_wait3A_204 = arith.constant 0 : i32
          %dma_wait3A_205 = tpu.memref_slice %arg4[%dma_wait3A_203, %dma_wait3A_204] : memref<3x128xi32, #tpu.memory_space<vmem>> -> memref<1x128xi32, #tpu.memory_space<vmem>>
          %dma_wait3A_206 = tpu.memref_squeeze %dma_wait3A_205 : memref<1x128xi32, #tpu.memory_space<vmem>> -> memref<128xi32, #tpu.memory_space<vmem>>
          %dma_wait3A_207 = arith.constant 0 : i32
          %dma_wait3A_208 = arith.constant 0 : i32
          %dma_wait3A_209 = tpu.memref_slice %arg6[%dma_wait3A_207, %dma_wait3A_208] : memref<10112x128xf32, #tpu.memory_space<vmem_shared>> -> memref<10112x128xf32, #tpu.memory_space<vmem_shared>>
          tpu.wait_indirect_dma semaphore(%arg12 : memref<!tpu.dma_semaphore, #tpu.memory_space<semaphore_mem>>) src(%arg5 : memref<128x128xf32, #tpu.memory_space<vmem>>) dst(%dma_wait3A_209 : memref<10112x128xf32, #tpu.memory_space<vmem_shared>>)
        } else {
        }
        %add3A_188 = arith.constant 2 : i32
        %add3A_189 = arith.addi %add3A_96, %add3A_188 : i32
        %dma_start3A_190 = arith.constant 2 : i32
        %dma_start3A_191 = arith.constant 0 : i32
        %dma_start3A_192 = tpu.memref_slice %arg4[%dma_start3A_190, %dma_start3A_191] : memref<3x128xi32, #tpu.memory_space<vmem>> -> memref<1x128xi32, #tpu.memory_space<vmem>>
        %dma_start3A_193 = tpu.memref_squeeze %dma_start3A_192 : memref<1x128xi32, #tpu.memory_space<vmem>> -> memref<128xi32, #tpu.memory_space<vmem>>
        %dma_start3A_194 = arith.constant 0 : i32
        %dma_start3A_195 = tpu.memref_slice %arg2[%add3A, %add3A_189, %dma_start3A_194] : memref<32x81x128xi32, #tpu.memory_space<hbm>> -> memref<1x1x128xi32, #tpu.memory_space<hbm>>
        %dma_start3A_196 = tpu.memref_squeeze %dma_start3A_195 : memref<1x1x128xi32, #tpu.memory_space<hbm>> -> memref<128xi32, #tpu.memory_space<hbm>>
        %dma_start3A_197 = arith.constant 0 : i32
        %dma_start3A_198 = tpu.memref_slice %arg4[%dma_start3A_190, %dma_start3A_197] : memref<3x128xi32, #tpu.memory_space<vmem>> -> memref<1x128xi32, #tpu.memory_space<vmem>>
        %dma_start3A_199 = tpu.memref_squeeze %dma_start3A_198 : memref<1x128xi32, #tpu.memory_space<vmem>> -> memref<128xi32, #tpu.memory_space<vmem>>
        %dma_start3A_200 = arith.constant 0 : i32
        %dma_start3A_201 = tpu.memref_slice %arg2[%add3A, %add3A_189, %dma_start3A_200] : memref<32x81x128xi32, #tpu.memory_space<hbm>> -> memref<1x1x128xi32, #tpu.memory_space<hbm>>
        %dma_start3A_202 = tpu.memref_squeeze %dma_start3A_201 : memref<1x1x128xi32, #tpu.memory_space<hbm>> -> memref<128xi32, #tpu.memory_space<hbm>>
        tpu.enqueue_dma source(%dma_start3A_202 : memref<128xi32, #tpu.memory_space<hbm>>) target(%dma_start3A_199 : memref<128xi32, #tpu.memory_space<vmem>>) target_semaphore(%arg9 : memref<!tpu.dma_semaphore, #tpu.memory_space<semaphore_mem>>)
      } else {
      }
      %mul3A_121 = arith.constant 3 : i32
      %mul3A_122 = arith.muli %mul3A_121, %scan3A_91 : i32
      %add3A_123 = arith.constant 1 : i32
      %add3A_124 = arith.addi %mul3A_122, %add3A_123 : i32
      %dma_wait3A_125 = arith.constant 1 : i32
      %dma_wait3A_126 = arith.constant 0 : i32
      %dma_wait3A_127 = tpu.memref_slice %arg4[%dma_wait3A_125, %dma_wait3A_126] : memref<3x128xi32, #tpu.memory_space<vmem>> -> memref<1x128xi32, #tpu.memory_space<vmem>>
      %dma_wait3A_128 = tpu.memref_squeeze %dma_wait3A_127 : memref<1x128xi32, #tpu.memory_space<vmem>> -> memref<128xi32, #tpu.memory_space<vmem>>
      %dma_wait3A_129 = arith.constant 0 : i32
      %dma_wait3A_130 = tpu.memref_slice %arg2[%add3A, %add3A_124, %dma_wait3A_129] : memref<32x81x128xi32, #tpu.memory_space<hbm>> -> memref<1x1x128xi32, #tpu.memory_space<hbm>>
      %dma_wait3A_131 = tpu.memref_squeeze %dma_wait3A_130 : memref<1x1x128xi32, #tpu.memory_space<hbm>> -> memref<128xi32, #tpu.memory_space<hbm>>
      %dma_wait3A_132 = arith.constant 0 : i32
      %dma_wait3A_133 = tpu.memref_slice %arg4[%dma_wait3A_125, %dma_wait3A_132] : memref<3x128xi32, #tpu.memory_space<vmem>> -> memref<1x128xi32, #tpu.memory_space<vmem>>
      %dma_wait3A_134 = tpu.memref_squeeze %dma_wait3A_133 : memref<1x128xi32, #tpu.memory_space<vmem>> -> memref<128xi32, #tpu.memory_space<vmem>>
      %dma_wait3A_135 = arith.constant 0 : i32
      %dma_wait3A_136 = tpu.memref_slice %arg2[%add3A, %add3A_124, %dma_wait3A_135] : memref<32x81x128xi32, #tpu.memory_space<hbm>> -> memref<1x1x128xi32, #tpu.memory_space<hbm>>
      %dma_wait3A_137 = tpu.memref_squeeze %dma_wait3A_136 : memref<1x1x128xi32, #tpu.memory_space<hbm>> -> memref<128xi32, #tpu.memory_space<hbm>>
      tpu.wait_dma2 semaphore(%arg8 : memref<!tpu.dma_semaphore, #tpu.memory_space<semaphore_mem>>) src(%dma_wait3A_137 : memref<128xi32, #tpu.memory_space<hbm>>) dst(%dma_wait3A_134 : memref<128xi32, #tpu.memory_space<vmem>>)
      %dma_start3A_138 = arith.constant 1 : i32
      %dma_start3A_139 = arith.constant 0 : i32
      %dma_start3A_140 = tpu.memref_slice %arg4[%dma_start3A_138, %dma_start3A_139] : memref<3x128xi32, #tpu.memory_space<vmem>> -> memref<1x128xi32, #tpu.memory_space<vmem>>
      %dma_start3A_141 = tpu.memref_squeeze %dma_start3A_140 : memref<1x128xi32, #tpu.memory_space<vmem>> -> memref<128xi32, #tpu.memory_space<vmem>>
      %dma_start3A_142 = arith.constant 0 : i32
      %dma_start3A_143 = arith.constant 0 : i32
      %dma_start3A_144 = tpu.memref_slice %arg6[%dma_start3A_142, %dma_start3A_143] : memref<10112x128xf32, #tpu.memory_space<vmem_shared>> -> memref<10112x128xf32, #tpu.memory_space<vmem_shared>>
      tpu.enqueue_indirect_dma source(%arg5 : memref<128x128xf32, #tpu.memory_space<vmem>>) target(%dma_start3A_144 : memref<10112x128xf32, #tpu.memory_space<vmem_shared>>) offsets(%dma_start3A_141 : memref<128xi32, #tpu.memory_space<vmem>>) semaphore(%arg11 : memref<!tpu.dma_semaphore, #tpu.memory_space<semaphore_mem>>) {add = true}
      %add3A_145 = arith.constant 2 : i32
      %add3A_146 = arith.addi %add3A_124, %add3A_145 : i32
      %lt3A_147 = arith.constant 81 : i32
      %lt3A_148 = arith.cmpi slt, %add3A_146, %lt3A_147 : i32
      %convert_element_type3A_149 = arith.extui %lt3A_148 : i1 to i32
      %cond3A_150 = arith.constant 0 : i32
      %cond3A_151 = arith.cmpi ne, %convert_element_type3A_149, %cond3A_150 : i32
      scf.if %cond3A_151 {
        %ge3A = arith.constant 1 : i32
        %ge3A_184 = arith.cmpi sge, %add3A_124, %ge3A : i32
        %convert_element_type3A_185 = arith.extui %ge3A_184 : i1 to i32
        %cond3A_186 = arith.constant 0 : i32
        %cond3A_187 = arith.cmpi ne, %convert_element_type3A_185, %cond3A_186 : i32
        scf.if %cond3A_187 {
          %dma_wait3A_203 = arith.constant 0 : i32
          %dma_wait3A_204 = arith.constant 0 : i32
          %dma_wait3A_205 = tpu.memref_slice %arg4[%dma_wait3A_203, %dma_wait3A_204] : memref<3x128xi32, #tpu.memory_space<vmem>> -> memref<1x128xi32, #tpu.memory_space<vmem>>
          %dma_wait3A_206 = tpu.memref_squeeze %dma_wait3A_205 : memref<1x128xi32, #tpu.memory_space<vmem>> -> memref<128xi32, #tpu.memory_space<vmem>>
          %dma_wait3A_207 = arith.constant 0 : i32
          %dma_wait3A_208 = arith.constant 0 : i32
          %dma_wait3A_209 = tpu.memref_slice %arg6[%dma_wait3A_207, %dma_wait3A_208] : memref<10112x128xf32, #tpu.memory_space<vmem_shared>> -> memref<10112x128xf32, #tpu.memory_space<vmem_shared>>
          tpu.wait_indirect_dma semaphore(%arg10 : memref<!tpu.dma_semaphore, #tpu.memory_space<semaphore_mem>>) src(%arg5 : memref<128x128xf32, #tpu.memory_space<vmem>>) dst(%dma_wait3A_209 : memref<10112x128xf32, #tpu.memory_space<vmem_shared>>)
        } else {
        }
        %add3A_188 = arith.constant 2 : i32
        %add3A_189 = arith.addi %add3A_124, %add3A_188 : i32
        %dma_start3A_190 = arith.constant 0 : i32
        %dma_start3A_191 = arith.constant 0 : i32
        %dma_start3A_192 = tpu.memref_slice %arg4[%dma_start3A_190, %dma_start3A_191] : memref<3x128xi32, #tpu.memory_space<vmem>> -> memref<1x128xi32, #tpu.memory_space<vmem>>
        %dma_start3A_193 = tpu.memref_squeeze %dma_start3A_192 : memref<1x128xi32, #tpu.memory_space<vmem>> -> memref<128xi32, #tpu.memory_space<vmem>>
        %dma_start3A_194 = arith.constant 0 : i32
        %dma_start3A_195 = tpu.memref_slice %arg2[%add3A, %add3A_189, %dma_start3A_194] : memref<32x81x128xi32, #tpu.memory_space<hbm>> -> memref<1x1x128xi32, #tpu.memory_space<hbm>>
        %dma_start3A_196 = tpu.memref_squeeze %dma_start3A_195 : memref<1x1x128xi32, #tpu.memory_space<hbm>> -> memref<128xi32, #tpu.memory_space<hbm>>
        %dma_start3A_197 = arith.constant 0 : i32
        %dma_start3A_198 = tpu.memref_slice %arg4[%dma_start3A_190, %dma_start3A_197] : memref<3x128xi32, #tpu.memory_space<vmem>> -> memref<1x128xi32, #tpu.memory_space<vmem>>
        %dma_start3A_199 = tpu.memref_squeeze %dma_start3A_198 : memref<1x128xi32, #tpu.memory_space<vmem>> -> memref<128xi32, #tpu.memory_space<vmem>>
        %dma_start3A_200 = arith.constant 0 : i32
        %dma_start3A_201 = tpu.memref_slice %arg2[%add3A, %add3A_189, %dma_start3A_200] : memref<32x81x128xi32, #tpu.memory_space<hbm>> -> memref<1x1x128xi32, #tpu.memory_space<hbm>>
        %dma_start3A_202 = tpu.memref_squeeze %dma_start3A_201 : memref<1x1x128xi32, #tpu.memory_space<hbm>> -> memref<128xi32, #tpu.memory_space<hbm>>
        tpu.enqueue_dma source(%dma_start3A_202 : memref<128xi32, #tpu.memory_space<hbm>>) target(%dma_start3A_199 : memref<128xi32, #tpu.memory_space<vmem>>) target_semaphore(%arg7 : memref<!tpu.dma_semaphore, #tpu.memory_space<semaphore_mem>>)
      } else {
      }
      %mul3A_152 = arith.constant 3 : i32
      %mul3A_153 = arith.muli %mul3A_152, %scan3A_91 : i32
      %add3A_154 = arith.constant 2 : i32
      %add3A_155 = arith.addi %mul3A_153, %add3A_154 : i32
      %dma_wait3A_156 = arith.constant 2 : i32
      %dma_wait3A_157 = arith.constant 0 : i32
      %dma_wait3A_158 = tpu.memref_slice %arg4[%dma_wait3A_156, %dma_wait3A_157] : memref<3x128xi32, #tpu.memory_space<vmem>> -> memref<1x128xi32, #tpu.memory_space<vmem>>
      %dma_wait3A_159 = tpu.memref_squeeze %dma_wait3A_158 : memref<1x128xi32, #tpu.memory_space<vmem>> -> memref<128xi32, #tpu.memory_space<vmem>>
      %dma_wait3A_160 = arith.constant 0 : i32
      %dma_wait3A_161 = tpu.memref_slice %arg2[%add3A, %add3A_155, %dma_wait3A_160] : memref<32x81x128xi32, #tpu.memory_space<hbm>> -> memref<1x1x128xi32, #tpu.memory_space<hbm>>
      %dma_wait3A_162 = tpu.memref_squeeze %dma_wait3A_161 : memref<1x1x128xi32, #tpu.memory_space<hbm>> -> memref<128xi32, #tpu.memory_space<hbm>>
      %dma_wait3A_163 = arith.constant 0 : i32
      %dma_wait3A_164 = tpu.memref_slice %arg4[%dma_wait3A_156, %dma_wait3A_163] : memref<3x128xi32, #tpu.memory_space<vmem>> -> memref<1x128xi32, #tpu.memory_space<vmem>>
      %dma_wait3A_165 = tpu.memref_squeeze %dma_wait3A_164 : memref<1x128xi32, #tpu.memory_space<vmem>> -> memref<128xi32, #tpu.memory_space<vmem>>
      %dma_wait3A_166 = arith.constant 0 : i32
      %dma_wait3A_167 = tpu.memref_slice %arg2[%add3A, %add3A_155, %dma_wait3A_166] : memref<32x81x128xi32, #tpu.memory_space<hbm>> -> memref<1x1x128xi32, #tpu.memory_space<hbm>>
      %dma_wait3A_168 = tpu.memref_squeeze %dma_wait3A_167 : memref<1x1x128xi32, #tpu.memory_space<hbm>> -> memref<128xi32, #tpu.memory_space<hbm>>
      tpu.wait_dma2 semaphore(%arg9 : memref<!tpu.dma_semaphore, #tpu.memory_space<semaphore_mem>>) src(%dma_wait3A_168 : memref<128xi32, #tpu.memory_space<hbm>>) dst(%dma_wait3A_165 : memref<128xi32, #tpu.memory_space<vmem>>)
      %dma_start3A_169 = arith.constant 2 : i32
      %dma_start3A_170 = arith.constant 0 : i32
      %dma_start3A_171 = tpu.memref_slice %arg4[%dma_start3A_169, %dma_start3A_170] : memref<3x128xi32, #tpu.memory_space<vmem>> -> memref<1x128xi32, #tpu.memory_space<vmem>>
      %dma_start3A_172 = tpu.memref_squeeze %dma_start3A_171 : memref<1x128xi32, #tpu.memory_space<vmem>> -> memref<128xi32, #tpu.memory_space<vmem>>
      %dma_start3A_173 = arith.constant 0 : i32
      %dma_start3A_174 = arith.constant 0 : i32
      %dma_start3A_175 = tpu.memref_slice %arg6[%dma_start3A_173, %dma_start3A_174] : memref<10112x128xf32, #tpu.memory_space<vmem_shared>> -> memref<10112x128xf32, #tpu.memory_space<vmem_shared>>
      tpu.enqueue_indirect_dma source(%arg5 : memref<128x128xf32, #tpu.memory_space<vmem>>) target(%dma_start3A_175 : memref<10112x128xf32, #tpu.memory_space<vmem_shared>>) offsets(%dma_start3A_172 : memref<128xi32, #tpu.memory_space<vmem>>) semaphore(%arg12 : memref<!tpu.dma_semaphore, #tpu.memory_space<semaphore_mem>>) {add = true}
      %add3A_176 = arith.constant 2 : i32
      %add3A_177 = arith.addi %add3A_155, %add3A_176 : i32
      %lt3A_178 = arith.constant 81 : i32
      %lt3A_179 = arith.cmpi slt, %add3A_177, %lt3A_178 : i32
      %convert_element_type3A_180 = arith.extui %lt3A_179 : i1 to i32
      %cond3A_181 = arith.constant 0 : i32
      %cond3A_182 = arith.cmpi ne, %convert_element_type3A_180, %cond3A_181 : i32
      scf.if %cond3A_182 {
        %ge3A = arith.constant 1 : i32
        %ge3A_184 = arith.cmpi sge, %add3A_155, %ge3A : i32
        %convert_element_type3A_185 = arith.extui %ge3A_184 : i1 to i32
        %cond3A_186 = arith.constant 0 : i32
        %cond3A_187 = arith.cmpi ne, %convert_element_type3A_185, %cond3A_186 : i32
        scf.if %cond3A_187 {
          %dma_wait3A_203 = arith.constant 1 : i32
          %dma_wait3A_204 = arith.constant 0 : i32
          %dma_wait3A_205 = tpu.memref_slice %arg4[%dma_wait3A_203, %dma_wait3A_204] : memref<3x128xi32, #tpu.memory_space<vmem>> -> memref<1x128xi32, #tpu.memory_space<vmem>>
          %dma_wait3A_206 = tpu.memref_squeeze %dma_wait3A_205 : memref<1x128xi32, #tpu.memory_space<vmem>> -> memref<128xi32, #tpu.memory_space<vmem>>
          %dma_wait3A_207 = arith.constant 0 : i32
          %dma_wait3A_208 = arith.constant 0 : i32
          %dma_wait3A_209 = tpu.memref_slice %arg6[%dma_wait3A_207, %dma_wait3A_208] : memref<10112x128xf32, #tpu.memory_space<vmem_shared>> -> memref<10112x128xf32, #tpu.memory_space<vmem_shared>>
          tpu.wait_indirect_dma semaphore(%arg11 : memref<!tpu.dma_semaphore, #tpu.memory_space<semaphore_mem>>) src(%arg5 : memref<128x128xf32, #tpu.memory_space<vmem>>) dst(%dma_wait3A_209 : memref<10112x128xf32, #tpu.memory_space<vmem_shared>>)
        } else {
        }
        %add3A_188 = arith.constant 2 : i32
        %add3A_189 = arith.addi %add3A_155, %add3A_188 : i32
        %dma_start3A_190 = arith.constant 1 : i32
        %dma_start3A_191 = arith.constant 0 : i32
        %dma_start3A_192 = tpu.memref_slice %arg4[%dma_start3A_190, %dma_start3A_191] : memref<3x128xi32, #tpu.memory_space<vmem>> -> memref<1x128xi32, #tpu.memory_space<vmem>>
        %dma_start3A_193 = tpu.memref_squeeze %dma_start3A_192 : memref<1x128xi32, #tpu.memory_space<vmem>> -> memref<128xi32, #tpu.memory_space<vmem>>
        %dma_start3A_194 = arith.constant 0 : i32
        %dma_start3A_195 = tpu.memref_slice %arg2[%add3A, %add3A_189, %dma_start3A_194] : memref<32x81x128xi32, #tpu.memory_space<hbm>> -> memref<1x1x128xi32, #tpu.memory_space<hbm>>
        %dma_start3A_196 = tpu.memref_squeeze %dma_start3A_195 : memref<1x1x128xi32, #tpu.memory_space<hbm>> -> memref<128xi32, #tpu.memory_space<hbm>>
        %dma_start3A_197 = arith.constant 0 : i32
        %dma_start3A_198 = tpu.memref_slice %arg4[%dma_start3A_190, %dma_start3A_197] : memref<3x128xi32, #tpu.memory_space<vmem>> -> memref<1x128xi32, #tpu.memory_space<vmem>>
        %dma_start3A_199 = tpu.memref_squeeze %dma_start3A_198 : memref<1x128xi32, #tpu.memory_space<vmem>> -> memref<128xi32, #tpu.memory_space<vmem>>
        %dma_start3A_200 = arith.constant 0 : i32
        %dma_start3A_201 = tpu.memref_slice %arg2[%add3A, %add3A_189, %dma_start3A_200] : memref<32x81x128xi32, #tpu.memory_space<hbm>> -> memref<1x1x128xi32, #tpu.memory_space<hbm>>
        %dma_start3A_202 = tpu.memref_squeeze %dma_start3A_201 : memref<1x1x128xi32, #tpu.memory_space<hbm>> -> memref<128xi32, #tpu.memory_space<hbm>>
        tpu.enqueue_dma source(%dma_start3A_202 : memref<128xi32, #tpu.memory_space<hbm>>) target(%dma_start3A_199 : memref<128xi32, #tpu.memory_space<vmem>>) target_semaphore(%arg8 : memref<!tpu.dma_semaphore, #tpu.memory_space<semaphore_mem>>)
      } else {
      }
      %scan3A_183 = arith.constant 0 : i32
      scf.yield %scan3A_183 : i32
    }
    %scan3A_67 = arith.constant 27 : i32
    %dma_wait3A = arith.constant 0 : i32
    %dma_wait3A_68 = arith.constant 0 : i32
    %dma_wait3A_69 = tpu.memref_slice %arg4[%dma_wait3A, %dma_wait3A_68] : memref<3x128xi32, #tpu.memory_space<vmem>> -> memref<1x128xi32, #tpu.memory_space<vmem>>
    %dma_wait3A_70 = tpu.memref_squeeze %dma_wait3A_69 : memref<1x128xi32, #tpu.memory_space<vmem>> -> memref<128xi32, #tpu.memory_space<vmem>>
    %dma_wait3A_71 = arith.constant 0 : i32
    %dma_wait3A_72 = arith.constant 0 : i32
    %dma_wait3A_73 = tpu.memref_slice %arg6[%dma_wait3A_71, %dma_wait3A_72] : memref<10112x128xf32, #tpu.memory_space<vmem_shared>> -> memref<10112x128xf32, #tpu.memory_space<vmem_shared>>
    tpu.wait_indirect_dma semaphore(%arg10 : memref<!tpu.dma_semaphore, #tpu.memory_space<semaphore_mem>>) src(%arg5 : memref<128x128xf32, #tpu.memory_space<vmem>>) dst(%dma_wait3A_73 : memref<10112x128xf32, #tpu.memory_space<vmem_shared>>)
    %dma_wait3A_74 = arith.constant 1 : i32
    %dma_wait3A_75 = arith.constant 0 : i32
    %dma_wait3A_76 = tpu.memref_slice %arg4[%dma_wait3A_74, %dma_wait3A_75] : memref<3x128xi32, #tpu.memory_space<vmem>> -> memref<1x128xi32, #tpu.memory_space<vmem>>
    %dma_wait3A_77 = tpu.memref_squeeze %dma_wait3A_76 : memref<1x128xi32, #tpu.memory_space<vmem>> -> memref<128xi32, #tpu.memory_space<vmem>>
    %dma_wait3A_78 = arith.constant 0 : i32
    %dma_wait3A_79 = arith.constant 0 : i32
    %dma_wait3A_80 = tpu.memref_slice %arg6[%dma_wait3A_78, %dma_wait3A_79] : memref<10112x128xf32, #tpu.memory_space<vmem_shared>> -> memref<10112x128xf32, #tpu.memory_space<vmem_shared>>
    tpu.wait_indirect_dma semaphore(%arg11 : memref<!tpu.dma_semaphore, #tpu.memory_space<semaphore_mem>>) src(%arg5 : memref<128x128xf32, #tpu.memory_space<vmem>>) dst(%dma_wait3A_80 : memref<10112x128xf32, #tpu.memory_space<vmem_shared>>)
    %dma_wait3A_81 = arith.constant 2 : i32
    %dma_wait3A_82 = arith.constant 0 : i32
    %dma_wait3A_83 = tpu.memref_slice %arg4[%dma_wait3A_81, %dma_wait3A_82] : memref<3x128xi32, #tpu.memory_space<vmem>> -> memref<1x128xi32, #tpu.memory_space<vmem>>
    %dma_wait3A_84 = tpu.memref_squeeze %dma_wait3A_83 : memref<1x128xi32, #tpu.memory_space<vmem>> -> memref<128xi32, #tpu.memory_space<vmem>>
    %dma_wait3A_85 = arith.constant 0 : i32
    %dma_wait3A_86 = arith.constant 0 : i32
    %dma_wait3A_87 = tpu.memref_slice %arg6[%dma_wait3A_85, %dma_wait3A_86] : memref<10112x128xf32, #tpu.memory_space<vmem_shared>> -> memref<10112x128xf32, #tpu.memory_space<vmem_shared>>
    tpu.wait_indirect_dma semaphore(%arg12 : memref<!tpu.dma_semaphore, #tpu.memory_space<semaphore_mem>>) src(%arg5 : memref<128x128xf32, #tpu.memory_space<vmem>>) dst(%dma_wait3A_87 : memref<10112x128xf32, #tpu.memory_space<vmem_shared>>)
    %barrier3A_88 = arith.constant 0 : index
    tpu.barrier barrier_id(%barrier3A_88)
    %mul3A_89 = arith.constant 632 : i32
    %mul3A_90 = arith.muli %arg1, %mul3A_89 : i32
    "tpu.region"() ({
      %run_scoped3A = tpu.sem_alloc : memref<!tpu.dma_semaphore, #tpu.memory_space<semaphore_mem>>
      %dma_start3A_91 = arith.constant 0 : i32
      %dma_start3A_92 = tpu.memref_slice %arg3[%arg0, %mul3A_90, %dma_start3A_91] : memref<2x10112x128xf32, #tpu.memory_space<hbm>> -> memref<1x632x128xf32, #tpu.memory_space<hbm>>
      %dma_start3A_93 = tpu.memref_squeeze %dma_start3A_92 : memref<1x632x128xf32, #tpu.memory_space<hbm>> -> memref<632x128xf32, #tpu.memory_space<hbm>>
      %dma_start3A_94 = arith.constant 0 : i32
      %dma_start3A_95 = tpu.memref_slice %arg6[%mul3A_90, %dma_start3A_94] : memref<10112x128xf32, #tpu.memory_space<vmem_shared>> -> memref<632x128xf32, #tpu.memory_space<vmem_shared>>
      tpu.enqueue_dma source(%dma_start3A_95 : memref<632x128xf32, #tpu.memory_space<vmem_shared>>) target(%dma_start3A_93 : memref<632x128xf32, #tpu.memory_space<hbm>>) target_semaphore(%run_scoped3A : memref<!tpu.dma_semaphore, #tpu.memory_space<semaphore_mem>>)
      %dma_wait3A_96 = arith.constant 0 : i32
      %dma_wait3A_97 = tpu.memref_slice %arg3[%arg0, %mul3A_90, %dma_wait3A_96] : memref<2x10112x128xf32, #tpu.memory_space<hbm>> -> memref<1x632x128xf32, #tpu.memory_space<hbm>>
      %dma_wait3A_98 = tpu.memref_squeeze %dma_wait3A_97 : memref<1x632x128xf32, #tpu.memory_space<hbm>> -> memref<632x128xf32, #tpu.memory_space<hbm>>
      %dma_wait3A_99 = arith.constant 0 : i32
      %dma_wait3A_100 = tpu.memref_slice %arg6[%mul3A_90, %dma_wait3A_99] : memref<10112x128xf32, #tpu.memory_space<vmem_shared>> -> memref<632x128xf32, #tpu.memory_space<vmem_shared>>
      tpu.wait_dma2 semaphore(%run_scoped3A : memref<!tpu.dma_semaphore, #tpu.memory_space<semaphore_mem>>) src(%dma_wait3A_100 : memref<632x128xf32, #tpu.memory_space<vmem_shared>>) dst(%dma_wait3A_98 : memref<632x128xf32, #tpu.memory_space<hbm>>)
      tpu.yield
    }) : () -> ()
    return
  }
}

#map = affine_map<(d0, d1) -> (0, 0)>
#map1 = affine_map<(d0, d1) -> (0, 0, 0)>
module attributes {stable_mosaic.version = 14 : i64} {
  func.func @body(%arg0: i32, %arg1: i32, %arg2: memref<10000x128xf32, #tpu.memory_space<hbm>>, %arg3: memref<32x81x128xi32, #tpu.memory_space<hbm>>, %arg4: memref<32x81x128xi32, #tpu.memory_space<hbm>>, %arg5: memref<2x10112x128xf32, #tpu.memory_space<hbm>>, %arg6: memref<3x128xi32, #tpu.memory_space<vmem>>, %arg7: memref<3x128xi32, #tpu.memory_space<vmem>>, %arg8: memref<3x128x128xf32, #tpu.memory_space<vmem>>, %arg9: memref<10112x128xf32, #tpu.memory_space<vmem_shared>>, %arg10: memref<!tpu.dma_semaphore, #tpu.memory_space<semaphore_mem>>, %arg11: memref<!tpu.dma_semaphore, #tpu.memory_space<semaphore_mem>>, %arg12: memref<!tpu.dma_semaphore, #tpu.memory_space<semaphore_mem>>, %arg13: memref<!tpu.dma_semaphore, #tpu.memory_space<semaphore_mem>>, %arg14: memref<!tpu.dma_semaphore, #tpu.memory_space<semaphore_mem>>, %arg15: memref<!tpu.dma_semaphore, #tpu.memory_space<semaphore_mem>>) attributes {dimension_semantics = [#tpu.dimension_semantics<core_parallel>, #tpu.dimension_semantics<subcore_parallel>], iteration_bounds = array<i64: 2, 16>, scalar_prefetch = 0 : i64, scratch_operands = 10 : i64, tpu.core_type = #tpu.core_type<sc_vector_subcore>, window_params = [{transform_indices = #map}, {transform_indices = #map1}, {transform_indices = #map1}, {transform_indices = #map1}]} {
    %mul3A = arith.constant 2 : i32
    %mul3A_0 = arith.muli %arg1, %mul3A : i32
    %add3A = arith.addi %mul3A_0, %arg0 : i32
    %scan3A = arith.constant 0 : i32
    %scan3A_1 = arith.constant 0 : i32
    %scan3A_2 = arith.constant 0 : i32
    %scan3A_3 = arith.constant 128 : i32
    %scan3A_4 = arith.addi %scan3A_2, %scan3A_3 : i32
    %scan3A_5 = arith.constant 1 : i32
    %scan3A_6 = scf.for %scan3A_108 = %scan3A_2 to %scan3A_4 step %scan3A_5 iter_args(%scan3A_109 = %scan3A_1) -> (i32)  : i32 {
      %broadcast_in_dim3A = arith.constant 0.000000e+00 : f32
      %broadcast_in_dim3A_110 = vector.broadcast %broadcast_in_dim3A : f32 to vector<16xf32>
      %swap3A = arith.constant 0 : i32
      %swap3A_111 = arith.constant 0 : i32
      %swap3A_112 = tpu.memref_slice %arg8[%scan3A, %swap3A, %swap3A_111] : memref<3x128x128xf32, #tpu.memory_space<vmem>> -> memref<1x128x128xf32, #tpu.memory_space<vmem>>
      %swap3A_113 = tpu.memref_squeeze %swap3A_112 : memref<1x128x128xf32, #tpu.memory_space<vmem>> -> memref<128x128xf32, #tpu.memory_space<vmem>>
      %swap3A_114 = arith.index_cast %scan3A_108 : i32 to index
      %swap3A_115 = arith.constant 0 : index
      %swap3A_116 = tpu.vector_load %swap3A_113[%swap3A_114, %swap3A_115] {strides = array<i32>} : memref<128x128xf32, #tpu.memory_space<vmem>>, vector<1x16xf32>,
      %swap3A_117 = vector.shape_cast %swap3A_116 : vector<1x16xf32> to vector<16xf32>
      %swap3A_118 = vector.shape_cast %broadcast_in_dim3A_110 : vector<16xf32> to vector<1x16xf32>
      tpu.vector_store %swap3A_113[%swap3A_114, %swap3A_115], %swap3A_118 {strides = array<i32>} : memref<128x128xf32, #tpu.memory_space<vmem>>, vector<1x16xf32>,
      %broadcast_in_dim3A_119 = arith.constant 0.000000e+00 : f32
      %broadcast_in_dim3A_120 = vector.broadcast %broadcast_in_dim3A_119 : f32 to vector<16xf32>
      %swap3A_121 = arith.constant 0 : i32
      %swap3A_122 = arith.constant 0 : i32
      %swap3A_123 = tpu.memref_slice %arg8[%scan3A, %swap3A_121, %swap3A_122] : memref<3x128x128xf32, #tpu.memory_space<vmem>> -> memref<1x128x128xf32, #tpu.memory_space<vmem>>
      %swap3A_124 = tpu.memref_squeeze %swap3A_123 : memref<1x128x128xf32, #tpu.memory_space<vmem>> -> memref<128x128xf32, #tpu.memory_space<vmem>>
      %swap3A_125 = arith.index_cast %scan3A_108 : i32 to index
      %swap3A_126 = arith.constant 16 : index
      %swap3A_127 = tpu.vector_load %swap3A_124[%swap3A_125, %swap3A_126] {strides = array<i32>} : memref<128x128xf32, #tpu.memory_space<vmem>>, vector<1x16xf32>,
      %swap3A_128 = vector.shape_cast %swap3A_127 : vector<1x16xf32> to vector<16xf32>
      %swap3A_129 = vector.shape_cast %broadcast_in_dim3A_120 : vector<16xf32> to vector<1x16xf32>
      tpu.vector_store %swap3A_124[%swap3A_125, %swap3A_126], %swap3A_129 {strides = array<i32>} : memref<128x128xf32, #tpu.memory_space<vmem>>, vector<1x16xf32>,
      %broadcast_in_dim3A_130 = arith.constant 0.000000e+00 : f32
      %broadcast_in_dim3A_131 = vector.broadcast %broadcast_in_dim3A_130 : f32 to vector<16xf32>
      %swap3A_132 = arith.constant 0 : i32
      %swap3A_133 = arith.constant 0 : i32
      %swap3A_134 = tpu.memref_slice %arg8[%scan3A, %swap3A_132, %swap3A_133] : memref<3x128x128xf32, #tpu.memory_space<vmem>> -> memref<1x128x128xf32, #tpu.memory_space<vmem>>
      %swap3A_135 = tpu.memref_squeeze %swap3A_134 : memref<1x128x128xf32, #tpu.memory_space<vmem>> -> memref<128x128xf32, #tpu.memory_space<vmem>>
      %swap3A_136 = arith.index_cast %scan3A_108 : i32 to index
      %swap3A_137 = arith.constant 32 : index
      %swap3A_138 = tpu.vector_load %swap3A_135[%swap3A_136, %swap3A_137] {strides = array<i32>} : memref<128x128xf32, #tpu.memory_space<vmem>>, vector<1x16xf32>,
      %swap3A_139 = vector.shape_cast %swap3A_138 : vector<1x16xf32> to vector<16xf32>
      %swap3A_140 = vector.shape_cast %broadcast_in_dim3A_131 : vector<16xf32> to vector<1x16xf32>
      tpu.vector_store %swap3A_135[%swap3A_136, %swap3A_137], %swap3A_140 {strides = array<i32>} : memref<128x128xf32, #tpu.memory_space<vmem>>, vector<1x16xf32>,
      %broadcast_in_dim3A_141 = arith.constant 0.000000e+00 : f32
      %broadcast_in_dim3A_142 = vector.broadcast %broadcast_in_dim3A_141 : f32 to vector<16xf32>
      %swap3A_143 = arith.constant 0 : i32
      %swap3A_144 = arith.constant 0 : i32
      %swap3A_145 = tpu.memref_slice %arg8[%scan3A, %swap3A_143, %swap3A_144] : memref<3x128x128xf32, #tpu.memory_space<vmem>> -> memref<1x128x128xf32, #tpu.memory_space<vmem>>
      %swap3A_146 = tpu.memref_squeeze %swap3A_145 : memref<1x128x128xf32, #tpu.memory_space<vmem>> -> memref<128x128xf32, #tpu.memory_space<vmem>>
      %swap3A_147 = arith.index_cast %scan3A_108 : i32 to index
      %swap3A_148 = arith.constant 48 : index
      %swap3A_149 = tpu.vector_load %swap3A_146[%swap3A_147, %swap3A_148] {strides = array<i32>} : memref<128x128xf32, #tpu.memory_space<vmem>>, vector<1x16xf32>,
      %swap3A_150 = vector.shape_cast %swap3A_149 : vector<1x16xf32> to vector<16xf32>
      %swap3A_151 = vector.shape_cast %broadcast_in_dim3A_142 : vector<16xf32> to vector<1x16xf32>
      tpu.vector_store %swap3A_146[%swap3A_147, %swap3A_148], %swap3A_151 {strides = array<i32>} : memref<128x128xf32, #tpu.memory_space<vmem>>, vector<1x16xf32>,
      %broadcast_in_dim3A_152 = arith.constant 0.000000e+00 : f32
      %broadcast_in_dim3A_153 = vector.broadcast %broadcast_in_dim3A_152 : f32 to vector<16xf32>
      %swap3A_154 = arith.constant 0 : i32
      %swap3A_155 = arith.constant 0 : i32
      %swap3A_156 = tpu.memref_slice %arg8[%scan3A, %swap3A_154, %swap3A_155] : memref<3x128x128xf32, #tpu.memory_space<vmem>> -> memref<1x128x128xf32, #tpu.memory_space<vmem>>
      %swap3A_157 = tpu.memref_squeeze %swap3A_156 : memref<1x128x128xf32, #tpu.memory_space<vmem>> -> memref<128x128xf32, #tpu.memory_space<vmem>>
      %swap3A_158 = arith.index_cast %scan3A_108 : i32 to index
      %swap3A_159 = arith.constant 64 : index
      %swap3A_160 = tpu.vector_load %swap3A_157[%swap3A_158, %swap3A_159] {strides = array<i32>} : memref<128x128xf32, #tpu.memory_space<vmem>>, vector<1x16xf32>,
      %swap3A_161 = vector.shape_cast %swap3A_160 : vector<1x16xf32> to vector<16xf32>
      %swap3A_162 = vector.shape_cast %broadcast_in_dim3A_153 : vector<16xf32> to vector<1x16xf32>
      tpu.vector_store %swap3A_157[%swap3A_158, %swap3A_159], %swap3A_162 {strides = array<i32>} : memref<128x128xf32, #tpu.memory_space<vmem>>, vector<1x16xf32>,
      %broadcast_in_dim3A_163 = arith.constant 0.000000e+00 : f32
      %broadcast_in_dim3A_164 = vector.broadcast %broadcast_in_dim3A_163 : f32 to vector<16xf32>
      %swap3A_165 = arith.constant 0 : i32
      %swap3A_166 = arith.constant 0 : i32
      %swap3A_167 = tpu.memref_slice %arg8[%scan3A, %swap3A_165, %swap3A_166] : memref<3x128x128xf32, #tpu.memory_space<vmem>> -> memref<1x128x128xf32, #tpu.memory_space<vmem>>
      %swap3A_168 = tpu.memref_squeeze %swap3A_167 : memref<1x128x128xf32, #tpu.memory_space<vmem>> -> memref<128x128xf32, #tpu.memory_space<vmem>>
      %swap3A_169 = arith.index_cast %scan3A_108 : i32 to index
      %swap3A_170 = arith.constant 80 : index
      %swap3A_171 = tpu.vector_load %swap3A_168[%swap3A_169, %swap3A_170] {strides = array<i32>} : memref<128x128xf32, #tpu.memory_space<vmem>>, vector<1x16xf32>,
      %swap3A_172 = vector.shape_cast %swap3A_171 : vector<1x16xf32> to vector<16xf32>
      %swap3A_173 = vector.shape_cast %broadcast_in_dim3A_164 : vector<16xf32> to vector<1x16xf32>
      tpu.vector_store %swap3A_168[%swap3A_169, %swap3A_170], %swap3A_173 {strides = array<i32>} : memref<128x128xf32, #tpu.memory_space<vmem>>, vector<1x16xf32>,
      %broadcast_in_dim3A_174 = arith.constant 0.000000e+00 : f32
      %broadcast_in_dim3A_175 = vector.broadcast %broadcast_in_dim3A_174 : f32 to vector<16xf32>
      %swap3A_176 = arith.constant 0 : i32
      %swap3A_177 = arith.constant 0 : i32
      %swap3A_178 = tpu.memref_slice %arg8[%scan3A, %swap3A_176, %swap3A_177] : memref<3x128x128xf32, #tpu.memory_space<vmem>> -> memref<1x128x128xf32, #tpu.memory_space<vmem>>
      %swap3A_179 = tpu.memref_squeeze %swap3A_178 : memref<1x128x128xf32, #tpu.memory_space<vmem>> -> memref<128x128xf32, #tpu.memory_space<vmem>>
      %swap3A_180 = arith.index_cast %scan3A_108 : i32 to index
      %swap3A_181 = arith.constant 96 : index
      %swap3A_182 = tpu.vector_load %swap3A_179[%swap3A_180, %swap3A_181] {strides = array<i32>} : memref<128x128xf32, #tpu.memory_space<vmem>>, vector<1x16xf32>,
      %swap3A_183 = vector.shape_cast %swap3A_182 : vector<1x16xf32> to vector<16xf32>
      %swap3A_184 = vector.shape_cast %broadcast_in_dim3A_175 : vector<16xf32> to vector<1x16xf32>
      tpu.vector_store %swap3A_179[%swap3A_180, %swap3A_181], %swap3A_184 {strides = array<i32>} : memref<128x128xf32, #tpu.memory_space<vmem>>, vector<1x16xf32>,
      %broadcast_in_dim3A_185 = arith.constant 0.000000e+00 : f32
      %broadcast_in_dim3A_186 = vector.broadcast %broadcast_in_dim3A_185 : f32 to vector<16xf32>
      %swap3A_187 = arith.constant 0 : i32
      %swap3A_188 = arith.constant 0 : i32
      %swap3A_189 = tpu.memref_slice %arg8[%scan3A, %swap3A_187, %swap3A_188] : memref<3x128x128xf32, #tpu.memory_space<vmem>> -> memref<1x128x128xf32, #tpu.memory_space<vmem>>
      %swap3A_190 = tpu.memref_squeeze %swap3A_189 : memref<1x128x128xf32, #tpu.memory_space<vmem>> -> memref<128x128xf32, #tpu.memory_space<vmem>>
      %swap3A_191 = arith.index_cast %scan3A_108 : i32 to index
      %swap3A_192 = arith.constant 112 : index
      %swap3A_193 = tpu.vector_load %swap3A_190[%swap3A_191, %swap3A_192] {strides = array<i32>} : memref<128x128xf32, #tpu.memory_space<vmem>>, vector<1x16xf32>,
      %swap3A_194 = vector.shape_cast %swap3A_193 : vector<1x16xf32> to vector<16xf32>
      %swap3A_195 = vector.shape_cast %broadcast_in_dim3A_186 : vector<16xf32> to vector<1x16xf32>
      tpu.vector_store %swap3A_190[%swap3A_191, %swap3A_192], %swap3A_195 {strides = array<i32>} : memref<128x128xf32, #tpu.memory_space<vmem>>, vector<1x16xf32>,
      %scan3A_196 = arith.constant 0 : i32
      scf.yield %scan3A_196 : i32
    }
    %scan3A_7 = arith.constant 128 : i32
    %mul3A_8 = arith.constant 632 : i32
    %mul3A_9 = arith.muli %arg1, %mul3A_8 : i32
    %add3A_10 = arith.constant 0 : i32
    %add3A_11 = arith.addi %mul3A_9, %add3A_10 : i32
    %run_scoped3A = arith.constant 0 : i32
    "tpu.region"() ({
      %run_scoped3A_108 = tpu.sem_alloc : memref<!tpu.dma_semaphore, #tpu.memory_space<semaphore_mem>>
      %dma_start3A_109 = arith.constant 0 : i32
      %dma_start3A_110 = arith.constant 0 : i32
      %dma_start3A_111 = tpu.memref_slice %arg8[%run_scoped3A, %dma_start3A_109, %dma_start3A_110] : memref<3x128x128xf32, #tpu.memory_space<vmem>> -> memref<1x128x128xf32, #tpu.memory_space<vmem>>
      %dma_start3A_112 = tpu.memref_squeeze %dma_start3A_111 : memref<1x128x128xf32, #tpu.memory_space<vmem>> -> memref<128x128xf32, #tpu.memory_space<vmem>>
      %dma_start3A_113 = arith.constant 0 : i32
      %dma_start3A_114 = tpu.memref_slice %arg9[%add3A_11, %dma_start3A_113] : memref<10112x128xf32, #tpu.memory_space<vmem_shared>> -> memref<128x128xf32, #tpu.memory_space<vmem_shared>>
      %dma_start3A_115 = arith.constant 0 : i32
      %dma_start3A_116 = tpu.memref_slice %arg9[%add3A_11, %dma_start3A_115] : memref<10112x128xf32, #tpu.memory_space<vmem_shared>> -> memref<128x128xf32, #tpu.memory_space<vmem_shared>>
      %dma_start3A_117 = arith.constant 0 : i32
      %dma_start3A_118 = arith.constant 0 : i32
      %dma_start3A_119 = tpu.memref_slice %arg8[%run_scoped3A, %dma_start3A_117, %dma_start3A_118] : memref<3x128x128xf32, #tpu.memory_space<vmem>> -> memref<1x128x128xf32, #tpu.memory_space<vmem>>
      %dma_start3A_120 = tpu.memref_squeeze %dma_start3A_119 : memref<1x128x128xf32, #tpu.memory_space<vmem>> -> memref<128x128xf32, #tpu.memory_space<vmem>>
      tpu.enqueue_dma source(%dma_start3A_120 : memref<128x128xf32, #tpu.memory_space<vmem>>) target(%dma_start3A_116 : memref<128x128xf32, #tpu.memory_space<vmem_shared>>) target_semaphore(%run_scoped3A_108 : memref<!tpu.dma_semaphore, #tpu.memory_space<semaphore_mem>>)
      %dma_wait3A_121 = arith.constant 0 : i32
      %dma_wait3A_122 = arith.constant 0 : i32
      %dma_wait3A_123 = tpu.memref_slice %arg8[%run_scoped3A, %dma_wait3A_121, %dma_wait3A_122] : memref<3x128x128xf32, #tpu.memory_space<vmem>> -> memref<1x128x128xf32, #tpu.memory_space<vmem>>
      %dma_wait3A_124 = tpu.memref_squeeze %dma_wait3A_123 : memref<1x128x128xf32, #tpu.memory_space<vmem>> -> memref<128x128xf32, #tpu.memory_space<vmem>>
      %dma_wait3A_125 = arith.constant 0 : i32
      %dma_wait3A_126 = tpu.memref_slice %arg9[%add3A_11, %dma_wait3A_125] : memref<10112x128xf32, #tpu.memory_space<vmem_shared>> -> memref<128x128xf32, #tpu.memory_space<vmem_shared>>
      %dma_wait3A_127 = arith.constant 0 : i32
      %dma_wait3A_128 = tpu.memref_slice %arg9[%add3A_11, %dma_wait3A_127] : memref<10112x128xf32, #tpu.memory_space<vmem_shared>> -> memref<128x128xf32, #tpu.memory_space<vmem_shared>>
      %dma_wait3A_129 = arith.constant 0 : i32
      %dma_wait3A_130 = arith.constant 0 : i32
      %dma_wait3A_131 = tpu.memref_slice %arg8[%run_scoped3A, %dma_wait3A_129, %dma_wait3A_130] : memref<3x128x128xf32, #tpu.memory_space<vmem>> -> memref<1x128x128xf32, #tpu.memory_space<vmem>>
      %dma_wait3A_132 = tpu.memref_squeeze %dma_wait3A_131 : memref<1x128x128xf32, #tpu.memory_space<vmem>> -> memref<128x128xf32, #tpu.memory_space<vmem>>
      tpu.wait_dma2 semaphore(%run_scoped3A_108 : memref<!tpu.dma_semaphore, #tpu.memory_space<semaphore_mem>>) src(%dma_wait3A_132 : memref<128x128xf32, #tpu.memory_space<vmem>>) dst(%dma_wait3A_128 : memref<128x128xf32, #tpu.memory_space<vmem_shared>>)
      tpu.yield
    }) : () -> ()
    %mul3A_12 = arith.constant 632 : i32
    %mul3A_13 = arith.muli %arg1, %mul3A_12 : i32
    %add3A_14 = arith.constant 128 : i32
    %add3A_15 = arith.addi %mul3A_13, %add3A_14 : i32
    %run_scoped3A_16 = arith.constant 0 : i32
    "tpu.region"() ({
      %run_scoped3A_108 = tpu.sem_alloc : memref<!tpu.dma_semaphore, #tpu.memory_space<semaphore_mem>>
      %dma_start3A_109 = arith.constant 0 : i32
      %dma_start3A_110 = arith.constant 0 : i32
      %dma_start3A_111 = tpu.memref_slice %arg8[%run_scoped3A_16, %dma_start3A_109, %dma_start3A_110] : memref<3x128x128xf32, #tpu.memory_space<vmem>> -> memref<1x128x128xf32, #tpu.memory_space<vmem>>
      %dma_start3A_112 = tpu.memref_squeeze %dma_start3A_111 : memref<1x128x128xf32, #tpu.memory_space<vmem>> -> memref<128x128xf32, #tpu.memory_space<vmem>>
      %dma_start3A_113 = arith.constant 0 : i32
      %dma_start3A_114 = tpu.memref_slice %arg9[%add3A_15, %dma_start3A_113] : memref<10112x128xf32, #tpu.memory_space<vmem_shared>> -> memref<128x128xf32, #tpu.memory_space<vmem_shared>>
      %dma_start3A_115 = arith.constant 0 : i32
      %dma_start3A_116 = tpu.memref_slice %arg9[%add3A_15, %dma_start3A_115] : memref<10112x128xf32, #tpu.memory_space<vmem_shared>> -> memref<128x128xf32, #tpu.memory_space<vmem_shared>>
      %dma_start3A_117 = arith.constant 0 : i32
      %dma_start3A_118 = arith.constant 0 : i32
      %dma_start3A_119 = tpu.memref_slice %arg8[%run_scoped3A_16, %dma_start3A_117, %dma_start3A_118] : memref<3x128x128xf32, #tpu.memory_space<vmem>> -> memref<1x128x128xf32, #tpu.memory_space<vmem>>
      %dma_start3A_120 = tpu.memref_squeeze %dma_start3A_119 : memref<1x128x128xf32, #tpu.memory_space<vmem>> -> memref<128x128xf32, #tpu.memory_space<vmem>>
      tpu.enqueue_dma source(%dma_start3A_120 : memref<128x128xf32, #tpu.memory_space<vmem>>) target(%dma_start3A_116 : memref<128x128xf32, #tpu.memory_space<vmem_shared>>) target_semaphore(%run_scoped3A_108 : memref<!tpu.dma_semaphore, #tpu.memory_space<semaphore_mem>>)
      %dma_wait3A_121 = arith.constant 0 : i32
      %dma_wait3A_122 = arith.constant 0 : i32
      %dma_wait3A_123 = tpu.memref_slice %arg8[%run_scoped3A_16, %dma_wait3A_121, %dma_wait3A_122] : memref<3x128x128xf32, #tpu.memory_space<vmem>> -> memref<1x128x128xf32, #tpu.memory_space<vmem>>
      %dma_wait3A_124 = tpu.memref_squeeze %dma_wait3A_123 : memref<1x128x128xf32, #tpu.memory_space<vmem>> -> memref<128x128xf32, #tpu.memory_space<vmem>>
      %dma_wait3A_125 = arith.constant 0 : i32
      %dma_wait3A_126 = tpu.memref_slice %arg9[%add3A_15, %dma_wait3A_125] : memref<10112x128xf32, #tpu.memory_space<vmem_shared>> -> memref<128x128xf32, #tpu.memory_space<vmem_shared>>
      %dma_wait3A_127 = arith.constant 0 : i32
      %dma_wait3A_128 = tpu.memref_slice %arg9[%add3A_15, %dma_wait3A_127] : memref<10112x128xf32, #tpu.memory_space<vmem_shared>> -> memref<128x128xf32, #tpu.memory_space<vmem_shared>>
      %dma_wait3A_129 = arith.constant 0 : i32
      %dma_wait3A_130 = arith.constant 0 : i32
      %dma_wait3A_131 = tpu.memref_slice %arg8[%run_scoped3A_16, %dma_wait3A_129, %dma_wait3A_130] : memref<3x128x128xf32, #tpu.memory_space<vmem>> -> memref<1x128x128xf32, #tpu.memory_space<vmem>>
      %dma_wait3A_132 = tpu.memref_squeeze %dma_wait3A_131 : memref<1x128x128xf32, #tpu.memory_space<vmem>> -> memref<128x128xf32, #tpu.memory_space<vmem>>
      tpu.wait_dma2 semaphore(%run_scoped3A_108 : memref<!tpu.dma_semaphore, #tpu.memory_space<semaphore_mem>>) src(%dma_wait3A_132 : memref<128x128xf32, #tpu.memory_space<vmem>>) dst(%dma_wait3A_128 : memref<128x128xf32, #tpu.memory_space<vmem_shared>>)
      tpu.yield
    }) : () -> ()
    %mul3A_17 = arith.constant 632 : i32
    %mul3A_18 = arith.muli %arg1, %mul3A_17 : i32
    %add3A_19 = arith.constant 256 : i32
    %add3A_20 = arith.addi %mul3A_18, %add3A_19 : i32
    %run_scoped3A_21 = arith.constant 0 : i32
    "tpu.region"() ({
      %run_scoped3A_108 = tpu.sem_alloc : memref<!tpu.dma_semaphore, #tpu.memory_space<semaphore_mem>>
      %dma_start3A_109 = arith.constant 0 : i32
      %dma_start3A_110 = arith.constant 0 : i32
      %dma_start3A_111 = tpu.memref_slice %arg8[%run_scoped3A_21, %dma_start3A_109, %dma_start3A_110] : memref<3x128x128xf32, #tpu.memory_space<vmem>> -> memref<1x128x128xf32, #tpu.memory_space<vmem>>
      %dma_start3A_112 = tpu.memref_squeeze %dma_start3A_111 : memref<1x128x128xf32, #tpu.memory_space<vmem>> -> memref<128x128xf32, #tpu.memory_space<vmem>>
      %dma_start3A_113 = arith.constant 0 : i32
      %dma_start3A_114 = tpu.memref_slice %arg9[%add3A_20, %dma_start3A_113] : memref<10112x128xf32, #tpu.memory_space<vmem_shared>> -> memref<128x128xf32, #tpu.memory_space<vmem_shared>>
      %dma_start3A_115 = arith.constant 0 : i32
      %dma_start3A_116 = tpu.memref_slice %arg9[%add3A_20, %dma_start3A_115] : memref<10112x128xf32, #tpu.memory_space<vmem_shared>> -> memref<128x128xf32, #tpu.memory_space<vmem_shared>>
      %dma_start3A_117 = arith.constant 0 : i32
      %dma_start3A_118 = arith.constant 0 : i32
      %dma_start3A_119 = tpu.memref_slice %arg8[%run_scoped3A_21, %dma_start3A_117, %dma_start3A_118] : memref<3x128x128xf32, #tpu.memory_space<vmem>> -> memref<1x128x128xf32, #tpu.memory_space<vmem>>
      %dma_start3A_120 = tpu.memref_squeeze %dma_start3A_119 : memref<1x128x128xf32, #tpu.memory_space<vmem>> -> memref<128x128xf32, #tpu.memory_space<vmem>>
      tpu.enqueue_dma source(%dma_start3A_120 : memref<128x128xf32, #tpu.memory_space<vmem>>) target(%dma_start3A_116 : memref<128x128xf32, #tpu.memory_space<vmem_shared>>) target_semaphore(%run_scoped3A_108 : memref<!tpu.dma_semaphore, #tpu.memory_space<semaphore_mem>>)
      %dma_wait3A_121 = arith.constant 0 : i32
      %dma_wait3A_122 = arith.constant 0 : i32
      %dma_wait3A_123 = tpu.memref_slice %arg8[%run_scoped3A_21, %dma_wait3A_121, %dma_wait3A_122] : memref<3x128x128xf32, #tpu.memory_space<vmem>> -> memref<1x128x128xf32, #tpu.memory_space<vmem>>
      %dma_wait3A_124 = tpu.memref_squeeze %dma_wait3A_123 : memref<1x128x128xf32, #tpu.memory_space<vmem>> -> memref<128x128xf32, #tpu.memory_space<vmem>>
      %dma_wait3A_125 = arith.constant 0 : i32
      %dma_wait3A_126 = tpu.memref_slice %arg9[%add3A_20, %dma_wait3A_125] : memref<10112x128xf32, #tpu.memory_space<vmem_shared>> -> memref<128x128xf32, #tpu.memory_space<vmem_shared>>
      %dma_wait3A_127 = arith.constant 0 : i32
      %dma_wait3A_128 = tpu.memref_slice %arg9[%add3A_20, %dma_wait3A_127] : memref<10112x128xf32, #tpu.memory_space<vmem_shared>> -> memref<128x128xf32, #tpu.memory_space<vmem_shared>>
      %dma_wait3A_129 = arith.constant 0 : i32
      %dma_wait3A_130 = arith.constant 0 : i32
      %dma_wait3A_131 = tpu.memref_slice %arg8[%run_scoped3A_21, %dma_wait3A_129, %dma_wait3A_130] : memref<3x128x128xf32, #tpu.memory_space<vmem>> -> memref<1x128x128xf32, #tpu.memory_space<vmem>>
      %dma_wait3A_132 = tpu.memref_squeeze %dma_wait3A_131 : memref<1x128x128xf32, #tpu.memory_space<vmem>> -> memref<128x128xf32, #tpu.memory_space<vmem>>
      tpu.wait_dma2 semaphore(%run_scoped3A_108 : memref<!tpu.dma_semaphore, #tpu.memory_space<semaphore_mem>>) src(%dma_wait3A_132 : memref<128x128xf32, #tpu.memory_space<vmem>>) dst(%dma_wait3A_128 : memref<128x128xf32, #tpu.memory_space<vmem_shared>>)
      tpu.yield
    }) : () -> ()
    %mul3A_22 = arith.constant 632 : i32
    %mul3A_23 = arith.muli %arg1, %mul3A_22 : i32
    %add3A_24 = arith.constant 384 : i32
    %add3A_25 = arith.addi %mul3A_23, %add3A_24 : i32
    %run_scoped3A_26 = arith.constant 0 : i32
    "tpu.region"() ({
      %run_scoped3A_108 = tpu.sem_alloc : memref<!tpu.dma_semaphore, #tpu.memory_space<semaphore_mem>>
      %dma_start3A_109 = arith.constant 0 : i32
      %dma_start3A_110 = arith.constant 0 : i32
      %dma_start3A_111 = tpu.memref_slice %arg8[%run_scoped3A_26, %dma_start3A_109, %dma_start3A_110] : memref<3x128x128xf32, #tpu.memory_space<vmem>> -> memref<1x128x128xf32, #tpu.memory_space<vmem>>
      %dma_start3A_112 = tpu.memref_squeeze %dma_start3A_111 : memref<1x128x128xf32, #tpu.memory_space<vmem>> -> memref<128x128xf32, #tpu.memory_space<vmem>>
      %dma_start3A_113 = arith.constant 0 : i32
      %dma_start3A_114 = tpu.memref_slice %arg9[%add3A_25, %dma_start3A_113] : memref<10112x128xf32, #tpu.memory_space<vmem_shared>> -> memref<128x128xf32, #tpu.memory_space<vmem_shared>>
      %dma_start3A_115 = arith.constant 0 : i32
      %dma_start3A_116 = tpu.memref_slice %arg9[%add3A_25, %dma_start3A_115] : memref<10112x128xf32, #tpu.memory_space<vmem_shared>> -> memref<128x128xf32, #tpu.memory_space<vmem_shared>>
      %dma_start3A_117 = arith.constant 0 : i32
      %dma_start3A_118 = arith.constant 0 : i32
      %dma_start3A_119 = tpu.memref_slice %arg8[%run_scoped3A_26, %dma_start3A_117, %dma_start3A_118] : memref<3x128x128xf32, #tpu.memory_space<vmem>> -> memref<1x128x128xf32, #tpu.memory_space<vmem>>
      %dma_start3A_120 = tpu.memref_squeeze %dma_start3A_119 : memref<1x128x128xf32, #tpu.memory_space<vmem>> -> memref<128x128xf32, #tpu.memory_space<vmem>>
      tpu.enqueue_dma source(%dma_start3A_120 : memref<128x128xf32, #tpu.memory_space<vmem>>) target(%dma_start3A_116 : memref<128x128xf32, #tpu.memory_space<vmem_shared>>) target_semaphore(%run_scoped3A_108 : memref<!tpu.dma_semaphore, #tpu.memory_space<semaphore_mem>>)
      %dma_wait3A_121 = arith.constant 0 : i32
      %dma_wait3A_122 = arith.constant 0 : i32
      %dma_wait3A_123 = tpu.memref_slice %arg8[%run_scoped3A_26, %dma_wait3A_121, %dma_wait3A_122] : memref<3x128x128xf32, #tpu.memory_space<vmem>> -> memref<1x128x128xf32, #tpu.memory_space<vmem>>
      %dma_wait3A_124 = tpu.memref_squeeze %dma_wait3A_123 : memref<1x128x128xf32, #tpu.memory_space<vmem>> -> memref<128x128xf32, #tpu.memory_space<vmem>>
      %dma_wait3A_125 = arith.constant 0 : i32
      %dma_wait3A_126 = tpu.memref_slice %arg9[%add3A_25, %dma_wait3A_125] : memref<10112x128xf32, #tpu.memory_space<vmem_shared>> -> memref<128x128xf32, #tpu.memory_space<vmem_shared>>
      %dma_wait3A_127 = arith.constant 0 : i32
      %dma_wait3A_128 = tpu.memref_slice %arg9[%add3A_25, %dma_wait3A_127] : memref<10112x128xf32, #tpu.memory_space<vmem_shared>> -> memref<128x128xf32, #tpu.memory_space<vmem_shared>>
      %dma_wait3A_129 = arith.constant 0 : i32
      %dma_wait3A_130 = arith.constant 0 : i32
      %dma_wait3A_131 = tpu.memref_slice %arg8[%run_scoped3A_26, %dma_wait3A_129, %dma_wait3A_130] : memref<3x128x128xf32, #tpu.memory_space<vmem>> -> memref<1x128x128xf32, #tpu.memory_space<vmem>>
      %dma_wait3A_132 = tpu.memref_squeeze %dma_wait3A_131 : memref<1x128x128xf32, #tpu.memory_space<vmem>> -> memref<128x128xf32, #tpu.memory_space<vmem>>
      tpu.wait_dma2 semaphore(%run_scoped3A_108 : memref<!tpu.dma_semaphore, #tpu.memory_space<semaphore_mem>>) src(%dma_wait3A_132 : memref<128x128xf32, #tpu.memory_space<vmem>>) dst(%dma_wait3A_128 : memref<128x128xf32, #tpu.memory_space<vmem_shared>>)
      tpu.yield
    }) : () -> ()
    %mul3A_27 = arith.constant 632 : i32
    %mul3A_28 = arith.muli %arg1, %mul3A_27 : i32
    %add3A_29 = arith.constant 512 : i32
    %add3A_30 = arith.addi %mul3A_28, %add3A_29 : i32
    %run_scoped3A_31 = arith.constant 0 : i32
    "tpu.region"() ({
      %run_scoped3A_108 = tpu.sem_alloc : memref<!tpu.dma_semaphore, #tpu.memory_space<semaphore_mem>>
      %dma_start3A_109 = arith.constant 0 : i32
      %dma_start3A_110 = arith.constant 0 : i32
      %dma_start3A_111 = tpu.memref_slice %arg8[%run_scoped3A_31, %dma_start3A_109, %dma_start3A_110] : memref<3x128x128xf32, #tpu.memory_space<vmem>> -> memref<1x128x128xf32, #tpu.memory_space<vmem>>
      %dma_start3A_112 = tpu.memref_squeeze %dma_start3A_111 : memref<1x128x128xf32, #tpu.memory_space<vmem>> -> memref<128x128xf32, #tpu.memory_space<vmem>>
      %dma_start3A_113 = arith.constant 0 : i32
      %dma_start3A_114 = arith.constant 0 : i32
      %dma_start3A_115 = tpu.memref_slice %dma_start3A_112[%dma_start3A_113, %dma_start3A_114] : memref<128x128xf32, #tpu.memory_space<vmem>> -> memref<120x128xf32, #tpu.memory_space<vmem>>
      %dma_start3A_116 = arith.constant 0 : i32
      %dma_start3A_117 = tpu.memref_slice %arg9[%add3A_30, %dma_start3A_116] : memref<10112x128xf32, #tpu.memory_space<vmem_shared>> -> memref<120x128xf32, #tpu.memory_space<vmem_shared>>
      %dma_start3A_118 = arith.constant 0 : i32
      %dma_start3A_119 = tpu.memref_slice %arg9[%add3A_30, %dma_start3A_118] : memref<10112x128xf32, #tpu.memory_space<vmem_shared>> -> memref<120x128xf32, #tpu.memory_space<vmem_shared>>
      %dma_start3A_120 = arith.constant 0 : i32
      %dma_start3A_121 = arith.constant 0 : i32
      %dma_start3A_122 = tpu.memref_slice %arg8[%run_scoped3A_31, %dma_start3A_120, %dma_start3A_121] : memref<3x128x128xf32, #tpu.memory_space<vmem>> -> memref<1x128x128xf32, #tpu.memory_space<vmem>>
      %dma_start3A_123 = tpu.memref_squeeze %dma_start3A_122 : memref<1x128x128xf32, #tpu.memory_space<vmem>> -> memref<128x128xf32, #tpu.memory_space<vmem>>
      %dma_start3A_124 = arith.constant 0 : i32
      %dma_start3A_125 = arith.constant 0 : i32
      %dma_start3A_126 = tpu.memref_slice %dma_start3A_123[%dma_start3A_124, %dma_start3A_125] : memref<128x128xf32, #tpu.memory_space<vmem>> -> memref<120x128xf32, #tpu.memory_space<vmem>>
      tpu.enqueue_dma source(%dma_start3A_126 : memref<120x128xf32, #tpu.memory_space<vmem>>) target(%dma_start3A_119 : memref<120x128xf32, #tpu.memory_space<vmem_shared>>) target_semaphore(%run_scoped3A_108 : memref<!tpu.dma_semaphore, #tpu.memory_space<semaphore_mem>>)
      %dma_wait3A_127 = arith.constant 0 : i32
      %dma_wait3A_128 = arith.constant 0 : i32
      %dma_wait3A_129 = tpu.memref_slice %arg8[%run_scoped3A_31, %dma_wait3A_127, %dma_wait3A_128] : memref<3x128x128xf32, #tpu.memory_space<vmem>> -> memref<1x128x128xf32, #tpu.memory_space<vmem>>
      %dma_wait3A_130 = tpu.memref_squeeze %dma_wait3A_129 : memref<1x128x128xf32, #tpu.memory_space<vmem>> -> memref<128x128xf32, #tpu.memory_space<vmem>>
      %dma_wait3A_131 = arith.constant 0 : i32
      %dma_wait3A_132 = arith.constant 0 : i32
      %dma_wait3A_133 = tpu.memref_slice %dma_wait3A_130[%dma_wait3A_131, %dma_wait3A_132] : memref<128x128xf32, #tpu.memory_space<vmem>> -> memref<120x128xf32, #tpu.memory_space<vmem>>
      %dma_wait3A_134 = arith.constant 0 : i32
      %dma_wait3A_135 = tpu.memref_slice %arg9[%add3A_30, %dma_wait3A_134] : memref<10112x128xf32, #tpu.memory_space<vmem_shared>> -> memref<120x128xf32, #tpu.memory_space<vmem_shared>>
      %dma_wait3A_136 = arith.constant 0 : i32
      %dma_wait3A_137 = tpu.memref_slice %arg9[%add3A_30, %dma_wait3A_136] : memref<10112x128xf32, #tpu.memory_space<vmem_shared>> -> memref<120x128xf32, #tpu.memory_space<vmem_shared>>
      %dma_wait3A_138 = arith.constant 0 : i32
      %dma_wait3A_139 = arith.constant 0 : i32
      %dma_wait3A_140 = tpu.memref_slice %arg8[%run_scoped3A_31, %dma_wait3A_138, %dma_wait3A_139] : memref<3x128x128xf32, #tpu.memory_space<vmem>> -> memref<1x128x128xf32, #tpu.memory_space<vmem>>
      %dma_wait3A_141 = tpu.memref_squeeze %dma_wait3A_140 : memref<1x128x128xf32, #tpu.memory_space<vmem>> -> memref<128x128xf32, #tpu.memory_space<vmem>>
      %dma_wait3A_142 = arith.constant 0 : i32
      %dma_wait3A_143 = arith.constant 0 : i32
      %dma_wait3A_144 = tpu.memref_slice %dma_wait3A_141[%dma_wait3A_142, %dma_wait3A_143] : memref<128x128xf32, #tpu.memory_space<vmem>> -> memref<120x128xf32, #tpu.memory_space<vmem>>
      tpu.wait_dma2 semaphore(%run_scoped3A_108 : memref<!tpu.dma_semaphore, #tpu.memory_space<semaphore_mem>>) src(%dma_wait3A_144 : memref<120x128xf32, #tpu.memory_space<vmem>>) dst(%dma_wait3A_137 : memref<120x128xf32, #tpu.memory_space<vmem_shared>>)
      tpu.yield
    }) : () -> ()
    %barrier3A = arith.constant 0 : index
    tpu.barrier barrier_id(%barrier3A)
    %run_scoped3A_32 = arith.constant 0 : i32
    %run_scoped3A_33 = arith.constant 0 : i32
    "tpu.region"() ({
      %run_scoped3A_108 = tpu.sem_alloc : memref<!tpu.dma_semaphore, #tpu.memory_space<semaphore_mem>>
      %dma_start3A_109 = arith.constant 0 : i32
      %dma_start3A_110 = tpu.memref_slice %arg6[%run_scoped3A_33, %dma_start3A_109] : memref<3x128xi32, #tpu.memory_space<vmem>> -> memref<1x128xi32, #tpu.memory_space<vmem>>
      %dma_start3A_111 = tpu.memref_squeeze %dma_start3A_110 : memref<1x128xi32, #tpu.memory_space<vmem>> -> memref<128xi32, #tpu.memory_space<vmem>>
      %dma_start3A_112 = arith.constant 0 : i32
      %dma_start3A_113 = tpu.memref_slice %arg3[%add3A, %run_scoped3A_32, %dma_start3A_112] : memref<32x81x128xi32, #tpu.memory_space<hbm>> -> memref<1x1x128xi32, #tpu.memory_space<hbm>>
      %dma_start3A_114 = tpu.memref_squeeze %dma_start3A_113 : memref<1x1x128xi32, #tpu.memory_space<hbm>> -> memref<128xi32, #tpu.memory_space<hbm>>
      %dma_start3A_115 = arith.constant 0 : i32
      %dma_start3A_116 = tpu.memref_slice %arg6[%run_scoped3A_33, %dma_start3A_115] : memref<3x128xi32, #tpu.memory_space<vmem>> -> memref<1x128xi32, #tpu.memory_space<vmem>>
      %dma_start3A_117 = tpu.memref_squeeze %dma_start3A_116 : memref<1x128xi32, #tpu.memory_space<vmem>> -> memref<128xi32, #tpu.memory_space<vmem>>
      %dma_start3A_118 = arith.constant 0 : i32
      %dma_start3A_119 = tpu.memref_slice %arg3[%add3A, %run_scoped3A_32, %dma_start3A_118] : memref<32x81x128xi32, #tpu.memory_space<hbm>> -> memref<1x1x128xi32, #tpu.memory_space<hbm>>
      %dma_start3A_120 = tpu.memref_squeeze %dma_start3A_119 : memref<1x1x128xi32, #tpu.memory_space<hbm>> -> memref<128xi32, #tpu.memory_space<hbm>>
      tpu.enqueue_dma source(%dma_start3A_120 : memref<128xi32, #tpu.memory_space<hbm>>) target(%dma_start3A_117 : memref<128xi32, #tpu.memory_space<vmem>>) target_semaphore(%run_scoped3A_108 : memref<!tpu.dma_semaphore, #tpu.memory_space<semaphore_mem>>)
      %dma_wait3A_121 = arith.constant 0 : i32
      %dma_wait3A_122 = tpu.memref_slice %arg6[%run_scoped3A_33, %dma_wait3A_121] : memref<3x128xi32, #tpu.memory_space<vmem>> -> memref<1x128xi32, #tpu.memory_space<vmem>>
      %dma_wait3A_123 = tpu.memref_squeeze %dma_wait3A_122 : memref<1x128xi32, #tpu.memory_space<vmem>> -> memref<128xi32, #tpu.memory_space<vmem>>
      %dma_wait3A_124 = arith.constant 0 : i32
      %dma_wait3A_125 = tpu.memref_slice %arg3[%add3A, %run_scoped3A_32, %dma_wait3A_124] : memref<32x81x128xi32, #tpu.memory_space<hbm>> -> memref<1x1x128xi32, #tpu.memory_space<hbm>>
      %dma_wait3A_126 = tpu.memref_squeeze %dma_wait3A_125 : memref<1x1x128xi32, #tpu.memory_space<hbm>> -> memref<128xi32, #tpu.memory_space<hbm>>
      %dma_wait3A_127 = arith.constant 0 : i32
      %dma_wait3A_128 = tpu.memref_slice %arg6[%run_scoped3A_33, %dma_wait3A_127] : memref<3x128xi32, #tpu.memory_space<vmem>> -> memref<1x128xi32, #tpu.memory_space<vmem>>
      %dma_wait3A_129 = tpu.memref_squeeze %dma_wait3A_128 : memref<1x128xi32, #tpu.memory_space<vmem>> -> memref<128xi32, #tpu.memory_space<vmem>>
      %dma_wait3A_130 = arith.constant 0 : i32
      %dma_wait3A_131 = tpu.memref_slice %arg3[%add3A, %run_scoped3A_32, %dma_wait3A_130] : memref<32x81x128xi32, #tpu.memory_space<hbm>> -> memref<1x1x128xi32, #tpu.memory_space<hbm>>
      %dma_wait3A_132 = tpu.memref_squeeze %dma_wait3A_131 : memref<1x1x128xi32, #tpu.memory_space<hbm>> -> memref<128xi32, #tpu.memory_space<hbm>>
      tpu.wait_dma2 semaphore(%run_scoped3A_108 : memref<!tpu.dma_semaphore, #tpu.memory_space<semaphore_mem>>) src(%dma_wait3A_132 : memref<128xi32, #tpu.memory_space<hbm>>) dst(%dma_wait3A_129 : memref<128xi32, #tpu.memory_space<vmem>>)
      tpu.yield
    }) : () -> ()
    %run_scoped3A_34 = arith.constant 0 : i32
    %run_scoped3A_35 = arith.constant 0 : i32
    "tpu.region"() ({
      %run_scoped3A_108 = tpu.sem_alloc : memref<!tpu.dma_semaphore, #tpu.memory_space<semaphore_mem>>
      %dma_start3A_109 = arith.constant 0 : i32
      %dma_start3A_110 = tpu.memref_slice %arg7[%run_scoped3A_35, %dma_start3A_109] : memref<3x128xi32, #tpu.memory_space<vmem>> -> memref<1x128xi32, #tpu.memory_space<vmem>>
      %dma_start3A_111 = tpu.memref_squeeze %dma_start3A_110 : memref<1x128xi32, #tpu.memory_space<vmem>> -> memref<128xi32, #tpu.memory_space<vmem>>
      %dma_start3A_112 = arith.constant 0 : i32
      %dma_start3A_113 = tpu.memref_slice %arg4[%add3A, %run_scoped3A_34, %dma_start3A_112] : memref<32x81x128xi32, #tpu.memory_space<hbm>> -> memref<1x1x128xi32, #tpu.memory_space<hbm>>
      %dma_start3A_114 = tpu.memref_squeeze %dma_start3A_113 : memref<1x1x128xi32, #tpu.memory_space<hbm>> -> memref<128xi32, #tpu.memory_space<hbm>>
      %dma_start3A_115 = arith.constant 0 : i32
      %dma_start3A_116 = tpu.memref_slice %arg7[%run_scoped3A_35, %dma_start3A_115] : memref<3x128xi32, #tpu.memory_space<vmem>> -> memref<1x128xi32, #tpu.memory_space<vmem>>
      %dma_start3A_117 = tpu.memref_squeeze %dma_start3A_116 : memref<1x128xi32, #tpu.memory_space<vmem>> -> memref<128xi32, #tpu.memory_space<vmem>>
      %dma_start3A_118 = arith.constant 0 : i32
      %dma_start3A_119 = tpu.memref_slice %arg4[%add3A, %run_scoped3A_34, %dma_start3A_118] : memref<32x81x128xi32, #tpu.memory_space<hbm>> -> memref<1x1x128xi32, #tpu.memory_space<hbm>>
      %dma_start3A_120 = tpu.memref_squeeze %dma_start3A_119 : memref<1x1x128xi32, #tpu.memory_space<hbm>> -> memref<128xi32, #tpu.memory_space<hbm>>
      tpu.enqueue_dma source(%dma_start3A_120 : memref<128xi32, #tpu.memory_space<hbm>>) target(%dma_start3A_117 : memref<128xi32, #tpu.memory_space<vmem>>) target_semaphore(%run_scoped3A_108 : memref<!tpu.dma_semaphore, #tpu.memory_space<semaphore_mem>>)
      %dma_wait3A_121 = arith.constant 0 : i32
      %dma_wait3A_122 = tpu.memref_slice %arg7[%run_scoped3A_35, %dma_wait3A_121] : memref<3x128xi32, #tpu.memory_space<vmem>> -> memref<1x128xi32, #tpu.memory_space<vmem>>
      %dma_wait3A_123 = tpu.memref_squeeze %dma_wait3A_122 : memref<1x128xi32, #tpu.memory_space<vmem>> -> memref<128xi32, #tpu.memory_space<vmem>>
      %dma_wait3A_124 = arith.constant 0 : i32
      %dma_wait3A_125 = tpu.memref_slice %arg4[%add3A, %run_scoped3A_34, %dma_wait3A_124] : memref<32x81x128xi32, #tpu.memory_space<hbm>> -> memref<1x1x128xi32, #tpu.memory_space<hbm>>
      %dma_wait3A_126 = tpu.memref_squeeze %dma_wait3A_125 : memref<1x1x128xi32, #tpu.memory_space<hbm>> -> memref<128xi32, #tpu.memory_space<hbm>>
      %dma_wait3A_127 = arith.constant 0 : i32
      %dma_wait3A_128 = tpu.memref_slice %arg7[%run_scoped3A_35, %dma_wait3A_127] : memref<3x128xi32, #tpu.memory_space<vmem>> -> memref<1x128xi32, #tpu.memory_space<vmem>>
      %dma_wait3A_129 = tpu.memref_squeeze %dma_wait3A_128 : memref<1x128xi32, #tpu.memory_space<vmem>> -> memref<128xi32, #tpu.memory_space<vmem>>
      %dma_wait3A_130 = arith.constant 0 : i32
      %dma_wait3A_131 = tpu.memref_slice %arg4[%add3A, %run_scoped3A_34, %dma_wait3A_130] : memref<32x81x128xi32, #tpu.memory_space<hbm>> -> memref<1x1x128xi32, #tpu.memory_space<hbm>>
      %dma_wait3A_132 = tpu.memref_squeeze %dma_wait3A_131 : memref<1x1x128xi32, #tpu.memory_space<hbm>> -> memref<128xi32, #tpu.memory_space<hbm>>
      tpu.wait_dma2 semaphore(%run_scoped3A_108 : memref<!tpu.dma_semaphore, #tpu.memory_space<semaphore_mem>>) src(%dma_wait3A_132 : memref<128xi32, #tpu.memory_space<hbm>>) dst(%dma_wait3A_129 : memref<128xi32, #tpu.memory_space<vmem>>)
      tpu.yield
    }) : () -> ()
    %dma_start3A = arith.constant 0 : i32
    %dma_start3A_36 = arith.constant 0 : i32
    %dma_start3A_37 = arith.constant 0 : i32
    %dma_start3A_38 = arith.constant 0 : i32
    %dma_start3A_39 = tpu.memref_slice %arg8[%dma_start3A_36, %dma_start3A_37, %dma_start3A_38] : memref<3x128x128xf32, #tpu.memory_space<vmem>> -> memref<1x128x128xf32, #tpu.memory_space<vmem>>
    %dma_start3A_40 = tpu.memref_squeeze %dma_start3A_39 : memref<1x128x128xf32, #tpu.memory_space<vmem>> -> memref<128x128xf32, #tpu.memory_space<vmem>>
    %dma_start3A_41 = arith.constant 0 : i32
    %dma_start3A_42 = tpu.memref_slice %arg6[%dma_start3A, %dma_start3A_41] : memref<3x128xi32, #tpu.memory_space<vmem>> -> memref<1x128xi32, #tpu.memory_space<vmem>>
    %dma_start3A_43 = tpu.memref_squeeze %dma_start3A_42 : memref<1x128xi32, #tpu.memory_space<vmem>> -> memref<128xi32, #tpu.memory_space<vmem>>
    %dma_start3A_44 = arith.constant 0 : i32
    %dma_start3A_45 = arith.constant 0 : i32
    %dma_start3A_46 = tpu.memref_slice %arg2[%dma_start3A_44, %dma_start3A_45] : memref<10000x128xf32, #tpu.memory_space<hbm>> -> memref<10000x128xf32, #tpu.memory_space<hbm>>
    tpu.enqueue_indirect_dma source(%dma_start3A_46 : memref<10000x128xf32, #tpu.memory_space<hbm>>) target(%dma_start3A_40 : memref<128x128xf32, #tpu.memory_space<vmem>>) offsets(%dma_start3A_43 : memref<128xi32, #tpu.memory_space<vmem>>) semaphore(%arg10 : memref<!tpu.dma_semaphore, #tpu.memory_space<semaphore_mem>>)
    %run_scoped3A_47 = arith.constant 1 : i32
    %run_scoped3A_48 = arith.constant 1 : i32
    "tpu.region"() ({
      %run_scoped3A_108 = tpu.sem_alloc : memref<!tpu.dma_semaphore, #tpu.memory_space<semaphore_mem>>
      %dma_start3A_109 = arith.constant 0 : i32
      %dma_start3A_110 = tpu.memref_slice %arg6[%run_scoped3A_48, %dma_start3A_109] : memref<3x128xi32, #tpu.memory_space<vmem>> -> memref<1x128xi32, #tpu.memory_space<vmem>>
      %dma_start3A_111 = tpu.memref_squeeze %dma_start3A_110 : memref<1x128xi32, #tpu.memory_space<vmem>> -> memref<128xi32, #tpu.memory_space<vmem>>
      %dma_start3A_112 = arith.constant 0 : i32
      %dma_start3A_113 = tpu.memref_slice %arg3[%add3A, %run_scoped3A_47, %dma_start3A_112] : memref<32x81x128xi32, #tpu.memory_space<hbm>> -> memref<1x1x128xi32, #tpu.memory_space<hbm>>
      %dma_start3A_114 = tpu.memref_squeeze %dma_start3A_113 : memref<1x1x128xi32, #tpu.memory_space<hbm>> -> memref<128xi32, #tpu.memory_space<hbm>>
      %dma_start3A_115 = arith.constant 0 : i32
      %dma_start3A_116 = tpu.memref_slice %arg6[%run_scoped3A_48, %dma_start3A_115] : memref<3x128xi32, #tpu.memory_space<vmem>> -> memref<1x128xi32, #tpu.memory_space<vmem>>
      %dma_start3A_117 = tpu.memref_squeeze %dma_start3A_116 : memref<1x128xi32, #tpu.memory_space<vmem>> -> memref<128xi32, #tpu.memory_space<vmem>>
      %dma_start3A_118 = arith.constant 0 : i32
      %dma_start3A_119 = tpu.memref_slice %arg3[%add3A, %run_scoped3A_47, %dma_start3A_118] : memref<32x81x128xi32, #tpu.memory_space<hbm>> -> memref<1x1x128xi32, #tpu.memory_space<hbm>>
      %dma_start3A_120 = tpu.memref_squeeze %dma_start3A_119 : memref<1x1x128xi32, #tpu.memory_space<hbm>> -> memref<128xi32, #tpu.memory_space<hbm>>
      tpu.enqueue_dma source(%dma_start3A_120 : memref<128xi32, #tpu.memory_space<hbm>>) target(%dma_start3A_117 : memref<128xi32, #tpu.memory_space<vmem>>) target_semaphore(%run_scoped3A_108 : memref<!tpu.dma_semaphore, #tpu.memory_space<semaphore_mem>>)
      %dma_wait3A_121 = arith.constant 0 : i32
      %dma_wait3A_122 = tpu.memref_slice %arg6[%run_scoped3A_48, %dma_wait3A_121] : memref<3x128xi32, #tpu.memory_space<vmem>> -> memref<1x128xi32, #tpu.memory_space<vmem>>
      %dma_wait3A_123 = tpu.memref_squeeze %dma_wait3A_122 : memref<1x128xi32, #tpu.memory_space<vmem>> -> memref<128xi32, #tpu.memory_space<vmem>>
      %dma_wait3A_124 = arith.constant 0 : i32
      %dma_wait3A_125 = tpu.memref_slice %arg3[%add3A, %run_scoped3A_47, %dma_wait3A_124] : memref<32x81x128xi32, #tpu.memory_space<hbm>> -> memref<1x1x128xi32, #tpu.memory_space<hbm>>
      %dma_wait3A_126 = tpu.memref_squeeze %dma_wait3A_125 : memref<1x1x128xi32, #tpu.memory_space<hbm>> -> memref<128xi32, #tpu.memory_space<hbm>>
      %dma_wait3A_127 = arith.constant 0 : i32
      %dma_wait3A_128 = tpu.memref_slice %arg6[%run_scoped3A_48, %dma_wait3A_127] : memref<3x128xi32, #tpu.memory_space<vmem>> -> memref<1x128xi32, #tpu.memory_space<vmem>>
      %dma_wait3A_129 = tpu.memref_squeeze %dma_wait3A_128 : memref<1x128xi32, #tpu.memory_space<vmem>> -> memref<128xi32, #tpu.memory_space<vmem>>
      %dma_wait3A_130 = arith.constant 0 : i32
      %dma_wait3A_131 = tpu.memref_slice %arg3[%add3A, %run_scoped3A_47, %dma_wait3A_130] : memref<32x81x128xi32, #tpu.memory_space<hbm>> -> memref<1x1x128xi32, #tpu.memory_space<hbm>>
      %dma_wait3A_132 = tpu.memref_squeeze %dma_wait3A_131 : memref<1x1x128xi32, #tpu.memory_space<hbm>> -> memref<128xi32, #tpu.memory_space<hbm>>
      tpu.wait_dma2 semaphore(%run_scoped3A_108 : memref<!tpu.dma_semaphore, #tpu.memory_space<semaphore_mem>>) src(%dma_wait3A_132 : memref<128xi32, #tpu.memory_space<hbm>>) dst(%dma_wait3A_129 : memref<128xi32, #tpu.memory_space<vmem>>)
      tpu.yield
    }) : () -> ()
    %run_scoped3A_49 = arith.constant 1 : i32
    %run_scoped3A_50 = arith.constant 1 : i32
    "tpu.region"() ({
      %run_scoped3A_108 = tpu.sem_alloc : memref<!tpu.dma_semaphore, #tpu.memory_space<semaphore_mem>>
      %dma_start3A_109 = arith.constant 0 : i32
      %dma_start3A_110 = tpu.memref_slice %arg7[%run_scoped3A_50, %dma_start3A_109] : memref<3x128xi32, #tpu.memory_space<vmem>> -> memref<1x128xi32, #tpu.memory_space<vmem>>
      %dma_start3A_111 = tpu.memref_squeeze %dma_start3A_110 : memref<1x128xi32, #tpu.memory_space<vmem>> -> memref<128xi32, #tpu.memory_space<vmem>>
      %dma_start3A_112 = arith.constant 0 : i32
      %dma_start3A_113 = tpu.memref_slice %arg4[%add3A, %run_scoped3A_49, %dma_start3A_112] : memref<32x81x128xi32, #tpu.memory_space<hbm>> -> memref<1x1x128xi32, #tpu.memory_space<hbm>>
      %dma_start3A_114 = tpu.memref_squeeze %dma_start3A_113 : memref<1x1x128xi32, #tpu.memory_space<hbm>> -> memref<128xi32, #tpu.memory_space<hbm>>
      %dma_start3A_115 = arith.constant 0 : i32
      %dma_start3A_116 = tpu.memref_slice %arg7[%run_scoped3A_50, %dma_start3A_115] : memref<3x128xi32, #tpu.memory_space<vmem>> -> memref<1x128xi32, #tpu.memory_space<vmem>>
      %dma_start3A_117 = tpu.memref_squeeze %dma_start3A_116 : memref<1x128xi32, #tpu.memory_space<vmem>> -> memref<128xi32, #tpu.memory_space<vmem>>
      %dma_start3A_118 = arith.constant 0 : i32
      %dma_start3A_119 = tpu.memref_slice %arg4[%add3A, %run_scoped3A_49, %dma_start3A_118] : memref<32x81x128xi32, #tpu.memory_space<hbm>> -> memref<1x1x128xi32, #tpu.memory_space<hbm>>
      %dma_start3A_120 = tpu.memref_squeeze %dma_start3A_119 : memref<1x1x128xi32, #tpu.memory_space<hbm>> -> memref<128xi32, #tpu.memory_space<hbm>>
      tpu.enqueue_dma source(%dma_start3A_120 : memref<128xi32, #tpu.memory_space<hbm>>) target(%dma_start3A_117 : memref<128xi32, #tpu.memory_space<vmem>>) target_semaphore(%run_scoped3A_108 : memref<!tpu.dma_semaphore, #tpu.memory_space<semaphore_mem>>)
      %dma_wait3A_121 = arith.constant 0 : i32
      %dma_wait3A_122 = tpu.memref_slice %arg7[%run_scoped3A_50, %dma_wait3A_121] : memref<3x128xi32, #tpu.memory_space<vmem>> -> memref<1x128xi32, #tpu.memory_space<vmem>>
      %dma_wait3A_123 = tpu.memref_squeeze %dma_wait3A_122 : memref<1x128xi32, #tpu.memory_space<vmem>> -> memref<128xi32, #tpu.memory_space<vmem>>
      %dma_wait3A_124 = arith.constant 0 : i32
      %dma_wait3A_125 = tpu.memref_slice %arg4[%add3A, %run_scoped3A_49, %dma_wait3A_124] : memref<32x81x128xi32, #tpu.memory_space<hbm>> -> memref<1x1x128xi32, #tpu.memory_space<hbm>>
      %dma_wait3A_126 = tpu.memref_squeeze %dma_wait3A_125 : memref<1x1x128xi32, #tpu.memory_space<hbm>> -> memref<128xi32, #tpu.memory_space<hbm>>
      %dma_wait3A_127 = arith.constant 0 : i32
      %dma_wait3A_128 = tpu.memref_slice %arg7[%run_scoped3A_50, %dma_wait3A_127] : memref<3x128xi32, #tpu.memory_space<vmem>> -> memref<1x128xi32, #tpu.memory_space<vmem>>
      %dma_wait3A_129 = tpu.memref_squeeze %dma_wait3A_128 : memref<1x128xi32, #tpu.memory_space<vmem>> -> memref<128xi32, #tpu.memory_space<vmem>>
      %dma_wait3A_130 = arith.constant 0 : i32
      %dma_wait3A_131 = tpu.memref_slice %arg4[%add3A, %run_scoped3A_49, %dma_wait3A_130] : memref<32x81x128xi32, #tpu.memory_space<hbm>> -> memref<1x1x128xi32, #tpu.memory_space<hbm>>
      %dma_wait3A_132 = tpu.memref_squeeze %dma_wait3A_131 : memref<1x1x128xi32, #tpu.memory_space<hbm>> -> memref<128xi32, #tpu.memory_space<hbm>>
      tpu.wait_dma2 semaphore(%run_scoped3A_108 : memref<!tpu.dma_semaphore, #tpu.memory_space<semaphore_mem>>) src(%dma_wait3A_132 : memref<128xi32, #tpu.memory_space<hbm>>) dst(%dma_wait3A_129 : memref<128xi32, #tpu.memory_space<vmem>>)
      tpu.yield
    }) : () -> ()
    %dma_start3A_51 = arith.constant 1 : i32
    %dma_start3A_52 = arith.constant 1 : i32
    %dma_start3A_53 = arith.constant 0 : i32
    %dma_start3A_54 = arith.constant 0 : i32
    %dma_start3A_55 = tpu.memref_slice %arg8[%dma_start3A_52, %dma_start3A_53, %dma_start3A_54] : memref<3x128x128xf32, #tpu.memory_space<vmem>> -> memref<1x128x128xf32, #tpu.memory_space<vmem>>
    %dma_start3A_56 = tpu.memref_squeeze %dma_start3A_55 : memref<1x128x128xf32, #tpu.memory_space<vmem>> -> memref<128x128xf32, #tpu.memory_space<vmem>>
    %dma_start3A_57 = arith.constant 0 : i32
    %dma_start3A_58 = tpu.memref_slice %arg6[%dma_start3A_51, %dma_start3A_57] : memref<3x128xi32, #tpu.memory_space<vmem>> -> memref<1x128xi32, #tpu.memory_space<vmem>>
    %dma_start3A_59 = tpu.memref_squeeze %dma_start3A_58 : memref<1x128xi32, #tpu.memory_space<vmem>> -> memref<128xi32, #tpu.memory_space<vmem>>
    %dma_start3A_60 = arith.constant 0 : i32
    %dma_start3A_61 = arith.constant 0 : i32
    %dma_start3A_62 = tpu.memref_slice %arg2[%dma_start3A_60, %dma_start3A_61] : memref<10000x128xf32, #tpu.memory_space<hbm>> -> memref<10000x128xf32, #tpu.memory_space<hbm>>
    tpu.enqueue_indirect_dma source(%dma_start3A_62 : memref<10000x128xf32, #tpu.memory_space<hbm>>) target(%dma_start3A_56 : memref<128x128xf32, #tpu.memory_space<vmem>>) offsets(%dma_start3A_59 : memref<128xi32, #tpu.memory_space<vmem>>) semaphore(%arg11 : memref<!tpu.dma_semaphore, #tpu.memory_space<semaphore_mem>>)
    %scan3A_63 = arith.constant 0 : i32
    %scan3A_64 = arith.constant 0 : i32
    %scan3A_65 = arith.constant 27 : i32
    %scan3A_66 = arith.addi %scan3A_64, %scan3A_65 : i32
    %scan3A_67 = arith.constant 1 : i32
    %scan3A_68 = scf.for %scan3A_108 = %scan3A_64 to %scan3A_66 step %scan3A_67 iter_args(%scan3A_109 = %scan3A_63) -> (i32)  : i32 {
      %mul3A_110 = arith.constant 3 : i32
      %mul3A_111 = arith.muli %mul3A_110, %scan3A_108 : i32
      %add3A_112 = arith.constant 0 : i32
      %add3A_113 = arith.addi %mul3A_111, %add3A_112 : i32
      %dma_wait3A_114 = arith.constant 0 : i32
      %dma_wait3A_115 = arith.constant 0 : i32
      %dma_wait3A_116 = arith.constant 0 : i32
      %dma_wait3A_117 = arith.constant 0 : i32
      %dma_wait3A_118 = tpu.memref_slice %arg8[%dma_wait3A_115, %dma_wait3A_116, %dma_wait3A_117] : memref<3x128x128xf32, #tpu.memory_space<vmem>> -> memref<1x128x128xf32, #tpu.memory_space<vmem>>
      %dma_wait3A_119 = tpu.memref_squeeze %dma_wait3A_118 : memref<1x128x128xf32, #tpu.memory_space<vmem>> -> memref<128x128xf32, #tpu.memory_space<vmem>>
      %dma_wait3A_120 = arith.constant 0 : i32
      %dma_wait3A_121 = tpu.memref_slice %arg6[%dma_wait3A_114, %dma_wait3A_120] : memref<3x128xi32, #tpu.memory_space<vmem>> -> memref<1x128xi32, #tpu.memory_space<vmem>>
      %dma_wait3A_122 = tpu.memref_squeeze %dma_wait3A_121 : memref<1x128xi32, #tpu.memory_space<vmem>> -> memref<128xi32, #tpu.memory_space<vmem>>
      %dma_wait3A_123 = arith.constant 0 : i32
      %dma_wait3A_124 = arith.constant 0 : i32
      %dma_wait3A_125 = tpu.memref_slice %arg2[%dma_wait3A_123, %dma_wait3A_124] : memref<10000x128xf32, #tpu.memory_space<hbm>> -> memref<10000x128xf32, #tpu.memory_space<hbm>>
      tpu.wait_indirect_dma semaphore(%arg10 : memref<!tpu.dma_semaphore, #tpu.memory_space<semaphore_mem>>) src(%dma_wait3A_125 : memref<10000x128xf32, #tpu.memory_space<hbm>>) dst(%dma_wait3A_119 : memref<128x128xf32, #tpu.memory_space<vmem>>)
      %dma_start3A_126 = arith.constant 0 : i32
      %dma_start3A_127 = arith.constant 0 : i32
      %dma_start3A_128 = arith.constant 0 : i32
      %dma_start3A_129 = arith.constant 0 : i32
      %dma_start3A_130 = tpu.memref_slice %arg8[%dma_start3A_126, %dma_start3A_128, %dma_start3A_129] : memref<3x128x128xf32, #tpu.memory_space<vmem>> -> memref<1x128x128xf32, #tpu.memory_space<vmem>>
      %dma_start3A_131 = tpu.memref_squeeze %dma_start3A_130 : memref<1x128x128xf32, #tpu.memory_space<vmem>> -> memref<128x128xf32, #tpu.memory_space<vmem>>
      %dma_start3A_132 = arith.constant 0 : i32
      %dma_start3A_133 = tpu.memref_slice %arg7[%dma_start3A_127, %dma_start3A_132] : memref<3x128xi32, #tpu.memory_space<vmem>> -> memref<1x128xi32, #tpu.memory_space<vmem>>
      %dma_start3A_134 = tpu.memref_squeeze %dma_start3A_133 : memref<1x128xi32, #tpu.memory_space<vmem>> -> memref<128xi32, #tpu.memory_space<vmem>>
      %dma_start3A_135 = arith.constant 0 : i32
      %dma_start3A_136 = arith.constant 0 : i32
      %dma_start3A_137 = tpu.memref_slice %arg9[%dma_start3A_135, %dma_start3A_136] : memref<10112x128xf32, #tpu.memory_space<vmem_shared>> -> memref<10112x128xf32, #tpu.memory_space<vmem_shared>>
      tpu.enqueue_indirect_dma source(%dma_start3A_131 : memref<128x128xf32, #tpu.memory_space<vmem>>) target(%dma_start3A_137 : memref<10112x128xf32, #tpu.memory_space<vmem_shared>>) offsets(%dma_start3A_134 : memref<128xi32, #tpu.memory_space<vmem>>) semaphore(%arg13 : memref<!tpu.dma_semaphore, #tpu.memory_space<semaphore_mem>>) {add = true}
      %add3A_138 = arith.constant 2 : i32
      %add3A_139 = arith.addi %add3A_113, %add3A_138 : i32
      %lt3A = arith.constant 81 : i32
      %lt3A_140 = arith.cmpi slt, %add3A_139, %lt3A : i32
      %convert_element_type3A = arith.extui %lt3A_140 : i1 to i32
      %cond3A = arith.constant 0 : i32
      %cond3A_141 = arith.cmpi ne, %convert_element_type3A, %cond3A : i32
      scf.if %cond3A_141 {
        %ge3A = arith.constant 1 : i32
        %ge3A_213 = arith.cmpi sge, %add3A_113, %ge3A : i32
        %convert_element_type3A_214 = arith.extui %ge3A_213 : i1 to i32
        %cond3A_215 = arith.constant 0 : i32
        %cond3A_216 = arith.cmpi ne, %convert_element_type3A_214, %cond3A_215 : i32
        scf.if %cond3A_216 {
          %dma_wait3A_233 = arith.constant 2 : i32
          %dma_wait3A_234 = arith.constant 2 : i32
          %dma_wait3A_235 = arith.constant 0 : i32
          %dma_wait3A_236 = arith.constant 0 : i32
          %dma_wait3A_237 = tpu.memref_slice %arg8[%dma_wait3A_233, %dma_wait3A_235, %dma_wait3A_236] : memref<3x128x128xf32, #tpu.memory_space<vmem>> -> memref<1x128x128xf32, #tpu.memory_space<vmem>>
          %dma_wait3A_238 = tpu.memref_squeeze %dma_wait3A_237 : memref<1x128x128xf32, #tpu.memory_space<vmem>> -> memref<128x128xf32, #tpu.memory_space<vmem>>
          %dma_wait3A_239 = arith.constant 0 : i32
          %dma_wait3A_240 = tpu.memref_slice %arg7[%dma_wait3A_234, %dma_wait3A_239] : memref<3x128xi32, #tpu.memory_space<vmem>> -> memref<1x128xi32, #tpu.memory_space<vmem>>
          %dma_wait3A_241 = tpu.memref_squeeze %dma_wait3A_240 : memref<1x128xi32, #tpu.memory_space<vmem>> -> memref<128xi32, #tpu.memory_space<vmem>>
          %dma_wait3A_242 = arith.constant 0 : i32
          %dma_wait3A_243 = arith.constant 0 : i32
          %dma_wait3A_244 = tpu.memref_slice %arg9[%dma_wait3A_242, %dma_wait3A_243] : memref<10112x128xf32, #tpu.memory_space<vmem_shared>> -> memref<10112x128xf32, #tpu.memory_space<vmem_shared>>
          tpu.wait_indirect_dma semaphore(%arg15 : memref<!tpu.dma_semaphore, #tpu.memory_space<semaphore_mem>>) src(%dma_wait3A_238 : memref<128x128xf32, #tpu.memory_space<vmem>>) dst(%dma_wait3A_244 : memref<10112x128xf32, #tpu.memory_space<vmem_shared>>)
        } else {
        }
        %add3A_217 = arith.constant 2 : i32
        %add3A_218 = arith.addi %add3A_113, %add3A_217 : i32
        %run_scoped3A_219 = arith.constant 2 : i32
        "tpu.region"() ({
          %run_scoped3A_233 = tpu.sem_alloc : memref<!tpu.dma_semaphore, #tpu.memory_space<semaphore_mem>>
          %dma_start3A_234 = arith.constant 0 : i32
          %dma_start3A_235 = tpu.memref_slice %arg6[%run_scoped3A_219, %dma_start3A_234] : memref<3x128xi32, #tpu.memory_space<vmem>> -> memref<1x128xi32, #tpu.memory_space<vmem>>
          %dma_start3A_236 = tpu.memref_squeeze %dma_start3A_235 : memref<1x128xi32, #tpu.memory_space<vmem>> -> memref<128xi32, #tpu.memory_space<vmem>>
          %dma_start3A_237 = arith.constant 0 : i32
          %dma_start3A_238 = tpu.memref_slice %arg3[%add3A, %add3A_218, %dma_start3A_237] : memref<32x81x128xi32, #tpu.memory_space<hbm>> -> memref<1x1x128xi32, #tpu.memory_space<hbm>>
          %dma_start3A_239 = tpu.memref_squeeze %dma_start3A_238 : memref<1x1x128xi32, #tpu.memory_space<hbm>> -> memref<128xi32, #tpu.memory_space<hbm>>
          %dma_start3A_240 = arith.constant 0 : i32
          %dma_start3A_241 = tpu.memref_slice %arg6[%run_scoped3A_219, %dma_start3A_240] : memref<3x128xi32, #tpu.memory_space<vmem>> -> memref<1x128xi32, #tpu.memory_space<vmem>>
          %dma_start3A_242 = tpu.memref_squeeze %dma_start3A_241 : memref<1x128xi32, #tpu.memory_space<vmem>> -> memref<128xi32, #tpu.memory_space<vmem>>
          %dma_start3A_243 = arith.constant 0 : i32
          %dma_start3A_244 = tpu.memref_slice %arg3[%add3A, %add3A_218, %dma_start3A_243] : memref<32x81x128xi32, #tpu.memory_space<hbm>> -> memref<1x1x128xi32, #tpu.memory_space<hbm>>
          %dma_start3A_245 = tpu.memref_squeeze %dma_start3A_244 : memref<1x1x128xi32, #tpu.memory_space<hbm>> -> memref<128xi32, #tpu.memory_space<hbm>>
          tpu.enqueue_dma source(%dma_start3A_245 : memref<128xi32, #tpu.memory_space<hbm>>) target(%dma_start3A_242 : memref<128xi32, #tpu.memory_space<vmem>>) target_semaphore(%run_scoped3A_233 : memref<!tpu.dma_semaphore, #tpu.memory_space<semaphore_mem>>)
          %dma_wait3A_246 = arith.constant 0 : i32
          %dma_wait3A_247 = tpu.memref_slice %arg6[%run_scoped3A_219, %dma_wait3A_246] : memref<3x128xi32, #tpu.memory_space<vmem>> -> memref<1x128xi32, #tpu.memory_space<vmem>>
          %dma_wait3A_248 = tpu.memref_squeeze %dma_wait3A_247 : memref<1x128xi32, #tpu.memory_space<vmem>> -> memref<128xi32, #tpu.memory_space<vmem>>
          %dma_wait3A_249 = arith.constant 0 : i32
          %dma_wait3A_250 = tpu.memref_slice %arg3[%add3A, %add3A_218, %dma_wait3A_249] : memref<32x81x128xi32, #tpu.memory_space<hbm>> -> memref<1x1x128xi32, #tpu.memory_space<hbm>>
          %dma_wait3A_251 = tpu.memref_squeeze %dma_wait3A_250 : memref<1x1x128xi32, #tpu.memory_space<hbm>> -> memref<128xi32, #tpu.memory_space<hbm>>
          %dma_wait3A_252 = arith.constant 0 : i32
          %dma_wait3A_253 = tpu.memref_slice %arg6[%run_scoped3A_219, %dma_wait3A_252] : memref<3x128xi32, #tpu.memory_space<vmem>> -> memref<1x128xi32, #tpu.memory_space<vmem>>
          %dma_wait3A_254 = tpu.memref_squeeze %dma_wait3A_253 : memref<1x128xi32, #tpu.memory_space<vmem>> -> memref<128xi32, #tpu.memory_space<vmem>>
          %dma_wait3A_255 = arith.constant 0 : i32
          %dma_wait3A_256 = tpu.memref_slice %arg3[%add3A, %add3A_218, %dma_wait3A_255] : memref<32x81x128xi32, #tpu.memory_space<hbm>> -> memref<1x1x128xi32, #tpu.memory_space<hbm>>
          %dma_wait3A_257 = tpu.memref_squeeze %dma_wait3A_256 : memref<1x1x128xi32, #tpu.memory_space<hbm>> -> memref<128xi32, #tpu.memory_space<hbm>>
          tpu.wait_dma2 semaphore(%run_scoped3A_233 : memref<!tpu.dma_semaphore, #tpu.memory_space<semaphore_mem>>) src(%dma_wait3A_257 : memref<128xi32, #tpu.memory_space<hbm>>) dst(%dma_wait3A_254 : memref<128xi32, #tpu.memory_space<vmem>>)
          tpu.yield
        }) : () -> ()
        %run_scoped3A_220 = arith.constant 2 : i32
        "tpu.region"() ({
          %run_scoped3A_233 = tpu.sem_alloc : memref<!tpu.dma_semaphore, #tpu.memory_space<semaphore_mem>>
          %dma_start3A_234 = arith.constant 0 : i32
          %dma_start3A_235 = tpu.memref_slice %arg7[%run_scoped3A_220, %dma_start3A_234] : memref<3x128xi32, #tpu.memory_space<vmem>> -> memref<1x128xi32, #tpu.memory_space<vmem>>
          %dma_start3A_236 = tpu.memref_squeeze %dma_start3A_235 : memref<1x128xi32, #tpu.memory_space<vmem>> -> memref<128xi32, #tpu.memory_space<vmem>>
          %dma_start3A_237 = arith.constant 0 : i32
          %dma_start3A_238 = tpu.memref_slice %arg4[%add3A, %add3A_218, %dma_start3A_237] : memref<32x81x128xi32, #tpu.memory_space<hbm>> -> memref<1x1x128xi32, #tpu.memory_space<hbm>>
          %dma_start3A_239 = tpu.memref_squeeze %dma_start3A_238 : memref<1x1x128xi32, #tpu.memory_space<hbm>> -> memref<128xi32, #tpu.memory_space<hbm>>
          %dma_start3A_240 = arith.constant 0 : i32
          %dma_start3A_241 = tpu.memref_slice %arg7[%run_scoped3A_220, %dma_start3A_240] : memref<3x128xi32, #tpu.memory_space<vmem>> -> memref<1x128xi32, #tpu.memory_space<vmem>>
          %dma_start3A_242 = tpu.memref_squeeze %dma_start3A_241 : memref<1x128xi32, #tpu.memory_space<vmem>> -> memref<128xi32, #tpu.memory_space<vmem>>
          %dma_start3A_243 = arith.constant 0 : i32
          %dma_start3A_244 = tpu.memref_slice %arg4[%add3A, %add3A_218, %dma_start3A_243] : memref<32x81x128xi32, #tpu.memory_space<hbm>> -> memref<1x1x128xi32, #tpu.memory_space<hbm>>
          %dma_start3A_245 = tpu.memref_squeeze %dma_start3A_244 : memref<1x1x128xi32, #tpu.memory_space<hbm>> -> memref<128xi32, #tpu.memory_space<hbm>>
          tpu.enqueue_dma source(%dma_start3A_245 : memref<128xi32, #tpu.memory_space<hbm>>) target(%dma_start3A_242 : memref<128xi32, #tpu.memory_space<vmem>>) target_semaphore(%run_scoped3A_233 : memref<!tpu.dma_semaphore, #tpu.memory_space<semaphore_mem>>)
          %dma_wait3A_246 = arith.constant 0 : i32
          %dma_wait3A_247 = tpu.memref_slice %arg7[%run_scoped3A_220, %dma_wait3A_246] : memref<3x128xi32, #tpu.memory_space<vmem>> -> memref<1x128xi32, #tpu.memory_space<vmem>>
          %dma_wait3A_248 = tpu.memref_squeeze %dma_wait3A_247 : memref<1x128xi32, #tpu.memory_space<vmem>> -> memref<128xi32, #tpu.memory_space<vmem>>
          %dma_wait3A_249 = arith.constant 0 : i32
          %dma_wait3A_250 = tpu.memref_slice %arg4[%add3A, %add3A_218, %dma_wait3A_249] : memref<32x81x128xi32, #tpu.memory_space<hbm>> -> memref<1x1x128xi32, #tpu.memory_space<hbm>>
          %dma_wait3A_251 = tpu.memref_squeeze %dma_wait3A_250 : memref<1x1x128xi32, #tpu.memory_space<hbm>> -> memref<128xi32, #tpu.memory_space<hbm>>
          %dma_wait3A_252 = arith.constant 0 : i32
          %dma_wait3A_253 = tpu.memref_slice %arg7[%run_scoped3A_220, %dma_wait3A_252] : memref<3x128xi32, #tpu.memory_space<vmem>> -> memref<1x128xi32, #tpu.memory_space<vmem>>
          %dma_wait3A_254 = tpu.memref_squeeze %dma_wait3A_253 : memref<1x128xi32, #tpu.memory_space<vmem>> -> memref<128xi32, #tpu.memory_space<vmem>>
          %dma_wait3A_255 = arith.constant 0 : i32
          %dma_wait3A_256 = tpu.memref_slice %arg4[%add3A, %add3A_218, %dma_wait3A_255] : memref<32x81x128xi32, #tpu.memory_space<hbm>> -> memref<1x1x128xi32, #tpu.memory_space<hbm>>
          %dma_wait3A_257 = tpu.memref_squeeze %dma_wait3A_256 : memref<1x1x128xi32, #tpu.memory_space<hbm>> -> memref<128xi32, #tpu.memory_space<hbm>>
          tpu.wait_dma2 semaphore(%run_scoped3A_233 : memref<!tpu.dma_semaphore, #tpu.memory_space<semaphore_mem>>) src(%dma_wait3A_257 : memref<128xi32, #tpu.memory_space<hbm>>) dst(%dma_wait3A_254 : memref<128xi32, #tpu.memory_space<vmem>>)
          tpu.yield
        }) : () -> ()
        %dma_start3A_221 = arith.constant 2 : i32
        %dma_start3A_222 = arith.constant 2 : i32
        %dma_start3A_223 = arith.constant 0 : i32
        %dma_start3A_224 = arith.constant 0 : i32
        %dma_start3A_225 = tpu.memref_slice %arg8[%dma_start3A_222, %dma_start3A_223, %dma_start3A_224] : memref<3x128x128xf32, #tpu.memory_space<vmem>> -> memref<1x128x128xf32, #tpu.memory_space<vmem>>
        %dma_start3A_226 = tpu.memref_squeeze %dma_start3A_225 : memref<1x128x128xf32, #tpu.memory_space<vmem>> -> memref<128x128xf32, #tpu.memory_space<vmem>>
        %dma_start3A_227 = arith.constant 0 : i32
        %dma_start3A_228 = tpu.memref_slice %arg6[%dma_start3A_221, %dma_start3A_227] : memref<3x128xi32, #tpu.memory_space<vmem>> -> memref<1x128xi32, #tpu.memory_space<vmem>>
        %dma_start3A_229 = tpu.memref_squeeze %dma_start3A_228 : memref<1x128xi32, #tpu.memory_space<vmem>> -> memref<128xi32, #tpu.memory_space<vmem>>
        %dma_start3A_230 = arith.constant 0 : i32
        %dma_start3A_231 = arith.constant 0 : i32
        %dma_start3A_232 = tpu.memref_slice %arg2[%dma_start3A_230, %dma_start3A_231] : memref<10000x128xf32, #tpu.memory_space<hbm>> -> memref<10000x128xf32, #tpu.memory_space<hbm>>
        tpu.enqueue_indirect_dma source(%dma_start3A_232 : memref<10000x128xf32, #tpu.memory_space<hbm>>) target(%dma_start3A_226 : memref<128x128xf32, #tpu.memory_space<vmem>>) offsets(%dma_start3A_229 : memref<128xi32, #tpu.memory_space<vmem>>) semaphore(%arg12 : memref<!tpu.dma_semaphore, #tpu.memory_space<semaphore_mem>>)
      } else {
      }
      %mul3A_142 = arith.constant 3 : i32
      %mul3A_143 = arith.muli %mul3A_142, %scan3A_108 : i32
      %add3A_144 = arith.constant 1 : i32
      %add3A_145 = arith.addi %mul3A_143, %add3A_144 : i32
      %dma_wait3A_146 = arith.constant 1 : i32
      %dma_wait3A_147 = arith.constant 1 : i32
      %dma_wait3A_148 = arith.constant 0 : i32
      %dma_wait3A_149 = arith.constant 0 : i32
      %dma_wait3A_150 = tpu.memref_slice %arg8[%dma_wait3A_147, %dma_wait3A_148, %dma_wait3A_149] : memref<3x128x128xf32, #tpu.memory_space<vmem>> -> memref<1x128x128xf32, #tpu.memory_space<vmem>>
      %dma_wait3A_151 = tpu.memref_squeeze %dma_wait3A_150 : memref<1x128x128xf32, #tpu.memory_space<vmem>> -> memref<128x128xf32, #tpu.memory_space<vmem>>
      %dma_wait3A_152 = arith.constant 0 : i32
      %dma_wait3A_153 = tpu.memref_slice %arg6[%dma_wait3A_146, %dma_wait3A_152] : memref<3x128xi32, #tpu.memory_space<vmem>> -> memref<1x128xi32, #tpu.memory_space<vmem>>
      %dma_wait3A_154 = tpu.memref_squeeze %dma_wait3A_153 : memref<1x128xi32, #tpu.memory_space<vmem>> -> memref<128xi32, #tpu.memory_space<vmem>>
      %dma_wait3A_155 = arith.constant 0 : i32
      %dma_wait3A_156 = arith.constant 0 : i32
      %dma_wait3A_157 = tpu.memref_slice %arg2[%dma_wait3A_155, %dma_wait3A_156] : memref<10000x128xf32, #tpu.memory_space<hbm>> -> memref<10000x128xf32, #tpu.memory_space<hbm>>
      tpu.wait_indirect_dma semaphore(%arg11 : memref<!tpu.dma_semaphore, #tpu.memory_space<semaphore_mem>>) src(%dma_wait3A_157 : memref<10000x128xf32, #tpu.memory_space<hbm>>) dst(%dma_wait3A_151 : memref<128x128xf32, #tpu.memory_space<vmem>>)
      %dma_start3A_158 = arith.constant 1 : i32
      %dma_start3A_159 = arith.constant 1 : i32
      %dma_start3A_160 = arith.constant 0 : i32
      %dma_start3A_161 = arith.constant 0 : i32
      %dma_start3A_162 = tpu.memref_slice %arg8[%dma_start3A_158, %dma_start3A_160, %dma_start3A_161] : memref<3x128x128xf32, #tpu.memory_space<vmem>> -> memref<1x128x128xf32, #tpu.memory_space<vmem>>
      %dma_start3A_163 = tpu.memref_squeeze %dma_start3A_162 : memref<1x128x128xf32, #tpu.memory_space<vmem>> -> memref<128x128xf32, #tpu.memory_space<vmem>>
      %dma_start3A_164 = arith.constant 0 : i32
      %dma_start3A_165 = tpu.memref_slice %arg7[%dma_start3A_159, %dma_start3A_164] : memref<3x128xi32, #tpu.memory_space<vmem>> -> memref<1x128xi32, #tpu.memory_space<vmem>>
      %dma_start3A_166 = tpu.memref_squeeze %dma_start3A_165 : memref<1x128xi32, #tpu.memory_space<vmem>> -> memref<128xi32, #tpu.memory_space<vmem>>
      %dma_start3A_167 = arith.constant 0 : i32
      %dma_start3A_168 = arith.constant 0 : i32
      %dma_start3A_169 = tpu.memref_slice %arg9[%dma_start3A_167, %dma_start3A_168] : memref<10112x128xf32, #tpu.memory_space<vmem_shared>> -> memref<10112x128xf32, #tpu.memory_space<vmem_shared>>
      tpu.enqueue_indirect_dma source(%dma_start3A_163 : memref<128x128xf32, #tpu.memory_space<vmem>>) target(%dma_start3A_169 : memref<10112x128xf32, #tpu.memory_space<vmem_shared>>) offsets(%dma_start3A_166 : memref<128xi32, #tpu.memory_space<vmem>>) semaphore(%arg14 : memref<!tpu.dma_semaphore, #tpu.memory_space<semaphore_mem>>) {add = true}
      %add3A_170 = arith.constant 2 : i32
      %add3A_171 = arith.addi %add3A_145, %add3A_170 : i32
      %lt3A_172 = arith.constant 81 : i32
      %lt3A_173 = arith.cmpi slt, %add3A_171, %lt3A_172 : i32
      %convert_element_type3A_174 = arith.extui %lt3A_173 : i1 to i32
      %cond3A_175 = arith.constant 0 : i32
      %cond3A_176 = arith.cmpi ne, %convert_element_type3A_174, %cond3A_175 : i32
      scf.if %cond3A_176 {
        %ge3A = arith.constant 1 : i32
        %ge3A_213 = arith.cmpi sge, %add3A_145, %ge3A : i32
        %convert_element_type3A_214 = arith.extui %ge3A_213 : i1 to i32
        %cond3A_215 = arith.constant 0 : i32
        %cond3A_216 = arith.cmpi ne, %convert_element_type3A_214, %cond3A_215 : i32
        scf.if %cond3A_216 {
          %dma_wait3A_233 = arith.constant 0 : i32
          %dma_wait3A_234 = arith.constant 0 : i32
          %dma_wait3A_235 = arith.constant 0 : i32
          %dma_wait3A_236 = arith.constant 0 : i32
          %dma_wait3A_237 = tpu.memref_slice %arg8[%dma_wait3A_233, %dma_wait3A_235, %dma_wait3A_236] : memref<3x128x128xf32, #tpu.memory_space<vmem>> -> memref<1x128x128xf32, #tpu.memory_space<vmem>>
          %dma_wait3A_238 = tpu.memref_squeeze %dma_wait3A_237 : memref<1x128x128xf32, #tpu.memory_space<vmem>> -> memref<128x128xf32, #tpu.memory_space<vmem>>
          %dma_wait3A_239 = arith.constant 0 : i32
          %dma_wait3A_240 = tpu.memref_slice %arg7[%dma_wait3A_234, %dma_wait3A_239] : memref<3x128xi32, #tpu.memory_space<vmem>> -> memref<1x128xi32, #tpu.memory_space<vmem>>
          %dma_wait3A_241 = tpu.memref_squeeze %dma_wait3A_240 : memref<1x128xi32, #tpu.memory_space<vmem>> -> memref<128xi32, #tpu.memory_space<vmem>>
          %dma_wait3A_242 = arith.constant 0 : i32
          %dma_wait3A_243 = arith.constant 0 : i32
          %dma_wait3A_244 = tpu.memref_slice %arg9[%dma_wait3A_242, %dma_wait3A_243] : memref<10112x128xf32, #tpu.memory_space<vmem_shared>> -> memref<10112x128xf32, #tpu.memory_space<vmem_shared>>
          tpu.wait_indirect_dma semaphore(%arg13 : memref<!tpu.dma_semaphore, #tpu.memory_space<semaphore_mem>>) src(%dma_wait3A_238 : memref<128x128xf32, #tpu.memory_space<vmem>>) dst(%dma_wait3A_244 : memref<10112x128xf32, #tpu.memory_space<vmem_shared>>)
        } else {
        }
        %add3A_217 = arith.constant 2 : i32
        %add3A_218 = arith.addi %add3A_145, %add3A_217 : i32
        %run_scoped3A_219 = arith.constant 0 : i32
        "tpu.region"() ({
          %run_scoped3A_233 = tpu.sem_alloc : memref<!tpu.dma_semaphore, #tpu.memory_space<semaphore_mem>>
          %dma_start3A_234 = arith.constant 0 : i32
          %dma_start3A_235 = tpu.memref_slice %arg6[%run_scoped3A_219, %dma_start3A_234] : memref<3x128xi32, #tpu.memory_space<vmem>> -> memref<1x128xi32, #tpu.memory_space<vmem>>
          %dma_start3A_236 = tpu.memref_squeeze %dma_start3A_235 : memref<1x128xi32, #tpu.memory_space<vmem>> -> memref<128xi32, #tpu.memory_space<vmem>>
          %dma_start3A_237 = arith.constant 0 : i32
          %dma_start3A_238 = tpu.memref_slice %arg3[%add3A, %add3A_218, %dma_start3A_237] : memref<32x81x128xi32, #tpu.memory_space<hbm>> -> memref<1x1x128xi32, #tpu.memory_space<hbm>>
          %dma_start3A_239 = tpu.memref_squeeze %dma_start3A_238 : memref<1x1x128xi32, #tpu.memory_space<hbm>> -> memref<128xi32, #tpu.memory_space<hbm>>
          %dma_start3A_240 = arith.constant 0 : i32
          %dma_start3A_241 = tpu.memref_slice %arg6[%run_scoped3A_219, %dma_start3A_240] : memref<3x128xi32, #tpu.memory_space<vmem>> -> memref<1x128xi32, #tpu.memory_space<vmem>>
          %dma_start3A_242 = tpu.memref_squeeze %dma_start3A_241 : memref<1x128xi32, #tpu.memory_space<vmem>> -> memref<128xi32, #tpu.memory_space<vmem>>
          %dma_start3A_243 = arith.constant 0 : i32
          %dma_start3A_244 = tpu.memref_slice %arg3[%add3A, %add3A_218, %dma_start3A_243] : memref<32x81x128xi32, #tpu.memory_space<hbm>> -> memref<1x1x128xi32, #tpu.memory_space<hbm>>
          %dma_start3A_245 = tpu.memref_squeeze %dma_start3A_244 : memref<1x1x128xi32, #tpu.memory_space<hbm>> -> memref<128xi32, #tpu.memory_space<hbm>>
          tpu.enqueue_dma source(%dma_start3A_245 : memref<128xi32, #tpu.memory_space<hbm>>) target(%dma_start3A_242 : memref<128xi32, #tpu.memory_space<vmem>>) target_semaphore(%run_scoped3A_233 : memref<!tpu.dma_semaphore, #tpu.memory_space<semaphore_mem>>)
          %dma_wait3A_246 = arith.constant 0 : i32
          %dma_wait3A_247 = tpu.memref_slice %arg6[%run_scoped3A_219, %dma_wait3A_246] : memref<3x128xi32, #tpu.memory_space<vmem>> -> memref<1x128xi32, #tpu.memory_space<vmem>>
          %dma_wait3A_248 = tpu.memref_squeeze %dma_wait3A_247 : memref<1x128xi32, #tpu.memory_space<vmem>> -> memref<128xi32, #tpu.memory_space<vmem>>
          %dma_wait3A_249 = arith.constant 0 : i32
          %dma_wait3A_250 = tpu.memref_slice %arg3[%add3A, %add3A_218, %dma_wait3A_249] : memref<32x81x128xi32, #tpu.memory_space<hbm>> -> memref<1x1x128xi32, #tpu.memory_space<hbm>>
          %dma_wait3A_251 = tpu.memref_squeeze %dma_wait3A_250 : memref<1x1x128xi32, #tpu.memory_space<hbm>> -> memref<128xi32, #tpu.memory_space<hbm>>
          %dma_wait3A_252 = arith.constant 0 : i32
          %dma_wait3A_253 = tpu.memref_slice %arg6[%run_scoped3A_219, %dma_wait3A_252] : memref<3x128xi32, #tpu.memory_space<vmem>> -> memref<1x128xi32, #tpu.memory_space<vmem>>
          %dma_wait3A_254 = tpu.memref_squeeze %dma_wait3A_253 : memref<1x128xi32, #tpu.memory_space<vmem>> -> memref<128xi32, #tpu.memory_space<vmem>>
          %dma_wait3A_255 = arith.constant 0 : i32
          %dma_wait3A_256 = tpu.memref_slice %arg3[%add3A, %add3A_218, %dma_wait3A_255] : memref<32x81x128xi32, #tpu.memory_space<hbm>> -> memref<1x1x128xi32, #tpu.memory_space<hbm>>
          %dma_wait3A_257 = tpu.memref_squeeze %dma_wait3A_256 : memref<1x1x128xi32, #tpu.memory_space<hbm>> -> memref<128xi32, #tpu.memory_space<hbm>>
          tpu.wait_dma2 semaphore(%run_scoped3A_233 : memref<!tpu.dma_semaphore, #tpu.memory_space<semaphore_mem>>) src(%dma_wait3A_257 : memref<128xi32, #tpu.memory_space<hbm>>) dst(%dma_wait3A_254 : memref<128xi32, #tpu.memory_space<vmem>>)
          tpu.yield
        }) : () -> ()
        %run_scoped3A_220 = arith.constant 0 : i32
        "tpu.region"() ({
          %run_scoped3A_233 = tpu.sem_alloc : memref<!tpu.dma_semaphore, #tpu.memory_space<semaphore_mem>>
          %dma_start3A_234 = arith.constant 0 : i32
          %dma_start3A_235 = tpu.memref_slice %arg7[%run_scoped3A_220, %dma_start3A_234] : memref<3x128xi32, #tpu.memory_space<vmem>> -> memref<1x128xi32, #tpu.memory_space<vmem>>
          %dma_start3A_236 = tpu.memref_squeeze %dma_start3A_235 : memref<1x128xi32, #tpu.memory_space<vmem>> -> memref<128xi32, #tpu.memory_space<vmem>>
          %dma_start3A_237 = arith.constant 0 : i32
          %dma_start3A_238 = tpu.memref_slice %arg4[%add3A, %add3A_218, %dma_start3A_237] : memref<32x81x128xi32, #tpu.memory_space<hbm>> -> memref<1x1x128xi32, #tpu.memory_space<hbm>>
          %dma_start3A_239 = tpu.memref_squeeze %dma_start3A_238 : memref<1x1x128xi32, #tpu.memory_space<hbm>> -> memref<128xi32, #tpu.memory_space<hbm>>
          %dma_start3A_240 = arith.constant 0 : i32
          %dma_start3A_241 = tpu.memref_slice %arg7[%run_scoped3A_220, %dma_start3A_240] : memref<3x128xi32, #tpu.memory_space<vmem>> -> memref<1x128xi32, #tpu.memory_space<vmem>>
          %dma_start3A_242 = tpu.memref_squeeze %dma_start3A_241 : memref<1x128xi32, #tpu.memory_space<vmem>> -> memref<128xi32, #tpu.memory_space<vmem>>
          %dma_start3A_243 = arith.constant 0 : i32
          %dma_start3A_244 = tpu.memref_slice %arg4[%add3A, %add3A_218, %dma_start3A_243] : memref<32x81x128xi32, #tpu.memory_space<hbm>> -> memref<1x1x128xi32, #tpu.memory_space<hbm>>
          %dma_start3A_245 = tpu.memref_squeeze %dma_start3A_244 : memref<1x1x128xi32, #tpu.memory_space<hbm>> -> memref<128xi32, #tpu.memory_space<hbm>>
          tpu.enqueue_dma source(%dma_start3A_245 : memref<128xi32, #tpu.memory_space<hbm>>) target(%dma_start3A_242 : memref<128xi32, #tpu.memory_space<vmem>>) target_semaphore(%run_scoped3A_233 : memref<!tpu.dma_semaphore, #tpu.memory_space<semaphore_mem>>)
          %dma_wait3A_246 = arith.constant 0 : i32
          %dma_wait3A_247 = tpu.memref_slice %arg7[%run_scoped3A_220, %dma_wait3A_246] : memref<3x128xi32, #tpu.memory_space<vmem>> -> memref<1x128xi32, #tpu.memory_space<vmem>>
          %dma_wait3A_248 = tpu.memref_squeeze %dma_wait3A_247 : memref<1x128xi32, #tpu.memory_space<vmem>> -> memref<128xi32, #tpu.memory_space<vmem>>
          %dma_wait3A_249 = arith.constant 0 : i32
          %dma_wait3A_250 = tpu.memref_slice %arg4[%add3A, %add3A_218, %dma_wait3A_249] : memref<32x81x128xi32, #tpu.memory_space<hbm>> -> memref<1x1x128xi32, #tpu.memory_space<hbm>>
          %dma_wait3A_251 = tpu.memref_squeeze %dma_wait3A_250 : memref<1x1x128xi32, #tpu.memory_space<hbm>> -> memref<128xi32, #tpu.memory_space<hbm>>
          %dma_wait3A_252 = arith.constant 0 : i32
          %dma_wait3A_253 = tpu.memref_slice %arg7[%run_scoped3A_220, %dma_wait3A_252] : memref<3x128xi32, #tpu.memory_space<vmem>> -> memref<1x128xi32, #tpu.memory_space<vmem>>
          %dma_wait3A_254 = tpu.memref_squeeze %dma_wait3A_253 : memref<1x128xi32, #tpu.memory_space<vmem>> -> memref<128xi32, #tpu.memory_space<vmem>>
          %dma_wait3A_255 = arith.constant 0 : i32
          %dma_wait3A_256 = tpu.memref_slice %arg4[%add3A, %add3A_218, %dma_wait3A_255] : memref<32x81x128xi32, #tpu.memory_space<hbm>> -> memref<1x1x128xi32, #tpu.memory_space<hbm>>
          %dma_wait3A_257 = tpu.memref_squeeze %dma_wait3A_256 : memref<1x1x128xi32, #tpu.memory_space<hbm>> -> memref<128xi32, #tpu.memory_space<hbm>>
          tpu.wait_dma2 semaphore(%run_scoped3A_233 : memref<!tpu.dma_semaphore, #tpu.memory_space<semaphore_mem>>) src(%dma_wait3A_257 : memref<128xi32, #tpu.memory_space<hbm>>) dst(%dma_wait3A_254 : memref<128xi32, #tpu.memory_space<vmem>>)
          tpu.yield
        }) : () -> ()
        %dma_start3A_221 = arith.constant 0 : i32
        %dma_start3A_222 = arith.constant 0 : i32
        %dma_start3A_223 = arith.constant 0 : i32
        %dma_start3A_224 = arith.constant 0 : i32
        %dma_start3A_225 = tpu.memref_slice %arg8[%dma_start3A_222, %dma_start3A_223, %dma_start3A_224] : memref<3x128x128xf32, #tpu.memory_space<vmem>> -> memref<1x128x128xf32, #tpu.memory_space<vmem>>
        %dma_start3A_226 = tpu.memref_squeeze %dma_start3A_225 : memref<1x128x128xf32, #tpu.memory_space<vmem>> -> memref<128x128xf32, #tpu.memory_space<vmem>>
        %dma_start3A_227 = arith.constant 0 : i32
        %dma_start3A_228 = tpu.memref_slice %arg6[%dma_start3A_221, %dma_start3A_227] : memref<3x128xi32, #tpu.memory_space<vmem>> -> memref<1x128xi32, #tpu.memory_space<vmem>>
        %dma_start3A_229 = tpu.memref_squeeze %dma_start3A_228 : memref<1x128xi32, #tpu.memory_space<vmem>> -> memref<128xi32, #tpu.memory_space<vmem>>
        %dma_start3A_230 = arith.constant 0 : i32
        %dma_start3A_231 = arith.constant 0 : i32
        %dma_start3A_232 = tpu.memref_slice %arg2[%dma_start3A_230, %dma_start3A_231] : memref<10000x128xf32, #tpu.memory_space<hbm>> -> memref<10000x128xf32, #tpu.memory_space<hbm>>
        tpu.enqueue_indirect_dma source(%dma_start3A_232 : memref<10000x128xf32, #tpu.memory_space<hbm>>) target(%dma_start3A_226 : memref<128x128xf32, #tpu.memory_space<vmem>>) offsets(%dma_start3A_229 : memref<128xi32, #tpu.memory_space<vmem>>) semaphore(%arg10 : memref<!tpu.dma_semaphore, #tpu.memory_space<semaphore_mem>>)
      } else {
      }
      %mul3A_177 = arith.constant 3 : i32
      %mul3A_178 = arith.muli %mul3A_177, %scan3A_108 : i32
      %add3A_179 = arith.constant 2 : i32
      %add3A_180 = arith.addi %mul3A_178, %add3A_179 : i32
      %dma_wait3A_181 = arith.constant 2 : i32
      %dma_wait3A_182 = arith.constant 2 : i32
      %dma_wait3A_183 = arith.constant 0 : i32
      %dma_wait3A_184 = arith.constant 0 : i32
      %dma_wait3A_185 = tpu.memref_slice %arg8[%dma_wait3A_182, %dma_wait3A_183, %dma_wait3A_184] : memref<3x128x128xf32, #tpu.memory_space<vmem>> -> memref<1x128x128xf32, #tpu.memory_space<vmem>>
      %dma_wait3A_186 = tpu.memref_squeeze %dma_wait3A_185 : memref<1x128x128xf32, #tpu.memory_space<vmem>> -> memref<128x128xf32, #tpu.memory_space<vmem>>
      %dma_wait3A_187 = arith.constant 0 : i32
      %dma_wait3A_188 = tpu.memref_slice %arg6[%dma_wait3A_181, %dma_wait3A_187] : memref<3x128xi32, #tpu.memory_space<vmem>> -> memref<1x128xi32, #tpu.memory_space<vmem>>
      %dma_wait3A_189 = tpu.memref_squeeze %dma_wait3A_188 : memref<1x128xi32, #tpu.memory_space<vmem>> -> memref<128xi32, #tpu.memory_space<vmem>>
      %dma_wait3A_190 = arith.constant 0 : i32
      %dma_wait3A_191 = arith.constant 0 : i32
      %dma_wait3A_192 = tpu.memref_slice %arg2[%dma_wait3A_190, %dma_wait3A_191] : memref<10000x128xf32, #tpu.memory_space<hbm>> -> memref<10000x128xf32, #tpu.memory_space<hbm>>
      tpu.wait_indirect_dma semaphore(%arg12 : memref<!tpu.dma_semaphore, #tpu.memory_space<semaphore_mem>>) src(%dma_wait3A_192 : memref<10000x128xf32, #tpu.memory_space<hbm>>) dst(%dma_wait3A_186 : memref<128x128xf32, #tpu.memory_space<vmem>>)
      %dma_start3A_193 = arith.constant 2 : i32
      %dma_start3A_194 = arith.constant 2 : i32
      %dma_start3A_195 = arith.constant 0 : i32
      %dma_start3A_196 = arith.constant 0 : i32
      %dma_start3A_197 = tpu.memref_slice %arg8[%dma_start3A_193, %dma_start3A_195, %dma_start3A_196] : memref<3x128x128xf32, #tpu.memory_space<vmem>> -> memref<1x128x128xf32, #tpu.memory_space<vmem>>
      %dma_start3A_198 = tpu.memref_squeeze %dma_start3A_197 : memref<1x128x128xf32, #tpu.memory_space<vmem>> -> memref<128x128xf32, #tpu.memory_space<vmem>>
      %dma_start3A_199 = arith.constant 0 : i32
      %dma_start3A_200 = tpu.memref_slice %arg7[%dma_start3A_194, %dma_start3A_199] : memref<3x128xi32, #tpu.memory_space<vmem>> -> memref<1x128xi32, #tpu.memory_space<vmem>>
      %dma_start3A_201 = tpu.memref_squeeze %dma_start3A_200 : memref<1x128xi32, #tpu.memory_space<vmem>> -> memref<128xi32, #tpu.memory_space<vmem>>
      %dma_start3A_202 = arith.constant 0 : i32
      %dma_start3A_203 = arith.constant 0 : i32
      %dma_start3A_204 = tpu.memref_slice %arg9[%dma_start3A_202, %dma_start3A_203] : memref<10112x128xf32, #tpu.memory_space<vmem_shared>> -> memref<10112x128xf32, #tpu.memory_space<vmem_shared>>
      tpu.enqueue_indirect_dma source(%dma_start3A_198 : memref<128x128xf32, #tpu.memory_space<vmem>>) target(%dma_start3A_204 : memref<10112x128xf32, #tpu.memory_space<vmem_shared>>) offsets(%dma_start3A_201 : memref<128xi32, #tpu.memory_space<vmem>>) semaphore(%arg15 : memref<!tpu.dma_semaphore, #tpu.memory_space<semaphore_mem>>) {add = true}
      %add3A_205 = arith.constant 2 : i32
      %add3A_206 = arith.addi %add3A_180, %add3A_205 : i32
      %lt3A_207 = arith.constant 81 : i32
      %lt3A_208 = arith.cmpi slt, %add3A_206, %lt3A_207 : i32
      %convert_element_type3A_209 = arith.extui %lt3A_208 : i1 to i32
      %cond3A_210 = arith.constant 0 : i32
      %cond3A_211 = arith.cmpi ne, %convert_element_type3A_209, %cond3A_210 : i32
      scf.if %cond3A_211 {
        %ge3A = arith.constant 1 : i32
        %ge3A_213 = arith.cmpi sge, %add3A_180, %ge3A : i32
        %convert_element_type3A_214 = arith.extui %ge3A_213 : i1 to i32
        %cond3A_215 = arith.constant 0 : i32
        %cond3A_216 = arith.cmpi ne, %convert_element_type3A_214, %cond3A_215 : i32
        scf.if %cond3A_216 {
          %dma_wait3A_233 = arith.constant 1 : i32
          %dma_wait3A_234 = arith.constant 1 : i32
          %dma_wait3A_235 = arith.constant 0 : i32
          %dma_wait3A_236 = arith.constant 0 : i32
          %dma_wait3A_237 = tpu.memref_slice %arg8[%dma_wait3A_233, %dma_wait3A_235, %dma_wait3A_236] : memref<3x128x128xf32, #tpu.memory_space<vmem>> -> memref<1x128x128xf32, #tpu.memory_space<vmem>>
          %dma_wait3A_238 = tpu.memref_squeeze %dma_wait3A_237 : memref<1x128x128xf32, #tpu.memory_space<vmem>> -> memref<128x128xf32, #tpu.memory_space<vmem>>
          %dma_wait3A_239 = arith.constant 0 : i32
          %dma_wait3A_240 = tpu.memref_slice %arg7[%dma_wait3A_234, %dma_wait3A_239] : memref<3x128xi32, #tpu.memory_space<vmem>> -> memref<1x128xi32, #tpu.memory_space<vmem>>
          %dma_wait3A_241 = tpu.memref_squeeze %dma_wait3A_240 : memref<1x128xi32, #tpu.memory_space<vmem>> -> memref<128xi32, #tpu.memory_space<vmem>>
          %dma_wait3A_242 = arith.constant 0 : i32
          %dma_wait3A_243 = arith.constant 0 : i32
          %dma_wait3A_244 = tpu.memref_slice %arg9[%dma_wait3A_242, %dma_wait3A_243] : memref<10112x128xf32, #tpu.memory_space<vmem_shared>> -> memref<10112x128xf32, #tpu.memory_space<vmem_shared>>
          tpu.wait_indirect_dma semaphore(%arg14 : memref<!tpu.dma_semaphore, #tpu.memory_space<semaphore_mem>>) src(%dma_wait3A_238 : memref<128x128xf32, #tpu.memory_space<vmem>>) dst(%dma_wait3A_244 : memref<10112x128xf32, #tpu.memory_space<vmem_shared>>)
        } else {
        }
        %add3A_217 = arith.constant 2 : i32
        %add3A_218 = arith.addi %add3A_180, %add3A_217 : i32
        %run_scoped3A_219 = arith.constant 1 : i32
        "tpu.region"() ({
          %run_scoped3A_233 = tpu.sem_alloc : memref<!tpu.dma_semaphore, #tpu.memory_space<semaphore_mem>>
          %dma_start3A_234 = arith.constant 0 : i32
          %dma_start3A_235 = tpu.memref_slice %arg6[%run_scoped3A_219, %dma_start3A_234] : memref<3x128xi32, #tpu.memory_space<vmem>> -> memref<1x128xi32, #tpu.memory_space<vmem>>
          %dma_start3A_236 = tpu.memref_squeeze %dma_start3A_235 : memref<1x128xi32, #tpu.memory_space<vmem>> -> memref<128xi32, #tpu.memory_space<vmem>>
          %dma_start3A_237 = arith.constant 0 : i32
          %dma_start3A_238 = tpu.memref_slice %arg3[%add3A, %add3A_218, %dma_start3A_237] : memref<32x81x128xi32, #tpu.memory_space<hbm>> -> memref<1x1x128xi32, #tpu.memory_space<hbm>>
          %dma_start3A_239 = tpu.memref_squeeze %dma_start3A_238 : memref<1x1x128xi32, #tpu.memory_space<hbm>> -> memref<128xi32, #tpu.memory_space<hbm>>
          %dma_start3A_240 = arith.constant 0 : i32
          %dma_start3A_241 = tpu.memref_slice %arg6[%run_scoped3A_219, %dma_start3A_240] : memref<3x128xi32, #tpu.memory_space<vmem>> -> memref<1x128xi32, #tpu.memory_space<vmem>>
          %dma_start3A_242 = tpu.memref_squeeze %dma_start3A_241 : memref<1x128xi32, #tpu.memory_space<vmem>> -> memref<128xi32, #tpu.memory_space<vmem>>
          %dma_start3A_243 = arith.constant 0 : i32
          %dma_start3A_244 = tpu.memref_slice %arg3[%add3A, %add3A_218, %dma_start3A_243] : memref<32x81x128xi32, #tpu.memory_space<hbm>> -> memref<1x1x128xi32, #tpu.memory_space<hbm>>
          %dma_start3A_245 = tpu.memref_squeeze %dma_start3A_244 : memref<1x1x128xi32, #tpu.memory_space<hbm>> -> memref<128xi32, #tpu.memory_space<hbm>>
          tpu.enqueue_dma source(%dma_start3A_245 : memref<128xi32, #tpu.memory_space<hbm>>) target(%dma_start3A_242 : memref<128xi32, #tpu.memory_space<vmem>>) target_semaphore(%run_scoped3A_233 : memref<!tpu.dma_semaphore, #tpu.memory_space<semaphore_mem>>)
          %dma_wait3A_246 = arith.constant 0 : i32
          %dma_wait3A_247 = tpu.memref_slice %arg6[%run_scoped3A_219, %dma_wait3A_246] : memref<3x128xi32, #tpu.memory_space<vmem>> -> memref<1x128xi32, #tpu.memory_space<vmem>>
          %dma_wait3A_248 = tpu.memref_squeeze %dma_wait3A_247 : memref<1x128xi32, #tpu.memory_space<vmem>> -> memref<128xi32, #tpu.memory_space<vmem>>
          %dma_wait3A_249 = arith.constant 0 : i32
          %dma_wait3A_250 = tpu.memref_slice %arg3[%add3A, %add3A_218, %dma_wait3A_249] : memref<32x81x128xi32, #tpu.memory_space<hbm>> -> memref<1x1x128xi32, #tpu.memory_space<hbm>>
          %dma_wait3A_251 = tpu.memref_squeeze %dma_wait3A_250 : memref<1x1x128xi32, #tpu.memory_space<hbm>> -> memref<128xi32, #tpu.memory_space<hbm>>
          %dma_wait3A_252 = arith.constant 0 : i32
          %dma_wait3A_253 = tpu.memref_slice %arg6[%run_scoped3A_219, %dma_wait3A_252] : memref<3x128xi32, #tpu.memory_space<vmem>> -> memref<1x128xi32, #tpu.memory_space<vmem>>
          %dma_wait3A_254 = tpu.memref_squeeze %dma_wait3A_253 : memref<1x128xi32, #tpu.memory_space<vmem>> -> memref<128xi32, #tpu.memory_space<vmem>>
          %dma_wait3A_255 = arith.constant 0 : i32
          %dma_wait3A_256 = tpu.memref_slice %arg3[%add3A, %add3A_218, %dma_wait3A_255] : memref<32x81x128xi32, #tpu.memory_space<hbm>> -> memref<1x1x128xi32, #tpu.memory_space<hbm>>
          %dma_wait3A_257 = tpu.memref_squeeze %dma_wait3A_256 : memref<1x1x128xi32, #tpu.memory_space<hbm>> -> memref<128xi32, #tpu.memory_space<hbm>>
          tpu.wait_dma2 semaphore(%run_scoped3A_233 : memref<!tpu.dma_semaphore, #tpu.memory_space<semaphore_mem>>) src(%dma_wait3A_257 : memref<128xi32, #tpu.memory_space<hbm>>) dst(%dma_wait3A_254 : memref<128xi32, #tpu.memory_space<vmem>>)
          tpu.yield
        }) : () -> ()
        %run_scoped3A_220 = arith.constant 1 : i32
        "tpu.region"() ({
          %run_scoped3A_233 = tpu.sem_alloc : memref<!tpu.dma_semaphore, #tpu.memory_space<semaphore_mem>>
          %dma_start3A_234 = arith.constant 0 : i32
          %dma_start3A_235 = tpu.memref_slice %arg7[%run_scoped3A_220, %dma_start3A_234] : memref<3x128xi32, #tpu.memory_space<vmem>> -> memref<1x128xi32, #tpu.memory_space<vmem>>
          %dma_start3A_236 = tpu.memref_squeeze %dma_start3A_235 : memref<1x128xi32, #tpu.memory_space<vmem>> -> memref<128xi32, #tpu.memory_space<vmem>>
          %dma_start3A_237 = arith.constant 0 : i32
          %dma_start3A_238 = tpu.memref_slice %arg4[%add3A, %add3A_218, %dma_start3A_237] : memref<32x81x128xi32, #tpu.memory_space<hbm>> -> memref<1x1x128xi32, #tpu.memory_space<hbm>>
          %dma_start3A_239 = tpu.memref_squeeze %dma_start3A_238 : memref<1x1x128xi32, #tpu.memory_space<hbm>> -> memref<128xi32, #tpu.memory_space<hbm>>
          %dma_start3A_240 = arith.constant 0 : i32
          %dma_start3A_241 = tpu.memref_slice %arg7[%run_scoped3A_220, %dma_start3A_240] : memref<3x128xi32, #tpu.memory_space<vmem>> -> memref<1x128xi32, #tpu.memory_space<vmem>>
          %dma_start3A_242 = tpu.memref_squeeze %dma_start3A_241 : memref<1x128xi32, #tpu.memory_space<vmem>> -> memref<128xi32, #tpu.memory_space<vmem>>
          %dma_start3A_243 = arith.constant 0 : i32
          %dma_start3A_244 = tpu.memref_slice %arg4[%add3A, %add3A_218, %dma_start3A_243] : memref<32x81x128xi32, #tpu.memory_space<hbm>> -> memref<1x1x128xi32, #tpu.memory_space<hbm>>
          %dma_start3A_245 = tpu.memref_squeeze %dma_start3A_244 : memref<1x1x128xi32, #tpu.memory_space<hbm>> -> memref<128xi32, #tpu.memory_space<hbm>>
          tpu.enqueue_dma source(%dma_start3A_245 : memref<128xi32, #tpu.memory_space<hbm>>) target(%dma_start3A_242 : memref<128xi32, #tpu.memory_space<vmem>>) target_semaphore(%run_scoped3A_233 : memref<!tpu.dma_semaphore, #tpu.memory_space<semaphore_mem>>)
          %dma_wait3A_246 = arith.constant 0 : i32
          %dma_wait3A_247 = tpu.memref_slice %arg7[%run_scoped3A_220, %dma_wait3A_246] : memref<3x128xi32, #tpu.memory_space<vmem>> -> memref<1x128xi32, #tpu.memory_space<vmem>>
          %dma_wait3A_248 = tpu.memref_squeeze %dma_wait3A_247 : memref<1x128xi32, #tpu.memory_space<vmem>> -> memref<128xi32, #tpu.memory_space<vmem>>
          %dma_wait3A_249 = arith.constant 0 : i32
          %dma_wait3A_250 = tpu.memref_slice %arg4[%add3A, %add3A_218, %dma_wait3A_249] : memref<32x81x128xi32, #tpu.memory_space<hbm>> -> memref<1x1x128xi32, #tpu.memory_space<hbm>>
          %dma_wait3A_251 = tpu.memref_squeeze %dma_wait3A_250 : memref<1x1x128xi32, #tpu.memory_space<hbm>> -> memref<128xi32, #tpu.memory_space<hbm>>
          %dma_wait3A_252 = arith.constant 0 : i32
          %dma_wait3A_253 = tpu.memref_slice %arg7[%run_scoped3A_220, %dma_wait3A_252] : memref<3x128xi32, #tpu.memory_space<vmem>> -> memref<1x128xi32, #tpu.memory_space<vmem>>
          %dma_wait3A_254 = tpu.memref_squeeze %dma_wait3A_253 : memref<1x128xi32, #tpu.memory_space<vmem>> -> memref<128xi32, #tpu.memory_space<vmem>>
          %dma_wait3A_255 = arith.constant 0 : i32
          %dma_wait3A_256 = tpu.memref_slice %arg4[%add3A, %add3A_218, %dma_wait3A_255] : memref<32x81x128xi32, #tpu.memory_space<hbm>> -> memref<1x1x128xi32, #tpu.memory_space<hbm>>
          %dma_wait3A_257 = tpu.memref_squeeze %dma_wait3A_256 : memref<1x1x128xi32, #tpu.memory_space<hbm>> -> memref<128xi32, #tpu.memory_space<hbm>>
          tpu.wait_dma2 semaphore(%run_scoped3A_233 : memref<!tpu.dma_semaphore, #tpu.memory_space<semaphore_mem>>) src(%dma_wait3A_257 : memref<128xi32, #tpu.memory_space<hbm>>) dst(%dma_wait3A_254 : memref<128xi32, #tpu.memory_space<vmem>>)
          tpu.yield
        }) : () -> ()
        %dma_start3A_221 = arith.constant 1 : i32
        %dma_start3A_222 = arith.constant 1 : i32
        %dma_start3A_223 = arith.constant 0 : i32
        %dma_start3A_224 = arith.constant 0 : i32
        %dma_start3A_225 = tpu.memref_slice %arg8[%dma_start3A_222, %dma_start3A_223, %dma_start3A_224] : memref<3x128x128xf32, #tpu.memory_space<vmem>> -> memref<1x128x128xf32, #tpu.memory_space<vmem>>
        %dma_start3A_226 = tpu.memref_squeeze %dma_start3A_225 : memref<1x128x128xf32, #tpu.memory_space<vmem>> -> memref<128x128xf32, #tpu.memory_space<vmem>>
        %dma_start3A_227 = arith.constant 0 : i32
        %dma_start3A_228 = tpu.memref_slice %arg6[%dma_start3A_221, %dma_start3A_227] : memref<3x128xi32, #tpu.memory_space<vmem>> -> memref<1x128xi32, #tpu.memory_space<vmem>>
        %dma_start3A_229 = tpu.memref_squeeze %dma_start3A_228 : memref<1x128xi32, #tpu.memory_space<vmem>> -> memref<128xi32, #tpu.memory_space<vmem>>
        %dma_start3A_230 = arith.constant 0 : i32
        %dma_start3A_231 = arith.constant 0 : i32
        %dma_start3A_232 = tpu.memref_slice %arg2[%dma_start3A_230, %dma_start3A_231] : memref<10000x128xf32, #tpu.memory_space<hbm>> -> memref<10000x128xf32, #tpu.memory_space<hbm>>
        tpu.enqueue_indirect_dma source(%dma_start3A_232 : memref<10000x128xf32, #tpu.memory_space<hbm>>) target(%dma_start3A_226 : memref<128x128xf32, #tpu.memory_space<vmem>>) offsets(%dma_start3A_229 : memref<128xi32, #tpu.memory_space<vmem>>) semaphore(%arg11 : memref<!tpu.dma_semaphore, #tpu.memory_space<semaphore_mem>>)
      } else {
      }
      %scan3A_212 = arith.constant 0 : i32
      scf.yield %scan3A_212 : i32
    }
    %scan3A_69 = arith.constant 27 : i32
    %dma_wait3A = arith.constant 0 : i32
    %dma_wait3A_70 = arith.constant 0 : i32
    %dma_wait3A_71 = arith.constant 0 : i32
    %dma_wait3A_72 = arith.constant 0 : i32
    %dma_wait3A_73 = tpu.memref_slice %arg8[%dma_wait3A, %dma_wait3A_71, %dma_wait3A_72] : memref<3x128x128xf32, #tpu.memory_space<vmem>> -> memref<1x128x128xf32, #tpu.memory_space<vmem>>
    %dma_wait3A_74 = tpu.memref_squeeze %dma_wait3A_73 : memref<1x128x128xf32, #tpu.memory_space<vmem>> -> memref<128x128xf32, #tpu.memory_space<vmem>>
    %dma_wait3A_75 = arith.constant 0 : i32
    %dma_wait3A_76 = tpu.memref_slice %arg7[%dma_wait3A_70, %dma_wait3A_75] : memref<3x128xi32, #tpu.memory_space<vmem>> -> memref<1x128xi32, #tpu.memory_space<vmem>>
    %dma_wait3A_77 = tpu.memref_squeeze %dma_wait3A_76 : memref<1x128xi32, #tpu.memory_space<vmem>> -> memref<128xi32, #tpu.memory_space<vmem>>
    %dma_wait3A_78 = arith.constant 0 : i32
    %dma_wait3A_79 = arith.constant 0 : i32
    %dma_wait3A_80 = tpu.memref_slice %arg9[%dma_wait3A_78, %dma_wait3A_79] : memref<10112x128xf32, #tpu.memory_space<vmem_shared>> -> memref<10112x128xf32, #tpu.memory_space<vmem_shared>>
    tpu.wait_indirect_dma semaphore(%arg13 : memref<!tpu.dma_semaphore, #tpu.memory_space<semaphore_mem>>) src(%dma_wait3A_74 : memref<128x128xf32, #tpu.memory_space<vmem>>) dst(%dma_wait3A_80 : memref<10112x128xf32, #tpu.memory_space<vmem_shared>>)
    %dma_wait3A_81 = arith.constant 1 : i32
    %dma_wait3A_82 = arith.constant 1 : i32
    %dma_wait3A_83 = arith.constant 0 : i32
    %dma_wait3A_84 = arith.constant 0 : i32
    %dma_wait3A_85 = tpu.memref_slice %arg8[%dma_wait3A_81, %dma_wait3A_83, %dma_wait3A_84] : memref<3x128x128xf32, #tpu.memory_space<vmem>> -> memref<1x128x128xf32, #tpu.memory_space<vmem>>
    %dma_wait3A_86 = tpu.memref_squeeze %dma_wait3A_85 : memref<1x128x128xf32, #tpu.memory_space<vmem>> -> memref<128x128xf32, #tpu.memory_space<vmem>>
    %dma_wait3A_87 = arith.constant 0 : i32
    %dma_wait3A_88 = tpu.memref_slice %arg7[%dma_wait3A_82, %dma_wait3A_87] : memref<3x128xi32, #tpu.memory_space<vmem>> -> memref<1x128xi32, #tpu.memory_space<vmem>>
    %dma_wait3A_89 = tpu.memref_squeeze %dma_wait3A_88 : memref<1x128xi32, #tpu.memory_space<vmem>> -> memref<128xi32, #tpu.memory_space<vmem>>
    %dma_wait3A_90 = arith.constant 0 : i32
    %dma_wait3A_91 = arith.constant 0 : i32
    %dma_wait3A_92 = tpu.memref_slice %arg9[%dma_wait3A_90, %dma_wait3A_91] : memref<10112x128xf32, #tpu.memory_space<vmem_shared>> -> memref<10112x128xf32, #tpu.memory_space<vmem_shared>>
    tpu.wait_indirect_dma semaphore(%arg14 : memref<!tpu.dma_semaphore, #tpu.memory_space<semaphore_mem>>) src(%dma_wait3A_86 : memref<128x128xf32, #tpu.memory_space<vmem>>) dst(%dma_wait3A_92 : memref<10112x128xf32, #tpu.memory_space<vmem_shared>>)
    %dma_wait3A_93 = arith.constant 2 : i32
    %dma_wait3A_94 = arith.constant 2 : i32
    %dma_wait3A_95 = arith.constant 0 : i32
    %dma_wait3A_96 = arith.constant 0 : i32
    %dma_wait3A_97 = tpu.memref_slice %arg8[%dma_wait3A_93, %dma_wait3A_95, %dma_wait3A_96] : memref<3x128x128xf32, #tpu.memory_space<vmem>> -> memref<1x128x128xf32, #tpu.memory_space<vmem>>
    %dma_wait3A_98 = tpu.memref_squeeze %dma_wait3A_97 : memref<1x128x128xf32, #tpu.memory_space<vmem>> -> memref<128x128xf32, #tpu.memory_space<vmem>>
    %dma_wait3A_99 = arith.constant 0 : i32
    %dma_wait3A_100 = tpu.memref_slice %arg7[%dma_wait3A_94, %dma_wait3A_99] : memref<3x128xi32, #tpu.memory_space<vmem>> -> memref<1x128xi32, #tpu.memory_space<vmem>>
    %dma_wait3A_101 = tpu.memref_squeeze %dma_wait3A_100 : memref<1x128xi32, #tpu.memory_space<vmem>> -> memref<128xi32, #tpu.memory_space<vmem>>
    %dma_wait3A_102 = arith.constant 0 : i32
    %dma_wait3A_103 = arith.constant 0 : i32
    %dma_wait3A_104 = tpu.memref_slice %arg9[%dma_wait3A_102, %dma_wait3A_103] : memref<10112x128xf32, #tpu.memory_space<vmem_shared>> -> memref<10112x128xf32, #tpu.memory_space<vmem_shared>>
    tpu.wait_indirect_dma semaphore(%arg15 : memref<!tpu.dma_semaphore, #tpu.memory_space<semaphore_mem>>) src(%dma_wait3A_98 : memref<128x128xf32, #tpu.memory_space<vmem>>) dst(%dma_wait3A_104 : memref<10112x128xf32, #tpu.memory_space<vmem_shared>>)
    %barrier3A_105 = arith.constant 0 : index
    tpu.barrier barrier_id(%barrier3A_105)
    %mul3A_106 = arith.constant 632 : i32
    %mul3A_107 = arith.muli %arg1, %mul3A_106 : i32
    "tpu.region"() ({
      %run_scoped3A_108 = tpu.sem_alloc : memref<!tpu.dma_semaphore, #tpu.memory_space<semaphore_mem>>
      %dma_start3A_109 = arith.constant 0 : i32
      %dma_start3A_110 = tpu.memref_slice %arg5[%arg0, %mul3A_107, %dma_start3A_109] : memref<2x10112x128xf32, #tpu.memory_space<hbm>> -> memref<1x632x128xf32, #tpu.memory_space<hbm>>
      %dma_start3A_111 = tpu.memref_squeeze %dma_start3A_110 : memref<1x632x128xf32, #tpu.memory_space<hbm>> -> memref<632x128xf32, #tpu.memory_space<hbm>>
      %dma_start3A_112 = arith.constant 0 : i32
      %dma_start3A_113 = tpu.memref_slice %arg9[%mul3A_107, %dma_start3A_112] : memref<10112x128xf32, #tpu.memory_space<vmem_shared>> -> memref<632x128xf32, #tpu.memory_space<vmem_shared>>
      tpu.enqueue_dma source(%dma_start3A_113 : memref<632x128xf32, #tpu.memory_space<vmem_shared>>) target(%dma_start3A_111 : memref<632x128xf32, #tpu.memory_space<hbm>>) target_semaphore(%run_scoped3A_108 : memref<!tpu.dma_semaphore, #tpu.memory_space<semaphore_mem>>)
      %dma_wait3A_114 = arith.constant 0 : i32
      %dma_wait3A_115 = tpu.memref_slice %arg5[%arg0, %mul3A_107, %dma_wait3A_114] : memref<2x10112x128xf32, #tpu.memory_space<hbm>> -> memref<1x632x128xf32, #tpu.memory_space<hbm>>
      %dma_wait3A_116 = tpu.memref_squeeze %dma_wait3A_115 : memref<1x632x128xf32, #tpu.memory_space<hbm>> -> memref<632x128xf32, #tpu.memory_space<hbm>>
      %dma_wait3A_117 = arith.constant 0 : i32
      %dma_wait3A_118 = tpu.memref_slice %arg9[%mul3A_107, %dma_wait3A_117] : memref<10112x128xf32, #tpu.memory_space<vmem_shared>> -> memref<632x128xf32, #tpu.memory_space<vmem_shared>>
      tpu.wait_dma2 semaphore(%run_scoped3A_108 : memref<!tpu.dma_semaphore, #tpu.memory_space<semaphore_mem>>) src(%dma_wait3A_118 : memref<632x128xf32, #tpu.memory_space<vmem_shared>>) dst(%dma_wait3A_116 : memref<632x128xf32, #tpu.memory_space<hbm>>)
      tpu.yield
    }) : () -> ()
    return
  }
}

#map = affine_map<(d0, d1) -> (0, 0)>
#map1 = affine_map<(d0, d1) -> (0, 0, 0)>
module attributes {stable_mosaic.version = 14 : i64} {
  func.func @body(%arg0: i32, %arg1: i32, %arg2: memref<10000x128xf32, #tpu.memory_space<hbm>>, %arg3: memref<32x81x128xi32, #tpu.memory_space<hbm>>, %arg4: memref<32x81x128xi32, #tpu.memory_space<hbm>>, %arg5: memref<2x10112x128xf32, #tpu.memory_space<hbm>>, %arg6: memref<3x128xi32, #tpu.memory_space<vmem>>, %arg7: memref<3x128xi32, #tpu.memory_space<vmem>>, %arg8: memref<3x128x128xf32, #tpu.memory_space<vmem>>, %arg9: memref<10112x128xf32, #tpu.memory_space<vmem_shared>>, %arg10: memref<!tpu.dma_semaphore, #tpu.memory_space<semaphore_mem>>, %arg11: memref<!tpu.dma_semaphore, #tpu.memory_space<semaphore_mem>>, %arg12: memref<!tpu.dma_semaphore, #tpu.memory_space<semaphore_mem>>, %arg13: memref<!tpu.dma_semaphore, #tpu.memory_space<semaphore_mem>>, %arg14: memref<!tpu.dma_semaphore, #tpu.memory_space<semaphore_mem>>, %arg15: memref<!tpu.dma_semaphore, #tpu.memory_space<semaphore_mem>>) attributes {dimension_semantics = [#tpu.dimension_semantics<core_parallel>, #tpu.dimension_semantics<subcore_parallel>], iteration_bounds = array<i64: 2, 16>, scalar_prefetch = 0 : i64, scratch_operands = 10 : i64, tpu.core_type = #tpu.core_type<sc_vector_subcore>, window_params = [{transform_indices = #map}, {transform_indices = #map1}, {transform_indices = #map1}, {transform_indices = #map1}]} {
    %mul3A = arith.constant 2 : i32
    %mul3A_0 = arith.muli %arg1, %mul3A : i32
    %add3A = arith.addi %mul3A_0, %arg0 : i32
    %scan3A = arith.constant 0 : i32
    %scan3A_1 = arith.constant 0 : i32
    %scan3A_2 = arith.constant 0 : i32
    %scan3A_3 = arith.constant 128 : i32
    %scan3A_4 = arith.addi %scan3A_2, %scan3A_3 : i32
    %scan3A_5 = arith.constant 1 : i32
    %scan3A_6 = scf.for %scan3A_108 = %scan3A_2 to %scan3A_4 step %scan3A_5 iter_args(%scan3A_109 = %scan3A_1) -> (i32)  : i32 {
      %broadcast_in_dim3A = arith.constant 0.000000e+00 : f32
      %broadcast_in_dim3A_110 = vector.broadcast %broadcast_in_dim3A : f32 to vector<16xf32>
      %swap3A = arith.constant 0 : i32
      %swap3A_111 = arith.constant 0 : i32
      %swap3A_112 = tpu.memref_slice %arg8[%scan3A, %swap3A, %swap3A_111] : memref<3x128x128xf32, #tpu.memory_space<vmem>> -> memref<1x128x128xf32, #tpu.memory_space<vmem>>
      %swap3A_113 = tpu.memref_squeeze %swap3A_112 : memref<1x128x128xf32, #tpu.memory_space<vmem>> -> memref<128x128xf32, #tpu.memory_space<vmem>>
      %swap3A_114 = arith.index_cast %scan3A_108 : i32 to index
      %swap3A_115 = arith.constant 0 : index
      %swap3A_116 = tpu.vector_load %swap3A_113[%swap3A_114, %swap3A_115] {strides = array<i32>} : memref<128x128xf32, #tpu.memory_space<vmem>>, vector<1x16xf32>,
      %swap3A_117 = vector.shape_cast %swap3A_116 : vector<1x16xf32> to vector<16xf32>
      %swap3A_118 = vector.shape_cast %broadcast_in_dim3A_110 : vector<16xf32> to vector<1x16xf32>
      tpu.vector_store %swap3A_113[%swap3A_114, %swap3A_115], %swap3A_118 {strides = array<i32>} : memref<128x128xf32, #tpu.memory_space<vmem>>, vector<1x16xf32>,
      %broadcast_in_dim3A_119 = arith.constant 0.000000e+00 : f32
      %broadcast_in_dim3A_120 = vector.broadcast %broadcast_in_dim3A_119 : f32 to vector<16xf32>
      %swap3A_121 = arith.constant 0 : i32
      %swap3A_122 = arith.constant 0 : i32
      %swap3A_123 = tpu.memref_slice %arg8[%scan3A, %swap3A_121, %swap3A_122] : memref<3x128x128xf32, #tpu.memory_space<vmem>> -> memref<1x128x128xf32, #tpu.memory_space<vmem>>
      %swap3A_124 = tpu.memref_squeeze %swap3A_123 : memref<1x128x128xf32, #tpu.memory_space<vmem>> -> memref<128x128xf32, #tpu.memory_space<vmem>>
      %swap3A_125 = arith.index_cast %scan3A_108 : i32 to index
      %swap3A_126 = arith.constant 16 : index
      %swap3A_127 = tpu.vector_load %swap3A_124[%swap3A_125, %swap3A_126] {strides = array<i32>} : memref<128x128xf32, #tpu.memory_space<vmem>>, vector<1x16xf32>,
      %swap3A_128 = vector.shape_cast %swap3A_127 : vector<1x16xf32> to vector<16xf32>
      %swap3A_129 = vector.shape_cast %broadcast_in_dim3A_120 : vector<16xf32> to vector<1x16xf32>
      tpu.vector_store %swap3A_124[%swap3A_125, %swap3A_126], %swap3A_129 {strides = array<i32>} : memref<128x128xf32, #tpu.memory_space<vmem>>, vector<1x16xf32>,
      %broadcast_in_dim3A_130 = arith.constant 0.000000e+00 : f32
      %broadcast_in_dim3A_131 = vector.broadcast %broadcast_in_dim3A_130 : f32 to vector<16xf32>
      %swap3A_132 = arith.constant 0 : i32
      %swap3A_133 = arith.constant 0 : i32
      %swap3A_134 = tpu.memref_slice %arg8[%scan3A, %swap3A_132, %swap3A_133] : memref<3x128x128xf32, #tpu.memory_space<vmem>> -> memref<1x128x128xf32, #tpu.memory_space<vmem>>
      %swap3A_135 = tpu.memref_squeeze %swap3A_134 : memref<1x128x128xf32, #tpu.memory_space<vmem>> -> memref<128x128xf32, #tpu.memory_space<vmem>>
      %swap3A_136 = arith.index_cast %scan3A_108 : i32 to index
      %swap3A_137 = arith.constant 32 : index
      %swap3A_138 = tpu.vector_load %swap3A_135[%swap3A_136, %swap3A_137] {strides = array<i32>} : memref<128x128xf32, #tpu.memory_space<vmem>>, vector<1x16xf32>,
      %swap3A_139 = vector.shape_cast %swap3A_138 : vector<1x16xf32> to vector<16xf32>
      %swap3A_140 = vector.shape_cast %broadcast_in_dim3A_131 : vector<16xf32> to vector<1x16xf32>
      tpu.vector_store %swap3A_135[%swap3A_136, %swap3A_137], %swap3A_140 {strides = array<i32>} : memref<128x128xf32, #tpu.memory_space<vmem>>, vector<1x16xf32>,
      %broadcast_in_dim3A_141 = arith.constant 0.000000e+00 : f32
      %broadcast_in_dim3A_142 = vector.broadcast %broadcast_in_dim3A_141 : f32 to vector<16xf32>
      %swap3A_143 = arith.constant 0 : i32
      %swap3A_144 = arith.constant 0 : i32
      %swap3A_145 = tpu.memref_slice %arg8[%scan3A, %swap3A_143, %swap3A_144] : memref<3x128x128xf32, #tpu.memory_space<vmem>> -> memref<1x128x128xf32, #tpu.memory_space<vmem>>
      %swap3A_146 = tpu.memref_squeeze %swap3A_145 : memref<1x128x128xf32, #tpu.memory_space<vmem>> -> memref<128x128xf32, #tpu.memory_space<vmem>>
      %swap3A_147 = arith.index_cast %scan3A_108 : i32 to index
      %swap3A_148 = arith.constant 48 : index
      %swap3A_149 = tpu.vector_load %swap3A_146[%swap3A_147, %swap3A_148] {strides = array<i32>} : memref<128x128xf32, #tpu.memory_space<vmem>>, vector<1x16xf32>,
      %swap3A_150 = vector.shape_cast %swap3A_149 : vector<1x16xf32> to vector<16xf32>
      %swap3A_151 = vector.shape_cast %broadcast_in_dim3A_142 : vector<16xf32> to vector<1x16xf32>
      tpu.vector_store %swap3A_146[%swap3A_147, %swap3A_148], %swap3A_151 {strides = array<i32>} : memref<128x128xf32, #tpu.memory_space<vmem>>, vector<1x16xf32>,
      %broadcast_in_dim3A_152 = arith.constant 0.000000e+00 : f32
      %broadcast_in_dim3A_153 = vector.broadcast %broadcast_in_dim3A_152 : f32 to vector<16xf32>
      %swap3A_154 = arith.constant 0 : i32
      %swap3A_155 = arith.constant 0 : i32
      %swap3A_156 = tpu.memref_slice %arg8[%scan3A, %swap3A_154, %swap3A_155] : memref<3x128x128xf32, #tpu.memory_space<vmem>> -> memref<1x128x128xf32, #tpu.memory_space<vmem>>
      %swap3A_157 = tpu.memref_squeeze %swap3A_156 : memref<1x128x128xf32, #tpu.memory_space<vmem>> -> memref<128x128xf32, #tpu.memory_space<vmem>>
      %swap3A_158 = arith.index_cast %scan3A_108 : i32 to index
      %swap3A_159 = arith.constant 64 : index
      %swap3A_160 = tpu.vector_load %swap3A_157[%swap3A_158, %swap3A_159] {strides = array<i32>} : memref<128x128xf32, #tpu.memory_space<vmem>>, vector<1x16xf32>,
      %swap3A_161 = vector.shape_cast %swap3A_160 : vector<1x16xf32> to vector<16xf32>
      %swap3A_162 = vector.shape_cast %broadcast_in_dim3A_153 : vector<16xf32> to vector<1x16xf32>
      tpu.vector_store %swap3A_157[%swap3A_158, %swap3A_159], %swap3A_162 {strides = array<i32>} : memref<128x128xf32, #tpu.memory_space<vmem>>, vector<1x16xf32>,
      %broadcast_in_dim3A_163 = arith.constant 0.000000e+00 : f32
      %broadcast_in_dim3A_164 = vector.broadcast %broadcast_in_dim3A_163 : f32 to vector<16xf32>
      %swap3A_165 = arith.constant 0 : i32
      %swap3A_166 = arith.constant 0 : i32
      %swap3A_167 = tpu.memref_slice %arg8[%scan3A, %swap3A_165, %swap3A_166] : memref<3x128x128xf32, #tpu.memory_space<vmem>> -> memref<1x128x128xf32, #tpu.memory_space<vmem>>
      %swap3A_168 = tpu.memref_squeeze %swap3A_167 : memref<1x128x128xf32, #tpu.memory_space<vmem>> -> memref<128x128xf32, #tpu.memory_space<vmem>>
      %swap3A_169 = arith.index_cast %scan3A_108 : i32 to index
      %swap3A_170 = arith.constant 80 : index
      %swap3A_171 = tpu.vector_load %swap3A_168[%swap3A_169, %swap3A_170] {strides = array<i32>} : memref<128x128xf32, #tpu.memory_space<vmem>>, vector<1x16xf32>,
      %swap3A_172 = vector.shape_cast %swap3A_171 : vector<1x16xf32> to vector<16xf32>
      %swap3A_173 = vector.shape_cast %broadcast_in_dim3A_164 : vector<16xf32> to vector<1x16xf32>
      tpu.vector_store %swap3A_168[%swap3A_169, %swap3A_170], %swap3A_173 {strides = array<i32>} : memref<128x128xf32, #tpu.memory_space<vmem>>, vector<1x16xf32>,
      %broadcast_in_dim3A_174 = arith.constant 0.000000e+00 : f32
      %broadcast_in_dim3A_175 = vector.broadcast %broadcast_in_dim3A_174 : f32 to vector<16xf32>
      %swap3A_176 = arith.constant 0 : i32
      %swap3A_177 = arith.constant 0 : i32
      %swap3A_178 = tpu.memref_slice %arg8[%scan3A, %swap3A_176, %swap3A_177] : memref<3x128x128xf32, #tpu.memory_space<vmem>> -> memref<1x128x128xf32, #tpu.memory_space<vmem>>
      %swap3A_179 = tpu.memref_squeeze %swap3A_178 : memref<1x128x128xf32, #tpu.memory_space<vmem>> -> memref<128x128xf32, #tpu.memory_space<vmem>>
      %swap3A_180 = arith.index_cast %scan3A_108 : i32 to index
      %swap3A_181 = arith.constant 96 : index
      %swap3A_182 = tpu.vector_load %swap3A_179[%swap3A_180, %swap3A_181] {strides = array<i32>} : memref<128x128xf32, #tpu.memory_space<vmem>>, vector<1x16xf32>,
      %swap3A_183 = vector.shape_cast %swap3A_182 : vector<1x16xf32> to vector<16xf32>
      %swap3A_184 = vector.shape_cast %broadcast_in_dim3A_175 : vector<16xf32> to vector<1x16xf32>
      tpu.vector_store %swap3A_179[%swap3A_180, %swap3A_181], %swap3A_184 {strides = array<i32>} : memref<128x128xf32, #tpu.memory_space<vmem>>, vector<1x16xf32>,
      %broadcast_in_dim3A_185 = arith.constant 0.000000e+00 : f32
      %broadcast_in_dim3A_186 = vector.broadcast %broadcast_in_dim3A_185 : f32 to vector<16xf32>
      %swap3A_187 = arith.constant 0 : i32
      %swap3A_188 = arith.constant 0 : i32
      %swap3A_189 = tpu.memref_slice %arg8[%scan3A, %swap3A_187, %swap3A_188] : memref<3x128x128xf32, #tpu.memory_space<vmem>> -> memref<1x128x128xf32, #tpu.memory_space<vmem>>
      %swap3A_190 = tpu.memref_squeeze %swap3A_189 : memref<1x128x128xf32, #tpu.memory_space<vmem>> -> memref<128x128xf32, #tpu.memory_space<vmem>>
      %swap3A_191 = arith.index_cast %scan3A_108 : i32 to index
      %swap3A_192 = arith.constant 112 : index
      %swap3A_193 = tpu.vector_load %swap3A_190[%swap3A_191, %swap3A_192] {strides = array<i32>} : memref<128x128xf32, #tpu.memory_space<vmem>>, vector<1x16xf32>,
      %swap3A_194 = vector.shape_cast %swap3A_193 : vector<1x16xf32> to vector<16xf32>
      %swap3A_195 = vector.shape_cast %broadcast_in_dim3A_186 : vector<16xf32> to vector<1x16xf32>
      tpu.vector_store %swap3A_190[%swap3A_191, %swap3A_192], %swap3A_195 {strides = array<i32>} : memref<128x128xf32, #tpu.memory_space<vmem>>, vector<1x16xf32>,
      %scan3A_196 = arith.constant 0 : i32
      scf.yield %scan3A_196 : i32
    }
    %scan3A_7 = arith.constant 128 : i32
    %mul3A_8 = arith.constant 632 : i32
    %mul3A_9 = arith.muli %arg1, %mul3A_8 : i32
    %add3A_10 = arith.constant 0 : i32
    %add3A_11 = arith.addi %mul3A_9, %add3A_10 : i32
    %run_scoped3A = arith.constant 0 : i32
    "tpu.region"() ({
      %run_scoped3A_108 = tpu.sem_alloc : memref<!tpu.dma_semaphore, #tpu.memory_space<semaphore_mem>>
      %dma_start3A_109 = arith.constant 0 : i32
      %dma_start3A_110 = arith.constant 0 : i32
      %dma_start3A_111 = tpu.memref_slice %arg8[%run_scoped3A, %dma_start3A_109, %dma_start3A_110] : memref<3x128x128xf32, #tpu.memory_space<vmem>> -> memref<1x128x128xf32, #tpu.memory_space<vmem>>
      %dma_start3A_112 = tpu.memref_squeeze %dma_start3A_111 : memref<1x128x128xf32, #tpu.memory_space<vmem>> -> memref<128x128xf32, #tpu.memory_space<vmem>>
      %dma_start3A_113 = arith.constant 0 : i32
      %dma_start3A_114 = tpu.memref_slice %arg9[%add3A_11, %dma_start3A_113] : memref<10112x128xf32, #tpu.memory_space<vmem_shared>> -> memref<128x128xf32, #tpu.memory_space<vmem_shared>>
      %dma_start3A_115 = arith.constant 0 : i32
      %dma_start3A_116 = tpu.memref_slice %arg9[%add3A_11, %dma_start3A_115] : memref<10112x128xf32, #tpu.memory_space<vmem_shared>> -> memref<128x128xf32, #tpu.memory_space<vmem_shared>>
      %dma_start3A_117 = arith.constant 0 : i32
      %dma_start3A_118 = arith.constant 0 : i32
      %dma_start3A_119 = tpu.memref_slice %arg8[%run_scoped3A, %dma_start3A_117, %dma_start3A_118] : memref<3x128x128xf32, #tpu.memory_space<vmem>> -> memref<1x128x128xf32, #tpu.memory_space<vmem>>
      %dma_start3A_120 = tpu.memref_squeeze %dma_start3A_119 : memref<1x128x128xf32, #tpu.memory_space<vmem>> -> memref<128x128xf32, #tpu.memory_space<vmem>>
      tpu.enqueue_dma source(%dma_start3A_120 : memref<128x128xf32, #tpu.memory_space<vmem>>) target(%dma_start3A_116 : memref<128x128xf32, #tpu.memory_space<vmem_shared>>) target_semaphore(%run_scoped3A_108 : memref<!tpu.dma_semaphore, #tpu.memory_space<semaphore_mem>>)
      %dma_wait3A_121 = arith.constant 0 : i32
      %dma_wait3A_122 = arith.constant 0 : i32
      %dma_wait3A_123 = tpu.memref_slice %arg8[%run_scoped3A, %dma_wait3A_121, %dma_wait3A_122] : memref<3x128x128xf32, #tpu.memory_space<vmem>> -> memref<1x128x128xf32, #tpu.memory_space<vmem>>
      %dma_wait3A_124 = tpu.memref_squeeze %dma_wait3A_123 : memref<1x128x128xf32, #tpu.memory_space<vmem>> -> memref<128x128xf32, #tpu.memory_space<vmem>>
      %dma_wait3A_125 = arith.constant 0 : i32
      %dma_wait3A_126 = tpu.memref_slice %arg9[%add3A_11, %dma_wait3A_125] : memref<10112x128xf32, #tpu.memory_space<vmem_shared>> -> memref<128x128xf32, #tpu.memory_space<vmem_shared>>
      %dma_wait3A_127 = arith.constant 0 : i32
      %dma_wait3A_128 = tpu.memref_slice %arg9[%add3A_11, %dma_wait3A_127] : memref<10112x128xf32, #tpu.memory_space<vmem_shared>> -> memref<128x128xf32, #tpu.memory_space<vmem_shared>>
      %dma_wait3A_129 = arith.constant 0 : i32
      %dma_wait3A_130 = arith.constant 0 : i32
      %dma_wait3A_131 = tpu.memref_slice %arg8[%run_scoped3A, %dma_wait3A_129, %dma_wait3A_130] : memref<3x128x128xf32, #tpu.memory_space<vmem>> -> memref<1x128x128xf32, #tpu.memory_space<vmem>>
      %dma_wait3A_132 = tpu.memref_squeeze %dma_wait3A_131 : memref<1x128x128xf32, #tpu.memory_space<vmem>> -> memref<128x128xf32, #tpu.memory_space<vmem>>
      tpu.wait_dma2 semaphore(%run_scoped3A_108 : memref<!tpu.dma_semaphore, #tpu.memory_space<semaphore_mem>>) src(%dma_wait3A_132 : memref<128x128xf32, #tpu.memory_space<vmem>>) dst(%dma_wait3A_128 : memref<128x128xf32, #tpu.memory_space<vmem_shared>>)
      tpu.yield
    }) : () -> ()
    %mul3A_12 = arith.constant 632 : i32
    %mul3A_13 = arith.muli %arg1, %mul3A_12 : i32
    %add3A_14 = arith.constant 128 : i32
    %add3A_15 = arith.addi %mul3A_13, %add3A_14 : i32
    %run_scoped3A_16 = arith.constant 0 : i32
    "tpu.region"() ({
      %run_scoped3A_108 = tpu.sem_alloc : memref<!tpu.dma_semaphore, #tpu.memory_space<semaphore_mem>>
      %dma_start3A_109 = arith.constant 0 : i32
      %dma_start3A_110 = arith.constant 0 : i32
      %dma_start3A_111 = tpu.memref_slice %arg8[%run_scoped3A_16, %dma_start3A_109, %dma_start3A_110] : memref<3x128x128xf32, #tpu.memory_space<vmem>> -> memref<1x128x128xf32, #tpu.memory_space<vmem>>
      %dma_start3A_112 = tpu.memref_squeeze %dma_start3A_111 : memref<1x128x128xf32, #tpu.memory_space<vmem>> -> memref<128x128xf32, #tpu.memory_space<vmem>>
      %dma_start3A_113 = arith.constant 0 : i32
      %dma_start3A_114 = tpu.memref_slice %arg9[%add3A_15, %dma_start3A_113] : memref<10112x128xf32, #tpu.memory_space<vmem_shared>> -> memref<128x128xf32, #tpu.memory_space<vmem_shared>>
      %dma_start3A_115 = arith.constant 0 : i32
      %dma_start3A_116 = tpu.memref_slice %arg9[%add3A_15, %dma_start3A_115] : memref<10112x128xf32, #tpu.memory_space<vmem_shared>> -> memref<128x128xf32, #tpu.memory_space<vmem_shared>>
      %dma_start3A_117 = arith.constant 0 : i32
      %dma_start3A_118 = arith.constant 0 : i32
      %dma_start3A_119 = tpu.memref_slice %arg8[%run_scoped3A_16, %dma_start3A_117, %dma_start3A_118] : memref<3x128x128xf32, #tpu.memory_space<vmem>> -> memref<1x128x128xf32, #tpu.memory_space<vmem>>
      %dma_start3A_120 = tpu.memref_squeeze %dma_start3A_119 : memref<1x128x128xf32, #tpu.memory_space<vmem>> -> memref<128x128xf32, #tpu.memory_space<vmem>>
      tpu.enqueue_dma source(%dma_start3A_120 : memref<128x128xf32, #tpu.memory_space<vmem>>) target(%dma_start3A_116 : memref<128x128xf32, #tpu.memory_space<vmem_shared>>) target_semaphore(%run_scoped3A_108 : memref<!tpu.dma_semaphore, #tpu.memory_space<semaphore_mem>>)
      %dma_wait3A_121 = arith.constant 0 : i32
      %dma_wait3A_122 = arith.constant 0 : i32
      %dma_wait3A_123 = tpu.memref_slice %arg8[%run_scoped3A_16, %dma_wait3A_121, %dma_wait3A_122] : memref<3x128x128xf32, #tpu.memory_space<vmem>> -> memref<1x128x128xf32, #tpu.memory_space<vmem>>
      %dma_wait3A_124 = tpu.memref_squeeze %dma_wait3A_123 : memref<1x128x128xf32, #tpu.memory_space<vmem>> -> memref<128x128xf32, #tpu.memory_space<vmem>>
      %dma_wait3A_125 = arith.constant 0 : i32
      %dma_wait3A_126 = tpu.memref_slice %arg9[%add3A_15, %dma_wait3A_125] : memref<10112x128xf32, #tpu.memory_space<vmem_shared>> -> memref<128x128xf32, #tpu.memory_space<vmem_shared>>
      %dma_wait3A_127 = arith.constant 0 : i32
      %dma_wait3A_128 = tpu.memref_slice %arg9[%add3A_15, %dma_wait3A_127] : memref<10112x128xf32, #tpu.memory_space<vmem_shared>> -> memref<128x128xf32, #tpu.memory_space<vmem_shared>>
      %dma_wait3A_129 = arith.constant 0 : i32
      %dma_wait3A_130 = arith.constant 0 : i32
      %dma_wait3A_131 = tpu.memref_slice %arg8[%run_scoped3A_16, %dma_wait3A_129, %dma_wait3A_130] : memref<3x128x128xf32, #tpu.memory_space<vmem>> -> memref<1x128x128xf32, #tpu.memory_space<vmem>>
      %dma_wait3A_132 = tpu.memref_squeeze %dma_wait3A_131 : memref<1x128x128xf32, #tpu.memory_space<vmem>> -> memref<128x128xf32, #tpu.memory_space<vmem>>
      tpu.wait_dma2 semaphore(%run_scoped3A_108 : memref<!tpu.dma_semaphore, #tpu.memory_space<semaphore_mem>>) src(%dma_wait3A_132 : memref<128x128xf32, #tpu.memory_space<vmem>>) dst(%dma_wait3A_128 : memref<128x128xf32, #tpu.memory_space<vmem_shared>>)
      tpu.yield
    }) : () -> ()
    %mul3A_17 = arith.constant 632 : i32
    %mul3A_18 = arith.muli %arg1, %mul3A_17 : i32
    %add3A_19 = arith.constant 256 : i32
    %add3A_20 = arith.addi %mul3A_18, %add3A_19 : i32
    %run_scoped3A_21 = arith.constant 0 : i32
    "tpu.region"() ({
      %run_scoped3A_108 = tpu.sem_alloc : memref<!tpu.dma_semaphore, #tpu.memory_space<semaphore_mem>>
      %dma_start3A_109 = arith.constant 0 : i32
      %dma_start3A_110 = arith.constant 0 : i32
      %dma_start3A_111 = tpu.memref_slice %arg8[%run_scoped3A_21, %dma_start3A_109, %dma_start3A_110] : memref<3x128x128xf32, #tpu.memory_space<vmem>> -> memref<1x128x128xf32, #tpu.memory_space<vmem>>
      %dma_start3A_112 = tpu.memref_squeeze %dma_start3A_111 : memref<1x128x128xf32, #tpu.memory_space<vmem>> -> memref<128x128xf32, #tpu.memory_space<vmem>>
      %dma_start3A_113 = arith.constant 0 : i32
      %dma_start3A_114 = tpu.memref_slice %arg9[%add3A_20, %dma_start3A_113] : memref<10112x128xf32, #tpu.memory_space<vmem_shared>> -> memref<128x128xf32, #tpu.memory_space<vmem_shared>>
      %dma_start3A_115 = arith.constant 0 : i32
      %dma_start3A_116 = tpu.memref_slice %arg9[%add3A_20, %dma_start3A_115] : memref<10112x128xf32, #tpu.memory_space<vmem_shared>> -> memref<128x128xf32, #tpu.memory_space<vmem_shared>>
      %dma_start3A_117 = arith.constant 0 : i32
      %dma_start3A_118 = arith.constant 0 : i32
      %dma_start3A_119 = tpu.memref_slice %arg8[%run_scoped3A_21, %dma_start3A_117, %dma_start3A_118] : memref<3x128x128xf32, #tpu.memory_space<vmem>> -> memref<1x128x128xf32, #tpu.memory_space<vmem>>
      %dma_start3A_120 = tpu.memref_squeeze %dma_start3A_119 : memref<1x128x128xf32, #tpu.memory_space<vmem>> -> memref<128x128xf32, #tpu.memory_space<vmem>>
      tpu.enqueue_dma source(%dma_start3A_120 : memref<128x128xf32, #tpu.memory_space<vmem>>) target(%dma_start3A_116 : memref<128x128xf32, #tpu.memory_space<vmem_shared>>) target_semaphore(%run_scoped3A_108 : memref<!tpu.dma_semaphore, #tpu.memory_space<semaphore_mem>>)
      %dma_wait3A_121 = arith.constant 0 : i32
      %dma_wait3A_122 = arith.constant 0 : i32
      %dma_wait3A_123 = tpu.memref_slice %arg8[%run_scoped3A_21, %dma_wait3A_121, %dma_wait3A_122] : memref<3x128x128xf32, #tpu.memory_space<vmem>> -> memref<1x128x128xf32, #tpu.memory_space<vmem>>
      %dma_wait3A_124 = tpu.memref_squeeze %dma_wait3A_123 : memref<1x128x128xf32, #tpu.memory_space<vmem>> -> memref<128x128xf32, #tpu.memory_space<vmem>>
      %dma_wait3A_125 = arith.constant 0 : i32
      %dma_wait3A_126 = tpu.memref_slice %arg9[%add3A_20, %dma_wait3A_125] : memref<10112x128xf32, #tpu.memory_space<vmem_shared>> -> memref<128x128xf32, #tpu.memory_space<vmem_shared>>
      %dma_wait3A_127 = arith.constant 0 : i32
      %dma_wait3A_128 = tpu.memref_slice %arg9[%add3A_20, %dma_wait3A_127] : memref<10112x128xf32, #tpu.memory_space<vmem_shared>> -> memref<128x128xf32, #tpu.memory_space<vmem_shared>>
      %dma_wait3A_129 = arith.constant 0 : i32
      %dma_wait3A_130 = arith.constant 0 : i32
      %dma_wait3A_131 = tpu.memref_slice %arg8[%run_scoped3A_21, %dma_wait3A_129, %dma_wait3A_130] : memref<3x128x128xf32, #tpu.memory_space<vmem>> -> memref<1x128x128xf32, #tpu.memory_space<vmem>>
      %dma_wait3A_132 = tpu.memref_squeeze %dma_wait3A_131 : memref<1x128x128xf32, #tpu.memory_space<vmem>> -> memref<128x128xf32, #tpu.memory_space<vmem>>
      tpu.wait_dma2 semaphore(%run_scoped3A_108 : memref<!tpu.dma_semaphore, #tpu.memory_space<semaphore_mem>>) src(%dma_wait3A_132 : memref<128x128xf32, #tpu.memory_space<vmem>>) dst(%dma_wait3A_128 : memref<128x128xf32, #tpu.memory_space<vmem_shared>>)
      tpu.yield
    }) : () -> ()
    %mul3A_22 = arith.constant 632 : i32
    %mul3A_23 = arith.muli %arg1, %mul3A_22 : i32
    %add3A_24 = arith.constant 384 : i32
    %add3A_25 = arith.addi %mul3A_23, %add3A_24 : i32
    %run_scoped3A_26 = arith.constant 0 : i32
    "tpu.region"() ({
      %run_scoped3A_108 = tpu.sem_alloc : memref<!tpu.dma_semaphore, #tpu.memory_space<semaphore_mem>>
      %dma_start3A_109 = arith.constant 0 : i32
      %dma_start3A_110 = arith.constant 0 : i32
      %dma_start3A_111 = tpu.memref_slice %arg8[%run_scoped3A_26, %dma_start3A_109, %dma_start3A_110] : memref<3x128x128xf32, #tpu.memory_space<vmem>> -> memref<1x128x128xf32, #tpu.memory_space<vmem>>
      %dma_start3A_112 = tpu.memref_squeeze %dma_start3A_111 : memref<1x128x128xf32, #tpu.memory_space<vmem>> -> memref<128x128xf32, #tpu.memory_space<vmem>>
      %dma_start3A_113 = arith.constant 0 : i32
      %dma_start3A_114 = tpu.memref_slice %arg9[%add3A_25, %dma_start3A_113] : memref<10112x128xf32, #tpu.memory_space<vmem_shared>> -> memref<128x128xf32, #tpu.memory_space<vmem_shared>>
      %dma_start3A_115 = arith.constant 0 : i32
      %dma_start3A_116 = tpu.memref_slice %arg9[%add3A_25, %dma_start3A_115] : memref<10112x128xf32, #tpu.memory_space<vmem_shared>> -> memref<128x128xf32, #tpu.memory_space<vmem_shared>>
      %dma_start3A_117 = arith.constant 0 : i32
      %dma_start3A_118 = arith.constant 0 : i32
      %dma_start3A_119 = tpu.memref_slice %arg8[%run_scoped3A_26, %dma_start3A_117, %dma_start3A_118] : memref<3x128x128xf32, #tpu.memory_space<vmem>> -> memref<1x128x128xf32, #tpu.memory_space<vmem>>
      %dma_start3A_120 = tpu.memref_squeeze %dma_start3A_119 : memref<1x128x128xf32, #tpu.memory_space<vmem>> -> memref<128x128xf32, #tpu.memory_space<vmem>>
      tpu.enqueue_dma source(%dma_start3A_120 : memref<128x128xf32, #tpu.memory_space<vmem>>) target(%dma_start3A_116 : memref<128x128xf32, #tpu.memory_space<vmem_shared>>) target_semaphore(%run_scoped3A_108 : memref<!tpu.dma_semaphore, #tpu.memory_space<semaphore_mem>>)
      %dma_wait3A_121 = arith.constant 0 : i32
      %dma_wait3A_122 = arith.constant 0 : i32
      %dma_wait3A_123 = tpu.memref_slice %arg8[%run_scoped3A_26, %dma_wait3A_121, %dma_wait3A_122] : memref<3x128x128xf32, #tpu.memory_space<vmem>> -> memref<1x128x128xf32, #tpu.memory_space<vmem>>
      %dma_wait3A_124 = tpu.memref_squeeze %dma_wait3A_123 : memref<1x128x128xf32, #tpu.memory_space<vmem>> -> memref<128x128xf32, #tpu.memory_space<vmem>>
      %dma_wait3A_125 = arith.constant 0 : i32
      %dma_wait3A_126 = tpu.memref_slice %arg9[%add3A_25, %dma_wait3A_125] : memref<10112x128xf32, #tpu.memory_space<vmem_shared>> -> memref<128x128xf32, #tpu.memory_space<vmem_shared>>
      %dma_wait3A_127 = arith.constant 0 : i32
      %dma_wait3A_128 = tpu.memref_slice %arg9[%add3A_25, %dma_wait3A_127] : memref<10112x128xf32, #tpu.memory_space<vmem_shared>> -> memref<128x128xf32, #tpu.memory_space<vmem_shared>>
      %dma_wait3A_129 = arith.constant 0 : i32
      %dma_wait3A_130 = arith.constant 0 : i32
      %dma_wait3A_131 = tpu.memref_slice %arg8[%run_scoped3A_26, %dma_wait3A_129, %dma_wait3A_130] : memref<3x128x128xf32, #tpu.memory_space<vmem>> -> memref<1x128x128xf32, #tpu.memory_space<vmem>>
      %dma_wait3A_132 = tpu.memref_squeeze %dma_wait3A_131 : memref<1x128x128xf32, #tpu.memory_space<vmem>> -> memref<128x128xf32, #tpu.memory_space<vmem>>
      tpu.wait_dma2 semaphore(%run_scoped3A_108 : memref<!tpu.dma_semaphore, #tpu.memory_space<semaphore_mem>>) src(%dma_wait3A_132 : memref<128x128xf32, #tpu.memory_space<vmem>>) dst(%dma_wait3A_128 : memref<128x128xf32, #tpu.memory_space<vmem_shared>>)
      tpu.yield
    }) : () -> ()
    %mul3A_27 = arith.constant 632 : i32
    %mul3A_28 = arith.muli %arg1, %mul3A_27 : i32
    %add3A_29 = arith.constant 512 : i32
    %add3A_30 = arith.addi %mul3A_28, %add3A_29 : i32
    %run_scoped3A_31 = arith.constant 0 : i32
    "tpu.region"() ({
      %run_scoped3A_108 = tpu.sem_alloc : memref<!tpu.dma_semaphore, #tpu.memory_space<semaphore_mem>>
      %dma_start3A_109 = arith.constant 0 : i32
      %dma_start3A_110 = arith.constant 0 : i32
      %dma_start3A_111 = tpu.memref_slice %arg8[%run_scoped3A_31, %dma_start3A_109, %dma_start3A_110] : memref<3x128x128xf32, #tpu.memory_space<vmem>> -> memref<1x128x128xf32, #tpu.memory_space<vmem>>
      %dma_start3A_112 = tpu.memref_squeeze %dma_start3A_111 : memref<1x128x128xf32, #tpu.memory_space<vmem>> -> memref<128x128xf32, #tpu.memory_space<vmem>>
      %dma_start3A_113 = arith.constant 0 : i32
      %dma_start3A_114 = arith.constant 0 : i32
      %dma_start3A_115 = tpu.memref_slice %dma_start3A_112[%dma_start3A_113, %dma_start3A_114] : memref<128x128xf32, #tpu.memory_space<vmem>> -> memref<120x128xf32, #tpu.memory_space<vmem>>
      %dma_start3A_116 = arith.constant 0 : i32
      %dma_start3A_117 = tpu.memref_slice %arg9[%add3A_30, %dma_start3A_116] : memref<10112x128xf32, #tpu.memory_space<vmem_shared>> -> memref<120x128xf32, #tpu.memory_space<vmem_shared>>
      %dma_start3A_118 = arith.constant 0 : i32
      %dma_start3A_119 = tpu.memref_slice %arg9[%add3A_30, %dma_start3A_118] : memref<10112x128xf32, #tpu.memory_space<vmem_shared>> -> memref<120x128xf32, #tpu.memory_space<vmem_shared>>
      %dma_start3A_120 = arith.constant 0 : i32
      %dma_start3A_121 = arith.constant 0 : i32
      %dma_start3A_122 = tpu.memref_slice %arg8[%run_scoped3A_31, %dma_start3A_120, %dma_start3A_121] : memref<3x128x128xf32, #tpu.memory_space<vmem>> -> memref<1x128x128xf32, #tpu.memory_space<vmem>>
      %dma_start3A_123 = tpu.memref_squeeze %dma_start3A_122 : memref<1x128x128xf32, #tpu.memory_space<vmem>> -> memref<128x128xf32, #tpu.memory_space<vmem>>
      %dma_start3A_124 = arith.constant 0 : i32
      %dma_start3A_125 = arith.constant 0 : i32
      %dma_start3A_126 = tpu.memref_slice %dma_start3A_123[%dma_start3A_124, %dma_start3A_125] : memref<128x128xf32, #tpu.memory_space<vmem>> -> memref<120x128xf32, #tpu.memory_space<vmem>>
      tpu.enqueue_dma source(%dma_start3A_126 : memref<120x128xf32, #tpu.memory_space<vmem>>) target(%dma_start3A_119 : memref<120x128xf32, #tpu.memory_space<vmem_shared>>) target_semaphore(%run_scoped3A_108 : memref<!tpu.dma_semaphore, #tpu.memory_space<semaphore_mem>>)
      %dma_wait3A_127 = arith.constant 0 : i32
      %dma_wait3A_128 = arith.constant 0 : i32
      %dma_wait3A_129 = tpu.memref_slice %arg8[%run_scoped3A_31, %dma_wait3A_127, %dma_wait3A_128] : memref<3x128x128xf32, #tpu.memory_space<vmem>> -> memref<1x128x128xf32, #tpu.memory_space<vmem>>
      %dma_wait3A_130 = tpu.memref_squeeze %dma_wait3A_129 : memref<1x128x128xf32, #tpu.memory_space<vmem>> -> memref<128x128xf32, #tpu.memory_space<vmem>>
      %dma_wait3A_131 = arith.constant 0 : i32
      %dma_wait3A_132 = arith.constant 0 : i32
      %dma_wait3A_133 = tpu.memref_slice %dma_wait3A_130[%dma_wait3A_131, %dma_wait3A_132] : memref<128x128xf32, #tpu.memory_space<vmem>> -> memref<120x128xf32, #tpu.memory_space<vmem>>
      %dma_wait3A_134 = arith.constant 0 : i32
      %dma_wait3A_135 = tpu.memref_slice %arg9[%add3A_30, %dma_wait3A_134] : memref<10112x128xf32, #tpu.memory_space<vmem_shared>> -> memref<120x128xf32, #tpu.memory_space<vmem_shared>>
      %dma_wait3A_136 = arith.constant 0 : i32
      %dma_wait3A_137 = tpu.memref_slice %arg9[%add3A_30, %dma_wait3A_136] : memref<10112x128xf32, #tpu.memory_space<vmem_shared>> -> memref<120x128xf32, #tpu.memory_space<vmem_shared>>
      %dma_wait3A_138 = arith.constant 0 : i32
      %dma_wait3A_139 = arith.constant 0 : i32
      %dma_wait3A_140 = tpu.memref_slice %arg8[%run_scoped3A_31, %dma_wait3A_138, %dma_wait3A_139] : memref<3x128x128xf32, #tpu.memory_space<vmem>> -> memref<1x128x128xf32, #tpu.memory_space<vmem>>
      %dma_wait3A_141 = tpu.memref_squeeze %dma_wait3A_140 : memref<1x128x128xf32, #tpu.memory_space<vmem>> -> memref<128x128xf32, #tpu.memory_space<vmem>>
      %dma_wait3A_142 = arith.constant 0 : i32
      %dma_wait3A_143 = arith.constant 0 : i32
      %dma_wait3A_144 = tpu.memref_slice %dma_wait3A_141[%dma_wait3A_142, %dma_wait3A_143] : memref<128x128xf32, #tpu.memory_space<vmem>> -> memref<120x128xf32, #tpu.memory_space<vmem>>
      tpu.wait_dma2 semaphore(%run_scoped3A_108 : memref<!tpu.dma_semaphore, #tpu.memory_space<semaphore_mem>>) src(%dma_wait3A_144 : memref<120x128xf32, #tpu.memory_space<vmem>>) dst(%dma_wait3A_137 : memref<120x128xf32, #tpu.memory_space<vmem_shared>>)
      tpu.yield
    }) : () -> ()
    %barrier3A = arith.constant 0 : index
    tpu.barrier barrier_id(%barrier3A)
    %run_scoped3A_32 = arith.constant 0 : i32
    %run_scoped3A_33 = arith.constant 0 : i32
    "tpu.region"() ({
      %run_scoped3A_108 = tpu.sem_alloc : memref<!tpu.dma_semaphore, #tpu.memory_space<semaphore_mem>>
      %dma_start3A_109 = arith.constant 0 : i32
      %dma_start3A_110 = tpu.memref_slice %arg6[%run_scoped3A_33, %dma_start3A_109] : memref<3x128xi32, #tpu.memory_space<vmem>> -> memref<1x128xi32, #tpu.memory_space<vmem>>
      %dma_start3A_111 = tpu.memref_squeeze %dma_start3A_110 : memref<1x128xi32, #tpu.memory_space<vmem>> -> memref<128xi32, #tpu.memory_space<vmem>>
      %dma_start3A_112 = arith.constant 0 : i32
      %dma_start3A_113 = tpu.memref_slice %arg3[%add3A, %run_scoped3A_32, %dma_start3A_112] : memref<32x81x128xi32, #tpu.memory_space<hbm>> -> memref<1x1x128xi32, #tpu.memory_space<hbm>>
      %dma_start3A_114 = tpu.memref_squeeze %dma_start3A_113 : memref<1x1x128xi32, #tpu.memory_space<hbm>> -> memref<128xi32, #tpu.memory_space<hbm>>
      %dma_start3A_115 = arith.constant 0 : i32
      %dma_start3A_116 = tpu.memref_slice %arg6[%run_scoped3A_33, %dma_start3A_115] : memref<3x128xi32, #tpu.memory_space<vmem>> -> memref<1x128xi32, #tpu.memory_space<vmem>>
      %dma_start3A_117 = tpu.memref_squeeze %dma_start3A_116 : memref<1x128xi32, #tpu.memory_space<vmem>> -> memref<128xi32, #tpu.memory_space<vmem>>
      %dma_start3A_118 = arith.constant 0 : i32
      %dma_start3A_119 = tpu.memref_slice %arg3[%add3A, %run_scoped3A_32, %dma_start3A_118] : memref<32x81x128xi32, #tpu.memory_space<hbm>> -> memref<1x1x128xi32, #tpu.memory_space<hbm>>
      %dma_start3A_120 = tpu.memref_squeeze %dma_start3A_119 : memref<1x1x128xi32, #tpu.memory_space<hbm>> -> memref<128xi32, #tpu.memory_space<hbm>>
      tpu.enqueue_dma source(%dma_start3A_120 : memref<128xi32, #tpu.memory_space<hbm>>) target(%dma_start3A_117 : memref<128xi32, #tpu.memory_space<vmem>>) target_semaphore(%run_scoped3A_108 : memref<!tpu.dma_semaphore, #tpu.memory_space<semaphore_mem>>)
      %dma_wait3A_121 = arith.constant 0 : i32
      %dma_wait3A_122 = tpu.memref_slice %arg6[%run_scoped3A_33, %dma_wait3A_121] : memref<3x128xi32, #tpu.memory_space<vmem>> -> memref<1x128xi32, #tpu.memory_space<vmem>>
      %dma_wait3A_123 = tpu.memref_squeeze %dma_wait3A_122 : memref<1x128xi32, #tpu.memory_space<vmem>> -> memref<128xi32, #tpu.memory_space<vmem>>
      %dma_wait3A_124 = arith.constant 0 : i32
      %dma_wait3A_125 = tpu.memref_slice %arg3[%add3A, %run_scoped3A_32, %dma_wait3A_124] : memref<32x81x128xi32, #tpu.memory_space<hbm>> -> memref<1x1x128xi32, #tpu.memory_space<hbm>>
      %dma_wait3A_126 = tpu.memref_squeeze %dma_wait3A_125 : memref<1x1x128xi32, #tpu.memory_space<hbm>> -> memref<128xi32, #tpu.memory_space<hbm>>
      %dma_wait3A_127 = arith.constant 0 : i32
      %dma_wait3A_128 = tpu.memref_slice %arg6[%run_scoped3A_33, %dma_wait3A_127] : memref<3x128xi32, #tpu.memory_space<vmem>> -> memref<1x128xi32, #tpu.memory_space<vmem>>
      %dma_wait3A_129 = tpu.memref_squeeze %dma_wait3A_128 : memref<1x128xi32, #tpu.memory_space<vmem>> -> memref<128xi32, #tpu.memory_space<vmem>>
      %dma_wait3A_130 = arith.constant 0 : i32
      %dma_wait3A_131 = tpu.memref_slice %arg3[%add3A, %run_scoped3A_32, %dma_wait3A_130] : memref<32x81x128xi32, #tpu.memory_space<hbm>> -> memref<1x1x128xi32, #tpu.memory_space<hbm>>
      %dma_wait3A_132 = tpu.memref_squeeze %dma_wait3A_131 : memref<1x1x128xi32, #tpu.memory_space<hbm>> -> memref<128xi32, #tpu.memory_space<hbm>>
      tpu.wait_dma2 semaphore(%run_scoped3A_108 : memref<!tpu.dma_semaphore, #tpu.memory_space<semaphore_mem>>) src(%dma_wait3A_132 : memref<128xi32, #tpu.memory_space<hbm>>) dst(%dma_wait3A_129 : memref<128xi32, #tpu.memory_space<vmem>>)
      tpu.yield
    }) : () -> ()
    %run_scoped3A_34 = arith.constant 0 : i32
    %run_scoped3A_35 = arith.constant 0 : i32
    "tpu.region"() ({
      %run_scoped3A_108 = tpu.sem_alloc : memref<!tpu.dma_semaphore, #tpu.memory_space<semaphore_mem>>
      %dma_start3A_109 = arith.constant 0 : i32
      %dma_start3A_110 = tpu.memref_slice %arg7[%run_scoped3A_35, %dma_start3A_109] : memref<3x128xi32, #tpu.memory_space<vmem>> -> memref<1x128xi32, #tpu.memory_space<vmem>>
      %dma_start3A_111 = tpu.memref_squeeze %dma_start3A_110 : memref<1x128xi32, #tpu.memory_space<vmem>> -> memref<128xi32, #tpu.memory_space<vmem>>
      %dma_start3A_112 = arith.constant 0 : i32
      %dma_start3A_113 = tpu.memref_slice %arg4[%add3A, %run_scoped3A_34, %dma_start3A_112] : memref<32x81x128xi32, #tpu.memory_space<hbm>> -> memref<1x1x128xi32, #tpu.memory_space<hbm>>
      %dma_start3A_114 = tpu.memref_squeeze %dma_start3A_113 : memref<1x1x128xi32, #tpu.memory_space<hbm>> -> memref<128xi32, #tpu.memory_space<hbm>>
      %dma_start3A_115 = arith.constant 0 : i32
      %dma_start3A_116 = tpu.memref_slice %arg7[%run_scoped3A_35, %dma_start3A_115] : memref<3x128xi32, #tpu.memory_space<vmem>> -> memref<1x128xi32, #tpu.memory_space<vmem>>
      %dma_start3A_117 = tpu.memref_squeeze %dma_start3A_116 : memref<1x128xi32, #tpu.memory_space<vmem>> -> memref<128xi32, #tpu.memory_space<vmem>>
      %dma_start3A_118 = arith.constant 0 : i32
      %dma_start3A_119 = tpu.memref_slice %arg4[%add3A, %run_scoped3A_34, %dma_start3A_118] : memref<32x81x128xi32, #tpu.memory_space<hbm>> -> memref<1x1x128xi32, #tpu.memory_space<hbm>>
      %dma_start3A_120 = tpu.memref_squeeze %dma_start3A_119 : memref<1x1x128xi32, #tpu.memory_space<hbm>> -> memref<128xi32, #tpu.memory_space<hbm>>
      tpu.enqueue_dma source(%dma_start3A_120 : memref<128xi32, #tpu.memory_space<hbm>>) target(%dma_start3A_117 : memref<128xi32, #tpu.memory_space<vmem>>) target_semaphore(%run_scoped3A_108 : memref<!tpu.dma_semaphore, #tpu.memory_space<semaphore_mem>>)
      %dma_wait3A_121 = arith.constant 0 : i32
      %dma_wait3A_122 = tpu.memref_slice %arg7[%run_scoped3A_35, %dma_wait3A_121] : memref<3x128xi32, #tpu.memory_space<vmem>> -> memref<1x128xi32, #tpu.memory_space<vmem>>
      %dma_wait3A_123 = tpu.memref_squeeze %dma_wait3A_122 : memref<1x128xi32, #tpu.memory_space<vmem>> -> memref<128xi32, #tpu.memory_space<vmem>>
      %dma_wait3A_124 = arith.constant 0 : i32
      %dma_wait3A_125 = tpu.memref_slice %arg4[%add3A, %run_scoped3A_34, %dma_wait3A_124] : memref<32x81x128xi32, #tpu.memory_space<hbm>> -> memref<1x1x128xi32, #tpu.memory_space<hbm>>
      %dma_wait3A_126 = tpu.memref_squeeze %dma_wait3A_125 : memref<1x1x128xi32, #tpu.memory_space<hbm>> -> memref<128xi32, #tpu.memory_space<hbm>>
      %dma_wait3A_127 = arith.constant 0 : i32
      %dma_wait3A_128 = tpu.memref_slice %arg7[%run_scoped3A_35, %dma_wait3A_127] : memref<3x128xi32, #tpu.memory_space<vmem>> -> memref<1x128xi32, #tpu.memory_space<vmem>>
      %dma_wait3A_129 = tpu.memref_squeeze %dma_wait3A_128 : memref<1x128xi32, #tpu.memory_space<vmem>> -> memref<128xi32, #tpu.memory_space<vmem>>
      %dma_wait3A_130 = arith.constant 0 : i32
      %dma_wait3A_131 = tpu.memref_slice %arg4[%add3A, %run_scoped3A_34, %dma_wait3A_130] : memref<32x81x128xi32, #tpu.memory_space<hbm>> -> memref<1x1x128xi32, #tpu.memory_space<hbm>>
      %dma_wait3A_132 = tpu.memref_squeeze %dma_wait3A_131 : memref<1x1x128xi32, #tpu.memory_space<hbm>> -> memref<128xi32, #tpu.memory_space<hbm>>
      tpu.wait_dma2 semaphore(%run_scoped3A_108 : memref<!tpu.dma_semaphore, #tpu.memory_space<semaphore_mem>>) src(%dma_wait3A_132 : memref<128xi32, #tpu.memory_space<hbm>>) dst(%dma_wait3A_129 : memref<128xi32, #tpu.memory_space<vmem>>)
      tpu.yield
    }) : () -> ()
    %dma_start3A = arith.constant 0 : i32
    %dma_start3A_36 = arith.constant 0 : i32
    %dma_start3A_37 = arith.constant 0 : i32
    %dma_start3A_38 = arith.constant 0 : i32
    %dma_start3A_39 = tpu.memref_slice %arg8[%dma_start3A_36, %dma_start3A_37, %dma_start3A_38] : memref<3x128x128xf32, #tpu.memory_space<vmem>> -> memref<1x128x128xf32, #tpu.memory_space<vmem>>
    %dma_start3A_40 = tpu.memref_squeeze %dma_start3A_39 : memref<1x128x128xf32, #tpu.memory_space<vmem>> -> memref<128x128xf32, #tpu.memory_space<vmem>>
    %dma_start3A_41 = arith.constant 0 : i32
    %dma_start3A_42 = tpu.memref_slice %arg6[%dma_start3A, %dma_start3A_41] : memref<3x128xi32, #tpu.memory_space<vmem>> -> memref<1x128xi32, #tpu.memory_space<vmem>>
    %dma_start3A_43 = tpu.memref_squeeze %dma_start3A_42 : memref<1x128xi32, #tpu.memory_space<vmem>> -> memref<128xi32, #tpu.memory_space<vmem>>
    %dma_start3A_44 = arith.constant 0 : i32
    %dma_start3A_45 = arith.constant 0 : i32
    %dma_start3A_46 = tpu.memref_slice %arg2[%dma_start3A_44, %dma_start3A_45] : memref<10000x128xf32, #tpu.memory_space<hbm>> -> memref<10000x128xf32, #tpu.memory_space<hbm>>
    tpu.enqueue_indirect_dma source(%dma_start3A_46 : memref<10000x128xf32, #tpu.memory_space<hbm>>) target(%dma_start3A_40 : memref<128x128xf32, #tpu.memory_space<vmem>>) offsets(%dma_start3A_43 : memref<128xi32, #tpu.memory_space<vmem>>) semaphore(%arg10 : memref<!tpu.dma_semaphore, #tpu.memory_space<semaphore_mem>>)
    %run_scoped3A_47 = arith.constant 1 : i32
    %run_scoped3A_48 = arith.constant 1 : i32
    "tpu.region"() ({
      %run_scoped3A_108 = tpu.sem_alloc : memref<!tpu.dma_semaphore, #tpu.memory_space<semaphore_mem>>
      %dma_start3A_109 = arith.constant 0 : i32
      %dma_start3A_110 = tpu.memref_slice %arg6[%run_scoped3A_48, %dma_start3A_109] : memref<3x128xi32, #tpu.memory_space<vmem>> -> memref<1x128xi32, #tpu.memory_space<vmem>>
      %dma_start3A_111 = tpu.memref_squeeze %dma_start3A_110 : memref<1x128xi32, #tpu.memory_space<vmem>> -> memref<128xi32, #tpu.memory_space<vmem>>
      %dma_start3A_112 = arith.constant 0 : i32
      %dma_start3A_113 = tpu.memref_slice %arg3[%add3A, %run_scoped3A_47, %dma_start3A_112] : memref<32x81x128xi32, #tpu.memory_space<hbm>> -> memref<1x1x128xi32, #tpu.memory_space<hbm>>
      %dma_start3A_114 = tpu.memref_squeeze %dma_start3A_113 : memref<1x1x128xi32, #tpu.memory_space<hbm>> -> memref<128xi32, #tpu.memory_space<hbm>>
      %dma_start3A_115 = arith.constant 0 : i32
      %dma_start3A_116 = tpu.memref_slice %arg6[%run_scoped3A_48, %dma_start3A_115] : memref<3x128xi32, #tpu.memory_space<vmem>> -> memref<1x128xi32, #tpu.memory_space<vmem>>
      %dma_start3A_117 = tpu.memref_squeeze %dma_start3A_116 : memref<1x128xi32, #tpu.memory_space<vmem>> -> memref<128xi32, #tpu.memory_space<vmem>>
      %dma_start3A_118 = arith.constant 0 : i32
      %dma_start3A_119 = tpu.memref_slice %arg3[%add3A, %run_scoped3A_47, %dma_start3A_118] : memref<32x81x128xi32, #tpu.memory_space<hbm>> -> memref<1x1x128xi32, #tpu.memory_space<hbm>>
      %dma_start3A_120 = tpu.memref_squeeze %dma_start3A_119 : memref<1x1x128xi32, #tpu.memory_space<hbm>> -> memref<128xi32, #tpu.memory_space<hbm>>
      tpu.enqueue_dma source(%dma_start3A_120 : memref<128xi32, #tpu.memory_space<hbm>>) target(%dma_start3A_117 : memref<128xi32, #tpu.memory_space<vmem>>) target_semaphore(%run_scoped3A_108 : memref<!tpu.dma_semaphore, #tpu.memory_space<semaphore_mem>>)
      %dma_wait3A_121 = arith.constant 0 : i32
      %dma_wait3A_122 = tpu.memref_slice %arg6[%run_scoped3A_48, %dma_wait3A_121] : memref<3x128xi32, #tpu.memory_space<vmem>> -> memref<1x128xi32, #tpu.memory_space<vmem>>
      %dma_wait3A_123 = tpu.memref_squeeze %dma_wait3A_122 : memref<1x128xi32, #tpu.memory_space<vmem>> -> memref<128xi32, #tpu.memory_space<vmem>>
      %dma_wait3A_124 = arith.constant 0 : i32
      %dma_wait3A_125 = tpu.memref_slice %arg3[%add3A, %run_scoped3A_47, %dma_wait3A_124] : memref<32x81x128xi32, #tpu.memory_space<hbm>> -> memref<1x1x128xi32, #tpu.memory_space<hbm>>
      %dma_wait3A_126 = tpu.memref_squeeze %dma_wait3A_125 : memref<1x1x128xi32, #tpu.memory_space<hbm>> -> memref<128xi32, #tpu.memory_space<hbm>>
      %dma_wait3A_127 = arith.constant 0 : i32
      %dma_wait3A_128 = tpu.memref_slice %arg6[%run_scoped3A_48, %dma_wait3A_127] : memref<3x128xi32, #tpu.memory_space<vmem>> -> memref<1x128xi32, #tpu.memory_space<vmem>>
      %dma_wait3A_129 = tpu.memref_squeeze %dma_wait3A_128 : memref<1x128xi32, #tpu.memory_space<vmem>> -> memref<128xi32, #tpu.memory_space<vmem>>
      %dma_wait3A_130 = arith.constant 0 : i32
      %dma_wait3A_131 = tpu.memref_slice %arg3[%add3A, %run_scoped3A_47, %dma_wait3A_130] : memref<32x81x128xi32, #tpu.memory_space<hbm>> -> memref<1x1x128xi32, #tpu.memory_space<hbm>>
      %dma_wait3A_132 = tpu.memref_squeeze %dma_wait3A_131 : memref<1x1x128xi32, #tpu.memory_space<hbm>> -> memref<128xi32, #tpu.memory_space<hbm>>
      tpu.wait_dma2 semaphore(%run_scoped3A_108 : memref<!tpu.dma_semaphore, #tpu.memory_space<semaphore_mem>>) src(%dma_wait3A_132 : memref<128xi32, #tpu.memory_space<hbm>>) dst(%dma_wait3A_129 : memref<128xi32, #tpu.memory_space<vmem>>)
      tpu.yield
    }) : () -> ()
    %run_scoped3A_49 = arith.constant 1 : i32
    %run_scoped3A_50 = arith.constant 1 : i32
    "tpu.region"() ({
      %run_scoped3A_108 = tpu.sem_alloc : memref<!tpu.dma_semaphore, #tpu.memory_space<semaphore_mem>>
      %dma_start3A_109 = arith.constant 0 : i32
      %dma_start3A_110 = tpu.memref_slice %arg7[%run_scoped3A_50, %dma_start3A_109] : memref<3x128xi32, #tpu.memory_space<vmem>> -> memref<1x128xi32, #tpu.memory_space<vmem>>
      %dma_start3A_111 = tpu.memref_squeeze %dma_start3A_110 : memref<1x128xi32, #tpu.memory_space<vmem>> -> memref<128xi32, #tpu.memory_space<vmem>>
      %dma_start3A_112 = arith.constant 0 : i32
      %dma_start3A_113 = tpu.memref_slice %arg4[%add3A, %run_scoped3A_49, %dma_start3A_112] : memref<32x81x128xi32, #tpu.memory_space<hbm>> -> memref<1x1x128xi32, #tpu.memory_space<hbm>>
      %dma_start3A_114 = tpu.memref_squeeze %dma_start3A_113 : memref<1x1x128xi32, #tpu.memory_space<hbm>> -> memref<128xi32, #tpu.memory_space<hbm>>
      %dma_start3A_115 = arith.constant 0 : i32
      %dma_start3A_116 = tpu.memref_slice %arg7[%run_scoped3A_50, %dma_start3A_115] : memref<3x128xi32, #tpu.memory_space<vmem>> -> memref<1x128xi32, #tpu.memory_space<vmem>>
      %dma_start3A_117 = tpu.memref_squeeze %dma_start3A_116 : memref<1x128xi32, #tpu.memory_space<vmem>> -> memref<128xi32, #tpu.memory_space<vmem>>
      %dma_start3A_118 = arith.constant 0 : i32
      %dma_start3A_119 = tpu.memref_slice %arg4[%add3A, %run_scoped3A_49, %dma_start3A_118] : memref<32x81x128xi32, #tpu.memory_space<hbm>> -> memref<1x1x128xi32, #tpu.memory_space<hbm>>
      %dma_start3A_120 = tpu.memref_squeeze %dma_start3A_119 : memref<1x1x128xi32, #tpu.memory_space<hbm>> -> memref<128xi32, #tpu.memory_space<hbm>>
      tpu.enqueue_dma source(%dma_start3A_120 : memref<128xi32, #tpu.memory_space<hbm>>) target(%dma_start3A_117 : memref<128xi32, #tpu.memory_space<vmem>>) target_semaphore(%run_scoped3A_108 : memref<!tpu.dma_semaphore, #tpu.memory_space<semaphore_mem>>)
      %dma_wait3A_121 = arith.constant 0 : i32
      %dma_wait3A_122 = tpu.memref_slice %arg7[%run_scoped3A_50, %dma_wait3A_121] : memref<3x128xi32, #tpu.memory_space<vmem>> -> memref<1x128xi32, #tpu.memory_space<vmem>>
      %dma_wait3A_123 = tpu.memref_squeeze %dma_wait3A_122 : memref<1x128xi32, #tpu.memory_space<vmem>> -> memref<128xi32, #tpu.memory_space<vmem>>
      %dma_wait3A_124 = arith.constant 0 : i32
      %dma_wait3A_125 = tpu.memref_slice %arg4[%add3A, %run_scoped3A_49, %dma_wait3A_124] : memref<32x81x128xi32, #tpu.memory_space<hbm>> -> memref<1x1x128xi32, #tpu.memory_space<hbm>>
      %dma_wait3A_126 = tpu.memref_squeeze %dma_wait3A_125 : memref<1x1x128xi32, #tpu.memory_space<hbm>> -> memref<128xi32, #tpu.memory_space<hbm>>
      %dma_wait3A_127 = arith.constant 0 : i32
      %dma_wait3A_128 = tpu.memref_slice %arg7[%run_scoped3A_50, %dma_wait3A_127] : memref<3x128xi32, #tpu.memory_space<vmem>> -> memref<1x128xi32, #tpu.memory_space<vmem>>
      %dma_wait3A_129 = tpu.memref_squeeze %dma_wait3A_128 : memref<1x128xi32, #tpu.memory_space<vmem>> -> memref<128xi32, #tpu.memory_space<vmem>>
      %dma_wait3A_130 = arith.constant 0 : i32
      %dma_wait3A_131 = tpu.memref_slice %arg4[%add3A, %run_scoped3A_49, %dma_wait3A_130] : memref<32x81x128xi32, #tpu.memory_space<hbm>> -> memref<1x1x128xi32, #tpu.memory_space<hbm>>
      %dma_wait3A_132 = tpu.memref_squeeze %dma_wait3A_131 : memref<1x1x128xi32, #tpu.memory_space<hbm>> -> memref<128xi32, #tpu.memory_space<hbm>>
      tpu.wait_dma2 semaphore(%run_scoped3A_108 : memref<!tpu.dma_semaphore, #tpu.memory_space<semaphore_mem>>) src(%dma_wait3A_132 : memref<128xi32, #tpu.memory_space<hbm>>) dst(%dma_wait3A_129 : memref<128xi32, #tpu.memory_space<vmem>>)
      tpu.yield
    }) : () -> ()
    %dma_start3A_51 = arith.constant 1 : i32
    %dma_start3A_52 = arith.constant 1 : i32
    %dma_start3A_53 = arith.constant 0 : i32
    %dma_start3A_54 = arith.constant 0 : i32
    %dma_start3A_55 = tpu.memref_slice %arg8[%dma_start3A_52, %dma_start3A_53, %dma_start3A_54] : memref<3x128x128xf32, #tpu.memory_space<vmem>> -> memref<1x128x128xf32, #tpu.memory_space<vmem>>
    %dma_start3A_56 = tpu.memref_squeeze %dma_start3A_55 : memref<1x128x128xf32, #tpu.memory_space<vmem>> -> memref<128x128xf32, #tpu.memory_space<vmem>>
    %dma_start3A_57 = arith.constant 0 : i32
    %dma_start3A_58 = tpu.memref_slice %arg6[%dma_start3A_51, %dma_start3A_57] : memref<3x128xi32, #tpu.memory_space<vmem>> -> memref<1x128xi32, #tpu.memory_space<vmem>>
    %dma_start3A_59 = tpu.memref_squeeze %dma_start3A_58 : memref<1x128xi32, #tpu.memory_space<vmem>> -> memref<128xi32, #tpu.memory_space<vmem>>
    %dma_start3A_60 = arith.constant 0 : i32
    %dma_start3A_61 = arith.constant 0 : i32
    %dma_start3A_62 = tpu.memref_slice %arg2[%dma_start3A_60, %dma_start3A_61] : memref<10000x128xf32, #tpu.memory_space<hbm>> -> memref<10000x128xf32, #tpu.memory_space<hbm>>
    tpu.enqueue_indirect_dma source(%dma_start3A_62 : memref<10000x128xf32, #tpu.memory_space<hbm>>) target(%dma_start3A_56 : memref<128x128xf32, #tpu.memory_space<vmem>>) offsets(%dma_start3A_59 : memref<128xi32, #tpu.memory_space<vmem>>) semaphore(%arg11 : memref<!tpu.dma_semaphore, #tpu.memory_space<semaphore_mem>>)
    %scan3A_63 = arith.constant 0 : i32
    %scan3A_64 = arith.constant 0 : i32
    %scan3A_65 = arith.constant 27 : i32
    %scan3A_66 = arith.addi %scan3A_64, %scan3A_65 : i32
    %scan3A_67 = arith.constant 1 : i32
    %scan3A_68 = scf.for %scan3A_108 = %scan3A_64 to %scan3A_66 step %scan3A_67 iter_args(%scan3A_109 = %scan3A_63) -> (i32)  : i32 {
      %mul3A_110 = arith.constant 3 : i32
      %mul3A_111 = arith.muli %mul3A_110, %scan3A_108 : i32
      %add3A_112 = arith.constant 0 : i32
      %add3A_113 = arith.addi %mul3A_111, %add3A_112 : i32
      %dma_wait3A_114 = arith.constant 0 : i32
      %dma_wait3A_115 = arith.constant 0 : i32
      %dma_wait3A_116 = arith.constant 0 : i32
      %dma_wait3A_117 = arith.constant 0 : i32
      %dma_wait3A_118 = tpu.memref_slice %arg8[%dma_wait3A_115, %dma_wait3A_116, %dma_wait3A_117] : memref<3x128x128xf32, #tpu.memory_space<vmem>> -> memref<1x128x128xf32, #tpu.memory_space<vmem>>
      %dma_wait3A_119 = tpu.memref_squeeze %dma_wait3A_118 : memref<1x128x128xf32, #tpu.memory_space<vmem>> -> memref<128x128xf32, #tpu.memory_space<vmem>>
      %dma_wait3A_120 = arith.constant 0 : i32
      %dma_wait3A_121 = tpu.memref_slice %arg6[%dma_wait3A_114, %dma_wait3A_120] : memref<3x128xi32, #tpu.memory_space<vmem>> -> memref<1x128xi32, #tpu.memory_space<vmem>>
      %dma_wait3A_122 = tpu.memref_squeeze %dma_wait3A_121 : memref<1x128xi32, #tpu.memory_space<vmem>> -> memref<128xi32, #tpu.memory_space<vmem>>
      %dma_wait3A_123 = arith.constant 0 : i32
      %dma_wait3A_124 = arith.constant 0 : i32
      %dma_wait3A_125 = tpu.memref_slice %arg2[%dma_wait3A_123, %dma_wait3A_124] : memref<10000x128xf32, #tpu.memory_space<hbm>> -> memref<10000x128xf32, #tpu.memory_space<hbm>>
      tpu.wait_indirect_dma semaphore(%arg10 : memref<!tpu.dma_semaphore, #tpu.memory_space<semaphore_mem>>) src(%dma_wait3A_125 : memref<10000x128xf32, #tpu.memory_space<hbm>>) dst(%dma_wait3A_119 : memref<128x128xf32, #tpu.memory_space<vmem>>)
      %dma_start3A_126 = arith.constant 0 : i32
      %dma_start3A_127 = arith.constant 0 : i32
      %dma_start3A_128 = arith.constant 0 : i32
      %dma_start3A_129 = arith.constant 0 : i32
      %dma_start3A_130 = tpu.memref_slice %arg8[%dma_start3A_126, %dma_start3A_128, %dma_start3A_129] : memref<3x128x128xf32, #tpu.memory_space<vmem>> -> memref<1x128x128xf32, #tpu.memory_space<vmem>>
      %dma_start3A_131 = tpu.memref_squeeze %dma_start3A_130 : memref<1x128x128xf32, #tpu.memory_space<vmem>> -> memref<128x128xf32, #tpu.memory_space<vmem>>
      %dma_start3A_132 = arith.constant 0 : i32
      %dma_start3A_133 = tpu.memref_slice %arg7[%dma_start3A_127, %dma_start3A_132] : memref<3x128xi32, #tpu.memory_space<vmem>> -> memref<1x128xi32, #tpu.memory_space<vmem>>
      %dma_start3A_134 = tpu.memref_squeeze %dma_start3A_133 : memref<1x128xi32, #tpu.memory_space<vmem>> -> memref<128xi32, #tpu.memory_space<vmem>>
      %dma_start3A_135 = arith.constant 0 : i32
      %dma_start3A_136 = arith.constant 0 : i32
      %dma_start3A_137 = tpu.memref_slice %arg9[%dma_start3A_135, %dma_start3A_136] : memref<10112x128xf32, #tpu.memory_space<vmem_shared>> -> memref<10112x128xf32, #tpu.memory_space<vmem_shared>>
      tpu.enqueue_indirect_dma source(%dma_start3A_131 : memref<128x128xf32, #tpu.memory_space<vmem>>) target(%dma_start3A_137 : memref<10112x128xf32, #tpu.memory_space<vmem_shared>>) offsets(%dma_start3A_134 : memref<128xi32, #tpu.memory_space<vmem>>) semaphore(%arg13 : memref<!tpu.dma_semaphore, #tpu.memory_space<semaphore_mem>>) {add = true}
      %add3A_138 = arith.constant 2 : i32
      %add3A_139 = arith.addi %add3A_113, %add3A_138 : i32
      %lt3A = arith.constant 81 : i32
      %lt3A_140 = arith.cmpi slt, %add3A_139, %lt3A : i32
      %convert_element_type3A = arith.extui %lt3A_140 : i1 to i32
      %cond3A = arith.constant 0 : i32
      %cond3A_141 = arith.cmpi ne, %convert_element_type3A, %cond3A : i32
      scf.if %cond3A_141 {
        %ge3A = arith.constant 1 : i32
        %ge3A_213 = arith.cmpi sge, %add3A_113, %ge3A : i32
        %convert_element_type3A_214 = arith.extui %ge3A_213 : i1 to i32
        %cond3A_215 = arith.constant 0 : i32
        %cond3A_216 = arith.cmpi ne, %convert_element_type3A_214, %cond3A_215 : i32
        scf.if %cond3A_216 {
          %dma_wait3A_233 = arith.constant 2 : i32
          %dma_wait3A_234 = arith.constant 2 : i32
          %dma_wait3A_235 = arith.constant 0 : i32
          %dma_wait3A_236 = arith.constant 0 : i32
          %dma_wait3A_237 = tpu.memref_slice %arg8[%dma_wait3A_233, %dma_wait3A_235, %dma_wait3A_236] : memref<3x128x128xf32, #tpu.memory_space<vmem>> -> memref<1x128x128xf32, #tpu.memory_space<vmem>>
          %dma_wait3A_238 = tpu.memref_squeeze %dma_wait3A_237 : memref<1x128x128xf32, #tpu.memory_space<vmem>> -> memref<128x128xf32, #tpu.memory_space<vmem>>
          %dma_wait3A_239 = arith.constant 0 : i32
          %dma_wait3A_240 = tpu.memref_slice %arg7[%dma_wait3A_234, %dma_wait3A_239] : memref<3x128xi32, #tpu.memory_space<vmem>> -> memref<1x128xi32, #tpu.memory_space<vmem>>
          %dma_wait3A_241 = tpu.memref_squeeze %dma_wait3A_240 : memref<1x128xi32, #tpu.memory_space<vmem>> -> memref<128xi32, #tpu.memory_space<vmem>>
          %dma_wait3A_242 = arith.constant 0 : i32
          %dma_wait3A_243 = arith.constant 0 : i32
          %dma_wait3A_244 = tpu.memref_slice %arg9[%dma_wait3A_242, %dma_wait3A_243] : memref<10112x128xf32, #tpu.memory_space<vmem_shared>> -> memref<10112x128xf32, #tpu.memory_space<vmem_shared>>
          tpu.wait_indirect_dma semaphore(%arg15 : memref<!tpu.dma_semaphore, #tpu.memory_space<semaphore_mem>>) src(%dma_wait3A_238 : memref<128x128xf32, #tpu.memory_space<vmem>>) dst(%dma_wait3A_244 : memref<10112x128xf32, #tpu.memory_space<vmem_shared>>)
        } else {
        }
        %add3A_217 = arith.constant 2 : i32
        %add3A_218 = arith.addi %add3A_113, %add3A_217 : i32
        %run_scoped3A_219 = arith.constant 2 : i32
        "tpu.region"() ({
          %run_scoped3A_233 = tpu.sem_alloc : memref<!tpu.dma_semaphore, #tpu.memory_space<semaphore_mem>>
          %dma_start3A_234 = arith.constant 0 : i32
          %dma_start3A_235 = tpu.memref_slice %arg6[%run_scoped3A_219, %dma_start3A_234] : memref<3x128xi32, #tpu.memory_space<vmem>> -> memref<1x128xi32, #tpu.memory_space<vmem>>
          %dma_start3A_236 = tpu.memref_squeeze %dma_start3A_235 : memref<1x128xi32, #tpu.memory_space<vmem>> -> memref<128xi32, #tpu.memory_space<vmem>>
          %dma_start3A_237 = arith.constant 0 : i32
          %dma_start3A_238 = tpu.memref_slice %arg3[%add3A, %add3A_218, %dma_start3A_237] : memref<32x81x128xi32, #tpu.memory_space<hbm>> -> memref<1x1x128xi32, #tpu.memory_space<hbm>>
          %dma_start3A_239 = tpu.memref_squeeze %dma_start3A_238 : memref<1x1x128xi32, #tpu.memory_space<hbm>> -> memref<128xi32, #tpu.memory_space<hbm>>
          %dma_start3A_240 = arith.constant 0 : i32
          %dma_start3A_241 = tpu.memref_slice %arg6[%run_scoped3A_219, %dma_start3A_240] : memref<3x128xi32, #tpu.memory_space<vmem>> -> memref<1x128xi32, #tpu.memory_space<vmem>>
          %dma_start3A_242 = tpu.memref_squeeze %dma_start3A_241 : memref<1x128xi32, #tpu.memory_space<vmem>> -> memref<128xi32, #tpu.memory_space<vmem>>
          %dma_start3A_243 = arith.constant 0 : i32
          %dma_start3A_244 = tpu.memref_slice %arg3[%add3A, %add3A_218, %dma_start3A_243] : memref<32x81x128xi32, #tpu.memory_space<hbm>> -> memref<1x1x128xi32, #tpu.memory_space<hbm>>
          %dma_start3A_245 = tpu.memref_squeeze %dma_start3A_244 : memref<1x1x128xi32, #tpu.memory_space<hbm>> -> memref<128xi32, #tpu.memory_space<hbm>>
          tpu.enqueue_dma source(%dma_start3A_245 : memref<128xi32, #tpu.memory_space<hbm>>) target(%dma_start3A_242 : memref<128xi32, #tpu.memory_space<vmem>>) target_semaphore(%run_scoped3A_233 : memref<!tpu.dma_semaphore, #tpu.memory_space<semaphore_mem>>)
          %dma_wait3A_246 = arith.constant 0 : i32
          %dma_wait3A_247 = tpu.memref_slice %arg6[%run_scoped3A_219, %dma_wait3A_246] : memref<3x128xi32, #tpu.memory_space<vmem>> -> memref<1x128xi32, #tpu.memory_space<vmem>>
          %dma_wait3A_248 = tpu.memref_squeeze %dma_wait3A_247 : memref<1x128xi32, #tpu.memory_space<vmem>> -> memref<128xi32, #tpu.memory_space<vmem>>
          %dma_wait3A_249 = arith.constant 0 : i32
          %dma_wait3A_250 = tpu.memref_slice %arg3[%add3A, %add3A_218, %dma_wait3A_249] : memref<32x81x128xi32, #tpu.memory_space<hbm>> -> memref<1x1x128xi32, #tpu.memory_space<hbm>>
          %dma_wait3A_251 = tpu.memref_squeeze %dma_wait3A_250 : memref<1x1x128xi32, #tpu.memory_space<hbm>> -> memref<128xi32, #tpu.memory_space<hbm>>
          %dma_wait3A_252 = arith.constant 0 : i32
          %dma_wait3A_253 = tpu.memref_slice %arg6[%run_scoped3A_219, %dma_wait3A_252] : memref<3x128xi32, #tpu.memory_space<vmem>> -> memref<1x128xi32, #tpu.memory_space<vmem>>
          %dma_wait3A_254 = tpu.memref_squeeze %dma_wait3A_253 : memref<1x128xi32, #tpu.memory_space<vmem>> -> memref<128xi32, #tpu.memory_space<vmem>>
          %dma_wait3A_255 = arith.constant 0 : i32
          %dma_wait3A_256 = tpu.memref_slice %arg3[%add3A, %add3A_218, %dma_wait3A_255] : memref<32x81x128xi32, #tpu.memory_space<hbm>> -> memref<1x1x128xi32, #tpu.memory_space<hbm>>
          %dma_wait3A_257 = tpu.memref_squeeze %dma_wait3A_256 : memref<1x1x128xi32, #tpu.memory_space<hbm>> -> memref<128xi32, #tpu.memory_space<hbm>>
          tpu.wait_dma2 semaphore(%run_scoped3A_233 : memref<!tpu.dma_semaphore, #tpu.memory_space<semaphore_mem>>) src(%dma_wait3A_257 : memref<128xi32, #tpu.memory_space<hbm>>) dst(%dma_wait3A_254 : memref<128xi32, #tpu.memory_space<vmem>>)
          tpu.yield
        }) : () -> ()
        %run_scoped3A_220 = arith.constant 2 : i32
        "tpu.region"() ({
          %run_scoped3A_233 = tpu.sem_alloc : memref<!tpu.dma_semaphore, #tpu.memory_space<semaphore_mem>>
          %dma_start3A_234 = arith.constant 0 : i32
          %dma_start3A_235 = tpu.memref_slice %arg7[%run_scoped3A_220, %dma_start3A_234] : memref<3x128xi32, #tpu.memory_space<vmem>> -> memref<1x128xi32, #tpu.memory_space<vmem>>
          %dma_start3A_236 = tpu.memref_squeeze %dma_start3A_235 : memref<1x128xi32, #tpu.memory_space<vmem>> -> memref<128xi32, #tpu.memory_space<vmem>>
          %dma_start3A_237 = arith.constant 0 : i32
          %dma_start3A_238 = tpu.memref_slice %arg4[%add3A, %add3A_218, %dma_start3A_237] : memref<32x81x128xi32, #tpu.memory_space<hbm>> -> memref<1x1x128xi32, #tpu.memory_space<hbm>>
          %dma_start3A_239 = tpu.memref_squeeze %dma_start3A_238 : memref<1x1x128xi32, #tpu.memory_space<hbm>> -> memref<128xi32, #tpu.memory_space<hbm>>
          %dma_start3A_240 = arith.constant 0 : i32
          %dma_start3A_241 = tpu.memref_slice %arg7[%run_scoped3A_220, %dma_start3A_240] : memref<3x128xi32, #tpu.memory_space<vmem>> -> memref<1x128xi32, #tpu.memory_space<vmem>>
          %dma_start3A_242 = tpu.memref_squeeze %dma_start3A_241 : memref<1x128xi32, #tpu.memory_space<vmem>> -> memref<128xi32, #tpu.memory_space<vmem>>
          %dma_start3A_243 = arith.constant 0 : i32
          %dma_start3A_244 = tpu.memref_slice %arg4[%add3A, %add3A_218, %dma_start3A_243] : memref<32x81x128xi32, #tpu.memory_space<hbm>> -> memref<1x1x128xi32, #tpu.memory_space<hbm>>
          %dma_start3A_245 = tpu.memref_squeeze %dma_start3A_244 : memref<1x1x128xi32, #tpu.memory_space<hbm>> -> memref<128xi32, #tpu.memory_space<hbm>>
          tpu.enqueue_dma source(%dma_start3A_245 : memref<128xi32, #tpu.memory_space<hbm>>) target(%dma_start3A_242 : memref<128xi32, #tpu.memory_space<vmem>>) target_semaphore(%run_scoped3A_233 : memref<!tpu.dma_semaphore, #tpu.memory_space<semaphore_mem>>)
          %dma_wait3A_246 = arith.constant 0 : i32
          %dma_wait3A_247 = tpu.memref_slice %arg7[%run_scoped3A_220, %dma_wait3A_246] : memref<3x128xi32, #tpu.memory_space<vmem>> -> memref<1x128xi32, #tpu.memory_space<vmem>>
          %dma_wait3A_248 = tpu.memref_squeeze %dma_wait3A_247 : memref<1x128xi32, #tpu.memory_space<vmem>> -> memref<128xi32, #tpu.memory_space<vmem>>
          %dma_wait3A_249 = arith.constant 0 : i32
          %dma_wait3A_250 = tpu.memref_slice %arg4[%add3A, %add3A_218, %dma_wait3A_249] : memref<32x81x128xi32, #tpu.memory_space<hbm>> -> memref<1x1x128xi32, #tpu.memory_space<hbm>>
          %dma_wait3A_251 = tpu.memref_squeeze %dma_wait3A_250 : memref<1x1x128xi32, #tpu.memory_space<hbm>> -> memref<128xi32, #tpu.memory_space<hbm>>
          %dma_wait3A_252 = arith.constant 0 : i32
          %dma_wait3A_253 = tpu.memref_slice %arg7[%run_scoped3A_220, %dma_wait3A_252] : memref<3x128xi32, #tpu.memory_space<vmem>> -> memref<1x128xi32, #tpu.memory_space<vmem>>
          %dma_wait3A_254 = tpu.memref_squeeze %dma_wait3A_253 : memref<1x128xi32, #tpu.memory_space<vmem>> -> memref<128xi32, #tpu.memory_space<vmem>>
          %dma_wait3A_255 = arith.constant 0 : i32
          %dma_wait3A_256 = tpu.memref_slice %arg4[%add3A, %add3A_218, %dma_wait3A_255] : memref<32x81x128xi32, #tpu.memory_space<hbm>> -> memref<1x1x128xi32, #tpu.memory_space<hbm>>
          %dma_wait3A_257 = tpu.memref_squeeze %dma_wait3A_256 : memref<1x1x128xi32, #tpu.memory_space<hbm>> -> memref<128xi32, #tpu.memory_space<hbm>>
          tpu.wait_dma2 semaphore(%run_scoped3A_233 : memref<!tpu.dma_semaphore, #tpu.memory_space<semaphore_mem>>) src(%dma_wait3A_257 : memref<128xi32, #tpu.memory_space<hbm>>) dst(%dma_wait3A_254 : memref<128xi32, #tpu.memory_space<vmem>>)
          tpu.yield
        }) : () -> ()
        %dma_start3A_221 = arith.constant 2 : i32
        %dma_start3A_222 = arith.constant 2 : i32
        %dma_start3A_223 = arith.constant 0 : i32
        %dma_start3A_224 = arith.constant 0 : i32
        %dma_start3A_225 = tpu.memref_slice %arg8[%dma_start3A_222, %dma_start3A_223, %dma_start3A_224] : memref<3x128x128xf32, #tpu.memory_space<vmem>> -> memref<1x128x128xf32, #tpu.memory_space<vmem>>
        %dma_start3A_226 = tpu.memref_squeeze %dma_start3A_225 : memref<1x128x128xf32, #tpu.memory_space<vmem>> -> memref<128x128xf32, #tpu.memory_space<vmem>>
        %dma_start3A_227 = arith.constant 0 : i32
        %dma_start3A_228 = tpu.memref_slice %arg6[%dma_start3A_221, %dma_start3A_227] : memref<3x128xi32, #tpu.memory_space<vmem>> -> memref<1x128xi32, #tpu.memory_space<vmem>>
        %dma_start3A_229 = tpu.memref_squeeze %dma_start3A_228 : memref<1x128xi32, #tpu.memory_space<vmem>> -> memref<128xi32, #tpu.memory_space<vmem>>
        %dma_start3A_230 = arith.constant 0 : i32
        %dma_start3A_231 = arith.constant 0 : i32
        %dma_start3A_232 = tpu.memref_slice %arg2[%dma_start3A_230, %dma_start3A_231] : memref<10000x128xf32, #tpu.memory_space<hbm>> -> memref<10000x128xf32, #tpu.memory_space<hbm>>
        tpu.enqueue_indirect_dma source(%dma_start3A_232 : memref<10000x128xf32, #tpu.memory_space<hbm>>) target(%dma_start3A_226 : memref<128x128xf32, #tpu.memory_space<vmem>>) offsets(%dma_start3A_229 : memref<128xi32, #tpu.memory_space<vmem>>) semaphore(%arg12 : memref<!tpu.dma_semaphore, #tpu.memory_space<semaphore_mem>>)
      } else {
      }
      %mul3A_142 = arith.constant 3 : i32
      %mul3A_143 = arith.muli %mul3A_142, %scan3A_108 : i32
      %add3A_144 = arith.constant 1 : i32
      %add3A_145 = arith.addi %mul3A_143, %add3A_144 : i32
      %dma_wait3A_146 = arith.constant 1 : i32
      %dma_wait3A_147 = arith.constant 1 : i32
      %dma_wait3A_148 = arith.constant 0 : i32
      %dma_wait3A_149 = arith.constant 0 : i32
      %dma_wait3A_150 = tpu.memref_slice %arg8[%dma_wait3A_147, %dma_wait3A_148, %dma_wait3A_149] : memref<3x128x128xf32, #tpu.memory_space<vmem>> -> memref<1x128x128xf32, #tpu.memory_space<vmem>>
      %dma_wait3A_151 = tpu.memref_squeeze %dma_wait3A_150 : memref<1x128x128xf32, #tpu.memory_space<vmem>> -> memref<128x128xf32, #tpu.memory_space<vmem>>
      %dma_wait3A_152 = arith.constant 0 : i32
      %dma_wait3A_153 = tpu.memref_slice %arg6[%dma_wait3A_146, %dma_wait3A_152] : memref<3x128xi32, #tpu.memory_space<vmem>> -> memref<1x128xi32, #tpu.memory_space<vmem>>
      %dma_wait3A_154 = tpu.memref_squeeze %dma_wait3A_153 : memref<1x128xi32, #tpu.memory_space<vmem>> -> memref<128xi32, #tpu.memory_space<vmem>>
      %dma_wait3A_155 = arith.constant 0 : i32
      %dma_wait3A_156 = arith.constant 0 : i32
      %dma_wait3A_157 = tpu.memref_slice %arg2[%dma_wait3A_155, %dma_wait3A_156] : memref<10000x128xf32, #tpu.memory_space<hbm>> -> memref<10000x128xf32, #tpu.memory_space<hbm>>
      tpu.wait_indirect_dma semaphore(%arg11 : memref<!tpu.dma_semaphore, #tpu.memory_space<semaphore_mem>>) src(%dma_wait3A_157 : memref<10000x128xf32, #tpu.memory_space<hbm>>) dst(%dma_wait3A_151 : memref<128x128xf32, #tpu.memory_space<vmem>>)
      %dma_start3A_158 = arith.constant 1 : i32
      %dma_start3A_159 = arith.constant 1 : i32
      %dma_start3A_160 = arith.constant 0 : i32
      %dma_start3A_161 = arith.constant 0 : i32
      %dma_start3A_162 = tpu.memref_slice %arg8[%dma_start3A_158, %dma_start3A_160, %dma_start3A_161] : memref<3x128x128xf32, #tpu.memory_space<vmem>> -> memref<1x128x128xf32, #tpu.memory_space<vmem>>
      %dma_start3A_163 = tpu.memref_squeeze %dma_start3A_162 : memref<1x128x128xf32, #tpu.memory_space<vmem>> -> memref<128x128xf32, #tpu.memory_space<vmem>>
      %dma_start3A_164 = arith.constant 0 : i32
      %dma_start3A_165 = tpu.memref_slice %arg7[%dma_start3A_159, %dma_start3A_164] : memref<3x128xi32, #tpu.memory_space<vmem>> -> memref<1x128xi32, #tpu.memory_space<vmem>>
      %dma_start3A_166 = tpu.memref_squeeze %dma_start3A_165 : memref<1x128xi32, #tpu.memory_space<vmem>> -> memref<128xi32, #tpu.memory_space<vmem>>
      %dma_start3A_167 = arith.constant 0 : i32
      %dma_start3A_168 = arith.constant 0 : i32
      %dma_start3A_169 = tpu.memref_slice %arg9[%dma_start3A_167, %dma_start3A_168] : memref<10112x128xf32, #tpu.memory_space<vmem_shared>> -> memref<10112x128xf32, #tpu.memory_space<vmem_shared>>
      tpu.enqueue_indirect_dma source(%dma_start3A_163 : memref<128x128xf32, #tpu.memory_space<vmem>>) target(%dma_start3A_169 : memref<10112x128xf32, #tpu.memory_space<vmem_shared>>) offsets(%dma_start3A_166 : memref<128xi32, #tpu.memory_space<vmem>>) semaphore(%arg14 : memref<!tpu.dma_semaphore, #tpu.memory_space<semaphore_mem>>) {add = true}
      %add3A_170 = arith.constant 2 : i32
      %add3A_171 = arith.addi %add3A_145, %add3A_170 : i32
      %lt3A_172 = arith.constant 81 : i32
      %lt3A_173 = arith.cmpi slt, %add3A_171, %lt3A_172 : i32
      %convert_element_type3A_174 = arith.extui %lt3A_173 : i1 to i32
      %cond3A_175 = arith.constant 0 : i32
      %cond3A_176 = arith.cmpi ne, %convert_element_type3A_174, %cond3A_175 : i32
      scf.if %cond3A_176 {
        %ge3A = arith.constant 1 : i32
        %ge3A_213 = arith.cmpi sge, %add3A_145, %ge3A : i32
        %convert_element_type3A_214 = arith.extui %ge3A_213 : i1 to i32
        %cond3A_215 = arith.constant 0 : i32
        %cond3A_216 = arith.cmpi ne, %convert_element_type3A_214, %cond3A_215 : i32
        scf.if %cond3A_216 {
          %dma_wait3A_233 = arith.constant 0 : i32
          %dma_wait3A_234 = arith.constant 0 : i32
          %dma_wait3A_235 = arith.constant 0 : i32
          %dma_wait3A_236 = arith.constant 0 : i32
          %dma_wait3A_237 = tpu.memref_slice %arg8[%dma_wait3A_233, %dma_wait3A_235, %dma_wait3A_236] : memref<3x128x128xf32, #tpu.memory_space<vmem>> -> memref<1x128x128xf32, #tpu.memory_space<vmem>>
          %dma_wait3A_238 = tpu.memref_squeeze %dma_wait3A_237 : memref<1x128x128xf32, #tpu.memory_space<vmem>> -> memref<128x128xf32, #tpu.memory_space<vmem>>
          %dma_wait3A_239 = arith.constant 0 : i32
          %dma_wait3A_240 = tpu.memref_slice %arg7[%dma_wait3A_234, %dma_wait3A_239] : memref<3x128xi32, #tpu.memory_space<vmem>> -> memref<1x128xi32, #tpu.memory_space<vmem>>
          %dma_wait3A_241 = tpu.memref_squeeze %dma_wait3A_240 : memref<1x128xi32, #tpu.memory_space<vmem>> -> memref<128xi32, #tpu.memory_space<vmem>>
          %dma_wait3A_242 = arith.constant 0 : i32
          %dma_wait3A_243 = arith.constant 0 : i32
          %dma_wait3A_244 = tpu.memref_slice %arg9[%dma_wait3A_242, %dma_wait3A_243] : memref<10112x128xf32, #tpu.memory_space<vmem_shared>> -> memref<10112x128xf32, #tpu.memory_space<vmem_shared>>
          tpu.wait_indirect_dma semaphore(%arg13 : memref<!tpu.dma_semaphore, #tpu.memory_space<semaphore_mem>>) src(%dma_wait3A_238 : memref<128x128xf32, #tpu.memory_space<vmem>>) dst(%dma_wait3A_244 : memref<10112x128xf32, #tpu.memory_space<vmem_shared>>)
        } else {
        }
        %add3A_217 = arith.constant 2 : i32
        %add3A_218 = arith.addi %add3A_145, %add3A_217 : i32
        %run_scoped3A_219 = arith.constant 0 : i32
        "tpu.region"() ({
          %run_scoped3A_233 = tpu.sem_alloc : memref<!tpu.dma_semaphore, #tpu.memory_space<semaphore_mem>>
          %dma_start3A_234 = arith.constant 0 : i32
          %dma_start3A_235 = tpu.memref_slice %arg6[%run_scoped3A_219, %dma_start3A_234] : memref<3x128xi32, #tpu.memory_space<vmem>> -> memref<1x128xi32, #tpu.memory_space<vmem>>
          %dma_start3A_236 = tpu.memref_squeeze %dma_start3A_235 : memref<1x128xi32, #tpu.memory_space<vmem>> -> memref<128xi32, #tpu.memory_space<vmem>>
          %dma_start3A_237 = arith.constant 0 : i32
          %dma_start3A_238 = tpu.memref_slice %arg3[%add3A, %add3A_218, %dma_start3A_237] : memref<32x81x128xi32, #tpu.memory_space<hbm>> -> memref<1x1x128xi32, #tpu.memory_space<hbm>>
          %dma_start3A_239 = tpu.memref_squeeze %dma_start3A_238 : memref<1x1x128xi32, #tpu.memory_space<hbm>> -> memref<128xi32, #tpu.memory_space<hbm>>
          %dma_start3A_240 = arith.constant 0 : i32
          %dma_start3A_241 = tpu.memref_slice %arg6[%run_scoped3A_219, %dma_start3A_240] : memref<3x128xi32, #tpu.memory_space<vmem>> -> memref<1x128xi32, #tpu.memory_space<vmem>>
          %dma_start3A_242 = tpu.memref_squeeze %dma_start3A_241 : memref<1x128xi32, #tpu.memory_space<vmem>> -> memref<128xi32, #tpu.memory_space<vmem>>
          %dma_start3A_243 = arith.constant 0 : i32
          %dma_start3A_244 = tpu.memref_slice %arg3[%add3A, %add3A_218, %dma_start3A_243] : memref<32x81x128xi32, #tpu.memory_space<hbm>> -> memref<1x1x128xi32, #tpu.memory_space<hbm>>
          %dma_start3A_245 = tpu.memref_squeeze %dma_start3A_244 : memref<1x1x128xi32, #tpu.memory_space<hbm>> -> memref<128xi32, #tpu.memory_space<hbm>>
          tpu.enqueue_dma source(%dma_start3A_245 : memref<128xi32, #tpu.memory_space<hbm>>) target(%dma_start3A_242 : memref<128xi32, #tpu.memory_space<vmem>>) target_semaphore(%run_scoped3A_233 : memref<!tpu.dma_semaphore, #tpu.memory_space<semaphore_mem>>)
          %dma_wait3A_246 = arith.constant 0 : i32
          %dma_wait3A_247 = tpu.memref_slice %arg6[%run_scoped3A_219, %dma_wait3A_246] : memref<3x128xi32, #tpu.memory_space<vmem>> -> memref<1x128xi32, #tpu.memory_space<vmem>>
          %dma_wait3A_248 = tpu.memref_squeeze %dma_wait3A_247 : memref<1x128xi32, #tpu.memory_space<vmem>> -> memref<128xi32, #tpu.memory_space<vmem>>
          %dma_wait3A_249 = arith.constant 0 : i32
          %dma_wait3A_250 = tpu.memref_slice %arg3[%add3A, %add3A_218, %dma_wait3A_249] : memref<32x81x128xi32, #tpu.memory_space<hbm>> -> memref<1x1x128xi32, #tpu.memory_space<hbm>>
          %dma_wait3A_251 = tpu.memref_squeeze %dma_wait3A_250 : memref<1x1x128xi32, #tpu.memory_space<hbm>> -> memref<128xi32, #tpu.memory_space<hbm>>
          %dma_wait3A_252 = arith.constant 0 : i32
          %dma_wait3A_253 = tpu.memref_slice %arg6[%run_scoped3A_219, %dma_wait3A_252] : memref<3x128xi32, #tpu.memory_space<vmem>> -> memref<1x128xi32, #tpu.memory_space<vmem>>
          %dma_wait3A_254 = tpu.memref_squeeze %dma_wait3A_253 : memref<1x128xi32, #tpu.memory_space<vmem>> -> memref<128xi32, #tpu.memory_space<vmem>>
          %dma_wait3A_255 = arith.constant 0 : i32
          %dma_wait3A_256 = tpu.memref_slice %arg3[%add3A, %add3A_218, %dma_wait3A_255] : memref<32x81x128xi32, #tpu.memory_space<hbm>> -> memref<1x1x128xi32, #tpu.memory_space<hbm>>
          %dma_wait3A_257 = tpu.memref_squeeze %dma_wait3A_256 : memref<1x1x128xi32, #tpu.memory_space<hbm>> -> memref<128xi32, #tpu.memory_space<hbm>>
          tpu.wait_dma2 semaphore(%run_scoped3A_233 : memref<!tpu.dma_semaphore, #tpu.memory_space<semaphore_mem>>) src(%dma_wait3A_257 : memref<128xi32, #tpu.memory_space<hbm>>) dst(%dma_wait3A_254 : memref<128xi32, #tpu.memory_space<vmem>>)
          tpu.yield
        }) : () -> ()
        %run_scoped3A_220 = arith.constant 0 : i32
        "tpu.region"() ({
          %run_scoped3A_233 = tpu.sem_alloc : memref<!tpu.dma_semaphore, #tpu.memory_space<semaphore_mem>>
          %dma_start3A_234 = arith.constant 0 : i32
          %dma_start3A_235 = tpu.memref_slice %arg7[%run_scoped3A_220, %dma_start3A_234] : memref<3x128xi32, #tpu.memory_space<vmem>> -> memref<1x128xi32, #tpu.memory_space<vmem>>
          %dma_start3A_236 = tpu.memref_squeeze %dma_start3A_235 : memref<1x128xi32, #tpu.memory_space<vmem>> -> memref<128xi32, #tpu.memory_space<vmem>>
          %dma_start3A_237 = arith.constant 0 : i32
          %dma_start3A_238 = tpu.memref_slice %arg4[%add3A, %add3A_218, %dma_start3A_237] : memref<32x81x128xi32, #tpu.memory_space<hbm>> -> memref<1x1x128xi32, #tpu.memory_space<hbm>>
          %dma_start3A_239 = tpu.memref_squeeze %dma_start3A_238 : memref<1x1x128xi32, #tpu.memory_space<hbm>> -> memref<128xi32, #tpu.memory_space<hbm>>
          %dma_start3A_240 = arith.constant 0 : i32
          %dma_start3A_241 = tpu.memref_slice %arg7[%run_scoped3A_220, %dma_start3A_240] : memref<3x128xi32, #tpu.memory_space<vmem>> -> memref<1x128xi32, #tpu.memory_space<vmem>>
          %dma_start3A_242 = tpu.memref_squeeze %dma_start3A_241 : memref<1x128xi32, #tpu.memory_space<vmem>> -> memref<128xi32, #tpu.memory_space<vmem>>
          %dma_start3A_243 = arith.constant 0 : i32
          %dma_start3A_244 = tpu.memref_slice %arg4[%add3A, %add3A_218, %dma_start3A_243] : memref<32x81x128xi32, #tpu.memory_space<hbm>> -> memref<1x1x128xi32, #tpu.memory_space<hbm>>
          %dma_start3A_245 = tpu.memref_squeeze %dma_start3A_244 : memref<1x1x128xi32, #tpu.memory_space<hbm>> -> memref<128xi32, #tpu.memory_space<hbm>>
          tpu.enqueue_dma source(%dma_start3A_245 : memref<128xi32, #tpu.memory_space<hbm>>) target(%dma_start3A_242 : memref<128xi32, #tpu.memory_space<vmem>>) target_semaphore(%run_scoped3A_233 : memref<!tpu.dma_semaphore, #tpu.memory_space<semaphore_mem>>)
          %dma_wait3A_246 = arith.constant 0 : i32
          %dma_wait3A_247 = tpu.memref_slice %arg7[%run_scoped3A_220, %dma_wait3A_246] : memref<3x128xi32, #tpu.memory_space<vmem>> -> memref<1x128xi32, #tpu.memory_space<vmem>>
          %dma_wait3A_248 = tpu.memref_squeeze %dma_wait3A_247 : memref<1x128xi32, #tpu.memory_space<vmem>> -> memref<128xi32, #tpu.memory_space<vmem>>
          %dma_wait3A_249 = arith.constant 0 : i32
          %dma_wait3A_250 = tpu.memref_slice %arg4[%add3A, %add3A_218, %dma_wait3A_249] : memref<32x81x128xi32, #tpu.memory_space<hbm>> -> memref<1x1x128xi32, #tpu.memory_space<hbm>>
          %dma_wait3A_251 = tpu.memref_squeeze %dma_wait3A_250 : memref<1x1x128xi32, #tpu.memory_space<hbm>> -> memref<128xi32, #tpu.memory_space<hbm>>
          %dma_wait3A_252 = arith.constant 0 : i32
          %dma_wait3A_253 = tpu.memref_slice %arg7[%run_scoped3A_220, %dma_wait3A_252] : memref<3x128xi32, #tpu.memory_space<vmem>> -> memref<1x128xi32, #tpu.memory_space<vmem>>
          %dma_wait3A_254 = tpu.memref_squeeze %dma_wait3A_253 : memref<1x128xi32, #tpu.memory_space<vmem>> -> memref<128xi32, #tpu.memory_space<vmem>>
          %dma_wait3A_255 = arith.constant 0 : i32
          %dma_wait3A_256 = tpu.memref_slice %arg4[%add3A, %add3A_218, %dma_wait3A_255] : memref<32x81x128xi32, #tpu.memory_space<hbm>> -> memref<1x1x128xi32, #tpu.memory_space<hbm>>
          %dma_wait3A_257 = tpu.memref_squeeze %dma_wait3A_256 : memref<1x1x128xi32, #tpu.memory_space<hbm>> -> memref<128xi32, #tpu.memory_space<hbm>>
          tpu.wait_dma2 semaphore(%run_scoped3A_233 : memref<!tpu.dma_semaphore, #tpu.memory_space<semaphore_mem>>) src(%dma_wait3A_257 : memref<128xi32, #tpu.memory_space<hbm>>) dst(%dma_wait3A_254 : memref<128xi32, #tpu.memory_space<vmem>>)
          tpu.yield
        }) : () -> ()
        %dma_start3A_221 = arith.constant 0 : i32
        %dma_start3A_222 = arith.constant 0 : i32
        %dma_start3A_223 = arith.constant 0 : i32
        %dma_start3A_224 = arith.constant 0 : i32
        %dma_start3A_225 = tpu.memref_slice %arg8[%dma_start3A_222, %dma_start3A_223, %dma_start3A_224] : memref<3x128x128xf32, #tpu.memory_space<vmem>> -> memref<1x128x128xf32, #tpu.memory_space<vmem>>
        %dma_start3A_226 = tpu.memref_squeeze %dma_start3A_225 : memref<1x128x128xf32, #tpu.memory_space<vmem>> -> memref<128x128xf32, #tpu.memory_space<vmem>>
        %dma_start3A_227 = arith.constant 0 : i32
        %dma_start3A_228 = tpu.memref_slice %arg6[%dma_start3A_221, %dma_start3A_227] : memref<3x128xi32, #tpu.memory_space<vmem>> -> memref<1x128xi32, #tpu.memory_space<vmem>>
        %dma_start3A_229 = tpu.memref_squeeze %dma_start3A_228 : memref<1x128xi32, #tpu.memory_space<vmem>> -> memref<128xi32, #tpu.memory_space<vmem>>
        %dma_start3A_230 = arith.constant 0 : i32
        %dma_start3A_231 = arith.constant 0 : i32
        %dma_start3A_232 = tpu.memref_slice %arg2[%dma_start3A_230, %dma_start3A_231] : memref<10000x128xf32, #tpu.memory_space<hbm>> -> memref<10000x128xf32, #tpu.memory_space<hbm>>
        tpu.enqueue_indirect_dma source(%dma_start3A_232 : memref<10000x128xf32, #tpu.memory_space<hbm>>) target(%dma_start3A_226 : memref<128x128xf32, #tpu.memory_space<vmem>>) offsets(%dma_start3A_229 : memref<128xi32, #tpu.memory_space<vmem>>) semaphore(%arg10 : memref<!tpu.dma_semaphore, #tpu.memory_space<semaphore_mem>>)
      } else {
      }
      %mul3A_177 = arith.constant 3 : i32
      %mul3A_178 = arith.muli %mul3A_177, %scan3A_108 : i32
      %add3A_179 = arith.constant 2 : i32
      %add3A_180 = arith.addi %mul3A_178, %add3A_179 : i32
      %dma_wait3A_181 = arith.constant 2 : i32
      %dma_wait3A_182 = arith.constant 2 : i32
      %dma_wait3A_183 = arith.constant 0 : i32
      %dma_wait3A_184 = arith.constant 0 : i32
      %dma_wait3A_185 = tpu.memref_slice %arg8[%dma_wait3A_182, %dma_wait3A_183, %dma_wait3A_184] : memref<3x128x128xf32, #tpu.memory_space<vmem>> -> memref<1x128x128xf32, #tpu.memory_space<vmem>>
      %dma_wait3A_186 = tpu.memref_squeeze %dma_wait3A_185 : memref<1x128x128xf32, #tpu.memory_space<vmem>> -> memref<128x128xf32, #tpu.memory_space<vmem>>
      %dma_wait3A_187 = arith.constant 0 : i32
      %dma_wait3A_188 = tpu.memref_slice %arg6[%dma_wait3A_181, %dma_wait3A_187] : memref<3x128xi32, #tpu.memory_space<vmem>> -> memref<1x128xi32, #tpu.memory_space<vmem>>
      %dma_wait3A_189 = tpu.memref_squeeze %dma_wait3A_188 : memref<1x128xi32, #tpu.memory_space<vmem>> -> memref<128xi32, #tpu.memory_space<vmem>>
      %dma_wait3A_190 = arith.constant 0 : i32
      %dma_wait3A_191 = arith.constant 0 : i32
      %dma_wait3A_192 = tpu.memref_slice %arg2[%dma_wait3A_190, %dma_wait3A_191] : memref<10000x128xf32, #tpu.memory_space<hbm>> -> memref<10000x128xf32, #tpu.memory_space<hbm>>
      tpu.wait_indirect_dma semaphore(%arg12 : memref<!tpu.dma_semaphore, #tpu.memory_space<semaphore_mem>>) src(%dma_wait3A_192 : memref<10000x128xf32, #tpu.memory_space<hbm>>) dst(%dma_wait3A_186 : memref<128x128xf32, #tpu.memory_space<vmem>>)
      %dma_start3A_193 = arith.constant 2 : i32
      %dma_start3A_194 = arith.constant 2 : i32
      %dma_start3A_195 = arith.constant 0 : i32
      %dma_start3A_196 = arith.constant 0 : i32
      %dma_start3A_197 = tpu.memref_slice %arg8[%dma_start3A_193, %dma_start3A_195, %dma_start3A_196] : memref<3x128x128xf32, #tpu.memory_space<vmem>> -> memref<1x128x128xf32, #tpu.memory_space<vmem>>
      %dma_start3A_198 = tpu.memref_squeeze %dma_start3A_197 : memref<1x128x128xf32, #tpu.memory_space<vmem>> -> memref<128x128xf32, #tpu.memory_space<vmem>>
      %dma_start3A_199 = arith.constant 0 : i32
      %dma_start3A_200 = tpu.memref_slice %arg7[%dma_start3A_194, %dma_start3A_199] : memref<3x128xi32, #tpu.memory_space<vmem>> -> memref<1x128xi32, #tpu.memory_space<vmem>>
      %dma_start3A_201 = tpu.memref_squeeze %dma_start3A_200 : memref<1x128xi32, #tpu.memory_space<vmem>> -> memref<128xi32, #tpu.memory_space<vmem>>
      %dma_start3A_202 = arith.constant 0 : i32
      %dma_start3A_203 = arith.constant 0 : i32
      %dma_start3A_204 = tpu.memref_slice %arg9[%dma_start3A_202, %dma_start3A_203] : memref<10112x128xf32, #tpu.memory_space<vmem_shared>> -> memref<10112x128xf32, #tpu.memory_space<vmem_shared>>
      tpu.enqueue_indirect_dma source(%dma_start3A_198 : memref<128x128xf32, #tpu.memory_space<vmem>>) target(%dma_start3A_204 : memref<10112x128xf32, #tpu.memory_space<vmem_shared>>) offsets(%dma_start3A_201 : memref<128xi32, #tpu.memory_space<vmem>>) semaphore(%arg15 : memref<!tpu.dma_semaphore, #tpu.memory_space<semaphore_mem>>) {add = true}
      %add3A_205 = arith.constant 2 : i32
      %add3A_206 = arith.addi %add3A_180, %add3A_205 : i32
      %lt3A_207 = arith.constant 81 : i32
      %lt3A_208 = arith.cmpi slt, %add3A_206, %lt3A_207 : i32
      %convert_element_type3A_209 = arith.extui %lt3A_208 : i1 to i32
      %cond3A_210 = arith.constant 0 : i32
      %cond3A_211 = arith.cmpi ne, %convert_element_type3A_209, %cond3A_210 : i32
      scf.if %cond3A_211 {
        %ge3A = arith.constant 1 : i32
        %ge3A_213 = arith.cmpi sge, %add3A_180, %ge3A : i32
        %convert_element_type3A_214 = arith.extui %ge3A_213 : i1 to i32
        %cond3A_215 = arith.constant 0 : i32
        %cond3A_216 = arith.cmpi ne, %convert_element_type3A_214, %cond3A_215 : i32
        scf.if %cond3A_216 {
          %dma_wait3A_233 = arith.constant 1 : i32
          %dma_wait3A_234 = arith.constant 1 : i32
          %dma_wait3A_235 = arith.constant 0 : i32
          %dma_wait3A_236 = arith.constant 0 : i32
          %dma_wait3A_237 = tpu.memref_slice %arg8[%dma_wait3A_233, %dma_wait3A_235, %dma_wait3A_236] : memref<3x128x128xf32, #tpu.memory_space<vmem>> -> memref<1x128x128xf32, #tpu.memory_space<vmem>>
          %dma_wait3A_238 = tpu.memref_squeeze %dma_wait3A_237 : memref<1x128x128xf32, #tpu.memory_space<vmem>> -> memref<128x128xf32, #tpu.memory_space<vmem>>
          %dma_wait3A_239 = arith.constant 0 : i32
          %dma_wait3A_240 = tpu.memref_slice %arg7[%dma_wait3A_234, %dma_wait3A_239] : memref<3x128xi32, #tpu.memory_space<vmem>> -> memref<1x128xi32, #tpu.memory_space<vmem>>
          %dma_wait3A_241 = tpu.memref_squeeze %dma_wait3A_240 : memref<1x128xi32, #tpu.memory_space<vmem>> -> memref<128xi32, #tpu.memory_space<vmem>>
          %dma_wait3A_242 = arith.constant 0 : i32
          %dma_wait3A_243 = arith.constant 0 : i32
          %dma_wait3A_244 = tpu.memref_slice %arg9[%dma_wait3A_242, %dma_wait3A_243] : memref<10112x128xf32, #tpu.memory_space<vmem_shared>> -> memref<10112x128xf32, #tpu.memory_space<vmem_shared>>
          tpu.wait_indirect_dma semaphore(%arg14 : memref<!tpu.dma_semaphore, #tpu.memory_space<semaphore_mem>>) src(%dma_wait3A_238 : memref<128x128xf32, #tpu.memory_space<vmem>>) dst(%dma_wait3A_244 : memref<10112x128xf32, #tpu.memory_space<vmem_shared>>)
        } else {
        }
        %add3A_217 = arith.constant 2 : i32
        %add3A_218 = arith.addi %add3A_180, %add3A_217 : i32
        %run_scoped3A_219 = arith.constant 1 : i32
        "tpu.region"() ({
          %run_scoped3A_233 = tpu.sem_alloc : memref<!tpu.dma_semaphore, #tpu.memory_space<semaphore_mem>>
          %dma_start3A_234 = arith.constant 0 : i32
          %dma_start3A_235 = tpu.memref_slice %arg6[%run_scoped3A_219, %dma_start3A_234] : memref<3x128xi32, #tpu.memory_space<vmem>> -> memref<1x128xi32, #tpu.memory_space<vmem>>
          %dma_start3A_236 = tpu.memref_squeeze %dma_start3A_235 : memref<1x128xi32, #tpu.memory_space<vmem>> -> memref<128xi32, #tpu.memory_space<vmem>>
          %dma_start3A_237 = arith.constant 0 : i32
          %dma_start3A_238 = tpu.memref_slice %arg3[%add3A, %add3A_218, %dma_start3A_237] : memref<32x81x128xi32, #tpu.memory_space<hbm>> -> memref<1x1x128xi32, #tpu.memory_space<hbm>>
          %dma_start3A_239 = tpu.memref_squeeze %dma_start3A_238 : memref<1x1x128xi32, #tpu.memory_space<hbm>> -> memref<128xi32, #tpu.memory_space<hbm>>
          %dma_start3A_240 = arith.constant 0 : i32
          %dma_start3A_241 = tpu.memref_slice %arg6[%run_scoped3A_219, %dma_start3A_240] : memref<3x128xi32, #tpu.memory_space<vmem>> -> memref<1x128xi32, #tpu.memory_space<vmem>>
          %dma_start3A_242 = tpu.memref_squeeze %dma_start3A_241 : memref<1x128xi32, #tpu.memory_space<vmem>> -> memref<128xi32, #tpu.memory_space<vmem>>
          %dma_start3A_243 = arith.constant 0 : i32
          %dma_start3A_244 = tpu.memref_slice %arg3[%add3A, %add3A_218, %dma_start3A_243] : memref<32x81x128xi32, #tpu.memory_space<hbm>> -> memref<1x1x128xi32, #tpu.memory_space<hbm>>
          %dma_start3A_245 = tpu.memref_squeeze %dma_start3A_244 : memref<1x1x128xi32, #tpu.memory_space<hbm>> -> memref<128xi32, #tpu.memory_space<hbm>>
          tpu.enqueue_dma source(%dma_start3A_245 : memref<128xi32, #tpu.memory_space<hbm>>) target(%dma_start3A_242 : memref<128xi32, #tpu.memory_space<vmem>>) target_semaphore(%run_scoped3A_233 : memref<!tpu.dma_semaphore, #tpu.memory_space<semaphore_mem>>)
          %dma_wait3A_246 = arith.constant 0 : i32
          %dma_wait3A_247 = tpu.memref_slice %arg6[%run_scoped3A_219, %dma_wait3A_246] : memref<3x128xi32, #tpu.memory_space<vmem>> -> memref<1x128xi32, #tpu.memory_space<vmem>>
          %dma_wait3A_248 = tpu.memref_squeeze %dma_wait3A_247 : memref<1x128xi32, #tpu.memory_space<vmem>> -> memref<128xi32, #tpu.memory_space<vmem>>
          %dma_wait3A_249 = arith.constant 0 : i32
          %dma_wait3A_250 = tpu.memref_slice %arg3[%add3A, %add3A_218, %dma_wait3A_249] : memref<32x81x128xi32, #tpu.memory_space<hbm>> -> memref<1x1x128xi32, #tpu.memory_space<hbm>>
          %dma_wait3A_251 = tpu.memref_squeeze %dma_wait3A_250 : memref<1x1x128xi32, #tpu.memory_space<hbm>> -> memref<128xi32, #tpu.memory_space<hbm>>
          %dma_wait3A_252 = arith.constant 0 : i32
          %dma_wait3A_253 = tpu.memref_slice %arg6[%run_scoped3A_219, %dma_wait3A_252] : memref<3x128xi32, #tpu.memory_space<vmem>> -> memref<1x128xi32, #tpu.memory_space<vmem>>
          %dma_wait3A_254 = tpu.memref_squeeze %dma_wait3A_253 : memref<1x128xi32, #tpu.memory_space<vmem>> -> memref<128xi32, #tpu.memory_space<vmem>>
          %dma_wait3A_255 = arith.constant 0 : i32
          %dma_wait3A_256 = tpu.memref_slice %arg3[%add3A, %add3A_218, %dma_wait3A_255] : memref<32x81x128xi32, #tpu.memory_space<hbm>> -> memref<1x1x128xi32, #tpu.memory_space<hbm>>
          %dma_wait3A_257 = tpu.memref_squeeze %dma_wait3A_256 : memref<1x1x128xi32, #tpu.memory_space<hbm>> -> memref<128xi32, #tpu.memory_space<hbm>>
          tpu.wait_dma2 semaphore(%run_scoped3A_233 : memref<!tpu.dma_semaphore, #tpu.memory_space<semaphore_mem>>) src(%dma_wait3A_257 : memref<128xi32, #tpu.memory_space<hbm>>) dst(%dma_wait3A_254 : memref<128xi32, #tpu.memory_space<vmem>>)
          tpu.yield
        }) : () -> ()
        %run_scoped3A_220 = arith.constant 1 : i32
        "tpu.region"() ({
          %run_scoped3A_233 = tpu.sem_alloc : memref<!tpu.dma_semaphore, #tpu.memory_space<semaphore_mem>>
          %dma_start3A_234 = arith.constant 0 : i32
          %dma_start3A_235 = tpu.memref_slice %arg7[%run_scoped3A_220, %dma_start3A_234] : memref<3x128xi32, #tpu.memory_space<vmem>> -> memref<1x128xi32, #tpu.memory_space<vmem>>
          %dma_start3A_236 = tpu.memref_squeeze %dma_start3A_235 : memref<1x128xi32, #tpu.memory_space<vmem>> -> memref<128xi32, #tpu.memory_space<vmem>>
          %dma_start3A_237 = arith.constant 0 : i32
          %dma_start3A_238 = tpu.memref_slice %arg4[%add3A, %add3A_218, %dma_start3A_237] : memref<32x81x128xi32, #tpu.memory_space<hbm>> -> memref<1x1x128xi32, #tpu.memory_space<hbm>>
          %dma_start3A_239 = tpu.memref_squeeze %dma_start3A_238 : memref<1x1x128xi32, #tpu.memory_space<hbm>> -> memref<128xi32, #tpu.memory_space<hbm>>
          %dma_start3A_240 = arith.constant 0 : i32
          %dma_start3A_241 = tpu.memref_slice %arg7[%run_scoped3A_220, %dma_start3A_240] : memref<3x128xi32, #tpu.memory_space<vmem>> -> memref<1x128xi32, #tpu.memory_space<vmem>>
          %dma_start3A_242 = tpu.memref_squeeze %dma_start3A_241 : memref<1x128xi32, #tpu.memory_space<vmem>> -> memref<128xi32, #tpu.memory_space<vmem>>
          %dma_start3A_243 = arith.constant 0 : i32
          %dma_start3A_244 = tpu.memref_slice %arg4[%add3A, %add3A_218, %dma_start3A_243] : memref<32x81x128xi32, #tpu.memory_space<hbm>> -> memref<1x1x128xi32, #tpu.memory_space<hbm>>
          %dma_start3A_245 = tpu.memref_squeeze %dma_start3A_244 : memref<1x1x128xi32, #tpu.memory_space<hbm>> -> memref<128xi32, #tpu.memory_space<hbm>>
          tpu.enqueue_dma source(%dma_start3A_245 : memref<128xi32, #tpu.memory_space<hbm>>) target(%dma_start3A_242 : memref<128xi32, #tpu.memory_space<vmem>>) target_semaphore(%run_scoped3A_233 : memref<!tpu.dma_semaphore, #tpu.memory_space<semaphore_mem>>)
          %dma_wait3A_246 = arith.constant 0 : i32
          %dma_wait3A_247 = tpu.memref_slice %arg7[%run_scoped3A_220, %dma_wait3A_246] : memref<3x128xi32, #tpu.memory_space<vmem>> -> memref<1x128xi32, #tpu.memory_space<vmem>>
          %dma_wait3A_248 = tpu.memref_squeeze %dma_wait3A_247 : memref<1x128xi32, #tpu.memory_space<vmem>> -> memref<128xi32, #tpu.memory_space<vmem>>
          %dma_wait3A_249 = arith.constant 0 : i32
          %dma_wait3A_250 = tpu.memref_slice %arg4[%add3A, %add3A_218, %dma_wait3A_249] : memref<32x81x128xi32, #tpu.memory_space<hbm>> -> memref<1x1x128xi32, #tpu.memory_space<hbm>>
          %dma_wait3A_251 = tpu.memref_squeeze %dma_wait3A_250 : memref<1x1x128xi32, #tpu.memory_space<hbm>> -> memref<128xi32, #tpu.memory_space<hbm>>
          %dma_wait3A_252 = arith.constant 0 : i32
          %dma_wait3A_253 = tpu.memref_slice %arg7[%run_scoped3A_220, %dma_wait3A_252] : memref<3x128xi32, #tpu.memory_space<vmem>> -> memref<1x128xi32, #tpu.memory_space<vmem>>
          %dma_wait3A_254 = tpu.memref_squeeze %dma_wait3A_253 : memref<1x128xi32, #tpu.memory_space<vmem>> -> memref<128xi32, #tpu.memory_space<vmem>>
          %dma_wait3A_255 = arith.constant 0 : i32
          %dma_wait3A_256 = tpu.memref_slice %arg4[%add3A, %add3A_218, %dma_wait3A_255] : memref<32x81x128xi32, #tpu.memory_space<hbm>> -> memref<1x1x128xi32, #tpu.memory_space<hbm>>
          %dma_wait3A_257 = tpu.memref_squeeze %dma_wait3A_256 : memref<1x1x128xi32, #tpu.memory_space<hbm>> -> memref<128xi32, #tpu.memory_space<hbm>>
          tpu.wait_dma2 semaphore(%run_scoped3A_233 : memref<!tpu.dma_semaphore, #tpu.memory_space<semaphore_mem>>) src(%dma_wait3A_257 : memref<128xi32, #tpu.memory_space<hbm>>) dst(%dma_wait3A_254 : memref<128xi32, #tpu.memory_space<vmem>>)
          tpu.yield
        }) : () -> ()
        %dma_start3A_221 = arith.constant 1 : i32
        %dma_start3A_222 = arith.constant 1 : i32
        %dma_start3A_223 = arith.constant 0 : i32
        %dma_start3A_224 = arith.constant 0 : i32
        %dma_start3A_225 = tpu.memref_slice %arg8[%dma_start3A_222, %dma_start3A_223, %dma_start3A_224] : memref<3x128x128xf32, #tpu.memory_space<vmem>> -> memref<1x128x128xf32, #tpu.memory_space<vmem>>
        %dma_start3A_226 = tpu.memref_squeeze %dma_start3A_225 : memref<1x128x128xf32, #tpu.memory_space<vmem>> -> memref<128x128xf32, #tpu.memory_space<vmem>>
        %dma_start3A_227 = arith.constant 0 : i32
        %dma_start3A_228 = tpu.memref_slice %arg6[%dma_start3A_221, %dma_start3A_227] : memref<3x128xi32, #tpu.memory_space<vmem>> -> memref<1x128xi32, #tpu.memory_space<vmem>>
        %dma_start3A_229 = tpu.memref_squeeze %dma_start3A_228 : memref<1x128xi32, #tpu.memory_space<vmem>> -> memref<128xi32, #tpu.memory_space<vmem>>
        %dma_start3A_230 = arith.constant 0 : i32
        %dma_start3A_231 = arith.constant 0 : i32
        %dma_start3A_232 = tpu.memref_slice %arg2[%dma_start3A_230, %dma_start3A_231] : memref<10000x128xf32, #tpu.memory_space<hbm>> -> memref<10000x128xf32, #tpu.memory_space<hbm>>
        tpu.enqueue_indirect_dma source(%dma_start3A_232 : memref<10000x128xf32, #tpu.memory_space<hbm>>) target(%dma_start3A_226 : memref<128x128xf32, #tpu.memory_space<vmem>>) offsets(%dma_start3A_229 : memref<128xi32, #tpu.memory_space<vmem>>) semaphore(%arg11 : memref<!tpu.dma_semaphore, #tpu.memory_space<semaphore_mem>>)
      } else {
      }
      %scan3A_212 = arith.constant 0 : i32
      scf.yield %scan3A_212 : i32
    }
    %scan3A_69 = arith.constant 27 : i32
    %dma_wait3A = arith.constant 0 : i32
    %dma_wait3A_70 = arith.constant 0 : i32
    %dma_wait3A_71 = arith.constant 0 : i32
    %dma_wait3A_72 = arith.constant 0 : i32
    %dma_wait3A_73 = tpu.memref_slice %arg8[%dma_wait3A, %dma_wait3A_71, %dma_wait3A_72] : memref<3x128x128xf32, #tpu.memory_space<vmem>> -> memref<1x128x128xf32, #tpu.memory_space<vmem>>
    %dma_wait3A_74 = tpu.memref_squeeze %dma_wait3A_73 : memref<1x128x128xf32, #tpu.memory_space<vmem>> -> memref<128x128xf32, #tpu.memory_space<vmem>>
    %dma_wait3A_75 = arith.constant 0 : i32
    %dma_wait3A_76 = tpu.memref_slice %arg7[%dma_wait3A_70, %dma_wait3A_75] : memref<3x128xi32, #tpu.memory_space<vmem>> -> memref<1x128xi32, #tpu.memory_space<vmem>>
    %dma_wait3A_77 = tpu.memref_squeeze %dma_wait3A_76 : memref<1x128xi32, #tpu.memory_space<vmem>> -> memref<128xi32, #tpu.memory_space<vmem>>
    %dma_wait3A_78 = arith.constant 0 : i32
    %dma_wait3A_79 = arith.constant 0 : i32
    %dma_wait3A_80 = tpu.memref_slice %arg9[%dma_wait3A_78, %dma_wait3A_79] : memref<10112x128xf32, #tpu.memory_space<vmem_shared>> -> memref<10112x128xf32, #tpu.memory_space<vmem_shared>>
    tpu.wait_indirect_dma semaphore(%arg13 : memref<!tpu.dma_semaphore, #tpu.memory_space<semaphore_mem>>) src(%dma_wait3A_74 : memref<128x128xf32, #tpu.memory_space<vmem>>) dst(%dma_wait3A_80 : memref<10112x128xf32, #tpu.memory_space<vmem_shared>>)
    %dma_wait3A_81 = arith.constant 1 : i32
    %dma_wait3A_82 = arith.constant 1 : i32
    %dma_wait3A_83 = arith.constant 0 : i32
    %dma_wait3A_84 = arith.constant 0 : i32
    %dma_wait3A_85 = tpu.memref_slice %arg8[%dma_wait3A_81, %dma_wait3A_83, %dma_wait3A_84] : memref<3x128x128xf32, #tpu.memory_space<vmem>> -> memref<1x128x128xf32, #tpu.memory_space<vmem>>
    %dma_wait3A_86 = tpu.memref_squeeze %dma_wait3A_85 : memref<1x128x128xf32, #tpu.memory_space<vmem>> -> memref<128x128xf32, #tpu.memory_space<vmem>>
    %dma_wait3A_87 = arith.constant 0 : i32
    %dma_wait3A_88 = tpu.memref_slice %arg7[%dma_wait3A_82, %dma_wait3A_87] : memref<3x128xi32, #tpu.memory_space<vmem>> -> memref<1x128xi32, #tpu.memory_space<vmem>>
    %dma_wait3A_89 = tpu.memref_squeeze %dma_wait3A_88 : memref<1x128xi32, #tpu.memory_space<vmem>> -> memref<128xi32, #tpu.memory_space<vmem>>
    %dma_wait3A_90 = arith.constant 0 : i32
    %dma_wait3A_91 = arith.constant 0 : i32
    %dma_wait3A_92 = tpu.memref_slice %arg9[%dma_wait3A_90, %dma_wait3A_91] : memref<10112x128xf32, #tpu.memory_space<vmem_shared>> -> memref<10112x128xf32, #tpu.memory_space<vmem_shared>>
    tpu.wait_indirect_dma semaphore(%arg14 : memref<!tpu.dma_semaphore, #tpu.memory_space<semaphore_mem>>) src(%dma_wait3A_86 : memref<128x128xf32, #tpu.memory_space<vmem>>) dst(%dma_wait3A_92 : memref<10112x128xf32, #tpu.memory_space<vmem_shared>>)
    %dma_wait3A_93 = arith.constant 2 : i32
    %dma_wait3A_94 = arith.constant 2 : i32
    %dma_wait3A_95 = arith.constant 0 : i32
    %dma_wait3A_96 = arith.constant 0 : i32
    %dma_wait3A_97 = tpu.memref_slice %arg8[%dma_wait3A_93, %dma_wait3A_95, %dma_wait3A_96] : memref<3x128x128xf32, #tpu.memory_space<vmem>> -> memref<1x128x128xf32, #tpu.memory_space<vmem>>
    %dma_wait3A_98 = tpu.memref_squeeze %dma_wait3A_97 : memref<1x128x128xf32, #tpu.memory_space<vmem>> -> memref<128x128xf32, #tpu.memory_space<vmem>>
    %dma_wait3A_99 = arith.constant 0 : i32
    %dma_wait3A_100 = tpu.memref_slice %arg7[%dma_wait3A_94, %dma_wait3A_99] : memref<3x128xi32, #tpu.memory_space<vmem>> -> memref<1x128xi32, #tpu.memory_space<vmem>>
    %dma_wait3A_101 = tpu.memref_squeeze %dma_wait3A_100 : memref<1x128xi32, #tpu.memory_space<vmem>> -> memref<128xi32, #tpu.memory_space<vmem>>
    %dma_wait3A_102 = arith.constant 0 : i32
    %dma_wait3A_103 = arith.constant 0 : i32
    %dma_wait3A_104 = tpu.memref_slice %arg9[%dma_wait3A_102, %dma_wait3A_103] : memref<10112x128xf32, #tpu.memory_space<vmem_shared>> -> memref<10112x128xf32, #tpu.memory_space<vmem_shared>>
    tpu.wait_indirect_dma semaphore(%arg15 : memref<!tpu.dma_semaphore, #tpu.memory_space<semaphore_mem>>) src(%dma_wait3A_98 : memref<128x128xf32, #tpu.memory_space<vmem>>) dst(%dma_wait3A_104 : memref<10112x128xf32, #tpu.memory_space<vmem_shared>>)
    %barrier3A_105 = arith.constant 0 : index
    tpu.barrier barrier_id(%barrier3A_105)
    %mul3A_106 = arith.constant 632 : i32
    %mul3A_107 = arith.muli %arg1, %mul3A_106 : i32
    "tpu.region"() ({
      %run_scoped3A_108 = tpu.sem_alloc : memref<!tpu.dma_semaphore, #tpu.memory_space<semaphore_mem>>
      %dma_start3A_109 = arith.constant 0 : i32
      %dma_start3A_110 = tpu.memref_slice %arg5[%arg0, %mul3A_107, %dma_start3A_109] : memref<2x10112x128xf32, #tpu.memory_space<hbm>> -> memref<1x632x128xf32, #tpu.memory_space<hbm>>
      %dma_start3A_111 = tpu.memref_squeeze %dma_start3A_110 : memref<1x632x128xf32, #tpu.memory_space<hbm>> -> memref<632x128xf32, #tpu.memory_space<hbm>>
      %dma_start3A_112 = arith.constant 0 : i32
      %dma_start3A_113 = tpu.memref_slice %arg9[%mul3A_107, %dma_start3A_112] : memref<10112x128xf32, #tpu.memory_space<vmem_shared>> -> memref<632x128xf32, #tpu.memory_space<vmem_shared>>
      tpu.enqueue_dma source(%dma_start3A_113 : memref<632x128xf32, #tpu.memory_space<vmem_shared>>) target(%dma_start3A_111 : memref<632x128xf32, #tpu.memory_space<hbm>>) target_semaphore(%run_scoped3A_108 : memref<!tpu.dma_semaphore, #tpu.memory_space<semaphore_mem>>)
      %dma_wait3A_114 = arith.constant 0 : i32
      %dma_wait3A_115 = tpu.memref_slice %arg5[%arg0, %mul3A_107, %dma_wait3A_114] : memref<2x10112x128xf32, #tpu.memory_space<hbm>> -> memref<1x632x128xf32, #tpu.memory_space<hbm>>
      %dma_wait3A_116 = tpu.memref_squeeze %dma_wait3A_115 : memref<1x632x128xf32, #tpu.memory_space<hbm>> -> memref<632x128xf32, #tpu.memory_space<hbm>>
      %dma_wait3A_117 = arith.constant 0 : i32
      %dma_wait3A_118 = tpu.memref_slice %arg9[%mul3A_107, %dma_wait3A_117] : memref<10112x128xf32, #tpu.memory_space<vmem_shared>> -> memref<632x128xf32, #tpu.memory_space<vmem_shared>>
      tpu.wait_dma2 semaphore(%run_scoped3A_108 : memref<!tpu.dma_semaphore, #tpu.memory_space<semaphore_mem>>) src(%dma_wait3A_118 : memref<632x128xf32, #tpu.memory_space<vmem_shared>>) dst(%dma_wait3A_116 : memref<632x128xf32, #tpu.memory_space<hbm>>)
      tpu.yield
    }) : () -> ()
    return
  }
}

module attributes {stable_mosaic.version = 14 : i64} {
  func.func @_tc_proj1(%arg0: i32, %arg1: memref<1000x128xf32, #tpu.memory_space<vmem>>, %arg2: memref<128x128xf32, #tpu.memory_space<vmem>>, %arg3: memref<128x128xf32, #tpu.memory_space<vmem>>, %arg4: memref<1x128xf32, #tpu.memory_space<vmem>>, %arg5: memref<1000x128xf32, #tpu.memory_space<vmem>>, %arg6: memref<1000x128xf32, #tpu.memory_space<vmem>>) attributes {dimension_semantics = [#tpu.dimension_semantics<arbitrary>], iteration_bounds = array<i64: 10>, scalar_prefetch = 0 : i64, scratch_operands = 0 : i64, tpu.core_type = #tpu.core_type<tc>, window_params = [{transform_indices = @transform_0, window_bounds = array<i64: 1000, 128>}, {pipeline_mode = #tpu.pipeline_mode<synchronous>, transform_indices = @transform_1, window_bounds = array<i64: 128, 128>}, {pipeline_mode = #tpu.pipeline_mode<synchronous>, transform_indices = @transform_2, window_bounds = array<i64: 128, 128>}, {pipeline_mode = #tpu.pipeline_mode<synchronous>, transform_indices = @transform_3, window_bounds = array<i64: 1, 128>}, {transform_indices = @transform_4, window_bounds = array<i64: 1000, 128>}, {transform_indices = @transform_5, window_bounds = array<i64: 1000, 128>}]} {
    %get3A = arith.constant 0 : index
    %get3A_0 = arith.constant 0 : index
    %get3A_1 = vector.load %arg1[%get3A, %get3A_0] : memref<1000x128xf32, #tpu.memory_space<vmem>>, vector<1000x128xf32>
    %get3A_2 = arith.constant 0 : index
    %get3A_3 = arith.constant 0 : index
    %get3A_4 = vector.load %arg2[%get3A_2, %get3A_3] : memref<128x128xf32, #tpu.memory_space<vmem>>, vector<128x128xf32>
    %dot_general3A = arith.constant dense<0.000000e+00> : vector<1000x128xf32>
    %dot_general3A_5 = tpu.matmul %get3A_1, %get3A_4, %dot_general3A {dimension_numbers = #tpu.dot_dimension_numbers<[1], [0], [0], [1], [0, 0, 1, 1], [], []>, precision = #tpu.contract_precision<fp32>, transpose_lhs_hint = false} : vector<1000x128xf32>, vector<128x128xf32>, vector<1000x128xf32> -> vector<1000x128xf32>
    %swap3A = arith.constant 0 : index
    %swap3A_6 = arith.constant 0 : index
    %swap3A_7 = vector.load %arg5[%swap3A, %swap3A_6] : memref<1000x128xf32, #tpu.memory_space<vmem>>, vector<1000x128xf32>
    tpu.vector_store %arg5[%swap3A, %swap3A_6], %dot_general3A_5 {strides = array<i32>} : memref<1000x128xf32, #tpu.memory_space<vmem>>, vector<1000x128xf32>,
    %get3A_8 = arith.constant 0 : index
    %get3A_9 = arith.constant 0 : index
    %get3A_10 = vector.load %arg3[%get3A_8, %get3A_9] : memref<128x128xf32, #tpu.memory_space<vmem>>, vector<128x128xf32>
    %dot_general3A_11 = arith.constant dense<0.000000e+00> : vector<1000x128xf32>
    %dot_general3A_12 = tpu.matmul %get3A_1, %get3A_10, %dot_general3A_11 {dimension_numbers = #tpu.dot_dimension_numbers<[1], [0], [0], [1], [0, 0, 1, 1], [], []>, precision = #tpu.contract_precision<fp32>, transpose_lhs_hint = false} : vector<1000x128xf32>, vector<128x128xf32>, vector<1000x128xf32> -> vector<1000x128xf32>
    %get3A_13 = arith.constant 0 : index
    %get3A_14 = arith.constant 0 : index
    %get3A_15 = vector.load %arg4[%get3A_13, %get3A_14] : memref<1x128xf32, #tpu.memory_space<vmem>>, vector<1x128xf32>
    %add3A = vector.broadcast %get3A_15 : vector<1x128xf32> to vector<1000x128xf32>
    %add3A_16 = arith.addf %dot_general3A_12, %add3A : vector<1000x128xf32>
    %swap3A_17 = arith.constant 0 : index
    %swap3A_18 = arith.constant 0 : index
    %swap3A_19 = vector.load %arg6[%swap3A_17, %swap3A_18] : memref<1000x128xf32, #tpu.memory_space<vmem>>, vector<1000x128xf32>
    tpu.vector_store %arg6[%swap3A_17, %swap3A_18], %add3A_16 {strides = array<i32>} : memref<1000x128xf32, #tpu.memory_space<vmem>>, vector<1000x128xf32>,
    return
  }
  func.func @transform_0(%arg0: i32) -> (i32, i32) {
    %c0_i32 = arith.constant 0 : i32
    %c0_i32_0 = arith.constant 0 : i32
    return %arg0, %c0_i32 : i32, i32
  }
  func.func @transform_1(%arg0: i32) -> (i32, i32) {
    %c0_i32 = arith.constant 0 : i32
    %c0_i32_0 = arith.constant 0 : i32
    %c0_i32_1 = arith.constant 0 : i32
    return %c0_i32, %c0_i32_0 : i32, i32
  }
  func.func @transform_2(%arg0: i32) -> (i32, i32) {
    %c0_i32 = arith.constant 0 : i32
    %c0_i32_0 = arith.constant 0 : i32
    %c0_i32_1 = arith.constant 0 : i32
    return %c0_i32, %c0_i32_0 : i32, i32
  }
  func.func @transform_3(%arg0: i32) -> (i32, i32) {
    %c0_i32 = arith.constant 0 : i32
    %c0_i32_0 = arith.constant 0 : i32
    %c0_i32_1 = arith.constant 0 : i32
    return %c0_i32, %c0_i32_0 : i32, i32
  }
  func.func @transform_4(%arg0: i32) -> (i32, i32) {
    %c0_i32 = arith.constant 0 : i32
    %c0_i32_0 = arith.constant 0 : i32
    return %arg0, %c0_i32 : i32, i32
  }
  func.func @transform_5(%arg0: i32) -> (i32, i32) {
    %c0_i32 = arith.constant 0 : i32
    %c0_i32_0 = arith.constant 0 : i32
    return %arg0, %c0_i32 : i32, i32
  }
}

module attributes {stable_mosaic.version = 14 : i64} {
  func.func @_tc_mid(%arg0: i32, %arg1: memref<2x1000x128xf32, #tpu.memory_space<vmem>>, %arg2: memref<2x1000x128xf32, #tpu.memory_space<vmem>>, %arg3: memref<1000x128xf32, #tpu.memory_space<vmem>>, %arg4: memref<128x64xf32, #tpu.memory_space<vmem>>, %arg5: memref<1x64xf32, #tpu.memory_space<vmem>>, %arg6: memref<1000x128xf32, #tpu.memory_space<vmem>>, %arg7: memref<1000x64xf32, #tpu.memory_space<vmem>>) attributes {dimension_semantics = [#tpu.dimension_semantics<arbitrary>], iteration_bounds = array<i64: 10>, scalar_prefetch = 0 : i64, scratch_operands = 0 : i64, tpu.core_type = #tpu.core_type<tc>, window_params = [{transform_indices = @transform_0, window_bounds = array<i64: 2, 1000, 128>}, {transform_indices = @transform_1, window_bounds = array<i64: 2, 1000, 128>}, {transform_indices = @transform_2, window_bounds = array<i64: 1000, 128>}, {pipeline_mode = #tpu.pipeline_mode<synchronous>, transform_indices = @transform_3, window_bounds = array<i64: 128, 64>}, {pipeline_mode = #tpu.pipeline_mode<synchronous>, transform_indices = @transform_4, window_bounds = array<i64: 1, 64>}, {transform_indices = @transform_5, window_bounds = array<i64: 1000, 128>}, {transform_indices = @transform_6, window_bounds = array<i64: 1000, 64>}]} {
    %get3A = arith.constant 0 : index
    %get3A_0 = arith.constant 0 : index
    %get3A_1 = arith.constant 0 : index
    %get3A_2 = vector.load %arg1[%get3A, %get3A_0, %get3A_1] : memref<2x1000x128xf32, #tpu.memory_space<vmem>>, vector<1x1000x128xf32>
    %get3A_3 = vector.shape_cast %get3A_2 : vector<1x1000x128xf32> to vector<1000x128xf32>
    %get3A_4 = arith.constant 1 : index
    %get3A_5 = arith.constant 0 : index
    %get3A_6 = arith.constant 0 : index
    %get3A_7 = vector.load %arg1[%get3A_4, %get3A_5, %get3A_6] : memref<2x1000x128xf32, #tpu.memory_space<vmem>>, vector<1x1000x128xf32>
    %get3A_8 = vector.shape_cast %get3A_7 : vector<1x1000x128xf32> to vector<1000x128xf32>
    %add3A = arith.addf %get3A_3, %get3A_8 : vector<1000x128xf32>
    %get3A_9 = arith.constant 0 : index
    %get3A_10 = arith.constant 0 : index
    %get3A_11 = arith.constant 0 : index
    %get3A_12 = vector.load %arg2[%get3A_9, %get3A_10, %get3A_11] : memref<2x1000x128xf32, #tpu.memory_space<vmem>>, vector<1x1000x1xf32>
    %get3A_13 = vector.shape_cast %get3A_12 : vector<1x1000x1xf32> to vector<1000xf32>
    %get3A_14 = arith.constant 1 : index
    %get3A_15 = arith.constant 0 : index
    %get3A_16 = arith.constant 0 : index
    %get3A_17 = vector.load %arg2[%get3A_14, %get3A_15, %get3A_16] : memref<2x1000x128xf32, #tpu.memory_space<vmem>>, vector<1x1000x1xf32>
    %get3A_18 = vector.shape_cast %get3A_17 : vector<1x1000x1xf32> to vector<1000xf32>
    %add3A_19 = arith.addf %get3A_13, %get3A_18 : vector<1000xf32>
    %max3A = arith.constant 1.000000e+00 : f32
    %max3A_20 = vector.broadcast %max3A : f32 to vector<1000xf32>
    %max3A_21 = arith.maximumf %add3A_19, %max3A_20 : vector<1000xf32>
    %broadcast_in_dim3A = vector.shape_cast %max3A_21 : vector<1000xf32> to vector<1000x1xf32>
    %div3A = vector.broadcast %broadcast_in_dim3A : vector<1000x1xf32> to vector<1000x128xf32>
    %div3A_22 = arith.divf %add3A, %div3A : vector<1000x128xf32>
    %get3A_23 = arith.constant 0 : index
    %get3A_24 = arith.constant 0 : index
    %get3A_25 = vector.load %arg3[%get3A_23, %get3A_24] : memref<1000x128xf32, #tpu.memory_space<vmem>>, vector<1000x128xf32>
    %add3A_26 = arith.addf %div3A_22, %get3A_25 : vector<1000x128xf32>
    %max3A_27 = arith.constant 0.000000e+00 : f32
    %max3A_28 = vector.broadcast %max3A_27 : f32 to vector<1000x128xf32>
    %max3A_29 = arith.maximumf %add3A_26, %max3A_28 : vector<1000x128xf32>
    %swap3A = arith.constant 0 : index
    %swap3A_30 = arith.constant 0 : index
    %swap3A_31 = vector.load %arg6[%swap3A, %swap3A_30] : memref<1000x128xf32, #tpu.memory_space<vmem>>, vector<1000x128xf32>
    tpu.vector_store %arg6[%swap3A, %swap3A_30], %max3A_29 {strides = array<i32>} : memref<1000x128xf32, #tpu.memory_space<vmem>>, vector<1000x128xf32>,
    %get3A_32 = arith.constant 0 : index
    %get3A_33 = arith.constant 0 : index
    %get3A_34 = vector.load %arg4[%get3A_32, %get3A_33] : memref<128x64xf32, #tpu.memory_space<vmem>>, vector<128x64xf32>
    %dot_general3A = arith.constant dense<0.000000e+00> : vector<1000x64xf32>
    %dot_general3A_35 = tpu.matmul %max3A_29, %get3A_34, %dot_general3A {dimension_numbers = #tpu.dot_dimension_numbers<[1], [0], [0], [1], [0, 0, 1, 1], [], []>, precision = #tpu.contract_precision<fp32>, transpose_lhs_hint = false} : vector<1000x128xf32>, vector<128x64xf32>, vector<1000x64xf32> -> vector<1000x64xf32>
    %get3A_36 = arith.constant 0 : index
    %get3A_37 = arith.constant 0 : index
    %get3A_38 = vector.load %arg5[%get3A_36, %get3A_37] : memref<1x64xf32, #tpu.memory_space<vmem>>, vector<1x64xf32>
    %add3A_39 = vector.broadcast %get3A_38 : vector<1x64xf32> to vector<1000x64xf32>
    %add3A_40 = arith.addf %dot_general3A_35, %add3A_39 : vector<1000x64xf32>
    %swap3A_41 = arith.constant 0 : index
    %swap3A_42 = arith.constant 0 : index
    %swap3A_43 = vector.load %arg7[%swap3A_41, %swap3A_42] : memref<1000x64xf32, #tpu.memory_space<vmem>>, vector<1000x64xf32>
    tpu.vector_store %arg7[%swap3A_41, %swap3A_42], %add3A_40 {strides = array<i32>} : memref<1000x64xf32, #tpu.memory_space<vmem>>, vector<1000x64xf32>,
    return
  }
  func.func @transform_0(%arg0: i32) -> (i32, i32, i32) {
    %c0_i32 = arith.constant 0 : i32
    %c0_i32_0 = arith.constant 0 : i32
    %c0_i32_1 = arith.constant 0 : i32
    return %c0_i32, %arg0, %c0_i32_0 : i32, i32, i32
  }
  func.func @transform_1(%arg0: i32) -> (i32, i32, i32) {
    %c0_i32 = arith.constant 0 : i32
    %c0_i32_0 = arith.constant 0 : i32
    %c0_i32_1 = arith.constant 0 : i32
    return %c0_i32, %arg0, %c0_i32_0 : i32, i32, i32
  }
  func.func @transform_2(%arg0: i32) -> (i32, i32) {
    %c0_i32 = arith.constant 0 : i32
    %c0_i32_0 = arith.constant 0 : i32
    return %arg0, %c0_i32 : i32, i32
  }
  func.func @transform_3(%arg0: i32) -> (i32, i32) {
    %c0_i32 = arith.constant 0 : i32
    %c0_i32_0 = arith.constant 0 : i32
    %c0_i32_1 = arith.constant 0 : i32
    return %c0_i32, %c0_i32_0 : i32, i32
  }
  func.func @transform_4(%arg0: i32) -> (i32, i32) {
    %c0_i32 = arith.constant 0 : i32
    %c0_i32_0 = arith.constant 0 : i32
    %c0_i32_1 = arith.constant 0 : i32
    return %c0_i32, %c0_i32_0 : i32, i32
  }
  func.func @transform_5(%arg0: i32) -> (i32, i32) {
    %c0_i32 = arith.constant 0 : i32
    %c0_i32_0 = arith.constant 0 : i32
    return %arg0, %c0_i32 : i32, i32
  }
  func.func @transform_6(%arg0: i32) -> (i32, i32) {
    %c0_i32 = arith.constant 0 : i32
    %c0_i32_0 = arith.constant 0 : i32
    return %arg0, %c0_i32 : i32, i32
  }
}

module attributes {stable_mosaic.version = 14 : i64} {
  func.func @_tc_out(%arg0: i32, %arg1: memref<2x1000x128xf32, #tpu.memory_space<vmem>>, %arg2: memref<2x1000x128xf32, #tpu.memory_space<vmem>>, %arg3: memref<1000x64xf32, #tpu.memory_space<vmem>>, %arg4: memref<128x64xf32, #tpu.memory_space<vmem>>, %arg5: memref<1000x64xf32, #tpu.memory_space<vmem>>) attributes {dimension_semantics = [#tpu.dimension_semantics<arbitrary>], iteration_bounds = array<i64: 10>, scalar_prefetch = 0 : i64, scratch_operands = 0 : i64, tpu.core_type = #tpu.core_type<tc>, window_params = [{transform_indices = @transform_0, window_bounds = array<i64: 2, 1000, 128>}, {transform_indices = @transform_1, window_bounds = array<i64: 2, 1000, 128>}, {transform_indices = @transform_2, window_bounds = array<i64: 1000, 64>}, {pipeline_mode = #tpu.pipeline_mode<synchronous>, transform_indices = @transform_3, window_bounds = array<i64: 128, 64>}, {transform_indices = @transform_4, window_bounds = array<i64: 1000, 64>}]} {
    %get3A = arith.constant 0 : index
    %get3A_0 = arith.constant 0 : index
    %get3A_1 = arith.constant 0 : index
    %get3A_2 = vector.load %arg1[%get3A, %get3A_0, %get3A_1] : memref<2x1000x128xf32, #tpu.memory_space<vmem>>, vector<1x1000x128xf32>
    %get3A_3 = vector.shape_cast %get3A_2 : vector<1x1000x128xf32> to vector<1000x128xf32>
    %get3A_4 = arith.constant 1 : index
    %get3A_5 = arith.constant 0 : index
    %get3A_6 = arith.constant 0 : index
    %get3A_7 = vector.load %arg1[%get3A_4, %get3A_5, %get3A_6] : memref<2x1000x128xf32, #tpu.memory_space<vmem>>, vector<1x1000x128xf32>
    %get3A_8 = vector.shape_cast %get3A_7 : vector<1x1000x128xf32> to vector<1000x128xf32>
    %add3A = arith.addf %get3A_3, %get3A_8 : vector<1000x128xf32>
    %get3A_9 = arith.constant 0 : index
    %get3A_10 = arith.constant 0 : index
    %get3A_11 = arith.constant 0 : index
    %get3A_12 = vector.load %arg2[%get3A_9, %get3A_10, %get3A_11] : memref<2x1000x128xf32, #tpu.memory_space<vmem>>, vector<1x1000x1xf32>
    %get3A_13 = vector.shape_cast %get3A_12 : vector<1x1000x1xf32> to vector<1000xf32>
    %get3A_14 = arith.constant 1 : index
    %get3A_15 = arith.constant 0 : index
    %get3A_16 = arith.constant 0 : index
    %get3A_17 = vector.load %arg2[%get3A_14, %get3A_15, %get3A_16] : memref<2x1000x128xf32, #tpu.memory_space<vmem>>, vector<1x1000x1xf32>
    %get3A_18 = vector.shape_cast %get3A_17 : vector<1x1000x1xf32> to vector<1000xf32>
    %add3A_19 = arith.addf %get3A_13, %get3A_18 : vector<1000xf32>
    %max3A = arith.constant 1.000000e+00 : f32
    %max3A_20 = vector.broadcast %max3A : f32 to vector<1000xf32>
    %max3A_21 = arith.maximumf %add3A_19, %max3A_20 : vector<1000xf32>
    %broadcast_in_dim3A = vector.shape_cast %max3A_21 : vector<1000xf32> to vector<1000x1xf32>
    %div3A = vector.broadcast %broadcast_in_dim3A : vector<1000x1xf32> to vector<1000x128xf32>
    %div3A_22 = arith.divf %add3A, %div3A : vector<1000x128xf32>
    %get3A_23 = arith.constant 0 : index
    %get3A_24 = arith.constant 0 : index
    %get3A_25 = vector.load %arg4[%get3A_23, %get3A_24] : memref<128x64xf32, #tpu.memory_space<vmem>>, vector<128x64xf32>
    %dot_general3A = arith.constant dense<0.000000e+00> : vector<1000x64xf32>
    %dot_general3A_26 = tpu.matmul %div3A_22, %get3A_25, %dot_general3A {dimension_numbers = #tpu.dot_dimension_numbers<[1], [0], [0], [1], [0, 0, 1, 1], [], []>, precision = #tpu.contract_precision<fp32>, transpose_lhs_hint = false} : vector<1000x128xf32>, vector<128x64xf32>, vector<1000x64xf32> -> vector<1000x64xf32>
    %get3A_27 = arith.constant 0 : index
    %get3A_28 = arith.constant 0 : index
    %get3A_29 = vector.load %arg3[%get3A_27, %get3A_28] : memref<1000x64xf32, #tpu.memory_space<vmem>>, vector<1000x64xf32>
    %add3A_30 = arith.addf %dot_general3A_26, %get3A_29 : vector<1000x64xf32>
    %reduce_max3A = arith.constant dense<0xFF800000> : vector<1000xf32>
    %reduce_max3A_31 = vector.multi_reduction <maximumf>, %add3A_30, %reduce_max3A [1] : vector<1000x64xf32> to vector<1000xf32>
    %broadcast_in_dim3A_32 = vector.shape_cast %reduce_max3A_31 : vector<1000xf32> to vector<1000x1xf32>
    %sub3A = vector.broadcast %broadcast_in_dim3A_32 : vector<1000x1xf32> to vector<1000x64xf32>
    %sub3A_33 = arith.subf %add3A_30, %sub3A : vector<1000x64xf32>
    %exp3A = math.exp %sub3A_33 : vector<1000x64xf32>
    %reduce_sum3A = arith.constant dense<0.000000e+00> : vector<1000xf32>
    %reduce_sum3A_34 = vector.multi_reduction <add>, %exp3A, %reduce_sum3A [1] : vector<1000x64xf32> to vector<1000xf32>
    %broadcast_in_dim3A_35 = vector.shape_cast %reduce_sum3A_34 : vector<1000xf32> to vector<1000x1xf32>
    %log3A = math.log %broadcast_in_dim3A_35 : vector<1000x1xf32>
    %sub3A_36 = vector.broadcast %log3A : vector<1000x1xf32> to vector<1000x64xf32>
    %sub3A_37 = arith.subf %sub3A_33, %sub3A_36 : vector<1000x64xf32>
    %swap3A = arith.constant 0 : index
    %swap3A_38 = arith.constant 0 : index
    %swap3A_39 = vector.load %arg5[%swap3A, %swap3A_38] : memref<1000x64xf32, #tpu.memory_space<vmem>>, vector<1000x64xf32>
    tpu.vector_store %arg5[%swap3A, %swap3A_38], %sub3A_37 {strides = array<i32>} : memref<1000x64xf32, #tpu.memory_space<vmem>>, vector<1000x64xf32>,
    return
  }
  func.func @transform_0(%arg0: i32) -> (i32, i32, i32) {
    %c0_i32 = arith.constant 0 : i32
    %c0_i32_0 = arith.constant 0 : i32
    %c0_i32_1 = arith.constant 0 : i32
    return %c0_i32, %arg0, %c0_i32_0 : i32, i32, i32
  }
  func.func @transform_1(%arg0: i32) -> (i32, i32, i32) {
    %c0_i32 = arith.constant 0 : i32
    %c0_i32_0 = arith.constant 0 : i32
    %c0_i32_1 = arith.constant 0 : i32
    return %c0_i32, %arg0, %c0_i32_0 : i32, i32, i32
  }
  func.func @transform_2(%arg0: i32) -> (i32, i32) {
    %c0_i32 = arith.constant 0 : i32
    %c0_i32_0 = arith.constant 0 : i32
    return %arg0, %c0_i32 : i32, i32
  }
  func.func @transform_3(%arg0: i32) -> (i32, i32) {
    %c0_i32 = arith.constant 0 : i32
    %c0_i32_0 = arith.constant 0 : i32
    %c0_i32_1 = arith.constant 0 : i32
    return %c0_i32, %c0_i32_0 : i32, i32
  }
  func.func @transform_4(%arg0: i32) -> (i32, i32) {
    %c0_i32 = arith.constant 0 : i32
    %c0_i32_0 = arith.constant 0 : i32
    return %arg0, %c0_i32 : i32, i32
  }
}

</mosaic_0001>

<sc_bundles>
// kernel: kernel.11.cloned.1.call-start
scs
__scs_entry_jumppad:
0x0: {  	(pc) =	sbr.rel $0x88, $3  }
0x1: {  	(tag) =	ssettag $0x0;
	lr =	simm.s32 $0x1  }
0x2: {  	[smem:$0x3F99] =	sst lr;
	_ =	strace $0xD0000000  }
0x3: {  	_ = 	snop  }
0x4: {  	_ = 	snop  }
0x5: {  	_ = 	snop  }
0x6: {  	_ = 	snop  }
0x7: {  	_ = 	snop  }
__scs_overlays_trampoline_lowered:
0x8: {  	[smem:$0x3FA8] =	sst s0  }
0x9: {  	[smem:$0x3FA9] =	sst s1  }
0xa: {  	[smem:$0x3FAA] =	sst s2  }
0xb: {  	[smem:$0x3FAB] =	sst s3  }
0xc: {  	[smem:$0x3FAC] =	sst s4  }
0xd: {  	[smem:$0x3FAD] =	sst s5  }
0xe: {  	[smem:$0x3FAE] =	sst s6  }
0xf: {  	[smem:$0x3FAF] =	sst s7  }
0x10: {  	[smem:$0x3FB0] =	sst s8  }
0x11: {  	[smem:$0x3FB1] =	sst s9;
	s0 =	simm.s32 @!p0 $0x0  }
0x12: {  	s1 =	sld [smem:$0x3F97];
	s0 =	simm.s32 @p0 $0x1  }
0x13: {  	[smem:$0x3FB2] =	sst s0;
	s0 =	simm.s32 @!p1 $0x0  }
0x14: {  	s2 =	sld [smem:$0x3F96];
	s0 =	simm.s32 @p1 $0x1  }
0x15: {  	[smem:$0x3FB3] =	sst s0;
	s0 =	simm.s32 @!p2 $0x0  }
0x16: {  	s3 =	sld [smem:$0x3FDB];
	s0 =	simm.s32 @p2 $0x1  }
0x17: {  	s4 =	simm.s32 $0x1BF5;
	[smem:$0x3FB5] =	sst s0  }
0x18: {  	s0 =	sld [smem:$0x3F98];
	_ =	swait.ge [sflag:s4], $0x0  }
0x19: {  	s7 =	sld [smem:$0x3F99]  }
0x1a: {  	s8 =	sadd.s32 $0xFFFFE003, lr  }
0x1b: {  	s9 =	sadd.s32 $0xFFFFFEF7, lr;
	s5 =	simm.s32 $0xFFFFFFFF;
	p2 =	slt.u32 s8, $0xFFFFF086  }
0x1c: {  	p1 =	slt.u32 s9, $0xF7A;
	s5 =	simm.s32 @!p2 $0x0  }
0x1d: {  	s5 =	simm.s32 @p1 $0x1;
	p0 =	seq.s32 s7, s2  }
0x1e: {  	s7 =	smul.u32 @!p0 $0xF7A, s2;
	p2 =	seq.s32 @!p0 s5, $0x0  }
0x1f: {  	s9 =	smul.u32 $0xF7A, s1;
	s8 =	simm.s32 @!p0 $0x1BF5;
	p2 =	por !p2, p0  }
0x20: {  	[sflag:s8] =	ssyncset.s32 @!p0 $0xFFFFF086;
	s6 =	sadd.s32 @!p0 s3, s7;
	s7 =	simm.s32 @!p0 $0x108  }
0x21: {  	s3 =	sadd.s32 s3, s9;
	s6 =	sadd.s32 @!p0 $0x88, s6;
	s7 =	simm.s32 @p2 $0x1082  }
0x22: {  	[simem:s7], [sflag:s8] =	dma.local @!p0 [hbm:s6], $0xF7A  }
0x23: {  	s9 =	sor.u32 $0xD0000000, s2;
	s6 =	simm.s32 $0x108;
	_ =	swait.ge @!p0 [sflag:s8], $0x0  }
0x24: {  	s3 =	sadd.s32 $0x88, s3;
	s6 =	simm.s32 @!p1 $0x1082;
	[sflag:s4] =	ssyncset.s32 $0xFFFFF086  }
0x25: {  	[simem:s6], [sflag:s4] =	dma.local [hbm:s3], $0xF7A  }
0x26: {  	[smem:$0x3F99] =	sst s1;
	(tag) =	ssettag s2;
	_ =	strace s9  }
0x27: {  	s1 =	sld [smem:$0x3FA9]  }
0x28: {  	s2 =	sld [smem:$0x3FAA]  }
0x29: {  	s4 =	sld [smem:$0x3FAC]  }
0x2a: {  	p0 =	seq.s32 s5, $0x0;
	s5 =	sld [smem:$0x3FAD]  }
0x2b: {  	s6 =	sld [smem:$0x3FAE]  }
0x2c: {  	s7 =	sld [smem:$0x3FAF]  }
0x2d: {  	s3 =	simm.s32 $0x108;
	s8 =	sld [smem:$0x3FB0]  }
0x2e: {  	s3 =	simm.s32 @!p0 $0x1082;
	s9 =	sld [smem:$0x3FB1]  }
0x2f: {  	lr =	sadd.s32 s0, s3;
	s0 =	sld [smem:$0x3FA8]  }
0x30: {  	s3 =	sld [smem:$0x3FAB]  }
0x31: {  	[smem:$0x3FB4] =	sst s10  }
0x32: {  	s10 =	sld [smem:$0x3FB2];
	_ =	sdelay $0x3  }
0x33: {  	p0 =	seq.s32 s10, $0x1;
	s10 =	sld [smem:$0x3FB4];
	_ =	sdelay $0x3  }
0x34: {  	[smem:$0x3FB4] =	sst s10  }
0x35: {  	s10 =	sld [smem:$0x3FB3];
	_ =	sdelay $0x3  }
0x36: {  	p1 =	seq.s32 s10, $0x1;
	s10 =	sld [smem:$0x3FB4];
	_ =	sdelay $0x3  }
0x37: {  	[smem:$0x3FB4] =	sst s10  }
0x38: {  	s10 =	sld [smem:$0x3FB5]  }
0x39: {  	_ = 	snop;
	(pc) =	sbr.ind lr, $3  }
0x3a: {  	_ = 	snop  }
0x3b: {  	_ = 	snop  }
0x3c: {  	p2 =	seq.s32 s10, $0x1;
	s10 =	sld [smem:$0x3FB4]  }
0x3d: {  	_ =	shalt  }
0x3e: {  	_ =	shalt  }
0x3f: {  	_ =	shalt  }
0x40: {  	_ =	shalt  }
0x41: {  	_ =	shalt  }
0x42: {  	_ =	shalt  }
0x43: {  	_ =	shalt  }
0x44: {  	_ =	shalt  }
0x45: {  	_ =	shalt  }
0x46: {  	_ =	shalt  }
0x47: {  	_ =	shalt  }
0x48: {  	_ =	shalt  }
0x49: {  	_ =	shalt  }
0x4a: {  	_ =	shalt  }
0x4b: {  	_ =	shalt  }
0x4c: {  	_ =	shalt  }
0x4d: {  	_ =	shalt  }
0x4e: {  	_ =	shalt  }
0x4f: {  	_ =	shalt  }
0x50: {  	_ =	shalt  }
0x51: {  	_ =	shalt  }
0x52: {  	_ =	shalt  }
0x53: {  	_ =	shalt  }
0x54: {  	_ =	shalt  }
0x55: {  	_ =	shalt  }
0x56: {  	_ =	shalt  }
0x57: {  	_ =	shalt  }
0x58: {  	_ =	shalt  }
0x59: {  	_ =	shalt  }
0x5a: {  	_ =	shalt  }
0x5b: {  	_ =	shalt  }
0x5c: {  	_ =	shalt  }
0x5d: {  	_ =	shalt  }
0x5e: {  	_ =	shalt  }
0x5f: {  	_ =	shalt  }
0x60: {  	_ =	shalt  }
0x61: {  	_ =	shalt  }
0x62: {  	_ =	shalt  }
0x63: {  	_ =	shalt  }
0x64: {  	_ =	shalt  }
0x65: {  	_ =	shalt  }
0x66: {  	_ =	shalt  }
0x67: {  	_ =	shalt  }
0x68: {  	_ =	shalt  }
0x69: {  	_ =	shalt  }
0x6a: {  	_ =	shalt  }
0x6b: {  	_ =	shalt  }
0x6c: {  	_ =	shalt  }
0x6d: {  	_ =	shalt  }
0x6e: {  	_ =	shalt  }
0x6f: {  	_ =	shalt  }
0x70: {  	_ =	shalt  }
0x71: {  	_ =	shalt  }
0x72: {  	_ =	shalt  }
0x73: {  	_ =	shalt  }
0x74: {  	_ =	shalt  }
0x75: {  	_ =	shalt  }
0x76: {  	_ =	shalt  }
0x77: {  	_ =	shalt  }
0x78: {  	_ =	shalt  }
0x79: {  	_ =	shalt  }
0x7a: {  	_ =	shalt  }
0x7b: {  	_ =	shalt  }
0x7c: {  	_ =	shalt  }
0x7d: {  	_ =	shalt  }
0x7e: {  	_ =	shalt  }
0x7f: {  	_ =	shalt  }
0x80: {  	_ =	shalt  }
0x81: {  	_ =	shalt  }
0x82: {  	_ =	shalt  }
0x83: {  	_ =	shalt  }
0x84: {  	_ =	shalt  }
0x85: {  	_ =	shalt  }
0x86: {  	_ =	shalt  }
0x87: {  	_ =	shalt  }
.Lfunc_end0:
.L_simem_size_0:
called_computation.1_lowered:
.L_overlay_start_0:
0x88: {  	s2 =	sld [smem:$0x3FD9]  }
0x89: {  	s3 =	sld [smem:$0x3FFE];
	_ =	sdelay $0x1  }
0x8a: {  	s1 =	srdreg.scid  }
0x8b: {  	s0 =	sand.u32 $0x1, s1  }
0x8c: {  	s17 =	sshll.u32 s0, $0xA;
	s2 =	sadd.s32 s3, s2  }
0x8d: {  	s2 =	sadd.s32 s2, s17  }
0x8e: {  	[smem:$0x3FC0] =	sst s2  }
0x8f: {  	_ = 	snop  }
0x90: {  	s2 =	sld [smem:$0x3FD0];
	(tm) =	ssettm $0x1  }
0x91: {  	s18 =	sld [smem:$0x3FFB];
	_ =	sdelay $0x3  }
0x92: {  	_ =	strace s18  }
0x93: {  	s3 =	sld [smem:$0x3FFC];
	_ =	sdelay $0x3  }
0x94: {  	_ =	strace s3  }
0x95: {  	s3 =	sld [smem:$0x3FFD];
	_ =	sdelay $0x3  }
0x96: {  	_ =	strace s3  }
0x97: {  	_ =	strace $0x8FFFFFFF  }
0x98: {  	s19 =	sld [smem:$0x3FDB];
	_ =	sdelay $0x1  }
0x99: {  	s4 =	simm.s32 $_scs_section_size  }
0x9a: {  	s5 =	simm.s32 $_size__tile_overlayer_lowered;
	s6 =	simm.s32 $_tile_overlayer_lowered  }
0x9b: {  	s22 =	simm.s32 $0x1BFF;
	s21 =	sshll.u32 s6, $0x1;
	s3 =	sadd.s32 s4, s19  }
0x9c: {  	s7 =	simm.s32 $0x0;
	s20 =	sshll.u32 s5, $0x1;
	s5 =	sadd.s32 s21, s3  }
0x9d: {  	[timem:s7], [sflag:s22] =	dma.local [hbm:s5], s20  }
0x9e: {  	_ =	swait.ge [sflag:s22], s20  }
0x9f: {  	s4 =	ssub.s32 $0x0, s20;
	[sflag:s22] =	ssyncset.done $0x0  }
0xa0: {  	[sflag:s22] =	ssyncadd.s32 s4;
	_ =	sdelay $0x1  }
0xa1: {  	s23 =	simm.s32 $0x1B8B  }
0xa2: {  	_ =	swait.ge [sflag:s23], $0x1  }
0xa3: {  	[sflag:s23] =	ssyncset.done $0x0  }
0xa4: {  	s25 =	simm.s32 $0x1B8E;
	s24 =	sld [smem:$0x3FFE];
	[sflag:s23] =	ssyncadd.s32 $0xFFFFFFFF  }
0xa5: {  	s26 =	simm.s32 $execute0_lowered;
	[smem:$0x3FD2] =	sst s25  }
0xa6: {  	s5 =	sshll.u32 s26, $0x1;
	_ =	strace $0x80000049;
	[dreg:$0x1] =	wrdreg $0xFFFFFFFF  }
0xa7: {  	s28 =	simm.s32 $_size_execute0_lowered;
	s3 =	sadd.s32 s3, s5;
	[dreg:$0x0] =	wrdreg $0x0  }
0xa8: {  	s5 =	sshll.u32 s28, $0x1;
	[dreg:$0x2] =	wrdreg s3  }
0xa9: {  	[dreg:$0x3] =	wrdreg s5  }
0xaa: {  	[dreg:$0x4] =	wrdreg $0xC0  }
0xab: {  	_ =	task [dreg:s7], $0x5FFFF  }
0xac: {  	[dreg:$0x1] =	wrdreg $0xFFFFFFFF  }
0xad: {  	[dreg:$0x0] =	wrdreg $0x60  }
0xae: {  	[dreg:$0x2] =	wrdreg s24  }
0xaf: {  	[dreg:$0x3] =	wrdreg s2  }
0xb0: {  	[dreg:$0x4] =	wrdreg $0xC4000  }
0xb1: {  	[dreg:$0x5] =	wrdreg $0x9  }
0xb2: {  	_ =	task.clear_ibuf [dreg:s7], $0x6FFFF;
	_ =	strace $0x90000049  }
0xb3: {  	s29 =	simm.s32 $0x9;
	_ =	strace $0x8000004B  }
0xb4: {  	_ =	swait.ge [sflag:s29], $0x1  }
0xb5: {  	[sflag:s29] =	ssyncadd.s32 $0xFFFFFFFF  }
0xb6: {  	_ =	strace $0x9000004B  }
0xb7: {  	_ =	sfence  }
0xb8: {  	s30 =	sld [smem:$0x0];
	_ =	sdelay $0x2  }
0xb9: {  	s31 =	sshll.u32 s1, $0xD;
	s1 =	sshrl.u32 s1, $0x2  }
0xba: {  	s3 =	sand.u32 $0x4000, s31;
	s1 =	sadd.s32 s1, s30  }
0xbb: {  	s0 =	sor.u32 s3, s0;
	s1 =	sshll.u32 s1, $0x11  }
0xbc: {  	s0 =	sor.u32 s1, s0  }
0xbd: {  	s0 =	sadd.s32 $0x8F2B, s0  }
0xbe: {  	[sflag:s0] =	ssyncadd.remote.s32 $0x1  }
0xbf: {  	_ =	sfence.sel $0xFFFF  }
0xc0: {  	[dreg:$0x0] =	wrdreg $0xFFFFFFFF;
	(pc) =	sbr.abs _section_cstart, $3  }
0xc1: {  	[dreg:$0x1] =	wrdreg $0xFFFFFFFF  }
0xc2: {  	_ =	task.clear_ibuf [dreg:s7], $0x2FFFF;
	_ =	strace $0x9FFFFFFF  }
0xc3: {  	(tm) =	ssettm $0x7FFFFFFF  }
tec
execute0_lowered:
.L_overlay_start_1:
0x0: {  	(tag) =	ssettag $0x1  }
0x1: {  	s0 =	rddreg [dreg:$0x0]  }
0x2: {  	s1 =	rddreg [dreg:$0x1]  }
0x3: {  	s2 =	rddreg [dreg:$0x2]  }
0x4: {  	s3 =	srdreg.scid;
	s4 =	simm.s32 $0x0;
	s10 =	stileid.u32  }
0x5: {  	s28 =	simm.s32 $0x300;
	s29 =	simm.s32 $0x8400;
	s30 =	simm.s32 $0x2  }
0x6: {  	s31 =	simm.s32 $0x3;
	s3 =	sand.u32 $0x1, s3;
	s7 =	smul.u32 $0x13C00, s10  }
0x7: {  	[smem:$0x7FF] =	sst s4;
	s5 =	sadd.s32 $0x5C400, s0;
	s8 =	smul.u32 $0x4F000, s10  }
0x8: {  	s16 =	sshll.u32 s10, $0x1;
	s10 =	simm.s32 $0x0;
	s6 =	smul.u32 $0x13C000, s3  }
0x9: {  	_ =	strace $0x8000004A;
	s17 =	ssub.s32 $0x2, s3;
	s3 =	sor.u32 s3, s16  }
0xa: {  	s18 =	sshrl.u32 s8, $0x2;
	s11 =	sshrl.u32 s17, $0x1;
	s8 =	smul.u32 $0x2C00, s3  }
0xb: {  	s3 =	simm.s32 $0x5;
	s7 =	sadd.s32 s7, s6;
	s6 =	sadd.s32 $0x2400, s0  }
0xc: {  	s19 =	ssub.s32 s17, s11;
	s9 =	sshrl.u32 s7, $0x3;
	s7 =	sadd.s32 s18, s2  }
0xd: {  	s23 =	sshrl.u32 s8, $0x3;
	s18 =	smax.u32 s19, $0x1;
	s20 =	sadd.s32 $0x4000, s7  }
0xe: {  	s19 =	simm.s32 $0x400;
	s21 =	sadd.s32 $0x8000, s7;
	[dreg:$0x4] =	wrdreg s20  }
0xf: {  	s0 =	sadd.s32 s9, s0;
	s22 =	sadd.s32 $0xC000, s7;
	[dreg:$0x5] =	wrdreg s21  }
0x10: {  	s24 =	sadd.s32 $0x10000, s7;
	s25 =	sadd.s32 s1, s23;
	[dreg:$0x6] =	wrdreg s22  }
0x11: {  	s26 =	sor.u32 $0x10, s23;
	s9 =	sadd.s32 s6, s23;
	[dreg:$0x7] =	wrdreg s24  }
.Ltmp0:
0x12: {  	s23 =	simm.s32 $0x4400;
	[dreg:$0x8] =	wrdreg s25;
	(pc) =	sbr.rel .LBB2_1-.Ltmp0, $4  }
0x13: {  	[dreg:$0x9] =	wrdreg s9;
	s15 =	sadd.s32 s1, s26;
	s16 =	sadd.s32 s6, s26  }
0x14: {  	s17 =	sadd.s32 $0x83600, s0;
	s20 =	simm.s32 $0x7;
	s21 =	simm.s32 $0x80  }
0x15: {  	s22 =	simm.s32 $0x280;
	s24 =	simm.s32 $0x1;
	s25 =	simm.s32 $0x200  }
0x16: {  	v0 =	vimm.f32 $0.0e+00;
	s26 =	simm.s32 $0x100;
	s0 =	simm.s32 $0x4;
	s9 =	simm.s32 $0x6  }
.LBB2_6:
0x17: {  	_ =	swait.ge [sflag:s31], $0x4000  }
0x18: {  	[sflag:s31] =	ssyncset.done $0x0  }
0x19: {  	[sflag:s31] =	ssyncadd.s32 $0xFFFFC000  }
0x1a: {  	[spmem:s2] =	stream.indirect.scatter.add.f32 [tilespmem:s29], [sflag:$0x6], $0x80, s28, s21, $0xb8;
	v63 =	vld [tilespmem:$0x0]  }
0x1b: {  	_ =	swait.ge [sflag:s0], $0x4000  }
0x1c: {  	[sflag:s0] =	ssyncset.done $0x0  }
0x1d: {  	[sflag:s0] =	ssyncadd.s32 $0xFFFFC000  }
0x1e: {  	_ =	swait.ge [sflag:s3], $0x4000  }
0x1f: {  	[sflag:s3] =	ssyncset.done $0x0  }
0x20: {  	[sflag:s3] =	ssyncadd.s32 $0xFFFFC000  }
0x21: {  	s11 =	stileid.u32;
	_ =	swait.ge [sflag:s9], $0x4000  }
0x22: {  	s12 =	sshrl.u32 s7, $0x3;
	s10 =	sadd.s32 $0x1, s10;
	[sflag:s9] =	ssyncset.done $0x0  }
0x23: {  	s11 =	sshll.u32 s11, $0x6;
	p0 =	sne.s32 s10, s18;
	[sflag:s9] =	ssyncadd.s32 $0xFFFFC000  }
.Ltmp1:
0x24: {  	s11 =	sor.u32 $0x1C07, s11;
	[bflag:$0x0] =	sbarrier.arrive $0xFFFF;
	(pc) =	sbr.rel @!p0 .LBB2_7-.Ltmp1, $4  }
0x25: {  	[hbm:s17], [sflag:s11] =	dma.local [spmem:s12], $0x2780  }
0x26: {  	_ =	swait.ge [sflag:s20], $0x2780  }
0x27: {  	[sflag:s20] =	ssyncset.done $0x0  }
0x28: {  	[sflag:s20] =	ssyncadd.s32 $0xFFFFD880  }
.LBB2_1:
0x29: {  	s11 =	simm.s32 $0x0;
	s12 =	simm.s32 $0x200  }
.LBB2_2:
0x2a: {  	p0 =	sne.s32 s12, $0xFE00;
	[tilespmem:s11+$0x470] =	vst v0  }
0x2b: {  	[tilespmem:s11+$0x400] =	vst v0  }
0x2c: {  	[tilespmem:s11+$0x410] =	vst v0  }
.Ltmp2:
0x2d: {  	[tilespmem:s11+$0x420] =	vst v0;
	(pc) =	sbr.rel @p0 .LBB2_2-.Ltmp2, $4  }
0x2e: {  	[tilespmem:s11+$0x430] =	vst v0  }
0x2f: {  	[tilespmem:s11+$0x440] =	vst v0  }
0x30: {  	[tilespmem:s11+$0x450] =	vst v0  }
0x31: {  	[tilespmem:s11+$0x460] =	vst v0;
	s11 =	sshra.s32 s12, $0x2;
	s12 =	sadd.s32 $0x200, s12  }
0x32: {  	[tilespmem:s11+$0x470] =	vst v0  }
0x33: {  	[tilespmem:s11+$0x400] =	vst v0  }
0x34: {  	[tilespmem:s11+$0x410] =	vst v0  }
0x35: {  	[tilespmem:s11+$0x420] =	vst v0  }
0x36: {  	[tilespmem:s11+$0x430] =	vst v0  }
0x37: {  	[tilespmem:s11+$0x440] =	vst v0  }
0x38: {  	[tilespmem:s11+$0x450] =	vst v0  }
0x39: {  	[tilespmem:s11+$0x460] =	vst v0  }
0x3a: {  	[spmem:s7] =	stream.linear.scatter [tilespmem:s19], [sflag:$0x7], $0x4000, $0x38;
	v63 =	vld [tilespmem:$0x0]  }
0x3b: {  	_ =	swait.ge [sflag:s20], $0x4000  }
0x3c: {  	[sflag:s20] =	ssyncset.done $0x0  }
0x3d: {  	s13 =	rddreg [dreg:$0x4];
	[sflag:s20] =	ssyncadd.s32 $0xFFFFC000  }
0x3e: {  	[spmem:s13] =	stream.linear.scatter [tilespmem:s19], [sflag:$0x7], $0x4000, $0x38;
	v63 =	vld [tilespmem:$0x0]  }
0x3f: {  	_ =	swait.ge [sflag:s20], $0x4000  }
0x40: {  	[sflag:s20] =	ssyncset.done $0x0  }
0x41: {  	s14 =	rddreg [dreg:$0x5];
	[sflag:s20] =	ssyncadd.s32 $0xFFFFC000  }
0x42: {  	[spmem:s14] =	stream.linear.scatter [tilespmem:s19], [sflag:$0x7], $0x4000, $0x38;
	v63 =	vld [tilespmem:$0x0]  }
0x43: {  	_ =	swait.ge [sflag:s20], $0x4000  }
0x44: {  	[sflag:s20] =	ssyncset.done $0x0  }
0x45: {  	s12 =	rddreg [dreg:$0x6];
	[sflag:s20] =	ssyncadd.s32 $0xFFFFC000  }
0x46: {  	[spmem:s12] =	stream.linear.scatter [tilespmem:s19], [sflag:$0x7], $0x4000, $0x38;
	v63 =	vld [tilespmem:$0x0]  }
0x47: {  	_ =	swait.ge [sflag:s20], $0x4000  }
0x48: {  	[sflag:s20] =	ssyncset.done $0x0  }
0x49: {  	s13 =	rddreg [dreg:$0x7];
	[sflag:s20] =	ssyncadd.s32 $0xFFFFC000  }
0x4a: {  	[spmem:s13] =	stream.linear.scatter [tilespmem:s19], [sflag:$0x7], $0x3C00, $0x38;
	v63 =	vld [tilespmem:$0x0]  }
0x4b: {  	_ =	swait.ge [sflag:s20], $0x3C00  }
0x4c: {  	[sflag:s20] =	ssyncset.done $0x0  }
0x4d: {  	[sflag:s20] =	ssyncadd.s32 $0xFFFFC400  }
0x4e: {  	[bflag:$0x0] =	sbarrier.arrive $0xFFFF  }
0x4f: {  	s14 =	rddreg [dreg:$0x8]  }
0x50: {  	[tilespmem:s4], [sflag:$0x7] =	stream.linear.gather [hbm4b:s14+s4], $0x80, $0x38;
	v63 =	vld [tilespmem:$0x0]  }
0x51: {  	_ =	swait.ge [sflag:s20], $0x80  }
0x52: {  	[sflag:s20] =	ssyncset.done $0x0  }
0x53: {  	s11 =	simm.s32 $0x200;
	s12 =	rddreg [dreg:$0x9];
	[sflag:s20] =	ssyncadd.s32 $0xFFFFFF80  }
0x54: {  	[tilespmem:s11], [sflag:$0x7] =	stream.linear.gather [hbm4b:s12+s4], $0x80, $0x38;
	v63 =	vld [tilespmem:$0x0]  }
0x55: {  	_ =	swait.ge [sflag:s20], $0x80  }
0x56: {  	[sflag:s20] =	ssyncset.done $0x0  }
0x57: {  	[sflag:s20] =	ssyncadd.s32 $0xFFFFFF80  }
0x58: {  	[tilespmem:s19], [sflag:$0x1] =	stream.indirect.gather [hbm4b:s5+s21], $0x80, s4, s21, $0xb8;
	v63 =	vld [tilespmem:$0x0]  }
0x59: {  	_ = 	snop  }
0x5a: {  	[tilespmem:s21], [sflag:$0x7] =	stream.linear.gather [hbm4b:s15+s4], $0x80, $0x38;
	v63 =	vld [tilespmem:$0x0]  }
0x5b: {  	_ =	swait.ge [sflag:s20], $0x80  }
0x5c: {  	[sflag:s20] =	ssyncset.done $0x0  }
0x5d: {  	[sflag:s20] =	ssyncadd.s32 $0xFFFFFF80  }
0x5e: {  	[tilespmem:s22], [sflag:$0x7] =	stream.linear.gather [hbm4b:s16+s4], $0x80, $0x38;
	v63 =	vld [tilespmem:$0x0]  }
0x5f: {  	_ =	swait.ge [sflag:s20], $0x80  }
0x60: {  	[sflag:s20] =	ssyncset.done $0x0  }
0x61: {  	[sflag:s20] =	ssyncadd.s32 $0xFFFFFF80  }
0x62: {  	[tilespmem:s23], [sflag:$0x2] =	stream.indirect.gather [hbm4b:s5+s21], $0x80, s21, s21, $0xb8;
	v63 =	vld [tilespmem:$0x0]  }
.LBB2_4:
0x63: {  	_ =	swait.ge [sflag:s24], $0x4000;
	s12 =	sadd.s32 $0xFFFFFF00, s11;
	p0 =	seq.s32 s11, $0x200  }
0x64: {  	[sflag:s24] =	ssyncset.done $0x0;
	s13 =	sand.u32 $0x7C00, s12;
	s14 =	simm.s32 @!p0 $0x6  }
0x65: {  	s12 =	sand.u32 $0x380, s12;
	[sflag:s24] =	ssyncadd.s32 $0xFFFFC000;
	s13 =	sadd.s32 s8, s13  }
0x66: {  	[spmem:s2] =	stream.indirect.scatter.add.f32 [tilespmem:s19], [sflag:$0x4], $0x80, s25, s21, $0xb8;
	v63 =	vld [tilespmem:$0x0]  }
0x67: {  	s12 =	sor.u32 s12, s13;
	_ =	swait.ge @!p0 [sflag:s14], $0x4000  }
0x68: {  	s12 =	sshrl.u32 s12, $0x3;
	[sflag:s14] =	ssyncset.done @!p0 $0x0  }
0x69: {  	[sflag:s14] =	ssyncadd.s32 @!p0 $0xFFFFC000;
	s14 =	sadd.s32 s1, s12  }
0x6a: {  	[tilespmem:s26], [sflag:$0x7] =	stream.linear.gather [hbm4b:s14+s4], $0x80, $0x38;
	v63 =	vld [tilespmem:$0x0]  }
0x6b: {  	_ =	swait.ge [sflag:s20], $0x80  }
0x6c: {  	[sflag:s20] =	ssyncset.done $0x0  }
0x6d: {  	s12 =	sadd.s32 s6, s12;
	[sflag:s20] =	ssyncadd.s32 $0xFFFFFF80  }
0x6e: {  	[tilespmem:s28], [sflag:$0x7] =	stream.linear.gather [hbm4b:s12+s4], $0x80, $0x38;
	v63 =	vld [tilespmem:$0x0]  }
0x6f: {  	_ =	swait.ge [sflag:s20], $0x80  }
0x70: {  	[sflag:s20] =	ssyncset.done $0x0  }
0x71: {  	p0 =	seq.s32 s11, $0x2900;
	[sflag:s20] =	ssyncadd.s32 $0xFFFFFF80  }
0x72: {  	[tilespmem:s29], [sflag:$0x3] =	stream.indirect.gather [hbm4b:s5+s21], $0x80, s26, s21, $0xb8;
	v63 =	vld [tilespmem:$0x0]  }
.Ltmp3:
0x73: {  	_ = 	snop;
	(pc) =	sbr.rel @p0 .LBB2_6-.Ltmp3, $4  }
0x74: {  	_ =	swait.ge [sflag:s30], $0x4000  }
0x75: {  	[sflag:s30] =	ssyncset.done $0x0  }
0x76: {  	[sflag:s30] =	ssyncadd.s32 $0xFFFFC000  }
0x77: {  	[spmem:s2] =	stream.indirect.scatter.add.f32 [tilespmem:s23], [sflag:$0x5], $0x80, s22, s21, $0xb8;
	v63 =	vld [tilespmem:$0x0]  }
0x78: {  	s12 =	sadd.s32 $0xFFFFFF80, s11  }
0x79: {  	s13 =	sand.u32 $0x7C00, s12  }
0x7a: {  	s12 =	sand.u32 $0x380, s12;
	s13 =	sadd.s32 s8, s13  }
0x7b: {  	_ =	swait.ge [sflag:s0], $0x4000;
	s12 =	sor.u32 s12, s13  }
0x7c: {  	[sflag:s0] =	ssyncset.done $0x0;
	s12 =	sshrl.u32 s12, $0x3  }
0x7d: {  	[sflag:s0] =	ssyncadd.s32 $0xFFFFC000;
	s14 =	sadd.s32 s1, s12  }
0x7e: {  	[tilespmem:s4], [sflag:$0x7] =	stream.linear.gather [hbm4b:s14+s4], $0x80, $0x38;
	v63 =	vld [tilespmem:$0x0]  }
0x7f: {  	_ =	swait.ge [sflag:s20], $0x80  }
0x80: {  	[sflag:s20] =	ssyncset.done $0x0  }
0x81: {  	s12 =	sadd.s32 s6, s12;
	[sflag:s20] =	ssyncadd.s32 $0xFFFFFF80  }
0x82: {  	[tilespmem:s25], [sflag:$0x7] =	stream.linear.gather [hbm4b:s12+s4], $0x80, $0x38;
	v63 =	vld [tilespmem:$0x0]  }
0x83: {  	_ =	swait.ge [sflag:s20], $0x80  }
0x84: {  	[sflag:s20] =	ssyncset.done $0x0  }
0x85: {  	[sflag:s20] =	ssyncadd.s32 $0xFFFFFF80  }
0x86: {  	[tilespmem:s19], [sflag:$0x1] =	stream.indirect.gather [hbm4b:s5+s21], $0x80, s4, s21, $0xb8;
	v63 =	vld [tilespmem:$0x0]  }
0x87: {  	_ =	swait.ge [sflag:s31], $0x4000  }
0x88: {  	s13 =	sand.u32 $0x7C00, s11;
	[sflag:s31] =	ssyncset.done $0x0  }
0x89: {  	s14 =	sand.u32 $0x380, s11;
	s12 =	sadd.s32 s8, s13;
	[sflag:s31] =	ssyncadd.s32 $0xFFFFC000  }
0x8a: {  	[spmem:s2] =	stream.indirect.scatter.add.f32 [tilespmem:s29], [sflag:$0x6], $0x80, s28, s21, $0xb8;
	v63 =	vld [tilespmem:$0x0]  }
0x8b: {  	s12 =	sor.u32 s14, s12;
	_ =	swait.ge [sflag:s3], $0x4000  }
0x8c: {  	s12 =	sshrl.u32 s12, $0x3;
	[sflag:s3] =	ssyncset.done $0x0  }
0x8d: {  	s14 =	sadd.s32 s1, s12;
	[sflag:s3] =	ssyncadd.s32 $0xFFFFC000  }
0x8e: {  	[tilespmem:s21], [sflag:$0x7] =	stream.linear.gather [hbm4b:s14+s4], $0x80, $0x38;
	v63 =	vld [tilespmem:$0x0]  }
0x8f: {  	_ =	swait.ge [sflag:s20], $0x80  }
0x90: {  	[sflag:s20] =	ssyncset.done $0x0  }
0x91: {  	s12 =	sadd.s32 s6, s12;
	[sflag:s20] =	ssyncadd.s32 $0xFFFFFF80  }
0x92: {  	[tilespmem:s22], [sflag:$0x7] =	stream.linear.gather [hbm4b:s12+s4], $0x80, $0x38;
	v63 =	vld [tilespmem:$0x0]  }
.Ltmp4:
0x93: {  	_ = 	snop;
	(pc) =	sbr.rel .LBB2_4-.Ltmp4, $4  }
0x94: {  	_ =	swait.ge [sflag:s20], $0x80  }
0x95: {  	[sflag:s20] =	ssyncset.done $0x0  }
0x96: {  	s11 =	sadd.s32 $0x180, s11;
	[sflag:s20] =	ssyncadd.s32 $0xFFFFFF80  }
0x97: {  	[tilespmem:s23], [sflag:$0x2] =	stream.indirect.gather [hbm4b:s5+s21], $0x80, s21, s21, $0xb8;
	v63 =	vld [tilespmem:$0x0]  }
.LBB2_7:
0x98: {  	_ =	sfence.sel $0x180000  }
0x99: {  	[bflag:$0x0] =	sbarrier.arrive $0xFFFF  }
0x9a: {  	_ =	strace $0x9000004A  }
0x9b: {  	s0 =	stileid.u32;
	[bflag:$0x2] =	sbarrier.arrive $0xFFFF  }
0x9c: {  	p0 =	sne.s32 s0, $0x0;
	s0 =	rddreg [dreg:$0x3]  }
0x9d: {  	s0 =	sadd.s32 @!p0 $0x100000, s0  }
0x9e: {  	[sflag:s0] =	ssyncadd.tile.s32 @!p0 $0x1;
	_ =	shalt  }
.Lfunc_end2:
_tile_overlayer_lowered:
.L_overlay_start_2:
0x9f: {  	(tag) =	ssettag $0x2  }
0xa0: {  	s0 =	rddreg [dreg:$0x0];
	s2 =	stileid.u32  }
0xa1: {  	s1 =	rddreg [dreg:$0x1];
	p0 =	sne.s32 s2, $0x0  }
0xa2: {  	s3 =	rddreg [dreg:$0x2];
	[bflag:$0x3] =	sbarrier.arrive $0xFFFF;
	s2 =	simm.s32 @!p0 $0x1C07  }
0xa3: {  	[timem:s3], [sflag:s2] =	dma.local @!p0 [hbm:s0], s1  }
0xa4: {  	s0 =	simm.s32 @!p0 $0x7  }
0xa5: {  	_ =	swait.ge @!p0 [sflag:s0], s1  }
0xa6: {  	s1 =	ssub.s32 @!p0 $0x0, s1;
	[sflag:s0] =	ssyncset.done @!p0 $0x0  }
0xa7: {  	[sflag:s0] =	ssyncadd.s32 @!p0 s1  }
0xa8: {  	[bflag:$0x3] =	sbarrier.arrive $0xFFFF  }
0xa9: {  	_ =	shalt  }

// kernel: kernel.14.cloned.1.call-start
scs
__scs_entry_jumppad:
0x0: {  	(pc) =	sbr.rel $0x88, $3  }
0x1: {  	(tag) =	ssettag $0x0;
	lr =	simm.s32 $0x1  }
0x2: {  	[smem:$0x3F99] =	sst lr;
	_ =	strace $0xD0000000  }
0x3: {  	_ = 	snop  }
0x4: {  	_ = 	snop  }
0x5: {  	_ = 	snop  }
0x6: {  	_ = 	snop  }
0x7: {  	_ = 	snop  }
__scs_overlays_trampoline_lowered:
0x8: {  	[smem:$0x3FA8] =	sst s0  }
0x9: {  	[smem:$0x3FA9] =	sst s1  }
0xa: {  	[smem:$0x3FAA] =	sst s2  }
0xb: {  	[smem:$0x3FAB] =	sst s3  }
0xc: {  	[smem:$0x3FAC] =	sst s4  }
0xd: {  	[smem:$0x3FAD] =	sst s5  }
0xe: {  	[smem:$0x3FAE] =	sst s6  }
0xf: {  	[smem:$0x3FAF] =	sst s7  }
0x10: {  	[smem:$0x3FB0] =	sst s8  }
0x11: {  	[smem:$0x3FB1] =	sst s9;
	s0 =	simm.s32 @!p0 $0x0  }
0x12: {  	s1 =	sld [smem:$0x3F97];
	s0 =	simm.s32 @p0 $0x1  }
0x13: {  	[smem:$0x3FB2] =	sst s0;
	s0 =	simm.s32 @!p1 $0x0  }
0x14: {  	s2 =	sld [smem:$0x3F96];
	s0 =	simm.s32 @p1 $0x1  }
0x15: {  	[smem:$0x3FB3] =	sst s0;
	s0 =	simm.s32 @!p2 $0x0  }
0x16: {  	s3 =	sld [smem:$0x3FDB];
	s0 =	simm.s32 @p2 $0x1  }
0x17: {  	s4 =	simm.s32 $0x1BF5;
	[smem:$0x3FB5] =	sst s0  }
0x18: {  	s0 =	sld [smem:$0x3F98];
	_ =	swait.ge [sflag:s4], $0x0  }
0x19: {  	s7 =	sld [smem:$0x3F99]  }
0x1a: {  	s8 =	sadd.s32 $0xFFFFE003, lr  }
0x1b: {  	s9 =	sadd.s32 $0xFFFFFEF7, lr;
	s5 =	simm.s32 $0xFFFFFFFF;
	p2 =	slt.u32 s8, $0xFFFFF086  }
0x1c: {  	p1 =	slt.u32 s9, $0xF7A;
	s5 =	simm.s32 @!p2 $0x0  }
0x1d: {  	s5 =	simm.s32 @p1 $0x1;
	p0 =	seq.s32 s7, s2  }
0x1e: {  	s7 =	smul.u32 @!p0 $0xF7A, s2;
	p2 =	seq.s32 @!p0 s5, $0x0  }
0x1f: {  	s9 =	smul.u32 $0xF7A, s1;
	s8 =	simm.s32 @!p0 $0x1BF5;
	p2 =	por !p2, p0  }
0x20: {  	[sflag:s8] =	ssyncset.s32 @!p0 $0xFFFFF086;
	s6 =	sadd.s32 @!p0 s3, s7;
	s7 =	simm.s32 @!p0 $0x108  }
0x21: {  	s3 =	sadd.s32 s3, s9;
	s6 =	sadd.s32 @!p0 $0x88, s6;
	s7 =	simm.s32 @p2 $0x1082  }
0x22: {  	[simem:s7], [sflag:s8] =	dma.local @!p0 [hbm:s6], $0xF7A  }
0x23: {  	s9 =	sor.u32 $0xD0000000, s2;
	s6 =	simm.s32 $0x108;
	_ =	swait.ge @!p0 [sflag:s8], $0x0  }
0x24: {  	s3 =	sadd.s32 $0x88, s3;
	s6 =	simm.s32 @!p1 $0x1082;
	[sflag:s4] =	ssyncset.s32 $0xFFFFF086  }
0x25: {  	[simem:s6], [sflag:s4] =	dma.local [hbm:s3], $0xF7A  }
0x26: {  	[smem:$0x3F99] =	sst s1;
	(tag) =	ssettag s2;
	_ =	strace s9  }
0x27: {  	s1 =	sld [smem:$0x3FA9]  }
0x28: {  	s2 =	sld [smem:$0x3FAA]  }
0x29: {  	s4 =	sld [smem:$0x3FAC]  }
0x2a: {  	p0 =	seq.s32 s5, $0x0;
	s5 =	sld [smem:$0x3FAD]  }
0x2b: {  	s6 =	sld [smem:$0x3FAE]  }
0x2c: {  	s7 =	sld [smem:$0x3FAF]  }
0x2d: {  	s3 =	simm.s32 $0x108;
	s8 =	sld [smem:$0x3FB0]  }
0x2e: {  	s3 =	simm.s32 @!p0 $0x1082;
	s9 =	sld [smem:$0x3FB1]  }
0x2f: {  	lr =	sadd.s32 s0, s3;
	s0 =	sld [smem:$0x3FA8]  }
0x30: {  	s3 =	sld [smem:$0x3FAB]  }
0x31: {  	[smem:$0x3FB4] =	sst s10  }
0x32: {  	s10 =	sld [smem:$0x3FB2];
	_ =	sdelay $0x3  }
0x33: {  	p0 =	seq.s32 s10, $0x1;
	s10 =	sld [smem:$0x3FB4];
	_ =	sdelay $0x3  }
0x34: {  	[smem:$0x3FB4] =	sst s10  }
0x35: {  	s10 =	sld [smem:$0x3FB3];
	_ =	sdelay $0x3  }
0x36: {  	p1 =	seq.s32 s10, $0x1;
	s10 =	sld [smem:$0x3FB4];
	_ =	sdelay $0x3  }
0x37: {  	[smem:$0x3FB4] =	sst s10  }
0x38: {  	s10 =	sld [smem:$0x3FB5]  }
0x39: {  	_ = 	snop;
	(pc) =	sbr.ind lr, $3  }
0x3a: {  	_ = 	snop  }
0x3b: {  	_ = 	snop  }
0x3c: {  	p2 =	seq.s32 s10, $0x1;
	s10 =	sld [smem:$0x3FB4]  }
0x3d: {  	_ =	shalt  }
0x3e: {  	_ =	shalt  }
0x3f: {  	_ =	shalt  }
0x40: {  	_ =	shalt  }
0x41: {  	_ =	shalt  }
0x42: {  	_ =	shalt  }
0x43: {  	_ =	shalt  }
0x44: {  	_ =	shalt  }
0x45: {  	_ =	shalt  }
0x46: {  	_ =	shalt  }
0x47: {  	_ =	shalt  }
0x48: {  	_ =	shalt  }
0x49: {  	_ =	shalt  }
0x4a: {  	_ =	shalt  }
0x4b: {  	_ =	shalt  }
0x4c: {  	_ =	shalt  }
0x4d: {  	_ =	shalt  }
0x4e: {  	_ =	shalt  }
0x4f: {  	_ =	shalt  }
0x50: {  	_ =	shalt  }
0x51: {  	_ =	shalt  }
0x52: {  	_ =	shalt  }
0x53: {  	_ =	shalt  }
0x54: {  	_ =	shalt  }
0x55: {  	_ =	shalt  }
0x56: {  	_ =	shalt  }
0x57: {  	_ =	shalt  }
0x58: {  	_ =	shalt  }
0x59: {  	_ =	shalt  }
0x5a: {  	_ =	shalt  }
0x5b: {  	_ =	shalt  }
0x5c: {  	_ =	shalt  }
0x5d: {  	_ =	shalt  }
0x5e: {  	_ =	shalt  }
0x5f: {  	_ =	shalt  }
0x60: {  	_ =	shalt  }
0x61: {  	_ =	shalt  }
0x62: {  	_ =	shalt  }
0x63: {  	_ =	shalt  }
0x64: {  	_ =	shalt  }
0x65: {  	_ =	shalt  }
0x66: {  	_ =	shalt  }
0x67: {  	_ =	shalt  }
0x68: {  	_ =	shalt  }
0x69: {  	_ =	shalt  }
0x6a: {  	_ =	shalt  }
0x6b: {  	_ =	shalt  }
0x6c: {  	_ =	shalt  }
0x6d: {  	_ =	shalt  }
0x6e: {  	_ =	shalt  }
0x6f: {  	_ =	shalt  }
0x70: {  	_ =	shalt  }
0x71: {  	_ =	shalt  }
0x72: {  	_ =	shalt  }
0x73: {  	_ =	shalt  }
0x74: {  	_ =	shalt  }
0x75: {  	_ =	shalt  }
0x76: {  	_ =	shalt  }
0x77: {  	_ =	shalt  }
0x78: {  	_ =	shalt  }
0x79: {  	_ =	shalt  }
0x7a: {  	_ =	shalt  }
0x7b: {  	_ =	shalt  }
0x7c: {  	_ =	shalt  }
0x7d: {  	_ =	shalt  }
0x7e: {  	_ =	shalt  }
0x7f: {  	_ =	shalt  }
0x80: {  	_ =	shalt  }
0x81: {  	_ =	shalt  }
0x82: {  	_ =	shalt  }
0x83: {  	_ =	shalt  }
0x84: {  	_ =	shalt  }
0x85: {  	_ =	shalt  }
0x86: {  	_ =	shalt  }
0x87: {  	_ =	shalt  }
.Lfunc_end0:
.L_simem_size_0:
called_computation.2_lowered:
.L_overlay_start_0:
0x88: {  	s2 =	sld [smem:$0x3FD9]  }
0x89: {  	s3 =	sld [smem:$0x3FFE];
	_ =	sdelay $0x1  }
0x8a: {  	s1 =	srdreg.scid  }
0x8b: {  	s0 =	sand.u32 $0x1, s1  }
0x8c: {  	s17 =	sshll.u32 s0, $0xA;
	s2 =	sadd.s32 s3, s2  }
0x8d: {  	s2 =	sadd.s32 s2, s17  }
0x8e: {  	[smem:$0x3FC0] =	sst s2  }
0x8f: {  	_ = 	snop  }
0x90: {  	s2 =	sld [smem:$0x3FD0];
	(tm) =	ssettm $0x1  }
0x91: {  	s18 =	sld [smem:$0x3FFB];
	_ =	sdelay $0x3  }
0x92: {  	_ =	strace s18  }
0x93: {  	s3 =	sld [smem:$0x3FFC];
	_ =	sdelay $0x3  }
0x94: {  	_ =	strace s3  }
0x95: {  	s3 =	sld [smem:$0x3FFD];
	_ =	sdelay $0x3  }
0x96: {  	_ =	strace s3  }
0x97: {  	_ =	strace $0x8FFFFFFF  }
0x98: {  	s19 =	sld [smem:$0x3FDB];
	_ =	sdelay $0x1  }
0x99: {  	s4 =	simm.s32 $_scs_section_size  }
0x9a: {  	s5 =	simm.s32 $_size__tile_overlayer_lowered;
	s6 =	simm.s32 $_tile_overlayer_lowered  }
0x9b: {  	s22 =	simm.s32 $0x1BFF;
	s21 =	sshll.u32 s6, $0x1;
	s3 =	sadd.s32 s4, s19  }
0x9c: {  	s7 =	simm.s32 $0x0;
	s20 =	sshll.u32 s5, $0x1;
	s5 =	sadd.s32 s21, s3  }
0x9d: {  	[timem:s7], [sflag:s22] =	dma.local [hbm:s5], s20  }
0x9e: {  	_ =	swait.ge [sflag:s22], s20  }
0x9f: {  	s4 =	ssub.s32 $0x0, s20;
	[sflag:s22] =	ssyncset.done $0x0  }
0xa0: {  	[sflag:s22] =	ssyncadd.s32 s4;
	_ =	sdelay $0x1  }
0xa1: {  	s23 =	simm.s32 $0x1B8B  }
0xa2: {  	_ =	swait.ge [sflag:s23], $0x1  }
0xa3: {  	[sflag:s23] =	ssyncset.done $0x0  }
0xa4: {  	s25 =	simm.s32 $0x1B8E;
	s24 =	sld [smem:$0x3FFE];
	[sflag:s23] =	ssyncadd.s32 $0xFFFFFFFF  }
0xa5: {  	s26 =	simm.s32 $execute0_lowered;
	[smem:$0x3FD2] =	sst s25  }
0xa6: {  	s5 =	sshll.u32 s26, $0x1;
	_ =	strace $0x8000004C;
	[dreg:$0x1] =	wrdreg $0xFFFFFFFF  }
0xa7: {  	s28 =	simm.s32 $_size_execute0_lowered;
	s3 =	sadd.s32 s3, s5;
	[dreg:$0x0] =	wrdreg $0x0  }
0xa8: {  	s5 =	sshll.u32 s28, $0x1;
	[dreg:$0x2] =	wrdreg s3  }
0xa9: {  	[dreg:$0x3] =	wrdreg s5  }
0xaa: {  	[dreg:$0x4] =	wrdreg $0xC0  }
0xab: {  	_ =	task [dreg:s7], $0x5FFFF  }
0xac: {  	[dreg:$0x1] =	wrdreg $0xFFFFFFFF  }
0xad: {  	[dreg:$0x0] =	wrdreg $0x60  }
0xae: {  	[dreg:$0x2] =	wrdreg s24  }
0xaf: {  	[dreg:$0x3] =	wrdreg s2  }
0xb0: {  	[dreg:$0x4] =	wrdreg $0xC4000  }
0xb1: {  	[dreg:$0x5] =	wrdreg $0x9  }
0xb2: {  	_ =	task.clear_ibuf [dreg:s7], $0x6FFFF;
	_ =	strace $0x9000004C  }
0xb3: {  	s29 =	simm.s32 $0x9;
	_ =	strace $0x8000004E  }
0xb4: {  	_ =	swait.ge [sflag:s29], $0x1  }
0xb5: {  	[sflag:s29] =	ssyncadd.s32 $0xFFFFFFFF  }
0xb6: {  	_ =	strace $0x9000004E  }
0xb7: {  	_ =	sfence  }
0xb8: {  	s30 =	sld [smem:$0x0];
	_ =	sdelay $0x2  }
0xb9: {  	s31 =	sshll.u32 s1, $0xD;
	s1 =	sshrl.u32 s1, $0x2  }
0xba: {  	s3 =	sand.u32 $0x4000, s31;
	s1 =	sadd.s32 s1, s30  }
0xbb: {  	s0 =	sor.u32 s3, s0;
	s1 =	sshll.u32 s1, $0x11  }
0xbc: {  	s0 =	sor.u32 s1, s0  }
0xbd: {  	s0 =	sadd.s32 $0x8F2B, s0  }
0xbe: {  	[sflag:s0] =	ssyncadd.remote.s32 $0x1  }
0xbf: {  	_ =	sfence.sel $0xFFFF  }
0xc0: {  	[dreg:$0x0] =	wrdreg $0xFFFFFFFF;
	(pc) =	sbr.abs _section_cstart, $3  }
0xc1: {  	[dreg:$0x1] =	wrdreg $0xFFFFFFFF  }
0xc2: {  	_ =	task.clear_ibuf [dreg:s7], $0x2FFFF;
	_ =	strace $0x9FFFFFFF  }
0xc3: {  	(tm) =	ssettm $0x7FFFFFFF  }
tec
execute0_lowered:
.L_overlay_start_1:
0x0: {  	(tag) =	ssettag $0x1  }
0x1: {  	s0 =	rddreg [dreg:$0x0]  }
0x2: {  	s1 =	rddreg [dreg:$0x1]  }
0x3: {  	s2 =	rddreg [dreg:$0x2]  }
0x4: {  	s3 =	srdreg.scid;
	s4 =	simm.s32 $0x0;
	s10 =	stileid.u32  }
0x5: {  	s28 =	simm.s32 $0x300;
	s29 =	simm.s32 $0x8400;
	s30 =	simm.s32 $0x2  }
0x6: {  	s31 =	simm.s32 $0x3;
	s3 =	sand.u32 $0x1, s3;
	s7 =	smul.u32 $0x13C00, s10  }
0x7: {  	[smem:$0x7FF] =	sst s4;
	s5 =	sadd.s32 $0x5C400, s0;
	s8 =	smul.u32 $0x4F000, s10  }
0x8: {  	s16 =	sshll.u32 s10, $0x1;
	s10 =	simm.s32 $0x0;
	s6 =	smul.u32 $0x13C000, s3  }
0x9: {  	_ =	strace $0x8000004D;
	s17 =	ssub.s32 $0x2, s3;
	s3 =	sor.u32 s3, s16  }
0xa: {  	s18 =	sshrl.u32 s8, $0x2;
	s11 =	sshrl.u32 s17, $0x1;
	s8 =	smul.u32 $0x2C00, s3  }
0xb: {  	s3 =	simm.s32 $0x5;
	s7 =	sadd.s32 s7, s6;
	s6 =	sadd.s32 $0x2400, s0  }
0xc: {  	s19 =	ssub.s32 s17, s11;
	s9 =	sshrl.u32 s7, $0x3;
	s7 =	sadd.s32 s18, s2  }
0xd: {  	s23 =	sshrl.u32 s8, $0x3;
	s18 =	smax.u32 s19, $0x1;
	s20 =	sadd.s32 $0x4000, s7  }
0xe: {  	s19 =	simm.s32 $0x400;
	s21 =	sadd.s32 $0x8000, s7;
	[dreg:$0x4] =	wrdreg s20  }
0xf: {  	s0 =	sadd.s32 s9, s0;
	s22 =	sadd.s32 $0xC000, s7;
	[dreg:$0x5] =	wrdreg s21  }
0x10: {  	s24 =	sadd.s32 $0x10000, s7;
	s25 =	sadd.s32 s1, s23;
	[dreg:$0x6] =	wrdreg s22  }
0x11: {  	s26 =	sor.u32 $0x10, s23;
	s9 =	sadd.s32 s6, s23;
	[dreg:$0x7] =	wrdreg s24  }
.Ltmp0:
0x12: {  	s23 =	simm.s32 $0x4400;
	[dreg:$0x8] =	wrdreg s25;
	(pc) =	sbr.rel .LBB2_1-.Ltmp0, $4  }
0x13: {  	[dreg:$0x9] =	wrdreg s9;
	s15 =	sadd.s32 s1, s26;
	s16 =	sadd.s32 s6, s26  }
0x14: {  	s17 =	sadd.s32 $0x83600, s0;
	s20 =	simm.s32 $0x7;
	s21 =	simm.s32 $0x80  }
0x15: {  	s22 =	simm.s32 $0x280;
	s24 =	simm.s32 $0x1;
	s25 =	simm.s32 $0x200  }
0x16: {  	v0 =	vimm.f32 $0.0e+00;
	s26 =	simm.s32 $0x100;
	s0 =	simm.s32 $0x4;
	s9 =	simm.s32 $0x6  }
.LBB2_6:
0x17: {  	_ =	swait.ge [sflag:s31], $0x4000  }
0x18: {  	[sflag:s31] =	ssyncset.done $0x0  }
0x19: {  	[sflag:s31] =	ssyncadd.s32 $0xFFFFC000  }
0x1a: {  	[spmem:s2] =	stream.indirect.scatter.add.f32 [tilespmem:s29], [sflag:$0x6], $0x80, s28, s21, $0xb8;
	v63 =	vld [tilespmem:$0x0]  }
0x1b: {  	_ =	swait.ge [sflag:s0], $0x4000  }
0x1c: {  	[sflag:s0] =	ssyncset.done $0x0  }
0x1d: {  	[sflag:s0] =	ssyncadd.s32 $0xFFFFC000  }
0x1e: {  	_ =	swait.ge [sflag:s3], $0x4000  }
0x1f: {  	[sflag:s3] =	ssyncset.done $0x0  }
0x20: {  	[sflag:s3] =	ssyncadd.s32 $0xFFFFC000  }
0x21: {  	s11 =	stileid.u32;
	_ =	swait.ge [sflag:s9], $0x4000  }
0x22: {  	s12 =	sshrl.u32 s7, $0x3;
	s10 =	sadd.s32 $0x1, s10;
	[sflag:s9] =	ssyncset.done $0x0  }
0x23: {  	s11 =	sshll.u32 s11, $0x6;
	p0 =	sne.s32 s10, s18;
	[sflag:s9] =	ssyncadd.s32 $0xFFFFC000  }
.Ltmp1:
0x24: {  	s11 =	sor.u32 $0x1C07, s11;
	[bflag:$0x0] =	sbarrier.arrive $0xFFFF;
	(pc) =	sbr.rel @!p0 .LBB2_7-.Ltmp1, $4  }
0x25: {  	[hbm:s17], [sflag:s11] =	dma.local [spmem:s12], $0x2780  }
0x26: {  	_ =	swait.ge [sflag:s20], $0x2780  }
0x27: {  	[sflag:s20] =	ssyncset.done $0x0  }
0x28: {  	[sflag:s20] =	ssyncadd.s32 $0xFFFFD880  }
.LBB2_1:
0x29: {  	s11 =	simm.s32 $0x0;
	s12 =	simm.s32 $0x200  }
.LBB2_2:
0x2a: {  	p0 =	sne.s32 s12, $0xFE00;
	[tilespmem:s11+$0x470] =	vst v0  }
0x2b: {  	[tilespmem:s11+$0x400] =	vst v0  }
0x2c: {  	[tilespmem:s11+$0x410] =	vst v0  }
.Ltmp2:
0x2d: {  	[tilespmem:s11+$0x420] =	vst v0;
	(pc) =	sbr.rel @p0 .LBB2_2-.Ltmp2, $4  }
0x2e: {  	[tilespmem:s11+$0x430] =	vst v0  }
0x2f: {  	[tilespmem:s11+$0x440] =	vst v0  }
0x30: {  	[tilespmem:s11+$0x450] =	vst v0  }
0x31: {  	[tilespmem:s11+$0x460] =	vst v0;
	s11 =	sshra.s32 s12, $0x2;
	s12 =	sadd.s32 $0x200, s12  }
0x32: {  	[tilespmem:s11+$0x470] =	vst v0  }
0x33: {  	[tilespmem:s11+$0x400] =	vst v0  }
0x34: {  	[tilespmem:s11+$0x410] =	vst v0  }
0x35: {  	[tilespmem:s11+$0x420] =	vst v0  }
0x36: {  	[tilespmem:s11+$0x430] =	vst v0  }
0x37: {  	[tilespmem:s11+$0x440] =	vst v0  }
0x38: {  	[tilespmem:s11+$0x450] =	vst v0  }
0x39: {  	[tilespmem:s11+$0x460] =	vst v0  }
0x3a: {  	[spmem:s7] =	stream.linear.scatter [tilespmem:s19], [sflag:$0x7], $0x4000, $0x38;
	v63 =	vld [tilespmem:$0x0]  }
0x3b: {  	_ =	swait.ge [sflag:s20], $0x4000  }
0x3c: {  	[sflag:s20] =	ssyncset.done $0x0  }
0x3d: {  	s13 =	rddreg [dreg:$0x4];
	[sflag:s20] =	ssyncadd.s32 $0xFFFFC000  }
0x3e: {  	[spmem:s13] =	stream.linear.scatter [tilespmem:s19], [sflag:$0x7], $0x4000, $0x38;
	v63 =	vld [tilespmem:$0x0]  }
0x3f: {  	_ =	swait.ge [sflag:s20], $0x4000  }
0x40: {  	[sflag:s20] =	ssyncset.done $0x0  }
0x41: {  	s14 =	rddreg [dreg:$0x5];
	[sflag:s20] =	ssyncadd.s32 $0xFFFFC000  }
0x42: {  	[spmem:s14] =	stream.linear.scatter [tilespmem:s19], [sflag:$0x7], $0x4000, $0x38;
	v63 =	vld [tilespmem:$0x0]  }
0x43: {  	_ =	swait.ge [sflag:s20], $0x4000  }
0x44: {  	[sflag:s20] =	ssyncset.done $0x0  }
0x45: {  	s12 =	rddreg [dreg:$0x6];
	[sflag:s20] =	ssyncadd.s32 $0xFFFFC000  }
0x46: {  	[spmem:s12] =	stream.linear.scatter [tilespmem:s19], [sflag:$0x7], $0x4000, $0x38;
	v63 =	vld [tilespmem:$0x0]  }
0x47: {  	_ =	swait.ge [sflag:s20], $0x4000  }
0x48: {  	[sflag:s20] =	ssyncset.done $0x0  }
0x49: {  	s13 =	rddreg [dreg:$0x7];
	[sflag:s20] =	ssyncadd.s32 $0xFFFFC000  }
0x4a: {  	[spmem:s13] =	stream.linear.scatter [tilespmem:s19], [sflag:$0x7], $0x3C00, $0x38;
	v63 =	vld [tilespmem:$0x0]  }
0x4b: {  	_ =	swait.ge [sflag:s20], $0x3C00  }
0x4c: {  	[sflag:s20] =	ssyncset.done $0x0  }
0x4d: {  	[sflag:s20] =	ssyncadd.s32 $0xFFFFC400  }
0x4e: {  	[bflag:$0x0] =	sbarrier.arrive $0xFFFF  }
0x4f: {  	s14 =	rddreg [dreg:$0x8]  }
0x50: {  	[tilespmem:s4], [sflag:$0x7] =	stream.linear.gather [hbm4b:s14+s4], $0x80, $0x38;
	v63 =	vld [tilespmem:$0x0]  }
0x51: {  	_ =	swait.ge [sflag:s20], $0x80  }
0x52: {  	[sflag:s20] =	ssyncset.done $0x0  }
0x53: {  	s11 =	simm.s32 $0x200;
	s12 =	rddreg [dreg:$0x9];
	[sflag:s20] =	ssyncadd.s32 $0xFFFFFF80  }
0x54: {  	[tilespmem:s11], [sflag:$0x7] =	stream.linear.gather [hbm4b:s12+s4], $0x80, $0x38;
	v63 =	vld [tilespmem:$0x0]  }
0x55: {  	_ =	swait.ge [sflag:s20], $0x80  }
0x56: {  	[sflag:s20] =	ssyncset.done $0x0  }
0x57: {  	[sflag:s20] =	ssyncadd.s32 $0xFFFFFF80  }
0x58: {  	[tilespmem:s19], [sflag:$0x1] =	stream.indirect.gather [hbm4b:s5+s21], $0x80, s4, s21, $0xb8;
	v63 =	vld [tilespmem:$0x0]  }
0x59: {  	_ = 	snop  }
0x5a: {  	[tilespmem:s21], [sflag:$0x7] =	stream.linear.gather [hbm4b:s15+s4], $0x80, $0x38;
	v63 =	vld [tilespmem:$0x0]  }
0x5b: {  	_ =	swait.ge [sflag:s20], $0x80  }
0x5c: {  	[sflag:s20] =	ssyncset.done $0x0  }
0x5d: {  	[sflag:s20] =	ssyncadd.s32 $0xFFFFFF80  }
0x5e: {  	[tilespmem:s22], [sflag:$0x7] =	stream.linear.gather [hbm4b:s16+s4], $0x80, $0x38;
	v63 =	vld [tilespmem:$0x0]  }
0x5f: {  	_ =	swait.ge [sflag:s20], $0x80  }
0x60: {  	[sflag:s20] =	ssyncset.done $0x0  }
0x61: {  	[sflag:s20] =	ssyncadd.s32 $0xFFFFFF80  }
0x62: {  	[tilespmem:s23], [sflag:$0x2] =	stream.indirect.gather [hbm4b:s5+s21], $0x80, s21, s21, $0xb8;
	v63 =	vld [tilespmem:$0x0]  }
.LBB2_4:
0x63: {  	_ =	swait.ge [sflag:s24], $0x4000;
	s12 =	sadd.s32 $0xFFFFFF00, s11;
	p0 =	seq.s32 s11, $0x200  }
0x64: {  	[sflag:s24] =	ssyncset.done $0x0;
	s13 =	sand.u32 $0x7C00, s12;
	s14 =	simm.s32 @!p0 $0x6  }
0x65: {  	s12 =	sand.u32 $0x380, s12;
	[sflag:s24] =	ssyncadd.s32 $0xFFFFC000;
	s13 =	sadd.s32 s8, s13  }
0x66: {  	[spmem:s2] =	stream.indirect.scatter.add.f32 [tilespmem:s19], [sflag:$0x4], $0x80, s25, s21, $0xb8;
	v63 =	vld [tilespmem:$0x0]  }
0x67: {  	s12 =	sor.u32 s12, s13;
	_ =	swait.ge @!p0 [sflag:s14], $0x4000  }
0x68: {  	s12 =	sshrl.u32 s12, $0x3;
	[sflag:s14] =	ssyncset.done @!p0 $0x0  }
0x69: {  	[sflag:s14] =	ssyncadd.s32 @!p0 $0xFFFFC000;
	s14 =	sadd.s32 s1, s12  }
0x6a: {  	[tilespmem:s26], [sflag:$0x7] =	stream.linear.gather [hbm4b:s14+s4], $0x80, $0x38;
	v63 =	vld [tilespmem:$0x0]  }
0x6b: {  	_ =	swait.ge [sflag:s20], $0x80  }
0x6c: {  	[sflag:s20] =	ssyncset.done $0x0  }
0x6d: {  	s12 =	sadd.s32 s6, s12;
	[sflag:s20] =	ssyncadd.s32 $0xFFFFFF80  }
0x6e: {  	[tilespmem:s28], [sflag:$0x7] =	stream.linear.gather [hbm4b:s12+s4], $0x80, $0x38;
	v63 =	vld [tilespmem:$0x0]  }
0x6f: {  	_ =	swait.ge [sflag:s20], $0x80  }
0x70: {  	[sflag:s20] =	ssyncset.done $0x0  }
0x71: {  	p0 =	seq.s32 s11, $0x2900;
	[sflag:s20] =	ssyncadd.s32 $0xFFFFFF80  }
0x72: {  	[tilespmem:s29], [sflag:$0x3] =	stream.indirect.gather [hbm4b:s5+s21], $0x80, s26, s21, $0xb8;
	v63 =	vld [tilespmem:$0x0]  }
.Ltmp3:
0x73: {  	_ = 	snop;
	(pc) =	sbr.rel @p0 .LBB2_6-.Ltmp3, $4  }
0x74: {  	_ =	swait.ge [sflag:s30], $0x4000  }
0x75: {  	[sflag:s30] =	ssyncset.done $0x0  }
0x76: {  	[sflag:s30] =	ssyncadd.s32 $0xFFFFC000  }
0x77: {  	[spmem:s2] =	stream.indirect.scatter.add.f32 [tilespmem:s23], [sflag:$0x5], $0x80, s22, s21, $0xb8;
	v63 =	vld [tilespmem:$0x0]  }
0x78: {  	s12 =	sadd.s32 $0xFFFFFF80, s11  }
0x79: {  	s13 =	sand.u32 $0x7C00, s12  }
0x7a: {  	s12 =	sand.u32 $0x380, s12;
	s13 =	sadd.s32 s8, s13  }
0x7b: {  	_ =	swait.ge [sflag:s0], $0x4000;
	s12 =	sor.u32 s12, s13  }
0x7c: {  	[sflag:s0] =	ssyncset.done $0x0;
	s12 =	sshrl.u32 s12, $0x3  }
0x7d: {  	[sflag:s0] =	ssyncadd.s32 $0xFFFFC000;
	s14 =	sadd.s32 s1, s12  }
0x7e: {  	[tilespmem:s4], [sflag:$0x7] =	stream.linear.gather [hbm4b:s14+s4], $0x80, $0x38;
	v63 =	vld [tilespmem:$0x0]  }
0x7f: {  	_ =	swait.ge [sflag:s20], $0x80  }
0x80: {  	[sflag:s20] =	ssyncset.done $0x0  }
0x81: {  	s12 =	sadd.s32 s6, s12;
	[sflag:s20] =	ssyncadd.s32 $0xFFFFFF80  }
0x82: {  	[tilespmem:s25], [sflag:$0x7] =	stream.linear.gather [hbm4b:s12+s4], $0x80, $0x38;
	v63 =	vld [tilespmem:$0x0]  }
0x83: {  	_ =	swait.ge [sflag:s20], $0x80  }
0x84: {  	[sflag:s20] =	ssyncset.done $0x0  }
0x85: {  	[sflag:s20] =	ssyncadd.s32 $0xFFFFFF80  }
0x86: {  	[tilespmem:s19], [sflag:$0x1] =	stream.indirect.gather [hbm4b:s5+s21], $0x80, s4, s21, $0xb8;
	v63 =	vld [tilespmem:$0x0]  }
0x87: {  	_ =	swait.ge [sflag:s31], $0x4000  }
0x88: {  	s13 =	sand.u32 $0x7C00, s11;
	[sflag:s31] =	ssyncset.done $0x0  }
0x89: {  	s14 =	sand.u32 $0x380, s11;
	s12 =	sadd.s32 s8, s13;
	[sflag:s31] =	ssyncadd.s32 $0xFFFFC000  }
0x8a: {  	[spmem:s2] =	stream.indirect.scatter.add.f32 [tilespmem:s29], [sflag:$0x6], $0x80, s28, s21, $0xb8;
	v63 =	vld [tilespmem:$0x0]  }
0x8b: {  	s12 =	sor.u32 s14, s12;
	_ =	swait.ge [sflag:s3], $0x4000  }
0x8c: {  	s12 =	sshrl.u32 s12, $0x3;
	[sflag:s3] =	ssyncset.done $0x0  }
0x8d: {  	s14 =	sadd.s32 s1, s12;
	[sflag:s3] =	ssyncadd.s32 $0xFFFFC000  }
0x8e: {  	[tilespmem:s21], [sflag:$0x7] =	stream.linear.gather [hbm4b:s14+s4], $0x80, $0x38;
	v63 =	vld [tilespmem:$0x0]  }
0x8f: {  	_ =	swait.ge [sflag:s20], $0x80  }
0x90: {  	[sflag:s20] =	ssyncset.done $0x0  }
0x91: {  	s12 =	sadd.s32 s6, s12;
	[sflag:s20] =	ssyncadd.s32 $0xFFFFFF80  }
0x92: {  	[tilespmem:s22], [sflag:$0x7] =	stream.linear.gather [hbm4b:s12+s4], $0x80, $0x38;
	v63 =	vld [tilespmem:$0x0]  }
.Ltmp4:
0x93: {  	_ = 	snop;
	(pc) =	sbr.rel .LBB2_4-.Ltmp4, $4  }
0x94: {  	_ =	swait.ge [sflag:s20], $0x80  }
0x95: {  	[sflag:s20] =	ssyncset.done $0x0  }
0x96: {  	s11 =	sadd.s32 $0x180, s11;
	[sflag:s20] =	ssyncadd.s32 $0xFFFFFF80  }
0x97: {  	[tilespmem:s23], [sflag:$0x2] =	stream.indirect.gather [hbm4b:s5+s21], $0x80, s21, s21, $0xb8;
	v63 =	vld [tilespmem:$0x0]  }
.LBB2_7:
0x98: {  	_ =	sfence.sel $0x180000  }
0x99: {  	[bflag:$0x0] =	sbarrier.arrive $0xFFFF  }
0x9a: {  	_ =	strace $0x9000004D  }
0x9b: {  	s0 =	stileid.u32;
	[bflag:$0x2] =	sbarrier.arrive $0xFFFF  }
0x9c: {  	p0 =	sne.s32 s0, $0x0;
	s0 =	rddreg [dreg:$0x3]  }
0x9d: {  	s0 =	sadd.s32 @!p0 $0x100000, s0  }
0x9e: {  	[sflag:s0] =	ssyncadd.tile.s32 @!p0 $0x1;
	_ =	shalt  }
.Lfunc_end2:
_tile_overlayer_lowered:
.L_overlay_start_2:
0x9f: {  	(tag) =	ssettag $0x2  }
0xa0: {  	s0 =	rddreg [dreg:$0x0];
	s2 =	stileid.u32  }
0xa1: {  	s1 =	rddreg [dreg:$0x1];
	p0 =	sne.s32 s2, $0x0  }
0xa2: {  	s3 =	rddreg [dreg:$0x2];
	[bflag:$0x3] =	sbarrier.arrive $0xFFFF;
	s2 =	simm.s32 @!p0 $0x1C07  }
0xa3: {  	[timem:s3], [sflag:s2] =	dma.local @!p0 [hbm:s0], s1  }
0xa4: {  	s0 =	simm.s32 @!p0 $0x7  }
0xa5: {  	_ =	swait.ge @!p0 [sflag:s0], s1  }
0xa6: {  	s1 =	ssub.s32 @!p0 $0x0, s1;
	[sflag:s0] =	ssyncset.done @!p0 $0x0  }
0xa7: {  	[sflag:s0] =	ssyncadd.s32 @!p0 s1  }
0xa8: {  	[bflag:$0x3] =	sbarrier.arrive $0xFFFF  }
0xa9: {  	_ =	shalt  }

// kernel: kernel.8.cloned.1.call-start
scs
__scs_entry_jumppad:
0x0: {  	(pc) =	sbr.rel $0x88, $3  }
0x1: {  	(tag) =	ssettag $0x0;
	lr =	simm.s32 $0x1  }
0x2: {  	[smem:$0x3F99] =	sst lr;
	_ =	strace $0xD0000000  }
0x3: {  	_ = 	snop  }
0x4: {  	_ = 	snop  }
0x5: {  	_ = 	snop  }
0x6: {  	_ = 	snop  }
0x7: {  	_ = 	snop  }
__scs_overlays_trampoline_lowered:
0x8: {  	[smem:$0x3FA8] =	sst s0  }
0x9: {  	[smem:$0x3FA9] =	sst s1  }
0xa: {  	[smem:$0x3FAA] =	sst s2  }
0xb: {  	[smem:$0x3FAB] =	sst s3  }
0xc: {  	[smem:$0x3FAC] =	sst s4  }
0xd: {  	[smem:$0x3FAD] =	sst s5  }
0xe: {  	[smem:$0x3FAE] =	sst s6  }
0xf: {  	[smem:$0x3FAF] =	sst s7  }
0x10: {  	[smem:$0x3FB0] =	sst s8  }
0x11: {  	[smem:$0x3FB1] =	sst s9;
	s0 =	simm.s32 @!p0 $0x0  }
0x12: {  	s1 =	sld [smem:$0x3F97];
	s0 =	simm.s32 @p0 $0x1  }
0x13: {  	[smem:$0x3FB2] =	sst s0;
	s0 =	simm.s32 @!p1 $0x0  }
0x14: {  	s2 =	sld [smem:$0x3F96];
	s0 =	simm.s32 @p1 $0x1  }
0x15: {  	[smem:$0x3FB3] =	sst s0;
	s0 =	simm.s32 @!p2 $0x0  }
0x16: {  	s3 =	sld [smem:$0x3FDB];
	s0 =	simm.s32 @p2 $0x1  }
0x17: {  	s4 =	simm.s32 $0x1BF5;
	[smem:$0x3FB5] =	sst s0  }
0x18: {  	s0 =	sld [smem:$0x3F98];
	_ =	swait.ge [sflag:s4], $0x0  }
0x19: {  	s7 =	sld [smem:$0x3F99]  }
0x1a: {  	s8 =	sadd.s32 $0xFFFFE003, lr  }
0x1b: {  	s9 =	sadd.s32 $0xFFFFFEF7, lr;
	s5 =	simm.s32 $0xFFFFFFFF;
	p2 =	slt.u32 s8, $0xFFFFF086  }
0x1c: {  	p1 =	slt.u32 s9, $0xF7A;
	s5 =	simm.s32 @!p2 $0x0  }
0x1d: {  	s5 =	simm.s32 @p1 $0x1;
	p0 =	seq.s32 s7, s2  }
0x1e: {  	s7 =	smul.u32 @!p0 $0xF7A, s2;
	p2 =	seq.s32 @!p0 s5, $0x0  }
0x1f: {  	s9 =	smul.u32 $0xF7A, s1;
	s8 =	simm.s32 @!p0 $0x1BF5;
	p2 =	por !p2, p0  }
0x20: {  	[sflag:s8] =	ssyncset.s32 @!p0 $0xFFFFF086;
	s6 =	sadd.s32 @!p0 s3, s7;
	s7 =	simm.s32 @!p0 $0x108  }
0x21: {  	s3 =	sadd.s32 s3, s9;
	s6 =	sadd.s32 @!p0 $0x88, s6;
	s7 =	simm.s32 @p2 $0x1082  }
0x22: {  	[simem:s7], [sflag:s8] =	dma.local @!p0 [hbm:s6], $0xF7A  }
0x23: {  	s9 =	sor.u32 $0xD0000000, s2;
	s6 =	simm.s32 $0x108;
	_ =	swait.ge @!p0 [sflag:s8], $0x0  }
0x24: {  	s3 =	sadd.s32 $0x88, s3;
	s6 =	simm.s32 @!p1 $0x1082;
	[sflag:s4] =	ssyncset.s32 $0xFFFFF086  }
0x25: {  	[simem:s6], [sflag:s4] =	dma.local [hbm:s3], $0xF7A  }
0x26: {  	[smem:$0x3F99] =	sst s1;
	(tag) =	ssettag s2;
	_ =	strace s9  }
0x27: {  	s1 =	sld [smem:$0x3FA9]  }
0x28: {  	s2 =	sld [smem:$0x3FAA]  }
0x29: {  	s4 =	sld [smem:$0x3FAC]  }
0x2a: {  	p0 =	seq.s32 s5, $0x0;
	s5 =	sld [smem:$0x3FAD]  }
0x2b: {  	s6 =	sld [smem:$0x3FAE]  }
0x2c: {  	s7 =	sld [smem:$0x3FAF]  }
0x2d: {  	s3 =	simm.s32 $0x108;
	s8 =	sld [smem:$0x3FB0]  }
0x2e: {  	s3 =	simm.s32 @!p0 $0x1082;
	s9 =	sld [smem:$0x3FB1]  }
0x2f: {  	lr =	sadd.s32 s0, s3;
	s0 =	sld [smem:$0x3FA8]  }
0x30: {  	s3 =	sld [smem:$0x3FAB]  }
0x31: {  	[smem:$0x3FB4] =	sst s10  }
0x32: {  	s10 =	sld [smem:$0x3FB2];
	_ =	sdelay $0x3  }
0x33: {  	p0 =	seq.s32 s10, $0x1;
	s10 =	sld [smem:$0x3FB4];
	_ =	sdelay $0x3  }
0x34: {  	[smem:$0x3FB4] =	sst s10  }
0x35: {  	s10 =	sld [smem:$0x3FB3];
	_ =	sdelay $0x3  }
0x36: {  	p1 =	seq.s32 s10, $0x1;
	s10 =	sld [smem:$0x3FB4];
	_ =	sdelay $0x3  }
0x37: {  	[smem:$0x3FB4] =	sst s10  }
0x38: {  	s10 =	sld [smem:$0x3FB5]  }
0x39: {  	_ = 	snop;
	(pc) =	sbr.ind lr, $3  }
0x3a: {  	_ = 	snop  }
0x3b: {  	_ = 	snop  }
0x3c: {  	p2 =	seq.s32 s10, $0x1;
	s10 =	sld [smem:$0x3FB4]  }
0x3d: {  	_ =	shalt  }
0x3e: {  	_ =	shalt  }
0x3f: {  	_ =	shalt  }
0x40: {  	_ =	shalt  }
0x41: {  	_ =	shalt  }
0x42: {  	_ =	shalt  }
0x43: {  	_ =	shalt  }
0x44: {  	_ =	shalt  }
0x45: {  	_ =	shalt  }
0x46: {  	_ =	shalt  }
0x47: {  	_ =	shalt  }
0x48: {  	_ =	shalt  }
0x49: {  	_ =	shalt  }
0x4a: {  	_ =	shalt  }
0x4b: {  	_ =	shalt  }
0x4c: {  	_ =	shalt  }
0x4d: {  	_ =	shalt  }
0x4e: {  	_ =	shalt  }
0x4f: {  	_ =	shalt  }
0x50: {  	_ =	shalt  }
0x51: {  	_ =	shalt  }
0x52: {  	_ =	shalt  }
0x53: {  	_ =	shalt  }
0x54: {  	_ =	shalt  }
0x55: {  	_ =	shalt  }
0x56: {  	_ =	shalt  }
0x57: {  	_ =	shalt  }
0x58: {  	_ =	shalt  }
0x59: {  	_ =	shalt  }
0x5a: {  	_ =	shalt  }
0x5b: {  	_ =	shalt  }
0x5c: {  	_ =	shalt  }
0x5d: {  	_ =	shalt  }
0x5e: {  	_ =	shalt  }
0x5f: {  	_ =	shalt  }
0x60: {  	_ =	shalt  }
0x61: {  	_ =	shalt  }
0x62: {  	_ =	shalt  }
0x63: {  	_ =	shalt  }
0x64: {  	_ =	shalt  }
0x65: {  	_ =	shalt  }
0x66: {  	_ =	shalt  }
0x67: {  	_ =	shalt  }
0x68: {  	_ =	shalt  }
0x69: {  	_ =	shalt  }
0x6a: {  	_ =	shalt  }
0x6b: {  	_ =	shalt  }
0x6c: {  	_ =	shalt  }
0x6d: {  	_ =	shalt  }
0x6e: {  	_ =	shalt  }
0x6f: {  	_ =	shalt  }
0x70: {  	_ =	shalt  }
0x71: {  	_ =	shalt  }
0x72: {  	_ =	shalt  }
0x73: {  	_ =	shalt  }
0x74: {  	_ =	shalt  }
0x75: {  	_ =	shalt  }
0x76: {  	_ =	shalt  }
0x77: {  	_ =	shalt  }
0x78: {  	_ =	shalt  }
0x79: {  	_ =	shalt  }
0x7a: {  	_ =	shalt  }
0x7b: {  	_ =	shalt  }
0x7c: {  	_ =	shalt  }
0x7d: {  	_ =	shalt  }
0x7e: {  	_ =	shalt  }
0x7f: {  	_ =	shalt  }
0x80: {  	_ =	shalt  }
0x81: {  	_ =	shalt  }
0x82: {  	_ =	shalt  }
0x83: {  	_ =	shalt  }
0x84: {  	_ =	shalt  }
0x85: {  	_ =	shalt  }
0x86: {  	_ =	shalt  }
0x87: {  	_ =	shalt  }
.Lfunc_end0:
.L_simem_size_0:
called_computation_lowered:
.L_overlay_start_0:
0x88: {  	s2 =	sld [smem:$0x3FD9]  }
0x89: {  	s3 =	sld [smem:$0x3FFE];
	_ =	sdelay $0x1  }
0x8a: {  	s1 =	srdreg.scid  }
0x8b: {  	s0 =	sand.u32 $0x1, s1  }
0x8c: {  	s16 =	sshll.u32 s0, $0xA;
	s2 =	sadd.s32 s3, s2  }
0x8d: {  	s2 =	sadd.s32 s2, s16  }
0x8e: {  	[smem:$0x3FC0] =	sst s2  }
0x8f: {  	_ = 	snop  }
0x90: {  	(tm) =	ssettm $0x1  }
0x91: {  	s17 =	sld [smem:$0x3FFB];
	_ =	sdelay $0x3  }
0x92: {  	_ =	strace s17  }
0x93: {  	s2 =	sld [smem:$0x3FFC];
	_ =	sdelay $0x3  }
0x94: {  	_ =	strace s2  }
0x95: {  	s2 =	sld [smem:$0x3FFD];
	_ =	sdelay $0x3  }
0x96: {  	_ =	strace s2  }
0x97: {  	_ =	strace $0x8FFFFFFF  }
0x98: {  	s18 =	sld [smem:$0x3FDB];
	_ =	sdelay $0x1  }
0x99: {  	s19 =	simm.s32 $_scs_section_size  }
0x9a: {  	s4 =	simm.s32 $_size__tile_overlayer_lowered;
	s5 =	simm.s32 $_tile_overlayer_lowered  }
0x9b: {  	s22 =	simm.s32 $0x1BFF;
	s21 =	sshll.u32 s5, $0x1;
	s2 =	sadd.s32 s19, s18  }
0x9c: {  	s6 =	simm.s32 $0x0;
	s20 =	sshll.u32 s4, $0x1;
	s4 =	sadd.s32 s21, s2  }
0x9d: {  	[timem:s6], [sflag:s22] =	dma.local [hbm:s4], s20  }
0x9e: {  	_ =	swait.ge [sflag:s22], s20  }
0x9f: {  	s3 =	ssub.s32 $0x0, s20;
	[sflag:s22] =	ssyncset.done $0x0  }
0xa0: {  	[sflag:s22] =	ssyncadd.s32 s3;
	_ =	sdelay $0x1  }
0xa1: {  	s23 =	simm.s32 $0x1B8B  }
0xa2: {  	_ =	swait.ge [sflag:s23], $0x1  }
0xa3: {  	[sflag:s23] =	ssyncset.done $0x0  }
0xa4: {  	s25 =	simm.s32 $0x1B8E;
	s24 =	sld [smem:$0x3FFE];
	[sflag:s23] =	ssyncadd.s32 $0xFFFFFFFF  }
0xa5: {  	s26 =	simm.s32 $execute0_lowered;
	[smem:$0x3FD2] =	sst s25  }
0xa6: {  	s4 =	sshll.u32 s26, $0x1;
	_ =	strace $0x80000046;
	[dreg:$0x1] =	wrdreg $0xFFFFFFFF  }
0xa7: {  	s28 =	simm.s32 $_size_execute0_lowered;
	s2 =	sadd.s32 s2, s4;
	[dreg:$0x0] =	wrdreg $0x0  }
0xa8: {  	s4 =	sshll.u32 s28, $0x1;
	[dreg:$0x2] =	wrdreg s2  }
0xa9: {  	[dreg:$0x3] =	wrdreg s4  }
0xaa: {  	[dreg:$0x4] =	wrdreg $0xC0  }
0xab: {  	_ =	task [dreg:s6], $0x5FFFF  }
0xac: {  	[dreg:$0x1] =	wrdreg $0xFFFFFFFF  }
0xad: {  	[dreg:$0x0] =	wrdreg $0x60  }
0xae: {  	[dreg:$0x2] =	wrdreg s24  }
0xaf: {  	[dreg:$0x3] =	wrdreg $0x42000  }
0xb0: {  	[dreg:$0x4] =	wrdreg $0x9  }
0xb1: {  	_ =	task.clear_ibuf [dreg:s6], $0x5FFFF;
	_ =	strace $0x90000046  }
0xb2: {  	s29 =	simm.s32 $0x9;
	_ =	strace $0x80000048  }
0xb3: {  	_ =	swait.ge [sflag:s29], $0x1  }
0xb4: {  	[sflag:s29] =	ssyncadd.s32 $0xFFFFFFFF  }
0xb5: {  	_ =	strace $0x90000048  }
0xb6: {  	_ =	sfence  }
0xb7: {  	s30 =	sld [smem:$0x0];
	_ =	sdelay $0x2  }
0xb8: {  	s31 =	sshll.u32 s1, $0xD;
	s1 =	sshrl.u32 s1, $0x2  }
0xb9: {  	s3 =	sand.u32 $0x4000, s31;
	s1 =	sadd.s32 s1, s30  }
0xba: {  	s0 =	sor.u32 s3, s0;
	s1 =	sshll.u32 s1, $0x11  }
0xbb: {  	s0 =	sor.u32 s1, s0  }
0xbc: {  	s0 =	sadd.s32 $0x8F2B, s0  }
0xbd: {  	[sflag:s0] =	ssyncadd.remote.s32 $0x1  }
0xbe: {  	_ =	sfence.sel $0xFFFF  }
0xbf: {  	[dreg:$0x0] =	wrdreg $0xFFFFFFFF;
	(pc) =	sbr.abs _section_cstart, $3  }
0xc0: {  	[dreg:$0x1] =	wrdreg $0xFFFFFFFF  }
0xc1: {  	_ =	task.clear_ibuf [dreg:s6], $0x2FFFF;
	_ =	strace $0x9FFFFFFF  }
0xc2: {  	(tm) =	ssettm $0x7FFFFFFF  }
0xc3: {  	_ =	shalt  }
tec
execute0_lowered:
.L_overlay_start_1:
0x0: {  	(tag) =	ssettag $0x1  }
0x1: {  	s6 =	rddreg [dreg:$0x0]  }
0x2: {  	s1 =	rddreg [dreg:$0x1]  }
0x3: {  	s2 =	srdreg.scid;
	s3 =	simm.s32 $0x0;
	s18 =	simm.s32 $0x200  }
0x4: {  	s19 =	simm.s32 $0x7;
	s20 =	simm.s32 $0x80;
	s21 =	simm.s32 $0x1  }
0x5: {  	s22 =	simm.s32 $0x100;
	s23 =	simm.s32 $0x2;
	s24 =	simm.s32 $0x4  }
0x6: {  	s25 =	simm.s32 $0x3;
	s26 =	simm.s32 $0x5;
	s5 =	sand.u32 $0x1, s2  }
0x7: {  	s28 =	simm.s32 $0x6;
	s2 =	stileid.u32;
	s4 =	smul.u32 $0x13C000, s5  }
0x8: {  	s29 =	simm.s32 $0x0;
	[smem:$0x7FF] =	sst s3;
	s7 =	smul.u32 $0x13C00, s2  }
0x9: {  	s8 =	sshll.u32 s2, $0x1;
	s9 =	smul.u32 $0x4F000, s2;
	s10 =	ssub.s32 $0x2, s5  }
0xa: {  	_ =	strace $0x80000047;
	s8 =	sor.u32 s5, s8;
	s30 =	sshrl.u32 s10, $0x1  }
0xb: {  	s7 =	sadd.s32 s7, s4;
	s4 =	sadd.s32 $0x2400, s6;
	s9 =	sshrl.u32 s9, $0x2  }
0xc: {  	s5 =	smul.u32 $0x2C00, s8;
	s14 =	ssub.s32 s10, s30;
	s7 =	sshrl.u32 s7, $0x3  }
.Ltmp0:
0xd: {  	s13 =	sadd.s32 s7, s6;
	s6 =	sadd.s32 s9, s1;
	(pc) =	sbr.rel .LBB2_1-.Ltmp0, $4  }
0xe: {  	s14 =	smax.u32 s14, $0x1;
	s31 =	sshrl.u32 s5, $0x3;
	s7 =	sadd.s32 $0x4000, s6  }
0xf: {  	s8 =	sadd.s32 $0x8000, s6;
	s9 =	sadd.s32 $0xC000, s6;
	s10 =	sadd.s32 s4, s31  }
0x10: {  	s11 =	sadd.s32 $0x10000, s6;
	s13 =	sadd.s32 $0xD400, s13;
	s12 =	sadd.s32 $0x10, s10  }
0x11: {  	v0 =	vimm.f32 $0.0e+00;
	v1 =	vimm.f32 $1.000000000e+00;
	s15 =	sadd.s32 $0x20, s10;
	s16 =	sadd.s32 $0x30, s10;
	s17 =	sadd.s32 $0x40, s10  }
.LBB2_8:
0x12: {  	_ =	swait.ge [sflag:s25], $0x80  }
0x13: {  	[sflag:s25] =	ssyncset.done $0x0  }
0x14: {  	[sflag:s25] =	ssyncadd.s32 $0xFFFFFF80  }
0x15: {  	[spmem:s1] =	stream.indirect.scatter.add.f32 [tilespmem:s18], [sflag:$0x6], $0x80, s22, s20, $0xb8;
	[tilespmem:$0x17E00] =	vst v63  }
0x16: {  	_ =	swait.ge [sflag:s24], $0x4000  }
0x17: {  	[sflag:s24] =	ssyncset.done $0x0  }
0x18: {  	[sflag:s24] =	ssyncadd.s32 $0xFFFFC000  }
0x19: {  	_ =	swait.ge [sflag:s26], $0x4000  }
0x1a: {  	[sflag:s26] =	ssyncset.done $0x0  }
0x1b: {  	[sflag:s26] =	ssyncadd.s32 $0xFFFFC000  }
0x1c: {  	_ =	swait.ge [sflag:s28], $0x4000  }
0x1d: {  	s0 =	sshll.u32 s2, $0x6;
	s29 =	sadd.s32 $0x1, s29;
	[sflag:s28] =	ssyncset.done $0x0  }
0x1e: {  	s30 =	sshrl.u32 s6, $0x3;
	p0 =	sne.s32 s29, s14;
	[sflag:s28] =	ssyncadd.s32 $0xFFFFC000  }
.Ltmp1:
0x1f: {  	s0 =	sor.u32 $0x1C07, s0;
	[bflag:$0x0] =	sbarrier.arrive $0xFFFF;
	(pc) =	sbr.rel @!p0 .LBB2_9-.Ltmp1, $4  }
0x20: {  	[hbm:s13], [sflag:s0] =	dma.local [spmem:s30], $0x2780  }
0x21: {  	_ =	swait.ge [sflag:s19], $0x2780  }
0x22: {  	[sflag:s19] =	ssyncset.done $0x0  }
0x23: {  	[sflag:s19] =	ssyncadd.s32 $0xFFFFD880  }
.LBB2_1:
0x24: {  	s30 =	simm.s32 $0x0;
	s31 =	simm.s32 $0x200  }
.LBB2_2:
0x25: {  	p0 =	sne.s32 s31, $0xFE00;
	[tilespmem:s30+$0x270] =	vst v0  }
0x26: {  	[tilespmem:s30+$0x200] =	vst v0  }
0x27: {  	[tilespmem:s30+$0x210] =	vst v0  }
.Ltmp2:
0x28: {  	[tilespmem:s30+$0x220] =	vst v0;
	(pc) =	sbr.rel @p0 .LBB2_2-.Ltmp2, $4  }
0x29: {  	[tilespmem:s30+$0x230] =	vst v0  }
0x2a: {  	[tilespmem:s30+$0x240] =	vst v0  }
0x2b: {  	[tilespmem:s30+$0x250] =	vst v0  }
0x2c: {  	[tilespmem:s30+$0x260] =	vst v0;
	s30 =	sshra.s32 s31, $0x2;
	s31 =	sadd.s32 $0x200, s31  }
0x2d: {  	[tilespmem:s30+$0x270] =	vst v0  }
0x2e: {  	[tilespmem:s30+$0x200] =	vst v0  }
0x2f: {  	[tilespmem:s30+$0x210] =	vst v0  }
0x30: {  	[tilespmem:s30+$0x220] =	vst v0  }
0x31: {  	[tilespmem:s30+$0x230] =	vst v0  }
0x32: {  	[tilespmem:s30+$0x240] =	vst v0  }
0x33: {  	[tilespmem:s30+$0x250] =	vst v0  }
0x34: {  	[tilespmem:s30+$0x260] =	vst v0  }
0x35: {  	[spmem:s6] =	stream.linear.scatter [tilespmem:s18], [sflag:$0x7], $0x4000, $0x38;
	[tilespmem:$0x17E00] =	vst v63  }
0x36: {  	_ =	swait.ge [sflag:s19], $0x4000  }
0x37: {  	[sflag:s19] =	ssyncset.done $0x0  }
0x38: {  	[sflag:s19] =	ssyncadd.s32 $0xFFFFC000  }
0x39: {  	[spmem:s7] =	stream.linear.scatter [tilespmem:s18], [sflag:$0x7], $0x4000, $0x38;
	[tilespmem:$0x17E00] =	vst v63  }
0x3a: {  	_ =	swait.ge [sflag:s19], $0x4000  }
0x3b: {  	[sflag:s19] =	ssyncset.done $0x0  }
0x3c: {  	[sflag:s19] =	ssyncadd.s32 $0xFFFFC000  }
0x3d: {  	[spmem:s8] =	stream.linear.scatter [tilespmem:s18], [sflag:$0x7], $0x4000, $0x38;
	[tilespmem:$0x17E00] =	vst v63  }
0x3e: {  	_ =	swait.ge [sflag:s19], $0x4000  }
0x3f: {  	[sflag:s19] =	ssyncset.done $0x0  }
0x40: {  	[sflag:s19] =	ssyncadd.s32 $0xFFFFC000  }
0x41: {  	[spmem:s9] =	stream.linear.scatter [tilespmem:s18], [sflag:$0x7], $0x4000, $0x38;
	[tilespmem:$0x17E00] =	vst v63  }
0x42: {  	_ =	swait.ge [sflag:s19], $0x4000  }
0x43: {  	[sflag:s19] =	ssyncset.done $0x0  }
0x44: {  	[sflag:s19] =	ssyncadd.s32 $0xFFFFC000  }
0x45: {  	[spmem:s11] =	stream.linear.scatter [tilespmem:s18], [sflag:$0x7], $0x3C00, $0x38;
	[tilespmem:$0x17E00] =	vst v63  }
0x46: {  	_ =	swait.ge [sflag:s19], $0x3C00  }
0x47: {  	[sflag:s19] =	ssyncset.done $0x0  }
0x48: {  	s30 =	simm.s32 $0x0;
	s31 =	simm.s32 $0x200;
	[sflag:s19] =	ssyncadd.s32 $0xFFFFC400  }
.LBB2_4:
0x49: {  	p0 =	sne.s32 s31, $0xFE00;
	[tilespmem:s30+$0x270] =	vst v1  }
0x4a: {  	[tilespmem:s30+$0x200] =	vst v1  }
0x4b: {  	[tilespmem:s30+$0x210] =	vst v1  }
.Ltmp3:
0x4c: {  	[tilespmem:s30+$0x220] =	vst v1;
	(pc) =	sbr.rel @p0 .LBB2_4-.Ltmp3, $4  }
0x4d: {  	[tilespmem:s30+$0x230] =	vst v1  }
0x4e: {  	[tilespmem:s30+$0x240] =	vst v1  }
0x4f: {  	[tilespmem:s30+$0x250] =	vst v1  }
0x50: {  	[tilespmem:s30+$0x260] =	vst v1;
	s30 =	sshra.s32 s31, $0x2;
	s31 =	sadd.s32 $0x200, s31  }
0x51: {  	[tilespmem:s30+$0x270] =	vst v1  }
0x52: {  	[tilespmem:s30+$0x200] =	vst v1  }
0x53: {  	[tilespmem:s30+$0x210] =	vst v1  }
0x54: {  	[tilespmem:s30+$0x220] =	vst v1  }
0x55: {  	[tilespmem:s30+$0x230] =	vst v1  }
0x56: {  	[tilespmem:s30+$0x240] =	vst v1  }
0x57: {  	[tilespmem:s30+$0x250] =	vst v1  }
0x58: {  	[tilespmem:s30+$0x260] =	vst v1  }
0x59: {  	[bflag:$0x0] =	sbarrier.arrive $0xFFFF  }
0x5a: {  	[tilespmem:s3], [sflag:$0x1] =	stream.linear.gather [hbm4b:s10+s3], $0x80, $0x38;
	[tilespmem:$0x17E00] =	vst v63  }
0x5b: {  	_ = 	snop  }
0x5c: {  	[tilespmem:s20], [sflag:$0x2] =	stream.linear.gather [hbm4b:s12+s3], $0x80, $0x38;
	[tilespmem:$0x17E00] =	vst v63  }
0x5d: {  	_ =	swait.ge [sflag:s21], $0x80  }
0x5e: {  	[sflag:s21] =	ssyncset.done $0x0  }
0x5f: {  	[sflag:s21] =	ssyncadd.s32 $0xFFFFFF80  }
0x60: {  	[spmem:s1] =	stream.indirect.scatter.add.f32 [tilespmem:s18], [sflag:$0x4], $0x80, s3, s20, $0xb8;
	[tilespmem:$0x17E00] =	vst v63  }
0x61: {  	_ = 	snop  }
0x62: {  	[tilespmem:s22], [sflag:$0x3] =	stream.linear.gather [hbm4b:s15+s3], $0x80, $0x38;
	[tilespmem:$0x17E00] =	vst v63  }
0x63: {  	_ =	swait.ge [sflag:s23], $0x80  }
0x64: {  	[sflag:s23] =	ssyncset.done $0x0  }
0x65: {  	[sflag:s23] =	ssyncadd.s32 $0xFFFFFF80  }
0x66: {  	[spmem:s1] =	stream.indirect.scatter.add.f32 [tilespmem:s18], [sflag:$0x5], $0x80, s20, s20, $0xb8;
	[tilespmem:$0x17E00] =	vst v63  }
0x67: {  	_ =	swait.ge [sflag:s24], $0x4000  }
0x68: {  	[sflag:s24] =	ssyncset.done $0x0  }
0x69: {  	[sflag:s24] =	ssyncadd.s32 $0xFFFFC000  }
0x6a: {  	[tilespmem:s3], [sflag:$0x1] =	stream.linear.gather [hbm4b:s16+s3], $0x80, $0x38;
	[tilespmem:$0x17E00] =	vst v63  }
0x6b: {  	_ =	swait.ge [sflag:s25], $0x80  }
0x6c: {  	[sflag:s25] =	ssyncset.done $0x0  }
0x6d: {  	[sflag:s25] =	ssyncadd.s32 $0xFFFFFF80  }
0x6e: {  	[spmem:s1] =	stream.indirect.scatter.add.f32 [tilespmem:s18], [sflag:$0x6], $0x80, s22, s20, $0xb8;
	[tilespmem:$0x17E00] =	vst v63  }
0x6f: {  	_ =	swait.ge [sflag:s26], $0x4000  }
0x70: {  	[sflag:s26] =	ssyncset.done $0x0  }
0x71: {  	s30 =	simm.s32 $0x380;
	[sflag:s26] =	ssyncadd.s32 $0xFFFFC000  }
0x72: {  	[tilespmem:s20], [sflag:$0x2] =	stream.linear.gather [hbm4b:s17+s3], $0x80, $0x38;
	[tilespmem:$0x17E00] =	vst v63  }
.LBB2_6:
0x73: {  	_ =	swait.ge [sflag:s21], $0x80;
	s31 =	sadd.s32 $0xFFFFFF00, s30  }
0x74: {  	[sflag:s21] =	ssyncset.done $0x0;
	s0 =	sand.u32 $0x7C00, s31  }
0x75: {  	s31 =	sand.u32 $0x380, s31;
	[sflag:s21] =	ssyncadd.s32 $0xFFFFFF80;
	s0 =	sadd.s32 s5, s0  }
0x76: {  	[spmem:s1] =	stream.indirect.scatter.add.f32 [tilespmem:s18], [sflag:$0x4], $0x80, s3, s20, $0xb8;
	[tilespmem:$0x17E00] =	vst v63  }
0x77: {  	s0 =	sor.u32 s31, s0;
	_ =	swait.ge [sflag:s28], $0x4000  }
0x78: {  	s0 =	sshrl.u32 s0, $0x3;
	[sflag:s28] =	ssyncset.done $0x0  }
0x79: {  	p0 =	seq.s32 s30, $0x2900;
	s0 =	sadd.s32 s4, s0;
	[sflag:s28] =	ssyncadd.s32 $0xFFFFC000  }
0x7a: {  	[tilespmem:s22], [sflag:$0x3] =	stream.linear.gather [hbm4b:s0+s3], $0x80, $0x38;
	[tilespmem:$0x17E00] =	vst v63  }
.Ltmp4:
0x7b: {  	_ = 	snop;
	(pc) =	sbr.rel @p0 .LBB2_8-.Ltmp4, $4  }
0x7c: {  	_ =	swait.ge [sflag:s23], $0x80  }
0x7d: {  	[sflag:s23] =	ssyncset.done $0x0  }
0x7e: {  	[sflag:s23] =	ssyncadd.s32 $0xFFFFFF80  }
0x7f: {  	[spmem:s1] =	stream.indirect.scatter.add.f32 [tilespmem:s18], [sflag:$0x5], $0x80, s20, s20, $0xb8;
	[tilespmem:$0x17E00] =	vst v63  }
0x80: {  	s0 =	sadd.s32 $0xFFFFFF80, s30  }
0x81: {  	s31 =	sand.u32 $0x7C00, s0  }
0x82: {  	s0 =	sand.u32 $0x380, s0;
	s31 =	sadd.s32 s5, s31  }
0x83: {  	_ =	swait.ge [sflag:s24], $0x4000;
	s0 =	sor.u32 s0, s31  }
0x84: {  	[sflag:s24] =	ssyncset.done $0x0;
	s0 =	sshrl.u32 s0, $0x3  }
0x85: {  	[sflag:s24] =	ssyncadd.s32 $0xFFFFC000;
	s0 =	sadd.s32 s4, s0  }
0x86: {  	[tilespmem:s3], [sflag:$0x1] =	stream.linear.gather [hbm4b:s0+s3], $0x80, $0x38;
	[tilespmem:$0x17E00] =	vst v63  }
0x87: {  	_ =	swait.ge [sflag:s25], $0x80  }
0x88: {  	[sflag:s25] =	ssyncset.done $0x0  }
0x89: {  	s31 =	sand.u32 $0x7C00, s30;
	[sflag:s25] =	ssyncadd.s32 $0xFFFFFF80  }
0x8a: {  	[spmem:s1] =	stream.indirect.scatter.add.f32 [tilespmem:s18], [sflag:$0x6], $0x80, s22, s20, $0xb8;
	[tilespmem:$0x17E00] =	vst v63  }
.Ltmp5:
0x8b: {  	s0 =	sadd.s32 s5, s31;
	s31 =	sand.u32 $0x380, s30;
	(pc) =	sbr.rel .LBB2_6-.Ltmp5, $4  }
0x8c: {  	s0 =	sor.u32 s31, s0;
	_ =	swait.ge [sflag:s26], $0x4000  }
0x8d: {  	s0 =	sshrl.u32 s0, $0x3;
	[sflag:s26] =	ssyncset.done $0x0  }
0x8e: {  	s30 =	sadd.s32 $0x180, s30;
	s0 =	sadd.s32 s4, s0;
	[sflag:s26] =	ssyncadd.s32 $0xFFFFC000  }
0x8f: {  	[tilespmem:s20], [sflag:$0x2] =	stream.linear.gather [hbm4b:s0+s3], $0x80, $0x38;
	[tilespmem:$0x17E00] =	vst v63  }
.LBB2_9:
0x90: {  	_ =	sfence.sel $0x180000  }
0x91: {  	[bflag:$0x0] =	sbarrier.arrive $0xFFFF  }
0x92: {  	_ =	strace $0x90000047  }
0x93: {  	[bflag:$0x2] =	sbarrier.arrive $0xFFFF  }
0x94: {  	p0 =	sne.s32 s2, $0x0;
	s0 =	rddreg [dreg:$0x2]  }
0x95: {  	s0 =	sadd.s32 @!p0 $0x100000, s0  }
0x96: {  	[sflag:s0] =	ssyncadd.tile.s32 @!p0 $0x1;
	_ =	shalt  }
.Lfunc_end2:
_tile_overlayer_lowered:
.L_overlay_start_2:
0x97: {  	(tag) =	ssettag $0x2  }
0x98: {  	s0 =	rddreg [dreg:$0x0];
	s2 =	stileid.u32  }
0x99: {  	s1 =	rddreg [dreg:$0x1];
	p0 =	sne.s32 s2, $0x0  }
0x9a: {  	s3 =	rddreg [dreg:$0x2];
	[bflag:$0x3] =	sbarrier.arrive $0xFFFF;
	s2 =	simm.s32 @!p0 $0x1C07  }
0x9b: {  	[timem:s3], [sflag:s2] =	dma.local @!p0 [hbm:s0], s1  }
0x9c: {  	s0 =	simm.s32 @!p0 $0x7  }
0x9d: {  	_ =	swait.ge @!p0 [sflag:s0], s1  }
0x9e: {  	s1 =	ssub.s32 @!p0 $0x0, s1;
	[sflag:s0] =	ssyncset.done @!p0 $0x0  }
0x9f: {  	[sflag:s0] =	ssyncadd.s32 @!p0 s1  }
0xa0: {  	[bflag:$0x3] =	sbarrier.arrive $0xFFFF  }
0xa1: {  	_ =	shalt  }

</sc_bundles>
